<compile_context>
chip_gen: v7x
topology: tpu7x:2x2x1
jax: 0.10.2.dev20260603
libtpu: 0.0.44.dev20260713+nightly
codegen_flags: <defaults>
</compile_context>

<pallas_src>
import jax
import jax.numpy as jnp
from jax import lax
from jax.experimental import pallas as pl
from jax.experimental.pallas import tpu as pltpu
from jax.experimental.pallas import tpu_sc as plsc

N = 10000
D = 128
E = 320000

NC = 2
NS = 16
NW = NC * NS
EPW = E // NW
K = 80
CHUNKS = EPW // K
ZR = 80
ZCHUNKS = N // ZR
ZPT = -(-ZCHUNKS // NS)
L = 16


def _make_sc_agg(with_counts, nbuf, delay):
  assert 0 < delay < nbuf
  groups = CHUNKS // nbuf
  tail = CHUNKS - groups * nbuf
  gk = nbuf * K
  mesh = plsc.VectorSubcoreMesh(core_axis_name="c", subcore_axis_name="s")
  out_type = [jax.ShapeDtypeStruct((NC, N, D), jnp.float32)]
  if with_counts:
    out_type.append(jax.ShapeDtypeStruct((NW, N), jnp.float32))
  scratch = [
      pltpu.VMEM_SHARED((N, D), jnp.float32),
      [pltpu.VMEM((gk,), jnp.int32) for _ in range(2)],
      [pltpu.VMEM((gk,), jnp.int32) for _ in range(2)],
      [pltpu.VMEM((K,), jnp.int32) for _ in range(nbuf)],
      [pltpu.VMEM((K, D), jnp.float32) for _ in range(nbuf)],
      [pltpu.SemaphoreType.DMA for _ in range(nbuf)],
      [pltpu.SemaphoreType.DMA for _ in range(nbuf)],
      pltpu.SemaphoreType.DMA,
  ]
  if with_counts:
    scratch.append(pltpu.VMEM((N,), jnp.float32))

  def body(h_hbm, src_hbm, dst_hbm, z_hbm, *outs_and_scratch):
    if with_counts:
      (part_hbm, hist_hbm, acc, sgrp, dgrp, dstv, rows, gsem, ssem, isem,
       hist) = outs_and_scratch
    else:
      (part_hbm, acc, sgrp, dgrp, dstv, rows, gsem, ssem,
       isem) = outs_and_scratch
      hist_hbm = hist = None
    c = lax.axis_index("c")
    s = lax.axis_index("s")
    wid = c * NS + s
    base_w = wid * EPW
    ones16 = jnp.ones((L,), jnp.float32)

    pltpu.sync_copy(z_hbm, rows[0])
    for t in range(ZPT):
      j = s + NS * t
      if t * NS + NS <= ZCHUNKS:
        pltpu.async_copy(rows[0], acc.at[pl.ds(j * ZR, ZR), :], gsem[0])
      else:
        @pl.when(j < ZCHUNKS)
        def _():
          pltpu.async_copy(rows[0], acc.at[pl.ds(j * ZR, ZR), :], gsem[0])
    if with_counts:
      zeros16 = jnp.zeros((L,), jnp.float32)

      def zstep(i, carry):
        hist[pl.ds(i * L, L)] = zeros16
        return carry

      lax.fori_loop(0, N // L, zstep, 0)
    for t in range(ZPT):
      if t * NS + NS <= ZCHUNKS:
        pltpu.make_async_copy(rows[0], acc.at[pl.ds(0, ZR), :],
                              gsem[0]).wait()
      else:
        @pl.when(s + NS * t < ZCHUNKS)
        def _():
          pltpu.make_async_copy(rows[0], acc.at[pl.ds(0, ZR), :],
                                gsem[0]).wait()
    plsc.subcore_barrier()

    def copy_dstv(g2ref, b, off):
      for j in range(K // L):
        dstv[b][pl.ds(j * L, L)] = g2ref[pl.ds(off + j * L, L)]

    def hist_update(b):
      if with_counts:
        for j in range(K // L):
          idx = dstv[b][pl.ds(j * L, L)]
          plsc.addupdate_scatter(hist, [idx], ones16)

    def fire_gather(sref, off, b):
      pltpu.async_copy(h_hbm.at[sref.at[pl.ds(off, K)]], rows[b], gsem[b])

    def fire_scatter(b):
      pltpu.async_copy(rows[b], acc.at[dstv[b]], ssem[b], add=True)

    def wait_gather(b):
      pltpu.make_async_copy(h_hbm.at[dstv[b]], rows[b], gsem[b]).wait()

    def wait_scatter(b):
      pltpu.make_async_copy(rows[b], acc.at[dstv[b]], ssem[b]).wait()

    def consume(b):
      wait_gather(b)
      fire_scatter(b)
      hist_update(b)

    def prefetch_idx(g2, base):
      pltpu.async_copy(src_hbm.at[pl.ds(base, gk)], sgrp[g2], isem)
      pltpu.async_copy(dst_hbm.at[pl.ds(base, gk)], dgrp[g2], isem)

    def wait_idx(g2):
      pltpu.make_async_copy(src_hbm.at[pl.ds(0, gk)], sgrp[g2], isem).wait()
      pltpu.make_async_copy(dst_hbm.at[pl.ds(0, gk)], dgrp[g2], isem).wait()

    prefetch_idx(0, base_w)
    wait_idx(0)

    def group(g, g2):
      for b in range(nbuf):
        if b == 0:
          @pl.when(g > 0)
          def _():
            wait_idx(g2)

        @pl.when(g > 0)
        def _():
          wait_scatter(b)

        copy_dstv(dgrp[g2], b, b * K)
        fire_gather(sgrp[g2], b * K, b)

        bc = (b - delay) % nbuf
        if b >= delay:
          consume(bc)
        else:
          @pl.when(g > 0)
          def _():
            consume(bc)

        if b == delay - 1:
          @pl.when(g < groups - 1)
          def _():
            prefetch_idx(1 - g2, base_w + (g + 1) * gk)

    def double_group(gg, carry):
      group(2 * gg, 0)
      group(2 * gg + 1, 1)
      return carry

    lax.fori_loop(0, groups // 2, double_group, 0)
    if groups % 2:
      group(jnp.int32(groups - 1), (groups - 1) % 2)

    full = groups * nbuf
    for d in range(delay):
      consume((full - delay + d) % nbuf)
    for t in range(tail):
      i = full + t
      b = i % nbuf
      wait_scatter(b)
      pltpu.sync_copy(dst_hbm.at[pl.ds(base_w + i * K, K)], dstv[b])
      pltpu.sync_copy(src_hbm.at[pl.ds(base_w + i * K, K)],
                      sgrp[0].at[pl.ds(0, K)])
      pltpu.async_copy(h_hbm.at[sgrp[0].at[pl.ds(0, K)]], rows[b], gsem[b])
      consume(b)
    for b in range(nbuf):
      wait_scatter(b)
    plsc.subcore_barrier()

    def wait_write(b):
      pltpu.make_async_copy(rows[b], part_hbm.at[c, pl.ds(0, ZR), :],
                            ssem[b]).wait()

    for t in range(ZPT):
      j = s + NS * t
      b = t % nbuf

      @pl.when(j < ZCHUNKS)
      def _():
        rr = pl.ds(j * ZR, ZR)
        if t >= nbuf:
          wait_write(b)
        pltpu.sync_copy(acc.at[rr, :], rows[b])
        pltpu.async_copy(rows[b], part_hbm.at[c, rr, :], ssem[b])

    for b in range(min(nbuf, ZPT)):
      wait_write(b)

    if with_counts:
      pltpu.sync_copy(hist, hist_hbm.at[wid])

  return pl.kernel(body, out_type=tuple(out_type), mesh=mesh,
                   scratch_types=tuple(scratch),
                   compiler_params=pltpu.CompilerParams(
                       needs_layout_passes=False))


_sc_agg_counts = _make_sc_agg(True, 3, 1)
_sc_agg = _make_sc_agg(False, 3, 1)




def _mean(p_ref, c_ref):
  agg = p_ref[0] + p_ref[1]
  cnt = jnp.sum(c_ref[...], axis=0)
  return agg / jnp.maximum(cnt, 1.0)[:, None]


def _tc1_body(p_ref, c_ref, x_ref, wl_ref, wr_ref, b_ref, o_ref):
  mean = _mean(p_ref, c_ref)
  out = (jnp.dot(mean, wl_ref[...], preferred_element_type=jnp.float32)
         + jnp.dot(x_ref[...], wr_ref[...], preferred_element_type=jnp.float32)
         + b_ref[...])
  o_ref[...] = jnp.maximum(out, 0.0)


def _tc1(p, c, x, wl, wr, b):
  return pl.pallas_call(
      _tc1_body,
      out_shape=jax.ShapeDtypeStruct((N, D), jnp.float32),
  )(p, c, x, wl, wr, b)


def _tc2_body(p_ref, c_ref, h_ref, wl_ref, wr_ref, b_ref,
              wc1_ref, bc1_ref, wc2_ref, bc2_ref, wc3_ref, bc3_ref,
              emb_ref, prob_ref):
  mean = _mean(p_ref, c_ref)
  emb = (jnp.dot(mean, wl_ref[...], preferred_element_type=jnp.float32)
         + jnp.dot(h_ref[...], wr_ref[...], preferred_element_type=jnp.float32)
         + b_ref[...])
  emb_ref[...] = emb
  t = jnp.maximum(
      jnp.dot(emb, wc1_ref[...], preferred_element_type=jnp.float32)
      + bc1_ref[...], 0.0)
  t = jnp.maximum(
      jnp.dot(t, wc2_ref[...], preferred_element_type=jnp.float32)
      + bc2_ref[...], 0.0)
  logit = jnp.dot(t, wc3_ref[...], preferred_element_type=jnp.float32) \
      + bc3_ref[...]
  prob_ref[...] = jax.nn.sigmoid(logit)


def _tc2(p, c, h, wl, wr, b, wc1, bc1, wc2, bc2, wc3, bc3):
  return pl.pallas_call(
      _tc2_body,
      out_shape=[
          jax.ShapeDtypeStruct((N, D), jnp.float32),
          jax.ShapeDtypeStruct((N, 1), jnp.float32),
      ],
  )(p, c, h, wl, wr, b, wc1, bc1, wc2, bc2, wc3, bc3)


def kernel(x, edge_index, Wl1, Wr1, b1, Wl2, Wr2, b2,
           Wc1, bc1, Wc2, bc2, Wc3, bc3):
  src = edge_index[0]
  dst = edge_index[1]
  z = jnp.zeros((ZR, D), jnp.float32)

  p1, cnt = _sc_agg_counts(x, src, dst, z)
  h = _tc1(p1, cnt, x, Wl1, Wr1, b1)
  (p2,) = _sc_agg(h, src, dst, z)
  emb, probs = _tc2(p2, cnt, h, Wl2, Wr2, b2, Wc1, bc1, Wc2, bc2, Wc3, bc3)
  return (emb, probs)

# --- scband reference (transcript-rebuilt; emitter-appended) ---
"""Pipeline reference for scband-graph-sage-11381663334735 (READ-ONLY COPY).

The authoritative reference and input builder live on the scoring server;
editing this copy changes nothing except your own understanding.
"""

import jax, jax.numpy as jnp
import numpy as np

N = 10000
E = 320000
D_IN = 128
D_H = 128
D_OUT = 128


def setup_inputs(seed: int = 0) -> dict:
    key = jax.random.key(seed)
    ks = jax.random.split(key, 16)
    x = jax.random.normal(ks[0], (N, D_IN), dtype=jnp.float32)
    edge_index = jax.random.randint(ks[1], (2, E), 0, N, dtype=jnp.int32)

    def lin(k, fan_in, fan_out):
        s = 1.0 / np.sqrt(fan_in)
        return jax.random.uniform(k, (fan_in, fan_out), dtype=jnp.float32, minval=-s, maxval=s)

    params = {
        'Wl1': lin(ks[2], D_IN, D_H), 'Wr1': lin(ks[3], D_IN, D_H), 'b1': jnp.zeros((D_H,), jnp.float32),
        'Wl2': lin(ks[4], D_H, D_OUT), 'Wr2': lin(ks[5], D_H, D_OUT), 'b2': jnp.zeros((D_OUT,), jnp.float32),
        'Wc1': lin(ks[6], D_OUT, D_H), 'bc1': jnp.zeros((D_H,), jnp.float32),
        'Wc2': lin(ks[7], D_H, D_H // 2), 'bc2': jnp.zeros((D_H // 2,), jnp.float32),
        'Wc3': lin(ks[8], D_H // 2, 1), 'bc3': jnp.zeros((1,), jnp.float32),
    }
    return {'x': x, 'edge_index': edge_index, **params}


def _sage_conv(h, edge_index, Wl, Wr, b):
    # PyG SAGEConv with mean aggregation:
    # out = lin_l(mean_{j in N(i)} x_j) + lin_r(x_i)
    src = edge_index[0]
    dst = edge_index[1]
    msg = jnp.take(h, src, axis=0)
    agg = jax.ops.segment_sum(msg, dst, num_segments=N)
    cnt = jax.ops.segment_sum(jnp.ones((edge_index.shape[1],), h.dtype), dst, num_segments=N)
    mean = agg / jnp.maximum(cnt, 1.0)[:, None]
    return mean @ Wl + h @ Wr + b


def reference(x, edge_index, Wl1, Wr1, b1, Wl2, Wr2, b2, Wc1, bc1, Wc2, bc2, Wc3, bc3):
    # layer 1 + relu (dropout is identity in eval mode)
    h = _sage_conv(x, edge_index, Wl1, Wr1, b1)
    h = jax.nn.relu(h)
    # layer 2 (final conv, no activation)
    embeddings = _sage_conv(h, edge_index, Wl2, Wr2, b2)
    # classifier head
    c = jax.nn.relu(embeddings @ Wc1 + bc1)
    c = jax.nn.relu(c @ Wc2 + bc2)
    fraud_probs = jax.nn.sigmoid(c @ Wc3 + bc3)
    return (embeddings, fraud_probs)

if __name__ == "__main__":
    import jax
    _d = setup_inputs()
    print(jax.jit(kernel)(*tuple(_d.values())))

</pallas_src>

<mosaic_0001>
#map = affine_map<(d0, d1) -> (0, 0)>
#map1 = affine_map<(d0, d1) -> (0)>
#map2 = affine_map<(d0, d1) -> (0, 0, 0)>
module attributes {stable_mosaic.version = 14 : i64} {
  func.func @body(%arg0: i32, %arg1: i32, %arg2: memref<10000x128xf32, #tpu.memory_space<hbm>>, %arg3: memref<320000xi32, #tpu.memory_space<hbm>>, %arg4: memref<320000xi32, #tpu.memory_space<hbm>>, %arg5: memref<80x128xf32, #tpu.memory_space<hbm>>, %arg6: memref<2x10000x128xf32, #tpu.memory_space<hbm>>, %arg7: memref<10000x128xf32, #tpu.memory_space<vmem_shared>>, %arg8: memref<240xi32, #tpu.memory_space<vmem>>, %arg9: memref<240xi32, #tpu.memory_space<vmem>>, %arg10: memref<240xi32, #tpu.memory_space<vmem>>, %arg11: memref<240xi32, #tpu.memory_space<vmem>>, %arg12: memref<80xi32, #tpu.memory_space<vmem>>, %arg13: memref<80xi32, #tpu.memory_space<vmem>>, %arg14: memref<80xi32, #tpu.memory_space<vmem>>, %arg15: memref<80x128xf32, #tpu.memory_space<vmem>>, %arg16: memref<80x128xf32, #tpu.memory_space<vmem>>, %arg17: memref<80x128xf32, #tpu.memory_space<vmem>>, %arg18: memref<!tpu.dma_semaphore, #tpu.memory_space<semaphore_mem>>, %arg19: memref<!tpu.dma_semaphore, #tpu.memory_space<semaphore_mem>>, %arg20: memref<!tpu.dma_semaphore, #tpu.memory_space<semaphore_mem>>, %arg21: memref<!tpu.dma_semaphore, #tpu.memory_space<semaphore_mem>>, %arg22: memref<!tpu.dma_semaphore, #tpu.memory_space<semaphore_mem>>, %arg23: memref<!tpu.dma_semaphore, #tpu.memory_space<semaphore_mem>>, %arg24: memref<!tpu.dma_semaphore, #tpu.memory_space<semaphore_mem>>) attributes {dimension_semantics = [#tpu.dimension_semantics<core_parallel>, #tpu.dimension_semantics<subcore_parallel>], iteration_bounds = array<i64: 2, 16>, scalar_prefetch = 0 : i64, scratch_operands = 18 : i64, tpu.core_type = #tpu.core_type<sc_vector_subcore>, window_params = [{transform_indices = #map}, {transform_indices = #map1}, {transform_indices = #map1}, {transform_indices = #map}, {transform_indices = #map2}]} {
    %mul3A = arith.constant 16 : i32
    %mul3A_0 = arith.muli %arg0, %mul3A : i32
    %add3A = arith.addi %mul3A_0, %arg1 : i32
    %mul3A_1 = arith.constant 10000 : i32
    %mul3A_2 = arith.muli %add3A, %mul3A_1 : i32
    %broadcast_in_dim3A = arith.constant 1.000000e+00 : f32
    %broadcast_in_dim3A_3 = vector.broadcast %broadcast_in_dim3A : f32 to vector<16xf32>
    "tpu.region"() ({
      %run_scoped3A = tpu.sem_alloc : memref<!tpu.dma_semaphore, #tpu.memory_space<semaphore_mem>>
      tpu.enqueue_dma source(%arg5 : memref<80x128xf32, #tpu.memory_space<hbm>>) target(%arg15 : memref<80x128xf32, #tpu.memory_space<vmem>>) target_semaphore(%run_scoped3A : memref<!tpu.dma_semaphore, #tpu.memory_space<semaphore_mem>>)
      tpu.wait_dma2 semaphore(%run_scoped3A : memref<!tpu.dma_semaphore, #tpu.memory_space<semaphore_mem>>) src(%arg5 : memref<80x128xf32, #tpu.memory_space<hbm>>) dst(%arg15 : memref<80x128xf32, #tpu.memory_space<vmem>>)
      tpu.yield
    }) : () -> ()
    %add3A_4 = arith.constant 0 : i32
    %add3A_5 = arith.addi %arg1, %add3A_4 : i32
    %mul3A_6 = arith.constant 80 : i32
    %mul3A_7 = arith.muli %add3A_5, %mul3A_6 : i32
    %dma_start3A = arith.constant 0 : i32
    %dma_start3A_8 = tpu.memref_slice %arg7[%mul3A_7, %dma_start3A] : memref<10000x128xf32, #tpu.memory_space<vmem_shared>> -> memref<80x128xf32, #tpu.memory_space<vmem_shared>>
    %dma_start3A_9 = arith.constant 0 : i32
    %dma_start3A_10 = tpu.memref_slice %arg7[%mul3A_7, %dma_start3A_9] : memref<10000x128xf32, #tpu.memory_space<vmem_shared>> -> memref<80x128xf32, #tpu.memory_space<vmem_shared>>
    tpu.enqueue_dma source(%arg15 : memref<80x128xf32, #tpu.memory_space<vmem>>) target(%dma_start3A_10 : memref<80x128xf32, #tpu.memory_space<vmem_shared>>) target_semaphore(%arg18 : memref<!tpu.dma_semaphore, #tpu.memory_space<semaphore_mem>>)
    %add3A_11 = arith.constant 16 : i32
    %add3A_12 = arith.addi %arg1, %add3A_11 : i32
    %mul3A_13 = arith.constant 80 : i32
    %mul3A_14 = arith.muli %add3A_12, %mul3A_13 : i32
    %dma_start3A_15 = arith.constant 0 : i32
    %dma_start3A_16 = tpu.memref_slice %arg7[%mul3A_14, %dma_start3A_15] : memref<10000x128xf32, #tpu.memory_space<vmem_shared>> -> memref<80x128xf32, #tpu.memory_space<vmem_shared>>
    %dma_start3A_17 = arith.constant 0 : i32
    %dma_start3A_18 = tpu.memref_slice %arg7[%mul3A_14, %dma_start3A_17] : memref<10000x128xf32, #tpu.memory_space<vmem_shared>> -> memref<80x128xf32, #tpu.memory_space<vmem_shared>>
    tpu.enqueue_dma source(%arg15 : memref<80x128xf32, #tpu.memory_space<vmem>>) target(%dma_start3A_18 : memref<80x128xf32, #tpu.memory_space<vmem_shared>>) target_semaphore(%arg18 : memref<!tpu.dma_semaphore, #tpu.memory_space<semaphore_mem>>)
    %add3A_19 = arith.constant 32 : i32
    %add3A_20 = arith.addi %arg1, %add3A_19 : i32
    %mul3A_21 = arith.constant 80 : i32
    %mul3A_22 = arith.muli %add3A_20, %mul3A_21 : i32
    %dma_start3A_23 = arith.constant 0 : i32
    %dma_start3A_24 = tpu.memref_slice %arg7[%mul3A_22, %dma_start3A_23] : memref<10000x128xf32, #tpu.memory_space<vmem_shared>> -> memref<80x128xf32, #tpu.memory_space<vmem_shared>>
    %dma_start3A_25 = arith.constant 0 : i32
    %dma_start3A_26 = tpu.memref_slice %arg7[%mul3A_22, %dma_start3A_25] : memref<10000x128xf32, #tpu.memory_space<vmem_shared>> -> memref<80x128xf32, #tpu.memory_space<vmem_shared>>
    tpu.enqueue_dma source(%arg15 : memref<80x128xf32, #tpu.memory_space<vmem>>) target(%dma_start3A_26 : memref<80x128xf32, #tpu.memory_space<vmem_shared>>) target_semaphore(%arg18 : memref<!tpu.dma_semaphore, #tpu.memory_space<semaphore_mem>>)
    %add3A_27 = arith.constant 48 : i32
    %add3A_28 = arith.addi %arg1, %add3A_27 : i32
    %mul3A_29 = arith.constant 80 : i32
    %mul3A_30 = arith.muli %add3A_28, %mul3A_29 : i32
    %dma_start3A_31 = arith.constant 0 : i32
    %dma_start3A_32 = tpu.memref_slice %arg7[%mul3A_30, %dma_start3A_31] : memref<10000x128xf32, #tpu.memory_space<vmem_shared>> -> memref<80x128xf32, #tpu.memory_space<vmem_shared>>
    %dma_start3A_33 = arith.constant 0 : i32
    %dma_start3A_34 = tpu.memref_slice %arg7[%mul3A_30, %dma_start3A_33] : memref<10000x128xf32, #tpu.memory_space<vmem_shared>> -> memref<80x128xf32, #tpu.memory_space<vmem_shared>>
    tpu.enqueue_dma source(%arg15 : memref<80x128xf32, #tpu.memory_space<vmem>>) target(%dma_start3A_34 : memref<80x128xf32, #tpu.memory_space<vmem_shared>>) target_semaphore(%arg18 : memref<!tpu.dma_semaphore, #tpu.memory_space<semaphore_mem>>)
    %add3A_35 = arith.constant 64 : i32
    %add3A_36 = arith.addi %arg1, %add3A_35 : i32
    %mul3A_37 = arith.constant 80 : i32
    %mul3A_38 = arith.muli %add3A_36, %mul3A_37 : i32
    %dma_start3A_39 = arith.constant 0 : i32
    %dma_start3A_40 = tpu.memref_slice %arg7[%mul3A_38, %dma_start3A_39] : memref<10000x128xf32, #tpu.memory_space<vmem_shared>> -> memref<80x128xf32, #tpu.memory_space<vmem_shared>>
    %dma_start3A_41 = arith.constant 0 : i32
    %dma_start3A_42 = tpu.memref_slice %arg7[%mul3A_38, %dma_start3A_41] : memref<10000x128xf32, #tpu.memory_space<vmem_shared>> -> memref<80x128xf32, #tpu.memory_space<vmem_shared>>
    tpu.enqueue_dma source(%arg15 : memref<80x128xf32, #tpu.memory_space<vmem>>) target(%dma_start3A_42 : memref<80x128xf32, #tpu.memory_space<vmem_shared>>) target_semaphore(%arg18 : memref<!tpu.dma_semaphore, #tpu.memory_space<semaphore_mem>>)
    %add3A_43 = arith.constant 80 : i32
    %add3A_44 = arith.addi %arg1, %add3A_43 : i32
    %mul3A_45 = arith.constant 80 : i32
    %mul3A_46 = arith.muli %add3A_44, %mul3A_45 : i32
    %dma_start3A_47 = arith.constant 0 : i32
    %dma_start3A_48 = tpu.memref_slice %arg7[%mul3A_46, %dma_start3A_47] : memref<10000x128xf32, #tpu.memory_space<vmem_shared>> -> memref<80x128xf32, #tpu.memory_space<vmem_shared>>
    %dma_start3A_49 = arith.constant 0 : i32
    %dma_start3A_50 = tpu.memref_slice %arg7[%mul3A_46, %dma_start3A_49] : memref<10000x128xf32, #tpu.memory_space<vmem_shared>> -> memref<80x128xf32, #tpu.memory_space<vmem_shared>>
    tpu.enqueue_dma source(%arg15 : memref<80x128xf32, #tpu.memory_space<vmem>>) target(%dma_start3A_50 : memref<80x128xf32, #tpu.memory_space<vmem_shared>>) target_semaphore(%arg18 : memref<!tpu.dma_semaphore, #tpu.memory_space<semaphore_mem>>)
    %add3A_51 = arith.constant 96 : i32
    %add3A_52 = arith.addi %arg1, %add3A_51 : i32
    %mul3A_53 = arith.constant 80 : i32
    %mul3A_54 = arith.muli %add3A_52, %mul3A_53 : i32
    %dma_start3A_55 = arith.constant 0 : i32
    %dma_start3A_56 = tpu.memref_slice %arg7[%mul3A_54, %dma_start3A_55] : memref<10000x128xf32, #tpu.memory_space<vmem_shared>> -> memref<80x128xf32, #tpu.memory_space<vmem_shared>>
    %dma_start3A_57 = arith.constant 0 : i32
    %dma_start3A_58 = tpu.memref_slice %arg7[%mul3A_54, %dma_start3A_57] : memref<10000x128xf32, #tpu.memory_space<vmem_shared>> -> memref<80x128xf32, #tpu.memory_space<vmem_shared>>
    tpu.enqueue_dma source(%arg15 : memref<80x128xf32, #tpu.memory_space<vmem>>) target(%dma_start3A_58 : memref<80x128xf32, #tpu.memory_space<vmem_shared>>) target_semaphore(%arg18 : memref<!tpu.dma_semaphore, #tpu.memory_space<semaphore_mem>>)
    %add3A_59 = arith.constant 112 : i32
    %add3A_60 = arith.addi %arg1, %add3A_59 : i32
    %lt3A = arith.constant 125 : i32
    %lt3A_61 = arith.cmpi slt, %add3A_60, %lt3A : i32
    %convert_element_type3A = arith.extui %lt3A_61 : i1 to i32
    %cond3A = arith.constant 0 : i32
    %cond3A_62 = arith.cmpi ne, %convert_element_type3A, %cond3A : i32
    scf.if %cond3A_62 {
      %mul3A_381 = arith.constant 80 : i32
      %mul3A_382 = arith.muli %add3A_60, %mul3A_381 : i32
      %dma_start3A_383 = arith.constant 0 : i32
      %dma_start3A_384 = tpu.memref_slice %arg7[%mul3A_382, %dma_start3A_383] : memref<10000x128xf32, #tpu.memory_space<vmem_shared>> -> memref<80x128xf32, #tpu.memory_space<vmem_shared>>
      %dma_start3A_385 = arith.constant 0 : i32
      %dma_start3A_386 = tpu.memref_slice %arg7[%mul3A_382, %dma_start3A_385] : memref<10000x128xf32, #tpu.memory_space<vmem_shared>> -> memref<80x128xf32, #tpu.memory_space<vmem_shared>>
      tpu.enqueue_dma source(%arg15 : memref<80x128xf32, #tpu.memory_space<vmem>>) target(%dma_start3A_386 : memref<80x128xf32, #tpu.memory_space<vmem_shared>>) target_semaphore(%arg18 : memref<!tpu.dma_semaphore, #tpu.memory_space<semaphore_mem>>)
    } else {
    }
    %dma_wait3A = arith.constant 0 : i32
    %dma_wait3A_63 = arith.constant 0 : i32
    %dma_wait3A_64 = tpu.memref_slice %arg7[%dma_wait3A, %dma_wait3A_63] : memref<10000x128xf32, #tpu.memory_space<vmem_shared>> -> memref<80x128xf32, #tpu.memory_space<vmem_shared>>
    %dma_wait3A_65 = arith.constant 0 : i32
    %dma_wait3A_66 = arith.constant 0 : i32
    %dma_wait3A_67 = tpu.memref_slice %arg7[%dma_wait3A_65, %dma_wait3A_66] : memref<10000x128xf32, #tpu.memory_space<vmem_shared>> -> memref<80x128xf32, #tpu.memory_space<vmem_shared>>
    tpu.wait_dma2 semaphore(%arg18 : memref<!tpu.dma_semaphore, #tpu.memory_space<semaphore_mem>>) src(%arg15 : memref<80x128xf32, #tpu.memory_space<vmem>>) dst(%dma_wait3A_67 : memref<80x128xf32, #tpu.memory_space<vmem_shared>>)
    %dma_wait3A_68 = arith.constant 0 : i32
    %dma_wait3A_69 = arith.constant 0 : i32
    %dma_wait3A_70 = tpu.memref_slice %arg7[%dma_wait3A_68, %dma_wait3A_69] : memref<10000x128xf32, #tpu.memory_space<vmem_shared>> -> memref<80x128xf32, #tpu.memory_space<vmem_shared>>
    %dma_wait3A_71 = arith.constant 0 : i32
    %dma_wait3A_72 = arith.constant 0 : i32
    %dma_wait3A_73 = tpu.memref_slice %arg7[%dma_wait3A_71, %dma_wait3A_72] : memref<10000x128xf32, #tpu.memory_space<vmem_shared>> -> memref<80x128xf32, #tpu.memory_space<vmem_shared>>
    tpu.wait_dma2 semaphore(%arg18 : memref<!tpu.dma_semaphore, #tpu.memory_space<semaphore_mem>>) src(%arg15 : memref<80x128xf32, #tpu.memory_space<vmem>>) dst(%dma_wait3A_73 : memref<80x128xf32, #tpu.memory_space<vmem_shared>>)
    %dma_wait3A_74 = arith.constant 0 : i32
    %dma_wait3A_75 = arith.constant 0 : i32
    %dma_wait3A_76 = tpu.memref_slice %arg7[%dma_wait3A_74, %dma_wait3A_75] : memref<10000x128xf32, #tpu.memory_space<vmem_shared>> -> memref<80x128xf32, #tpu.memory_space<vmem_shared>>
    %dma_wait3A_77 = arith.constant 0 : i32
    %dma_wait3A_78 = arith.constant 0 : i32
    %dma_wait3A_79 = tpu.memref_slice %arg7[%dma_wait3A_77, %dma_wait3A_78] : memref<10000x128xf32, #tpu.memory_space<vmem_shared>> -> memref<80x128xf32, #tpu.memory_space<vmem_shared>>
    tpu.wait_dma2 semaphore(%arg18 : memref<!tpu.dma_semaphore, #tpu.memory_space<semaphore_mem>>) src(%arg15 : memref<80x128xf32, #tpu.memory_space<vmem>>) dst(%dma_wait3A_79 : memref<80x128xf32, #tpu.memory_space<vmem_shared>>)
    %dma_wait3A_80 = arith.constant 0 : i32
    %dma_wait3A_81 = arith.constant 0 : i32
    %dma_wait3A_82 = tpu.memref_slice %arg7[%dma_wait3A_80, %dma_wait3A_81] : memref<10000x128xf32, #tpu.memory_space<vmem_shared>> -> memref<80x128xf32, #tpu.memory_space<vmem_shared>>
    %dma_wait3A_83 = arith.constant 0 : i32
    %dma_wait3A_84 = arith.constant 0 : i32
    %dma_wait3A_85 = tpu.memref_slice %arg7[%dma_wait3A_83, %dma_wait3A_84] : memref<10000x128xf32, #tpu.memory_space<vmem_shared>> -> memref<80x128xf32, #tpu.memory_space<vmem_shared>>
    tpu.wait_dma2 semaphore(%arg18 : memref<!tpu.dma_semaphore, #tpu.memory_space<semaphore_mem>>) src(%arg15 : memref<80x128xf32, #tpu.memory_space<vmem>>) dst(%dma_wait3A_85 : memref<80x128xf32, #tpu.memory_space<vmem_shared>>)
    %dma_wait3A_86 = arith.constant 0 : i32
    %dma_wait3A_87 = arith.constant 0 : i32
    %dma_wait3A_88 = tpu.memref_slice %arg7[%dma_wait3A_86, %dma_wait3A_87] : memref<10000x128xf32, #tpu.memory_space<vmem_shared>> -> memref<80x128xf32, #tpu.memory_space<vmem_shared>>
    %dma_wait3A_89 = arith.constant 0 : i32
    %dma_wait3A_90 = arith.constant 0 : i32
    %dma_wait3A_91 = tpu.memref_slice %arg7[%dma_wait3A_89, %dma_wait3A_90] : memref<10000x128xf32, #tpu.memory_space<vmem_shared>> -> memref<80x128xf32, #tpu.memory_space<vmem_shared>>
    tpu.wait_dma2 semaphore(%arg18 : memref<!tpu.dma_semaphore, #tpu.memory_space<semaphore_mem>>) src(%arg15 : memref<80x128xf32, #tpu.memory_space<vmem>>) dst(%dma_wait3A_91 : memref<80x128xf32, #tpu.memory_space<vmem_shared>>)
    %dma_wait3A_92 = arith.constant 0 : i32
    %dma_wait3A_93 = arith.constant 0 : i32
    %dma_wait3A_94 = tpu.memref_slice %arg7[%dma_wait3A_92, %dma_wait3A_93] : memref<10000x128xf32, #tpu.memory_space<vmem_shared>> -> memref<80x128xf32, #tpu.memory_space<vmem_shared>>
    %dma_wait3A_95 = arith.constant 0 : i32
    %dma_wait3A_96 = arith.constant 0 : i32
    %dma_wait3A_97 = tpu.memref_slice %arg7[%dma_wait3A_95, %dma_wait3A_96] : memref<10000x128xf32, #tpu.memory_space<vmem_shared>> -> memref<80x128xf32, #tpu.memory_space<vmem_shared>>
    tpu.wait_dma2 semaphore(%arg18 : memref<!tpu.dma_semaphore, #tpu.memory_space<semaphore_mem>>) src(%arg15 : memref<80x128xf32, #tpu.memory_space<vmem>>) dst(%dma_wait3A_97 : memref<80x128xf32, #tpu.memory_space<vmem_shared>>)
    %dma_wait3A_98 = arith.constant 0 : i32
    %dma_wait3A_99 = arith.constant 0 : i32
    %dma_wait3A_100 = tpu.memref_slice %arg7[%dma_wait3A_98, %dma_wait3A_99] : memref<10000x128xf32, #tpu.memory_space<vmem_shared>> -> memref<80x128xf32, #tpu.memory_space<vmem_shared>>
    %dma_wait3A_101 = arith.constant 0 : i32
    %dma_wait3A_102 = arith.constant 0 : i32
    %dma_wait3A_103 = tpu.memref_slice %arg7[%dma_wait3A_101, %dma_wait3A_102] : memref<10000x128xf32, #tpu.memory_space<vmem_shared>> -> memref<80x128xf32, #tpu.memory_space<vmem_shared>>
    tpu.wait_dma2 semaphore(%arg18 : memref<!tpu.dma_semaphore, #tpu.memory_space<semaphore_mem>>) src(%arg15 : memref<80x128xf32, #tpu.memory_space<vmem>>) dst(%dma_wait3A_103 : memref<80x128xf32, #tpu.memory_space<vmem_shared>>)
    %add3A_104 = arith.constant 112 : i32
    %add3A_105 = arith.addi %arg1, %add3A_104 : i32
    %lt3A_106 = arith.constant 125 : i32
    %lt3A_107 = arith.cmpi slt, %add3A_105, %lt3A_106 : i32
    %convert_element_type3A_108 = arith.extui %lt3A_107 : i1 to i32
    %cond3A_109 = arith.constant 0 : i32
    %cond3A_110 = arith.cmpi ne, %convert_element_type3A_108, %cond3A_109 : i32
    scf.if %cond3A_110 {
      %dma_wait3A_381 = arith.constant 0 : i32
      %dma_wait3A_382 = arith.constant 0 : i32
      %dma_wait3A_383 = tpu.memref_slice %arg7[%dma_wait3A_381, %dma_wait3A_382] : memref<10000x128xf32, #tpu.memory_space<vmem_shared>> -> memref<80x128xf32, #tpu.memory_space<vmem_shared>>
      %dma_wait3A_384 = arith.constant 0 : i32
      %dma_wait3A_385 = arith.constant 0 : i32
      %dma_wait3A_386 = tpu.memref_slice %arg7[%dma_wait3A_384, %dma_wait3A_385] : memref<10000x128xf32, #tpu.memory_space<vmem_shared>> -> memref<80x128xf32, #tpu.memory_space<vmem_shared>>
      tpu.wait_dma2 semaphore(%arg18 : memref<!tpu.dma_semaphore, #tpu.memory_space<semaphore_mem>>) src(%arg15 : memref<80x128xf32, #tpu.memory_space<vmem>>) dst(%dma_wait3A_386 : memref<80x128xf32, #tpu.memory_space<vmem_shared>>)
    } else {
    }
    %barrier3A = arith.constant 0 : index
    tpu.barrier barrier_id(%barrier3A)
    %dma_start3A_111 = tpu.memref_slice %arg3[%mul3A_2] : memref<320000xi32, #tpu.memory_space<hbm>> -> memref<240xi32, #tpu.memory_space<hbm>>
    %dma_start3A_112 = tpu.memref_slice %arg3[%mul3A_2] : memref<320000xi32, #tpu.memory_space<hbm>> -> memref<240xi32, #tpu.memory_space<hbm>>
    tpu.enqueue_dma source(%dma_start3A_112 : memref<240xi32, #tpu.memory_space<hbm>>) target(%arg8 : memref<240xi32, #tpu.memory_space<vmem>>) target_semaphore(%arg24 : memref<!tpu.dma_semaphore, #tpu.memory_space<semaphore_mem>>)
    %dma_start3A_113 = tpu.memref_slice %arg4[%mul3A_2] : memref<320000xi32, #tpu.memory_space<hbm>> -> memref<240xi32, #tpu.memory_space<hbm>>
    %dma_start3A_114 = tpu.memref_slice %arg4[%mul3A_2] : memref<320000xi32, #tpu.memory_space<hbm>> -> memref<240xi32, #tpu.memory_space<hbm>>
    tpu.enqueue_dma source(%dma_start3A_114 : memref<240xi32, #tpu.memory_space<hbm>>) target(%arg10 : memref<240xi32, #tpu.memory_space<vmem>>) target_semaphore(%arg24 : memref<!tpu.dma_semaphore, #tpu.memory_space<semaphore_mem>>)
    %dma_wait3A_115 = arith.constant 0 : i32
    %dma_wait3A_116 = tpu.memref_slice %arg3[%dma_wait3A_115] : memref<320000xi32, #tpu.memory_space<hbm>> -> memref<240xi32, #tpu.memory_space<hbm>>
    %dma_wait3A_117 = arith.constant 0 : i32
    %dma_wait3A_118 = tpu.memref_slice %arg3[%dma_wait3A_117] : memref<320000xi32, #tpu.memory_space<hbm>> -> memref<240xi32, #tpu.memory_space<hbm>>
    tpu.wait_dma2 semaphore(%arg24 : memref<!tpu.dma_semaphore, #tpu.memory_space<semaphore_mem>>) src(%dma_wait3A_118 : memref<240xi32, #tpu.memory_space<hbm>>) dst(%arg8 : memref<240xi32, #tpu.memory_space<vmem>>)
    %dma_wait3A_119 = arith.constant 0 : i32
    %dma_wait3A_120 = tpu.memref_slice %arg4[%dma_wait3A_119] : memref<320000xi32, #tpu.memory_space<hbm>> -> memref<240xi32, #tpu.memory_space<hbm>>
    %dma_wait3A_121 = arith.constant 0 : i32
    %dma_wait3A_122 = tpu.memref_slice %arg4[%dma_wait3A_121] : memref<320000xi32, #tpu.memory_space<hbm>> -> memref<240xi32, #tpu.memory_space<hbm>>
    tpu.wait_dma2 semaphore(%arg24 : memref<!tpu.dma_semaphore, #tpu.memory_space<semaphore_mem>>) src(%dma_wait3A_122 : memref<240xi32, #tpu.memory_space<hbm>>) dst(%arg10 : memref<240xi32, #tpu.memory_space<vmem>>)
    %scan3A = arith.constant 0 : i32
    %scan3A_123 = arith.constant 0 : i32
    %scan3A_124 = arith.constant 20 : i32
    %scan3A_125 = arith.addi %scan3A_123, %scan3A_124 : i32
    %scan3A_126 = arith.constant 1 : i32
    scf.for %scan3A_381 = %scan3A_123 to %scan3A_125 step %scan3A_126  : i32 {
      %mul3A_382 = arith.constant 2 : i32
      %mul3A_383 = arith.muli %mul3A_382, %scan3A_381 : i32
      %gt3A_384 = arith.constant 0 : i32
      %gt3A_385 = arith.cmpi sgt, %mul3A_383, %gt3A_384 : i32
      %convert_element_type3A_386 = arith.extui %gt3A_385 : i1 to i32
      %cond3A_387 = arith.constant 0 : i32
      %cond3A_388 = arith.cmpi ne, %convert_element_type3A_386, %cond3A_387 : i32
      scf.if %cond3A_388 {
        %dma_wait3A_622 = arith.constant 0 : i32
        %dma_wait3A_623 = tpu.memref_slice %arg3[%dma_wait3A_622] : memref<320000xi32, #tpu.memory_space<hbm>> -> memref<240xi32, #tpu.memory_space<hbm>>
        %dma_wait3A_624 = arith.constant 0 : i32
        %dma_wait3A_625 = tpu.memref_slice %arg3[%dma_wait3A_624] : memref<320000xi32, #tpu.memory_space<hbm>> -> memref<240xi32, #tpu.memory_space<hbm>>
        tpu.wait_dma2 semaphore(%arg24 : memref<!tpu.dma_semaphore, #tpu.memory_space<semaphore_mem>>) src(%dma_wait3A_625 : memref<240xi32, #tpu.memory_space<hbm>>) dst(%arg8 : memref<240xi32, #tpu.memory_space<vmem>>)
        %dma_wait3A_626 = arith.constant 0 : i32
        %dma_wait3A_627 = tpu.memref_slice %arg4[%dma_wait3A_626] : memref<320000xi32, #tpu.memory_space<hbm>> -> memref<240xi32, #tpu.memory_space<hbm>>
        %dma_wait3A_628 = arith.constant 0 : i32
        %dma_wait3A_629 = tpu.memref_slice %arg4[%dma_wait3A_628] : memref<320000xi32, #tpu.memory_space<hbm>> -> memref<240xi32, #tpu.memory_space<hbm>>
        tpu.wait_dma2 semaphore(%arg24 : memref<!tpu.dma_semaphore, #tpu.memory_space<semaphore_mem>>) src(%dma_wait3A_629 : memref<240xi32, #tpu.memory_space<hbm>>) dst(%arg10 : memref<240xi32, #tpu.memory_space<vmem>>)
      } else {
      }
      %gt3A_389 = arith.constant 0 : i32
      %gt3A_390 = arith.cmpi sgt, %mul3A_383, %gt3A_389 : i32
      %convert_element_type3A_391 = arith.extui %gt3A_390 : i1 to i32
      %cond3A_392 = arith.constant 0 : i32
      %cond3A_393 = arith.cmpi ne, %convert_element_type3A_391, %cond3A_392 : i32
      scf.if %cond3A_393 {
        %dma_wait3A_622 = arith.constant 0 : i32
        %dma_wait3A_623 = arith.constant 0 : i32
        %dma_wait3A_624 = tpu.memref_slice %arg7[%dma_wait3A_622, %dma_wait3A_623] : memref<10000x128xf32, #tpu.memory_space<vmem_shared>> -> memref<10000x128xf32, #tpu.memory_space<vmem_shared>>
        tpu.wait_indirect_dma semaphore(%arg21 : memref<!tpu.dma_semaphore, #tpu.memory_space<semaphore_mem>>) src(%arg15 : memref<80x128xf32, #tpu.memory_space<vmem>>) dst(%dma_wait3A_624 : memref<10000x128xf32, #tpu.memory_space<vmem_shared>>)
      } else {
      }
      %get3A_394 = arith.constant 0 : index
      %get3A_395 = tpu.vector_load %arg10[%get3A_394] {strides = array<i32>} : memref<240xi32, #tpu.memory_space<vmem>>, vector<16xi32>,
      %swap3A_396 = arith.constant 0 : index
      %swap3A_397 = tpu.vector_load %arg12[%swap3A_396] {strides = array<i32>} : memref<80xi32, #tpu.memory_space<vmem>>, vector<16xi32>,
      tpu.vector_store %arg12[%swap3A_396], %get3A_395 {strides = array<i32>} : memref<80xi32, #tpu.memory_space<vmem>>, vector<16xi32>,
      %get3A_398 = arith.constant 16 : index
      %get3A_399 = tpu.vector_load %arg10[%get3A_398] {strides = array<i32>} : memref<240xi32, #tpu.memory_space<vmem>>, vector<16xi32>,
      %swap3A_400 = arith.constant 16 : index
      %swap3A_401 = tpu.vector_load %arg12[%swap3A_400] {strides = array<i32>} : memref<80xi32, #tpu.memory_space<vmem>>, vector<16xi32>,
      tpu.vector_store %arg12[%swap3A_400], %get3A_399 {strides = array<i32>} : memref<80xi32, #tpu.memory_space<vmem>>, vector<16xi32>,
      %get3A_402 = arith.constant 32 : index
      %get3A_403 = tpu.vector_load %arg10[%get3A_402] {strides = array<i32>} : memref<240xi32, #tpu.memory_space<vmem>>, vector<16xi32>,
      %swap3A_404 = arith.constant 32 : index
      %swap3A_405 = tpu.vector_load %arg12[%swap3A_404] {strides = array<i32>} : memref<80xi32, #tpu.memory_space<vmem>>, vector<16xi32>,
      tpu.vector_store %arg12[%swap3A_404], %get3A_403 {strides = array<i32>} : memref<80xi32, #tpu.memory_space<vmem>>, vector<16xi32>,
      %get3A_406 = arith.constant 48 : index
      %get3A_407 = tpu.vector_load %arg10[%get3A_406] {strides = array<i32>} : memref<240xi32, #tpu.memory_space<vmem>>, vector<16xi32>,
      %swap3A_408 = arith.constant 48 : index
      %swap3A_409 = tpu.vector_load %arg12[%swap3A_408] {strides = array<i32>} : memref<80xi32, #tpu.memory_space<vmem>>, vector<16xi32>,
      tpu.vector_store %arg12[%swap3A_408], %get3A_407 {strides = array<i32>} : memref<80xi32, #tpu.memory_space<vmem>>, vector<16xi32>,
      %get3A_410 = arith.constant 64 : index
      %get3A_411 = tpu.vector_load %arg10[%get3A_410] {strides = array<i32>} : memref<240xi32, #tpu.memory_space<vmem>>, vector<16xi32>,
      %swap3A_412 = arith.constant 64 : index
      %swap3A_413 = tpu.vector_load %arg12[%swap3A_412] {strides = array<i32>} : memref<80xi32, #tpu.memory_space<vmem>>, vector<16xi32>,
      tpu.vector_store %arg12[%swap3A_412], %get3A_411 {strides = array<i32>} : memref<80xi32, #tpu.memory_space<vmem>>, vector<16xi32>,
      %dma_start3A_414 = arith.constant 0 : i32
      %dma_start3A_415 = tpu.memref_slice %arg8[%dma_start3A_414] : memref<240xi32, #tpu.memory_space<vmem>> -> memref<80xi32, #tpu.memory_space<vmem>>
      %dma_start3A_416 = arith.constant 0 : i32
      %dma_start3A_417 = arith.constant 0 : i32
      %dma_start3A_418 = tpu.memref_slice %arg2[%dma_start3A_416, %dma_start3A_417] : memref<10000x128xf32, #tpu.memory_space<hbm>> -> memref<10000x128xf32, #tpu.memory_space<hbm>>
      tpu.enqueue_indirect_dma source(%dma_start3A_418 : memref<10000x128xf32, #tpu.memory_space<hbm>>) target(%arg15 : memref<80x128xf32, #tpu.memory_space<vmem>>) offsets(%dma_start3A_415 : memref<80xi32, #tpu.memory_space<vmem>>) semaphore(%arg18 : memref<!tpu.dma_semaphore, #tpu.memory_space<semaphore_mem>>)
      %gt3A_419 = arith.constant 0 : i32
      %gt3A_420 = arith.cmpi sgt, %mul3A_383, %gt3A_419 : i32
      %convert_element_type3A_421 = arith.extui %gt3A_420 : i1 to i32
      %cond3A_422 = arith.constant 0 : i32
      %cond3A_423 = arith.cmpi ne, %convert_element_type3A_421, %cond3A_422 : i32
      scf.if %cond3A_423 {
        %dma_wait3A_622 = arith.constant 0 : i32
        %dma_wait3A_623 = arith.constant 0 : i32
        %dma_wait3A_624 = tpu.memref_slice %arg2[%dma_wait3A_622, %dma_wait3A_623] : memref<10000x128xf32, #tpu.memory_space<hbm>> -> memref<10000x128xf32, #tpu.memory_space<hbm>>
        tpu.wait_indirect_dma semaphore(%arg20 : memref<!tpu.dma_semaphore, #tpu.memory_space<semaphore_mem>>) src(%dma_wait3A_624 : memref<10000x128xf32, #tpu.memory_space<hbm>>) dst(%arg17 : memref<80x128xf32, #tpu.memory_space<vmem>>)
        %dma_start3A_625 = arith.constant 0 : i32
        %dma_start3A_626 = arith.constant 0 : i32
        %dma_start3A_627 = tpu.memref_slice %arg7[%dma_start3A_625, %dma_start3A_626] : memref<10000x128xf32, #tpu.memory_space<vmem_shared>> -> memref<10000x128xf32, #tpu.memory_space<vmem_shared>>
        tpu.enqueue_indirect_dma source(%arg17 : memref<80x128xf32, #tpu.memory_space<vmem>>) target(%dma_start3A_627 : memref<10000x128xf32, #tpu.memory_space<vmem_shared>>) offsets(%arg14 : memref<80xi32, #tpu.memory_space<vmem>>) semaphore(%arg23 : memref<!tpu.dma_semaphore, #tpu.memory_space<semaphore_mem>>) {add = true}
      } else {
      }
      %lt3A_424 = arith.constant 40 : i32
      %lt3A_425 = arith.cmpi slt, %mul3A_383, %lt3A_424 : i32
      %convert_element_type3A_426 = arith.extui %lt3A_425 : i1 to i32
      %cond3A_427 = arith.constant 0 : i32
      %cond3A_428 = arith.cmpi ne, %convert_element_type3A_426, %cond3A_427 : i32
      scf.if %cond3A_428 {
        %add3A_622 = arith.constant 1 : i32
        %add3A_623 = arith.addi %mul3A_383, %add3A_622 : i32
        %mul3A_624 = arith.constant 240 : i32
        %mul3A_625 = arith.muli %add3A_623, %mul3A_624 : i32
        %add3A_626 = arith.addi %mul3A_2, %mul3A_625 : i32
        %dma_start3A_627 = tpu.memref_slice %arg3[%add3A_626] : memref<320000xi32, #tpu.memory_space<hbm>> -> memref<240xi32, #tpu.memory_space<hbm>>
        %dma_start3A_628 = tpu.memref_slice %arg3[%add3A_626] : memref<320000xi32, #tpu.memory_space<hbm>> -> memref<240xi32, #tpu.memory_space<hbm>>
        tpu.enqueue_dma source(%dma_start3A_628 : memref<240xi32, #tpu.memory_space<hbm>>) target(%arg9 : memref<240xi32, #tpu.memory_space<vmem>>) target_semaphore(%arg24 : memref<!tpu.dma_semaphore, #tpu.memory_space<semaphore_mem>>)
        %dma_start3A_629 = tpu.memref_slice %arg4[%add3A_626] : memref<320000xi32, #tpu.memory_space<hbm>> -> memref<240xi32, #tpu.memory_space<hbm>>
        %dma_start3A_630 = tpu.memref_slice %arg4[%add3A_626] : memref<320000xi32, #tpu.memory_space<hbm>> -> memref<240xi32, #tpu.memory_space<hbm>>
        tpu.enqueue_dma source(%dma_start3A_630 : memref<240xi32, #tpu.memory_space<hbm>>) target(%arg11 : memref<240xi32, #tpu.memory_space<vmem>>) target_semaphore(%arg24 : memref<!tpu.dma_semaphore, #tpu.memory_space<semaphore_mem>>)
      } else {
      }
      %gt3A_429 = arith.constant 0 : i32
      %gt3A_430 = arith.cmpi sgt, %mul3A_383, %gt3A_429 : i32
      %convert_element_type3A_431 = arith.extui %gt3A_430 : i1 to i32
      %cond3A_432 = arith.constant 0 : i32
      %cond3A_433 = arith.cmpi ne, %convert_element_type3A_431, %cond3A_432 : i32
      scf.if %cond3A_433 {
        %dma_wait3A_622 = arith.constant 0 : i32
        %dma_wait3A_623 = arith.constant 0 : i32
        %dma_wait3A_624 = tpu.memref_slice %arg7[%dma_wait3A_622, %dma_wait3A_623] : memref<10000x128xf32, #tpu.memory_space<vmem_shared>> -> memref<10000x128xf32, #tpu.memory_space<vmem_shared>>
        tpu.wait_indirect_dma semaphore(%arg22 : memref<!tpu.dma_semaphore, #tpu.memory_space<semaphore_mem>>) src(%arg16 : memref<80x128xf32, #tpu.memory_space<vmem>>) dst(%dma_wait3A_624 : memref<10000x128xf32, #tpu.memory_space<vmem_shared>>)
      } else {
      }
      %get3A_434 = arith.constant 80 : index
      %get3A_435 = tpu.vector_load %arg10[%get3A_434] {strides = array<i32>} : memref<240xi32, #tpu.memory_space<vmem>>, vector<16xi32>,
      %swap3A_436 = arith.constant 0 : index
      %swap3A_437 = tpu.vector_load %arg13[%swap3A_436] {strides = array<i32>} : memref<80xi32, #tpu.memory_space<vmem>>, vector<16xi32>,
      tpu.vector_store %arg13[%swap3A_436], %get3A_435 {strides = array<i32>} : memref<80xi32, #tpu.memory_space<vmem>>, vector<16xi32>,
      %get3A_438 = arith.constant 96 : index
      %get3A_439 = tpu.vector_load %arg10[%get3A_438] {strides = array<i32>} : memref<240xi32, #tpu.memory_space<vmem>>, vector<16xi32>,
      %swap3A_440 = arith.constant 16 : index
      %swap3A_441 = tpu.vector_load %arg13[%swap3A_440] {strides = array<i32>} : memref<80xi32, #tpu.memory_space<vmem>>, vector<16xi32>,
      tpu.vector_store %arg13[%swap3A_440], %get3A_439 {strides = array<i32>} : memref<80xi32, #tpu.memory_space<vmem>>, vector<16xi32>,
      %get3A_442 = arith.constant 112 : index
      %get3A_443 = tpu.vector_load %arg10[%get3A_442] {strides = array<i32>} : memref<240xi32, #tpu.memory_space<vmem>>, vector<16xi32>,
      %swap3A_444 = arith.constant 32 : index
      %swap3A_445 = tpu.vector_load %arg13[%swap3A_444] {strides = array<i32>} : memref<80xi32, #tpu.memory_space<vmem>>, vector<16xi32>,
      tpu.vector_store %arg13[%swap3A_444], %get3A_443 {strides = array<i32>} : memref<80xi32, #tpu.memory_space<vmem>>, vector<16xi32>,
      %get3A_446 = arith.constant 128 : index
      %get3A_447 = tpu.vector_load %arg10[%get3A_446] {strides = array<i32>} : memref<240xi32, #tpu.memory_space<vmem>>, vector<16xi32>,
      %swap3A_448 = arith.constant 48 : index
      %swap3A_449 = tpu.vector_load %arg13[%swap3A_448] {strides = array<i32>} : memref<80xi32, #tpu.memory_space<vmem>>, vector<16xi32>,
      tpu.vector_store %arg13[%swap3A_448], %get3A_447 {strides = array<i32>} : memref<80xi32, #tpu.memory_space<vmem>>, vector<16xi32>,
      %get3A_450 = arith.constant 144 : index
      %get3A_451 = tpu.vector_load %arg10[%get3A_450] {strides = array<i32>} : memref<240xi32, #tpu.memory_space<vmem>>, vector<16xi32>,
      %swap3A_452 = arith.constant 64 : index
      %swap3A_453 = tpu.vector_load %arg13[%swap3A_452] {strides = array<i32>} : memref<80xi32, #tpu.memory_space<vmem>>, vector<16xi32>,
      tpu.vector_store %arg13[%swap3A_452], %get3A_451 {strides = array<i32>} : memref<80xi32, #tpu.memory_space<vmem>>, vector<16xi32>,
      %dma_start3A_454 = arith.constant 80 : i32
      %dma_start3A_455 = tpu.memref_slice %arg8[%dma_start3A_454] : memref<240xi32, #tpu.memory_space<vmem>> -> memref<80xi32, #tpu.memory_space<vmem>>
      %dma_start3A_456 = arith.constant 0 : i32
      %dma_start3A_457 = arith.constant 0 : i32
      %dma_start3A_458 = tpu.memref_slice %arg2[%dma_start3A_456, %dma_start3A_457] : memref<10000x128xf32, #tpu.memory_space<hbm>> -> memref<10000x128xf32, #tpu.memory_space<hbm>>
      tpu.enqueue_indirect_dma source(%dma_start3A_458 : memref<10000x128xf32, #tpu.memory_space<hbm>>) target(%arg16 : memref<80x128xf32, #tpu.memory_space<vmem>>) offsets(%dma_start3A_455 : memref<80xi32, #tpu.memory_space<vmem>>) semaphore(%arg19 : memref<!tpu.dma_semaphore, #tpu.memory_space<semaphore_mem>>)
      %dma_wait3A_459 = arith.constant 0 : i32
      %dma_wait3A_460 = arith.constant 0 : i32
      %dma_wait3A_461 = tpu.memref_slice %arg2[%dma_wait3A_459, %dma_wait3A_460] : memref<10000x128xf32, #tpu.memory_space<hbm>> -> memref<10000x128xf32, #tpu.memory_space<hbm>>
      tpu.wait_indirect_dma semaphore(%arg18 : memref<!tpu.dma_semaphore, #tpu.memory_space<semaphore_mem>>) src(%dma_wait3A_461 : memref<10000x128xf32, #tpu.memory_space<hbm>>) dst(%arg15 : memref<80x128xf32, #tpu.memory_space<vmem>>)
      %dma_start3A_462 = arith.constant 0 : i32
      %dma_start3A_463 = arith.constant 0 : i32
      %dma_start3A_464 = tpu.memref_slice %arg7[%dma_start3A_462, %dma_start3A_463] : memref<10000x128xf32, #tpu.memory_space<vmem_shared>> -> memref<10000x128xf32, #tpu.memory_space<vmem_shared>>
      tpu.enqueue_indirect_dma source(%arg15 : memref<80x128xf32, #tpu.memory_space<vmem>>) target(%dma_start3A_464 : memref<10000x128xf32, #tpu.memory_space<vmem_shared>>) offsets(%arg12 : memref<80xi32, #tpu.memory_space<vmem>>) semaphore(%arg21 : memref<!tpu.dma_semaphore, #tpu.memory_space<semaphore_mem>>) {add = true}
      %gt3A_465 = arith.constant 0 : i32
      %gt3A_466 = arith.cmpi sgt, %mul3A_383, %gt3A_465 : i32
      %convert_element_type3A_467 = arith.extui %gt3A_466 : i1 to i32
      %cond3A_468 = arith.constant 0 : i32
      %cond3A_469 = arith.cmpi ne, %convert_element_type3A_467, %cond3A_468 : i32
      scf.if %cond3A_469 {
        %dma_wait3A_622 = arith.constant 0 : i32
        %dma_wait3A_623 = arith.constant 0 : i32
        %dma_wait3A_624 = tpu.memref_slice %arg7[%dma_wait3A_622, %dma_wait3A_623] : memref<10000x128xf32, #tpu.memory_space<vmem_shared>> -> memref<10000x128xf32, #tpu.memory_space<vmem_shared>>
        tpu.wait_indirect_dma semaphore(%arg23 : memref<!tpu.dma_semaphore, #tpu.memory_space<semaphore_mem>>) src(%arg17 : memref<80x128xf32, #tpu.memory_space<vmem>>) dst(%dma_wait3A_624 : memref<10000x128xf32, #tpu.memory_space<vmem_shared>>)
      } else {
      }
      %get3A_470 = arith.constant 160 : index
      %get3A_471 = tpu.vector_load %arg10[%get3A_470] {strides = array<i32>} : memref<240xi32, #tpu.memory_space<vmem>>, vector<16xi32>,
      %swap3A_472 = arith.constant 0 : index
      %swap3A_473 = tpu.vector_load %arg14[%swap3A_472] {strides = array<i32>} : memref<80xi32, #tpu.memory_space<vmem>>, vector<16xi32>,
      tpu.vector_store %arg14[%swap3A_472], %get3A_471 {strides = array<i32>} : memref<80xi32, #tpu.memory_space<vmem>>, vector<16xi32>,
      %get3A_474 = arith.constant 176 : index
      %get3A_475 = tpu.vector_load %arg10[%get3A_474] {strides = array<i32>} : memref<240xi32, #tpu.memory_space<vmem>>, vector<16xi32>,
      %swap3A_476 = arith.constant 16 : index
      %swap3A_477 = tpu.vector_load %arg14[%swap3A_476] {strides = array<i32>} : memref<80xi32, #tpu.memory_space<vmem>>, vector<16xi32>,
      tpu.vector_store %arg14[%swap3A_476], %get3A_475 {strides = array<i32>} : memref<80xi32, #tpu.memory_space<vmem>>, vector<16xi32>,
      %get3A_478 = arith.constant 192 : index
      %get3A_479 = tpu.vector_load %arg10[%get3A_478] {strides = array<i32>} : memref<240xi32, #tpu.memory_space<vmem>>, vector<16xi32>,
      %swap3A_480 = arith.constant 32 : index
      %swap3A_481 = tpu.vector_load %arg14[%swap3A_480] {strides = array<i32>} : memref<80xi32, #tpu.memory_space<vmem>>, vector<16xi32>,
      tpu.vector_store %arg14[%swap3A_480], %get3A_479 {strides = array<i32>} : memref<80xi32, #tpu.memory_space<vmem>>, vector<16xi32>,
      %get3A_482 = arith.constant 208 : index
      %get3A_483 = tpu.vector_load %arg10[%get3A_482] {strides = array<i32>} : memref<240xi32, #tpu.memory_space<vmem>>, vector<16xi32>,
      %swap3A_484 = arith.constant 48 : index
      %swap3A_485 = tpu.vector_load %arg14[%swap3A_484] {strides = array<i32>} : memref<80xi32, #tpu.memory_space<vmem>>, vector<16xi32>,
      tpu.vector_store %arg14[%swap3A_484], %get3A_483 {strides = array<i32>} : memref<80xi32, #tpu.memory_space<vmem>>, vector<16xi32>,
      %get3A_486 = arith.constant 224 : index
      %get3A_487 = tpu.vector_load %arg10[%get3A_486] {strides = array<i32>} : memref<240xi32, #tpu.memory_space<vmem>>, vector<16xi32>,
      %swap3A_488 = arith.constant 64 : index
      %swap3A_489 = tpu.vector_load %arg14[%swap3A_488] {strides = array<i32>} : memref<80xi32, #tpu.memory_space<vmem>>, vector<16xi32>,
      tpu.vector_store %arg14[%swap3A_488], %get3A_487 {strides = array<i32>} : memref<80xi32, #tpu.memory_space<vmem>>, vector<16xi32>,
      %dma_start3A_490 = arith.constant 160 : i32
      %dma_start3A_491 = tpu.memref_slice %arg8[%dma_start3A_490] : memref<240xi32, #tpu.memory_space<vmem>> -> memref<80xi32, #tpu.memory_space<vmem>>
      %dma_start3A_492 = arith.constant 0 : i32
      %dma_start3A_493 = arith.constant 0 : i32
      %dma_start3A_494 = tpu.memref_slice %arg2[%dma_start3A_492, %dma_start3A_493] : memref<10000x128xf32, #tpu.memory_space<hbm>> -> memref<10000x128xf32, #tpu.memory_space<hbm>>
      tpu.enqueue_indirect_dma source(%dma_start3A_494 : memref<10000x128xf32, #tpu.memory_space<hbm>>) target(%arg17 : memref<80x128xf32, #tpu.memory_space<vmem>>) offsets(%dma_start3A_491 : memref<80xi32, #tpu.memory_space<vmem>>) semaphore(%arg20 : memref<!tpu.dma_semaphore, #tpu.memory_space<semaphore_mem>>)
      %dma_wait3A_495 = arith.constant 0 : i32
      %dma_wait3A_496 = arith.constant 0 : i32
      %dma_wait3A_497 = tpu.memref_slice %arg2[%dma_wait3A_495, %dma_wait3A_496] : memref<10000x128xf32, #tpu.memory_space<hbm>> -> memref<10000x128xf32, #tpu.memory_space<hbm>>
      tpu.wait_indirect_dma semaphore(%arg19 : memref<!tpu.dma_semaphore, #tpu.memory_space<semaphore_mem>>) src(%dma_wait3A_497 : memref<10000x128xf32, #tpu.memory_space<hbm>>) dst(%arg16 : memref<80x128xf32, #tpu.memory_space<vmem>>)
      %dma_start3A_498 = arith.constant 0 : i32
      %dma_start3A_499 = arith.constant 0 : i32
      %dma_start3A_500 = tpu.memref_slice %arg7[%dma_start3A_498, %dma_start3A_499] : memref<10000x128xf32, #tpu.memory_space<vmem_shared>> -> memref<10000x128xf32, #tpu.memory_space<vmem_shared>>
      tpu.enqueue_indirect_dma source(%arg16 : memref<80x128xf32, #tpu.memory_space<vmem>>) target(%dma_start3A_500 : memref<10000x128xf32, #tpu.memory_space<vmem_shared>>) offsets(%arg13 : memref<80xi32, #tpu.memory_space<vmem>>) semaphore(%arg22 : memref<!tpu.dma_semaphore, #tpu.memory_space<semaphore_mem>>) {add = true}
      %mul3A_501 = arith.constant 2 : i32
      %mul3A_502 = arith.muli %mul3A_501, %scan3A_381 : i32
      %add3A_503 = arith.constant 1 : i32
      %add3A_504 = arith.addi %mul3A_502, %add3A_503 : i32
      %gt3A_505 = arith.constant 0 : i32
      %gt3A_506 = arith.cmpi sgt, %add3A_504, %gt3A_505 : i32
      %convert_element_type3A_507 = arith.extui %gt3A_506 : i1 to i32
      %cond3A_508 = arith.constant 0 : i32
      %cond3A_509 = arith.cmpi ne, %convert_element_type3A_507, %cond3A_508 : i32
      scf.if %cond3A_509 {
        %dma_wait3A_622 = arith.constant 0 : i32
        %dma_wait3A_623 = tpu.memref_slice %arg3[%dma_wait3A_622] : memref<320000xi32, #tpu.memory_space<hbm>> -> memref<240xi32, #tpu.memory_space<hbm>>
        %dma_wait3A_624 = arith.constant 0 : i32
        %dma_wait3A_625 = tpu.memref_slice %arg3[%dma_wait3A_624] : memref<320000xi32, #tpu.memory_space<hbm>> -> memref<240xi32, #tpu.memory_space<hbm>>
        tpu.wait_dma2 semaphore(%arg24 : memref<!tpu.dma_semaphore, #tpu.memory_space<semaphore_mem>>) src(%dma_wait3A_625 : memref<240xi32, #tpu.memory_space<hbm>>) dst(%arg9 : memref<240xi32, #tpu.memory_space<vmem>>)
        %dma_wait3A_626 = arith.constant 0 : i32
        %dma_wait3A_627 = tpu.memref_slice %arg4[%dma_wait3A_626] : memref<320000xi32, #tpu.memory_space<hbm>> -> memref<240xi32, #tpu.memory_space<hbm>>
        %dma_wait3A_628 = arith.constant 0 : i32
        %dma_wait3A_629 = tpu.memref_slice %arg4[%dma_wait3A_628] : memref<320000xi32, #tpu.memory_space<hbm>> -> memref<240xi32, #tpu.memory_space<hbm>>
        tpu.wait_dma2 semaphore(%arg24 : memref<!tpu.dma_semaphore, #tpu.memory_space<semaphore_mem>>) src(%dma_wait3A_629 : memref<240xi32, #tpu.memory_space<hbm>>) dst(%arg11 : memref<240xi32, #tpu.memory_space<vmem>>)
      } else {
      }
      %gt3A_510 = arith.constant 0 : i32
      %gt3A_511 = arith.cmpi sgt, %add3A_504, %gt3A_510 : i32
      %convert_element_type3A_512 = arith.extui %gt3A_511 : i1 to i32
      %cond3A_513 = arith.constant 0 : i32
      %cond3A_514 = arith.cmpi ne, %convert_element_type3A_512, %cond3A_513 : i32
      scf.if %cond3A_514 {
        %dma_wait3A_622 = arith.constant 0 : i32
        %dma_wait3A_623 = arith.constant 0 : i32
        %dma_wait3A_624 = tpu.memref_slice %arg7[%dma_wait3A_622, %dma_wait3A_623] : memref<10000x128xf32, #tpu.memory_space<vmem_shared>> -> memref<10000x128xf32, #tpu.memory_space<vmem_shared>>
        tpu.wait_indirect_dma semaphore(%arg21 : memref<!tpu.dma_semaphore, #tpu.memory_space<semaphore_mem>>) src(%arg15 : memref<80x128xf32, #tpu.memory_space<vmem>>) dst(%dma_wait3A_624 : memref<10000x128xf32, #tpu.memory_space<vmem_shared>>)
      } else {
      }
      %get3A_515 = arith.constant 0 : index
      %get3A_516 = tpu.vector_load %arg11[%get3A_515] {strides = array<i32>} : memref<240xi32, #tpu.memory_space<vmem>>, vector<16xi32>,
      %swap3A_517 = arith.constant 0 : index
      %swap3A_518 = tpu.vector_load %arg12[%swap3A_517] {strides = array<i32>} : memref<80xi32, #tpu.memory_space<vmem>>, vector<16xi32>,
      tpu.vector_store %arg12[%swap3A_517], %get3A_516 {strides = array<i32>} : memref<80xi32, #tpu.memory_space<vmem>>, vector<16xi32>,
      %get3A_519 = arith.constant 16 : index
      %get3A_520 = tpu.vector_load %arg11[%get3A_519] {strides = array<i32>} : memref<240xi32, #tpu.memory_space<vmem>>, vector<16xi32>,
      %swap3A_521 = arith.constant 16 : index
      %swap3A_522 = tpu.vector_load %arg12[%swap3A_521] {strides = array<i32>} : memref<80xi32, #tpu.memory_space<vmem>>, vector<16xi32>,
      tpu.vector_store %arg12[%swap3A_521], %get3A_520 {strides = array<i32>} : memref<80xi32, #tpu.memory_space<vmem>>, vector<16xi32>,
      %get3A_523 = arith.constant 32 : index
      %get3A_524 = tpu.vector_load %arg11[%get3A_523] {strides = array<i32>} : memref<240xi32, #tpu.memory_space<vmem>>, vector<16xi32>,
      %swap3A_525 = arith.constant 32 : index
      %swap3A_526 = tpu.vector_load %arg12[%swap3A_525] {strides = array<i32>} : memref<80xi32, #tpu.memory_space<vmem>>, vector<16xi32>,
      tpu.vector_store %arg12[%swap3A_525], %get3A_524 {strides = array<i32>} : memref<80xi32, #tpu.memory_space<vmem>>, vector<16xi32>,
      %get3A_527 = arith.constant 48 : index
      %get3A_528 = tpu.vector_load %arg11[%get3A_527] {strides = array<i32>} : memref<240xi32, #tpu.memory_space<vmem>>, vector<16xi32>,
      %swap3A_529 = arith.constant 48 : index
      %swap3A_530 = tpu.vector_load %arg12[%swap3A_529] {strides = array<i32>} : memref<80xi32, #tpu.memory_space<vmem>>, vector<16xi32>,
      tpu.vector_store %arg12[%swap3A_529], %get3A_528 {strides = array<i32>} : memref<80xi32, #tpu.memory_space<vmem>>, vector<16xi32>,
      %get3A_531 = arith.constant 64 : index
      %get3A_532 = tpu.vector_load %arg11[%get3A_531] {strides = array<i32>} : memref<240xi32, #tpu.memory_space<vmem>>, vector<16xi32>,
      %swap3A_533 = arith.constant 64 : index
      %swap3A_534 = tpu.vector_load %arg12[%swap3A_533] {strides = array<i32>} : memref<80xi32, #tpu.memory_space<vmem>>, vector<16xi32>,
      tpu.vector_store %arg12[%swap3A_533], %get3A_532 {strides = array<i32>} : memref<80xi32, #tpu.memory_space<vmem>>, vector<16xi32>,
      %dma_start3A_535 = arith.constant 0 : i32
      %dma_start3A_536 = tpu.memref_slice %arg9[%dma_start3A_535] : memref<240xi32, #tpu.memory_space<vmem>> -> memref<80xi32, #tpu.memory_space<vmem>>
      %dma_start3A_537 = arith.constant 0 : i32
      %dma_start3A_538 = arith.constant 0 : i32
      %dma_start3A_539 = tpu.memref_slice %arg2[%dma_start3A_537, %dma_start3A_538] : memref<10000x128xf32, #tpu.memory_space<hbm>> -> memref<10000x128xf32, #tpu.memory_space<hbm>>
      tpu.enqueue_indirect_dma source(%dma_start3A_539 : memref<10000x128xf32, #tpu.memory_space<hbm>>) target(%arg15 : memref<80x128xf32, #tpu.memory_space<vmem>>) offsets(%dma_start3A_536 : memref<80xi32, #tpu.memory_space<vmem>>) semaphore(%arg18 : memref<!tpu.dma_semaphore, #tpu.memory_space<semaphore_mem>>)
      %gt3A_540 = arith.constant 0 : i32
      %gt3A_541 = arith.cmpi sgt, %add3A_504, %gt3A_540 : i32
      %convert_element_type3A_542 = arith.extui %gt3A_541 : i1 to i32
      %cond3A_543 = arith.constant 0 : i32
      %cond3A_544 = arith.cmpi ne, %convert_element_type3A_542, %cond3A_543 : i32
      scf.if %cond3A_544 {
        %dma_wait3A_622 = arith.constant 0 : i32
        %dma_wait3A_623 = arith.constant 0 : i32
        %dma_wait3A_624 = tpu.memref_slice %arg2[%dma_wait3A_622, %dma_wait3A_623] : memref<10000x128xf32, #tpu.memory_space<hbm>> -> memref<10000x128xf32, #tpu.memory_space<hbm>>
        tpu.wait_indirect_dma semaphore(%arg20 : memref<!tpu.dma_semaphore, #tpu.memory_space<semaphore_mem>>) src(%dma_wait3A_624 : memref<10000x128xf32, #tpu.memory_space<hbm>>) dst(%arg17 : memref<80x128xf32, #tpu.memory_space<vmem>>)
        %dma_start3A_625 = arith.constant 0 : i32
        %dma_start3A_626 = arith.constant 0 : i32
        %dma_start3A_627 = tpu.memref_slice %arg7[%dma_start3A_625, %dma_start3A_626] : memref<10000x128xf32, #tpu.memory_space<vmem_shared>> -> memref<10000x128xf32, #tpu.memory_space<vmem_shared>>
        tpu.enqueue_indirect_dma source(%arg17 : memref<80x128xf32, #tpu.memory_space<vmem>>) target(%dma_start3A_627 : memref<10000x128xf32, #tpu.memory_space<vmem_shared>>) offsets(%arg14 : memref<80xi32, #tpu.memory_space<vmem>>) semaphore(%arg23 : memref<!tpu.dma_semaphore, #tpu.memory_space<semaphore_mem>>) {add = true}
      } else {
      }
      %lt3A_545 = arith.constant 40 : i32
      %lt3A_546 = arith.cmpi slt, %add3A_504, %lt3A_545 : i32
      %convert_element_type3A_547 = arith.extui %lt3A_546 : i1 to i32
      %cond3A_548 = arith.constant 0 : i32
      %cond3A_549 = arith.cmpi ne, %convert_element_type3A_547, %cond3A_548 : i32
      scf.if %cond3A_549 {
        %add3A_622 = arith.constant 1 : i32
        %add3A_623 = arith.addi %add3A_504, %add3A_622 : i32
        %mul3A_624 = arith.constant 240 : i32
        %mul3A_625 = arith.muli %add3A_623, %mul3A_624 : i32
        %add3A_626 = arith.addi %mul3A_2, %mul3A_625 : i32
        %dma_start3A_627 = tpu.memref_slice %arg3[%add3A_626] : memref<320000xi32, #tpu.memory_space<hbm>> -> memref<240xi32, #tpu.memory_space<hbm>>
        %dma_start3A_628 = tpu.memref_slice %arg3[%add3A_626] : memref<320000xi32, #tpu.memory_space<hbm>> -> memref<240xi32, #tpu.memory_space<hbm>>
        tpu.enqueue_dma source(%dma_start3A_628 : memref<240xi32, #tpu.memory_space<hbm>>) target(%arg8 : memref<240xi32, #tpu.memory_space<vmem>>) target_semaphore(%arg24 : memref<!tpu.dma_semaphore, #tpu.memory_space<semaphore_mem>>)
        %dma_start3A_629 = tpu.memref_slice %arg4[%add3A_626] : memref<320000xi32, #tpu.memory_space<hbm>> -> memref<240xi32, #tpu.memory_space<hbm>>
        %dma_start3A_630 = tpu.memref_slice %arg4[%add3A_626] : memref<320000xi32, #tpu.memory_space<hbm>> -> memref<240xi32, #tpu.memory_space<hbm>>
        tpu.enqueue_dma source(%dma_start3A_630 : memref<240xi32, #tpu.memory_space<hbm>>) target(%arg10 : memref<240xi32, #tpu.memory_space<vmem>>) target_semaphore(%arg24 : memref<!tpu.dma_semaphore, #tpu.memory_space<semaphore_mem>>)
      } else {
      }
      %gt3A_550 = arith.constant 0 : i32
      %gt3A_551 = arith.cmpi sgt, %add3A_504, %gt3A_550 : i32
      %convert_element_type3A_552 = arith.extui %gt3A_551 : i1 to i32
      %cond3A_553 = arith.constant 0 : i32
      %cond3A_554 = arith.cmpi ne, %convert_element_type3A_552, %cond3A_553 : i32
      scf.if %cond3A_554 {
        %dma_wait3A_622 = arith.constant 0 : i32
        %dma_wait3A_623 = arith.constant 0 : i32
        %dma_wait3A_624 = tpu.memref_slice %arg7[%dma_wait3A_622, %dma_wait3A_623] : memref<10000x128xf32, #tpu.memory_space<vmem_shared>> -> memref<10000x128xf32, #tpu.memory_space<vmem_shared>>
        tpu.wait_indirect_dma semaphore(%arg22 : memref<!tpu.dma_semaphore, #tpu.memory_space<semaphore_mem>>) src(%arg16 : memref<80x128xf32, #tpu.memory_space<vmem>>) dst(%dma_wait3A_624 : memref<10000x128xf32, #tpu.memory_space<vmem_shared>>)
      } else {
      }
      %get3A_555 = arith.constant 80 : index
      %get3A_556 = tpu.vector_load %arg11[%get3A_555] {strides = array<i32>} : memref<240xi32, #tpu.memory_space<vmem>>, vector<16xi32>,
      %swap3A_557 = arith.constant 0 : index
      %swap3A_558 = tpu.vector_load %arg13[%swap3A_557] {strides = array<i32>} : memref<80xi32, #tpu.memory_space<vmem>>, vector<16xi32>,
      tpu.vector_store %arg13[%swap3A_557], %get3A_556 {strides = array<i32>} : memref<80xi32, #tpu.memory_space<vmem>>, vector<16xi32>,
      %get3A_559 = arith.constant 96 : index
      %get3A_560 = tpu.vector_load %arg11[%get3A_559] {strides = array<i32>} : memref<240xi32, #tpu.memory_space<vmem>>, vector<16xi32>,
      %swap3A_561 = arith.constant 16 : index
      %swap3A_562 = tpu.vector_load %arg13[%swap3A_561] {strides = array<i32>} : memref<80xi32, #tpu.memory_space<vmem>>, vector<16xi32>,
      tpu.vector_store %arg13[%swap3A_561], %get3A_560 {strides = array<i32>} : memref<80xi32, #tpu.memory_space<vmem>>, vector<16xi32>,
      %get3A_563 = arith.constant 112 : index
      %get3A_564 = tpu.vector_load %arg11[%get3A_563] {strides = array<i32>} : memref<240xi32, #tpu.memory_space<vmem>>, vector<16xi32>,
      %swap3A_565 = arith.constant 32 : index
      %swap3A_566 = tpu.vector_load %arg13[%swap3A_565] {strides = array<i32>} : memref<80xi32, #tpu.memory_space<vmem>>, vector<16xi32>,
      tpu.vector_store %arg13[%swap3A_565], %get3A_564 {strides = array<i32>} : memref<80xi32, #tpu.memory_space<vmem>>, vector<16xi32>,
      %get3A_567 = arith.constant 128 : index
      %get3A_568 = tpu.vector_load %arg11[%get3A_567] {strides = array<i32>} : memref<240xi32, #tpu.memory_space<vmem>>, vector<16xi32>,
      %swap3A_569 = arith.constant 48 : index
      %swap3A_570 = tpu.vector_load %arg13[%swap3A_569] {strides = array<i32>} : memref<80xi32, #tpu.memory_space<vmem>>, vector<16xi32>,
      tpu.vector_store %arg13[%swap3A_569], %get3A_568 {strides = array<i32>} : memref<80xi32, #tpu.memory_space<vmem>>, vector<16xi32>,
      %get3A_571 = arith.constant 144 : index
      %get3A_572 = tpu.vector_load %arg11[%get3A_571] {strides = array<i32>} : memref<240xi32, #tpu.memory_space<vmem>>, vector<16xi32>,
      %swap3A_573 = arith.constant 64 : index
      %swap3A_574 = tpu.vector_load %arg13[%swap3A_573] {strides = array<i32>} : memref<80xi32, #tpu.memory_space<vmem>>, vector<16xi32>,
      tpu.vector_store %arg13[%swap3A_573], %get3A_572 {strides = array<i32>} : memref<80xi32, #tpu.memory_space<vmem>>, vector<16xi32>,
      %dma_start3A_575 = arith.constant 80 : i32
      %dma_start3A_576 = tpu.memref_slice %arg9[%dma_start3A_575] : memref<240xi32, #tpu.memory_space<vmem>> -> memref<80xi32, #tpu.memory_space<vmem>>
      %dma_start3A_577 = arith.constant 0 : i32
      %dma_start3A_578 = arith.constant 0 : i32
      %dma_start3A_579 = tpu.memref_slice %arg2[%dma_start3A_577, %dma_start3A_578] : memref<10000x128xf32, #tpu.memory_space<hbm>> -> memref<10000x128xf32, #tpu.memory_space<hbm>>
      tpu.enqueue_indirect_dma source(%dma_start3A_579 : memref<10000x128xf32, #tpu.memory_space<hbm>>) target(%arg16 : memref<80x128xf32, #tpu.memory_space<vmem>>) offsets(%dma_start3A_576 : memref<80xi32, #tpu.memory_space<vmem>>) semaphore(%arg19 : memref<!tpu.dma_semaphore, #tpu.memory_space<semaphore_mem>>)
      %dma_wait3A_580 = arith.constant 0 : i32
      %dma_wait3A_581 = arith.constant 0 : i32
      %dma_wait3A_582 = tpu.memref_slice %arg2[%dma_wait3A_580, %dma_wait3A_581] : memref<10000x128xf32, #tpu.memory_space<hbm>> -> memref<10000x128xf32, #tpu.memory_space<hbm>>
      tpu.wait_indirect_dma semaphore(%arg18 : memref<!tpu.dma_semaphore, #tpu.memory_space<semaphore_mem>>) src(%dma_wait3A_582 : memref<10000x128xf32, #tpu.memory_space<hbm>>) dst(%arg15 : memref<80x128xf32, #tpu.memory_space<vmem>>)
      %dma_start3A_583 = arith.constant 0 : i32
      %dma_start3A_584 = arith.constant 0 : i32
      %dma_start3A_585 = tpu.memref_slice %arg7[%dma_start3A_583, %dma_start3A_584] : memref<10000x128xf32, #tpu.memory_space<vmem_shared>> -> memref<10000x128xf32, #tpu.memory_space<vmem_shared>>
      tpu.enqueue_indirect_dma source(%arg15 : memref<80x128xf32, #tpu.memory_space<vmem>>) target(%dma_start3A_585 : memref<10000x128xf32, #tpu.memory_space<vmem_shared>>) offsets(%arg12 : memref<80xi32, #tpu.memory_space<vmem>>) semaphore(%arg21 : memref<!tpu.dma_semaphore, #tpu.memory_space<semaphore_mem>>) {add = true}
      %gt3A_586 = arith.constant 0 : i32
      %gt3A_587 = arith.cmpi sgt, %add3A_504, %gt3A_586 : i32
      %convert_element_type3A_588 = arith.extui %gt3A_587 : i1 to i32
      %cond3A_589 = arith.constant 0 : i32
      %cond3A_590 = arith.cmpi ne, %convert_element_type3A_588, %cond3A_589 : i32
      scf.if %cond3A_590 {
        %dma_wait3A_622 = arith.constant 0 : i32
        %dma_wait3A_623 = arith.constant 0 : i32
        %dma_wait3A_624 = tpu.memref_slice %arg7[%dma_wait3A_622, %dma_wait3A_623] : memref<10000x128xf32, #tpu.memory_space<vmem_shared>> -> memref<10000x128xf32, #tpu.memory_space<vmem_shared>>
        tpu.wait_indirect_dma semaphore(%arg23 : memref<!tpu.dma_semaphore, #tpu.memory_space<semaphore_mem>>) src(%arg17 : memref<80x128xf32, #tpu.memory_space<vmem>>) dst(%dma_wait3A_624 : memref<10000x128xf32, #tpu.memory_space<vmem_shared>>)
      } else {
      }
      %get3A_591 = arith.constant 160 : index
      %get3A_592 = tpu.vector_load %arg11[%get3A_591] {strides = array<i32>} : memref<240xi32, #tpu.memory_space<vmem>>, vector<16xi32>,
      %swap3A_593 = arith.constant 0 : index
      %swap3A_594 = tpu.vector_load %arg14[%swap3A_593] {strides = array<i32>} : memref<80xi32, #tpu.memory_space<vmem>>, vector<16xi32>,
      tpu.vector_store %arg14[%swap3A_593], %get3A_592 {strides = array<i32>} : memref<80xi32, #tpu.memory_space<vmem>>, vector<16xi32>,
      %get3A_595 = arith.constant 176 : index
      %get3A_596 = tpu.vector_load %arg11[%get3A_595] {strides = array<i32>} : memref<240xi32, #tpu.memory_space<vmem>>, vector<16xi32>,
      %swap3A_597 = arith.constant 16 : index
      %swap3A_598 = tpu.vector_load %arg14[%swap3A_597] {strides = array<i32>} : memref<80xi32, #tpu.memory_space<vmem>>, vector<16xi32>,
      tpu.vector_store %arg14[%swap3A_597], %get3A_596 {strides = array<i32>} : memref<80xi32, #tpu.memory_space<vmem>>, vector<16xi32>,
      %get3A_599 = arith.constant 192 : index
      %get3A_600 = tpu.vector_load %arg11[%get3A_599] {strides = array<i32>} : memref<240xi32, #tpu.memory_space<vmem>>, vector<16xi32>,
      %swap3A_601 = arith.constant 32 : index
      %swap3A_602 = tpu.vector_load %arg14[%swap3A_601] {strides = array<i32>} : memref<80xi32, #tpu.memory_space<vmem>>, vector<16xi32>,
      tpu.vector_store %arg14[%swap3A_601], %get3A_600 {strides = array<i32>} : memref<80xi32, #tpu.memory_space<vmem>>, vector<16xi32>,
      %get3A_603 = arith.constant 208 : index
      %get3A_604 = tpu.vector_load %arg11[%get3A_603] {strides = array<i32>} : memref<240xi32, #tpu.memory_space<vmem>>, vector<16xi32>,
      %swap3A_605 = arith.constant 48 : index
      %swap3A_606 = tpu.vector_load %arg14[%swap3A_605] {strides = array<i32>} : memref<80xi32, #tpu.memory_space<vmem>>, vector<16xi32>,
      tpu.vector_store %arg14[%swap3A_605], %get3A_604 {strides = array<i32>} : memref<80xi32, #tpu.memory_space<vmem>>, vector<16xi32>,
      %get3A_607 = arith.constant 224 : index
      %get3A_608 = tpu.vector_load %arg11[%get3A_607] {strides = array<i32>} : memref<240xi32, #tpu.memory_space<vmem>>, vector<16xi32>,
      %swap3A_609 = arith.constant 64 : index
      %swap3A_610 = tpu.vector_load %arg14[%swap3A_609] {strides = array<i32>} : memref<80xi32, #tpu.memory_space<vmem>>, vector<16xi32>,
      tpu.vector_store %arg14[%swap3A_609], %get3A_608 {strides = array<i32>} : memref<80xi32, #tpu.memory_space<vmem>>, vector<16xi32>,
      %dma_start3A_611 = arith.constant 160 : i32
      %dma_start3A_612 = tpu.memref_slice %arg9[%dma_start3A_611] : memref<240xi32, #tpu.memory_space<vmem>> -> memref<80xi32, #tpu.memory_space<vmem>>
      %dma_start3A_613 = arith.constant 0 : i32
      %dma_start3A_614 = arith.constant 0 : i32
      %dma_start3A_615 = tpu.memref_slice %arg2[%dma_start3A_613, %dma_start3A_614] : memref<10000x128xf32, #tpu.memory_space<hbm>> -> memref<10000x128xf32, #tpu.memory_space<hbm>>
      tpu.enqueue_indirect_dma source(%dma_start3A_615 : memref<10000x128xf32, #tpu.memory_space<hbm>>) target(%arg17 : memref<80x128xf32, #tpu.memory_space<vmem>>) offsets(%dma_start3A_612 : memref<80xi32, #tpu.memory_space<vmem>>) semaphore(%arg20 : memref<!tpu.dma_semaphore, #tpu.memory_space<semaphore_mem>>)
      %dma_wait3A_616 = arith.constant 0 : i32
      %dma_wait3A_617 = arith.constant 0 : i32
      %dma_wait3A_618 = tpu.memref_slice %arg2[%dma_wait3A_616, %dma_wait3A_617] : memref<10000x128xf32, #tpu.memory_space<hbm>> -> memref<10000x128xf32, #tpu.memory_space<hbm>>
      tpu.wait_indirect_dma semaphore(%arg19 : memref<!tpu.dma_semaphore, #tpu.memory_space<semaphore_mem>>) src(%dma_wait3A_618 : memref<10000x128xf32, #tpu.memory_space<hbm>>) dst(%arg16 : memref<80x128xf32, #tpu.memory_space<vmem>>)
      %dma_start3A_619 = arith.constant 0 : i32
      %dma_start3A_620 = arith.constant 0 : i32
      %dma_start3A_621 = tpu.memref_slice %arg7[%dma_start3A_619, %dma_start3A_620] : memref<10000x128xf32, #tpu.memory_space<vmem_shared>> -> memref<10000x128xf32, #tpu.memory_space<vmem_shared>>
      tpu.enqueue_indirect_dma source(%arg16 : memref<80x128xf32, #tpu.memory_space<vmem>>) target(%dma_start3A_621 : memref<10000x128xf32, #tpu.memory_space<vmem_shared>>) offsets(%arg13 : memref<80xi32, #tpu.memory_space<vmem>>) semaphore(%arg22 : memref<!tpu.dma_semaphore, #tpu.memory_space<semaphore_mem>>) {add = true}
    }
    %scan3A_127 = arith.constant 20 : i32
    %gt3A = arith.constant 40 : i32
    %gt3A_128 = arith.constant 0 : i32
    %gt3A_129 = arith.cmpi sgt, %gt3A, %gt3A_128 : i32
    %convert_element_type3A_130 = arith.extui %gt3A_129 : i1 to i32
    %cond3A_131 = arith.constant 0 : i32
    %cond3A_132 = arith.cmpi ne, %convert_element_type3A_130, %cond3A_131 : i32
    scf.if %cond3A_132 {
      %dma_wait3A_381 = arith.constant 0 : i32
      %dma_wait3A_382 = tpu.memref_slice %arg3[%dma_wait3A_381] : memref<320000xi32, #tpu.memory_space<hbm>> -> memref<240xi32, #tpu.memory_space<hbm>>
      %dma_wait3A_383 = arith.constant 0 : i32
      %dma_wait3A_384 = tpu.memref_slice %arg3[%dma_wait3A_383] : memref<320000xi32, #tpu.memory_space<hbm>> -> memref<240xi32, #tpu.memory_space<hbm>>
      tpu.wait_dma2 semaphore(%arg24 : memref<!tpu.dma_semaphore, #tpu.memory_space<semaphore_mem>>) src(%dma_wait3A_384 : memref<240xi32, #tpu.memory_space<hbm>>) dst(%arg8 : memref<240xi32, #tpu.memory_space<vmem>>)
      %dma_wait3A_385 = arith.constant 0 : i32
      %dma_wait3A_386 = tpu.memref_slice %arg4[%dma_wait3A_385] : memref<320000xi32, #tpu.memory_space<hbm>> -> memref<240xi32, #tpu.memory_space<hbm>>
      %dma_wait3A_387 = arith.constant 0 : i32
      %dma_wait3A_388 = tpu.memref_slice %arg4[%dma_wait3A_387] : memref<320000xi32, #tpu.memory_space<hbm>> -> memref<240xi32, #tpu.memory_space<hbm>>
      tpu.wait_dma2 semaphore(%arg24 : memref<!tpu.dma_semaphore, #tpu.memory_space<semaphore_mem>>) src(%dma_wait3A_388 : memref<240xi32, #tpu.memory_space<hbm>>) dst(%arg10 : memref<240xi32, #tpu.memory_space<vmem>>)
    } else {
    }
    %gt3A_133 = arith.constant 40 : i32
    %gt3A_134 = arith.constant 0 : i32
    %gt3A_135 = arith.cmpi sgt, %gt3A_133, %gt3A_134 : i32
    %convert_element_type3A_136 = arith.extui %gt3A_135 : i1 to i32
    %cond3A_137 = arith.constant 0 : i32
    %cond3A_138 = arith.cmpi ne, %convert_element_type3A_136, %cond3A_137 : i32
    scf.if %cond3A_138 {
      %dma_wait3A_381 = arith.constant 0 : i32
      %dma_wait3A_382 = arith.constant 0 : i32
      %dma_wait3A_383 = tpu.memref_slice %arg7[%dma_wait3A_381, %dma_wait3A_382] : memref<10000x128xf32, #tpu.memory_space<vmem_shared>> -> memref<10000x128xf32, #tpu.memory_space<vmem_shared>>
      tpu.wait_indirect_dma semaphore(%arg21 : memref<!tpu.dma_semaphore, #tpu.memory_space<semaphore_mem>>) src(%arg15 : memref<80x128xf32, #tpu.memory_space<vmem>>) dst(%dma_wait3A_383 : memref<10000x128xf32, #tpu.memory_space<vmem_shared>>)
    } else {
    }
    %get3A = arith.constant 0 : index
    %get3A_139 = tpu.vector_load %arg10[%get3A] {strides = array<i32>} : memref<240xi32, #tpu.memory_space<vmem>>, vector<16xi32>,
    %swap3A = arith.constant 0 : index
    %swap3A_140 = tpu.vector_load %arg12[%swap3A] {strides = array<i32>} : memref<80xi32, #tpu.memory_space<vmem>>, vector<16xi32>,
    tpu.vector_store %arg12[%swap3A], %get3A_139 {strides = array<i32>} : memref<80xi32, #tpu.memory_space<vmem>>, vector<16xi32>,
    %get3A_141 = arith.constant 16 : index
    %get3A_142 = tpu.vector_load %arg10[%get3A_141] {strides = array<i32>} : memref<240xi32, #tpu.memory_space<vmem>>, vector<16xi32>,
    %swap3A_143 = arith.constant 16 : index
    %swap3A_144 = tpu.vector_load %arg12[%swap3A_143] {strides = array<i32>} : memref<80xi32, #tpu.memory_space<vmem>>, vector<16xi32>,
    tpu.vector_store %arg12[%swap3A_143], %get3A_142 {strides = array<i32>} : memref<80xi32, #tpu.memory_space<vmem>>, vector<16xi32>,
    %get3A_145 = arith.constant 32 : index
    %get3A_146 = tpu.vector_load %arg10[%get3A_145] {strides = array<i32>} : memref<240xi32, #tpu.memory_space<vmem>>, vector<16xi32>,
    %swap3A_147 = arith.constant 32 : index
    %swap3A_148 = tpu.vector_load %arg12[%swap3A_147] {strides = array<i32>} : memref<80xi32, #tpu.memory_space<vmem>>, vector<16xi32>,
    tpu.vector_store %arg12[%swap3A_147], %get3A_146 {strides = array<i32>} : memref<80xi32, #tpu.memory_space<vmem>>, vector<16xi32>,
    %get3A_149 = arith.constant 48 : index
    %get3A_150 = tpu.vector_load %arg10[%get3A_149] {strides = array<i32>} : memref<240xi32, #tpu.memory_space<vmem>>, vector<16xi32>,
    %swap3A_151 = arith.constant 48 : index
    %swap3A_152 = tpu.vector_load %arg12[%swap3A_151] {strides = array<i32>} : memref<80xi32, #tpu.memory_space<vmem>>, vector<16xi32>,
    tpu.vector_store %arg12[%swap3A_151], %get3A_150 {strides = array<i32>} : memref<80xi32, #tpu.memory_space<vmem>>, vector<16xi32>,
    %get3A_153 = arith.constant 64 : index
    %get3A_154 = tpu.vector_load %arg10[%get3A_153] {strides = array<i32>} : memref<240xi32, #tpu.memory_space<vmem>>, vector<16xi32>,
    %swap3A_155 = arith.constant 64 : index
    %swap3A_156 = tpu.vector_load %arg12[%swap3A_155] {strides = array<i32>} : memref<80xi32, #tpu.memory_space<vmem>>, vector<16xi32>,
    tpu.vector_store %arg12[%swap3A_155], %get3A_154 {strides = array<i32>} : memref<80xi32, #tpu.memory_space<vmem>>, vector<16xi32>,
    %dma_start3A_157 = arith.constant 0 : i32
    %dma_start3A_158 = tpu.memref_slice %arg8[%dma_start3A_157] : memref<240xi32, #tpu.memory_space<vmem>> -> memref<80xi32, #tpu.memory_space<vmem>>
    %dma_start3A_159 = arith.constant 0 : i32
    %dma_start3A_160 = arith.constant 0 : i32
    %dma_start3A_161 = tpu.memref_slice %arg2[%dma_start3A_159, %dma_start3A_160] : memref<10000x128xf32, #tpu.memory_space<hbm>> -> memref<10000x128xf32, #tpu.memory_space<hbm>>
    tpu.enqueue_indirect_dma source(%dma_start3A_161 : memref<10000x128xf32, #tpu.memory_space<hbm>>) target(%arg15 : memref<80x128xf32, #tpu.memory_space<vmem>>) offsets(%dma_start3A_158 : memref<80xi32, #tpu.memory_space<vmem>>) semaphore(%arg18 : memref<!tpu.dma_semaphore, #tpu.memory_space<semaphore_mem>>)
    %gt3A_162 = arith.constant 40 : i32
    %gt3A_163 = arith.constant 0 : i32
    %gt3A_164 = arith.cmpi sgt, %gt3A_162, %gt3A_163 : i32
    %convert_element_type3A_165 = arith.extui %gt3A_164 : i1 to i32
    %cond3A_166 = arith.constant 0 : i32
    %cond3A_167 = arith.cmpi ne, %convert_element_type3A_165, %cond3A_166 : i32
    scf.if %cond3A_167 {
      %dma_wait3A_381 = arith.constant 0 : i32
      %dma_wait3A_382 = arith.constant 0 : i32
      %dma_wait3A_383 = tpu.memref_slice %arg2[%dma_wait3A_381, %dma_wait3A_382] : memref<10000x128xf32, #tpu.memory_space<hbm>> -> memref<10000x128xf32, #tpu.memory_space<hbm>>
      tpu.wait_indirect_dma semaphore(%arg20 : memref<!tpu.dma_semaphore, #tpu.memory_space<semaphore_mem>>) src(%dma_wait3A_383 : memref<10000x128xf32, #tpu.memory_space<hbm>>) dst(%arg17 : memref<80x128xf32, #tpu.memory_space<vmem>>)
      %dma_start3A_384 = arith.constant 0 : i32
      %dma_start3A_385 = arith.constant 0 : i32
      %dma_start3A_386 = tpu.memref_slice %arg7[%dma_start3A_384, %dma_start3A_385] : memref<10000x128xf32, #tpu.memory_space<vmem_shared>> -> memref<10000x128xf32, #tpu.memory_space<vmem_shared>>
      tpu.enqueue_indirect_dma source(%arg17 : memref<80x128xf32, #tpu.memory_space<vmem>>) target(%dma_start3A_386 : memref<10000x128xf32, #tpu.memory_space<vmem_shared>>) offsets(%arg14 : memref<80xi32, #tpu.memory_space<vmem>>) semaphore(%arg23 : memref<!tpu.dma_semaphore, #tpu.memory_space<semaphore_mem>>) {add = true}
    } else {
    }
    %lt3A_168 = arith.constant 40 : i32
    %lt3A_169 = arith.constant 40 : i32
    %lt3A_170 = arith.cmpi slt, %lt3A_168, %lt3A_169 : i32
    %convert_element_type3A_171 = arith.extui %lt3A_170 : i1 to i32
    %cond3A_172 = arith.constant 40 : i32
    %cond3A_173 = arith.constant 0 : i32
    %cond3A_174 = arith.cmpi ne, %convert_element_type3A_171, %cond3A_173 : i32
    scf.if %cond3A_174 {
      %add3A_381 = arith.constant 1 : i32
      %add3A_382 = arith.addi %cond3A_172, %add3A_381 : i32
      %mul3A_383 = arith.constant 240 : i32
      %mul3A_384 = arith.muli %add3A_382, %mul3A_383 : i32
      %add3A_385 = arith.addi %mul3A_2, %mul3A_384 : i32
      %dma_start3A_386 = tpu.memref_slice %arg3[%add3A_385] : memref<320000xi32, #tpu.memory_space<hbm>> -> memref<240xi32, #tpu.memory_space<hbm>>
      %dma_start3A_387 = tpu.memref_slice %arg3[%add3A_385] : memref<320000xi32, #tpu.memory_space<hbm>> -> memref<240xi32, #tpu.memory_space<hbm>>
      tpu.enqueue_dma source(%dma_start3A_387 : memref<240xi32, #tpu.memory_space<hbm>>) target(%arg9 : memref<240xi32, #tpu.memory_space<vmem>>) target_semaphore(%arg24 : memref<!tpu.dma_semaphore, #tpu.memory_space<semaphore_mem>>)
      %dma_start3A_388 = tpu.memref_slice %arg4[%add3A_385] : memref<320000xi32, #tpu.memory_space<hbm>> -> memref<240xi32, #tpu.memory_space<hbm>>
      %dma_start3A_389 = tpu.memref_slice %arg4[%add3A_385] : memref<320000xi32, #tpu.memory_space<hbm>> -> memref<240xi32, #tpu.memory_space<hbm>>
      tpu.enqueue_dma source(%dma_start3A_389 : memref<240xi32, #tpu.memory_space<hbm>>) target(%arg11 : memref<240xi32, #tpu.memory_space<vmem>>) target_semaphore(%arg24 : memref<!tpu.dma_semaphore, #tpu.memory_space<semaphore_mem>>)
    } else {
    }
    %gt3A_175 = arith.constant 40 : i32
    %gt3A_176 = arith.constant 0 : i32
    %gt3A_177 = arith.cmpi sgt, %gt3A_175, %gt3A_176 : i32
    %convert_element_type3A_178 = arith.extui %gt3A_177 : i1 to i32
    %cond3A_179 = arith.constant 0 : i32
    %cond3A_180 = arith.cmpi ne, %convert_element_type3A_178, %cond3A_179 : i32
    scf.if %cond3A_180 {
      %dma_wait3A_381 = arith.constant 0 : i32
      %dma_wait3A_382 = arith.constant 0 : i32
      %dma_wait3A_383 = tpu.memref_slice %arg7[%dma_wait3A_381, %dma_wait3A_382] : memref<10000x128xf32, #tpu.memory_space<vmem_shared>> -> memref<10000x128xf32, #tpu.memory_space<vmem_shared>>
      tpu.wait_indirect_dma semaphore(%arg22 : memref<!tpu.dma_semaphore, #tpu.memory_space<semaphore_mem>>) src(%arg16 : memref<80x128xf32, #tpu.memory_space<vmem>>) dst(%dma_wait3A_383 : memref<10000x128xf32, #tpu.memory_space<vmem_shared>>)
    } else {
    }
    %get3A_181 = arith.constant 80 : index
    %get3A_182 = tpu.vector_load %arg10[%get3A_181] {strides = array<i32>} : memref<240xi32, #tpu.memory_space<vmem>>, vector<16xi32>,
    %swap3A_183 = arith.constant 0 : index
    %swap3A_184 = tpu.vector_load %arg13[%swap3A_183] {strides = array<i32>} : memref<80xi32, #tpu.memory_space<vmem>>, vector<16xi32>,
    tpu.vector_store %arg13[%swap3A_183], %get3A_182 {strides = array<i32>} : memref<80xi32, #tpu.memory_space<vmem>>, vector<16xi32>,
    %get3A_185 = arith.constant 96 : index
    %get3A_186 = tpu.vector_load %arg10[%get3A_185] {strides = array<i32>} : memref<240xi32, #tpu.memory_space<vmem>>, vector<16xi32>,
    %swap3A_187 = arith.constant 16 : index
    %swap3A_188 = tpu.vector_load %arg13[%swap3A_187] {strides = array<i32>} : memref<80xi32, #tpu.memory_space<vmem>>, vector<16xi32>,
    tpu.vector_store %arg13[%swap3A_187], %get3A_186 {strides = array<i32>} : memref<80xi32, #tpu.memory_space<vmem>>, vector<16xi32>,
    %get3A_189 = arith.constant 112 : index
    %get3A_190 = tpu.vector_load %arg10[%get3A_189] {strides = array<i32>} : memref<240xi32, #tpu.memory_space<vmem>>, vector<16xi32>,
    %swap3A_191 = arith.constant 32 : index
    %swap3A_192 = tpu.vector_load %arg13[%swap3A_191] {strides = array<i32>} : memref<80xi32, #tpu.memory_space<vmem>>, vector<16xi32>,
    tpu.vector_store %arg13[%swap3A_191], %get3A_190 {strides = array<i32>} : memref<80xi32, #tpu.memory_space<vmem>>, vector<16xi32>,
    %get3A_193 = arith.constant 128 : index
    %get3A_194 = tpu.vector_load %arg10[%get3A_193] {strides = array<i32>} : memref<240xi32, #tpu.memory_space<vmem>>, vector<16xi32>,
    %swap3A_195 = arith.constant 48 : index
    %swap3A_196 = tpu.vector_load %arg13[%swap3A_195] {strides = array<i32>} : memref<80xi32, #tpu.memory_space<vmem>>, vector<16xi32>,
    tpu.vector_store %arg13[%swap3A_195], %get3A_194 {strides = array<i32>} : memref<80xi32, #tpu.memory_space<vmem>>, vector<16xi32>,
    %get3A_197 = arith.constant 144 : index
    %get3A_198 = tpu.vector_load %arg10[%get3A_197] {strides = array<i32>} : memref<240xi32, #tpu.memory_space<vmem>>, vector<16xi32>,
    %swap3A_199 = arith.constant 64 : index
    %swap3A_200 = tpu.vector_load %arg13[%swap3A_199] {strides = array<i32>} : memref<80xi32, #tpu.memory_space<vmem>>, vector<16xi32>,
    tpu.vector_store %arg13[%swap3A_199], %get3A_198 {strides = array<i32>} : memref<80xi32, #tpu.memory_space<vmem>>, vector<16xi32>,
    %dma_start3A_201 = arith.constant 80 : i32
    %dma_start3A_202 = tpu.memref_slice %arg8[%dma_start3A_201] : memref<240xi32, #tpu.memory_space<vmem>> -> memref<80xi32, #tpu.memory_space<vmem>>
    %dma_start3A_203 = arith.constant 0 : i32
    %dma_start3A_204 = arith.constant 0 : i32
    %dma_start3A_205 = tpu.memref_slice %arg2[%dma_start3A_203, %dma_start3A_204] : memref<10000x128xf32, #tpu.memory_space<hbm>> -> memref<10000x128xf32, #tpu.memory_space<hbm>>
    tpu.enqueue_indirect_dma source(%dma_start3A_205 : memref<10000x128xf32, #tpu.memory_space<hbm>>) target(%arg16 : memref<80x128xf32, #tpu.memory_space<vmem>>) offsets(%dma_start3A_202 : memref<80xi32, #tpu.memory_space<vmem>>) semaphore(%arg19 : memref<!tpu.dma_semaphore, #tpu.memory_space<semaphore_mem>>)
    %dma_wait3A_206 = arith.constant 0 : i32
    %dma_wait3A_207 = arith.constant 0 : i32
    %dma_wait3A_208 = tpu.memref_slice %arg2[%dma_wait3A_206, %dma_wait3A_207] : memref<10000x128xf32, #tpu.memory_space<hbm>> -> memref<10000x128xf32, #tpu.memory_space<hbm>>
    tpu.wait_indirect_dma semaphore(%arg18 : memref<!tpu.dma_semaphore, #tpu.memory_space<semaphore_mem>>) src(%dma_wait3A_208 : memref<10000x128xf32, #tpu.memory_space<hbm>>) dst(%arg15 : memref<80x128xf32, #tpu.memory_space<vmem>>)
    %dma_start3A_209 = arith.constant 0 : i32
    %dma_start3A_210 = arith.constant 0 : i32
    %dma_start3A_211 = tpu.memref_slice %arg7[%dma_start3A_209, %dma_start3A_210] : memref<10000x128xf32, #tpu.memory_space<vmem_shared>> -> memref<10000x128xf32, #tpu.memory_space<vmem_shared>>
    tpu.enqueue_indirect_dma source(%arg15 : memref<80x128xf32, #tpu.memory_space<vmem>>) target(%dma_start3A_211 : memref<10000x128xf32, #tpu.memory_space<vmem_shared>>) offsets(%arg12 : memref<80xi32, #tpu.memory_space<vmem>>) semaphore(%arg21 : memref<!tpu.dma_semaphore, #tpu.memory_space<semaphore_mem>>) {add = true}
    %gt3A_212 = arith.constant 40 : i32
    %gt3A_213 = arith.constant 0 : i32
    %gt3A_214 = arith.cmpi sgt, %gt3A_212, %gt3A_213 : i32
    %convert_element_type3A_215 = arith.extui %gt3A_214 : i1 to i32
    %cond3A_216 = arith.constant 0 : i32
    %cond3A_217 = arith.cmpi ne, %convert_element_type3A_215, %cond3A_216 : i32
    scf.if %cond3A_217 {
      %dma_wait3A_381 = arith.constant 0 : i32
      %dma_wait3A_382 = arith.constant 0 : i32
      %dma_wait3A_383 = tpu.memref_slice %arg7[%dma_wait3A_381, %dma_wait3A_382] : memref<10000x128xf32, #tpu.memory_space<vmem_shared>> -> memref<10000x128xf32, #tpu.memory_space<vmem_shared>>
      tpu.wait_indirect_dma semaphore(%arg23 : memref<!tpu.dma_semaphore, #tpu.memory_space<semaphore_mem>>) src(%arg17 : memref<80x128xf32, #tpu.memory_space<vmem>>) dst(%dma_wait3A_383 : memref<10000x128xf32, #tpu.memory_space<vmem_shared>>)
    } else {
    }
    %get3A_218 = arith.constant 160 : index
    %get3A_219 = tpu.vector_load %arg10[%get3A_218] {strides = array<i32>} : memref<240xi32, #tpu.memory_space<vmem>>, vector<16xi32>,
    %swap3A_220 = arith.constant 0 : index
    %swap3A_221 = tpu.vector_load %arg14[%swap3A_220] {strides = array<i32>} : memref<80xi32, #tpu.memory_space<vmem>>, vector<16xi32>,
    tpu.vector_store %arg14[%swap3A_220], %get3A_219 {strides = array<i32>} : memref<80xi32, #tpu.memory_space<vmem>>, vector<16xi32>,
    %get3A_222 = arith.constant 176 : index
    %get3A_223 = tpu.vector_load %arg10[%get3A_222] {strides = array<i32>} : memref<240xi32, #tpu.memory_space<vmem>>, vector<16xi32>,
    %swap3A_224 = arith.constant 16 : index
    %swap3A_225 = tpu.vector_load %arg14[%swap3A_224] {strides = array<i32>} : memref<80xi32, #tpu.memory_space<vmem>>, vector<16xi32>,
    tpu.vector_store %arg14[%swap3A_224], %get3A_223 {strides = array<i32>} : memref<80xi32, #tpu.memory_space<vmem>>, vector<16xi32>,
    %get3A_226 = arith.constant 192 : index
    %get3A_227 = tpu.vector_load %arg10[%get3A_226] {strides = array<i32>} : memref<240xi32, #tpu.memory_space<vmem>>, vector<16xi32>,
    %swap3A_228 = arith.constant 32 : index
    %swap3A_229 = tpu.vector_load %arg14[%swap3A_228] {strides = array<i32>} : memref<80xi32, #tpu.memory_space<vmem>>, vector<16xi32>,
    tpu.vector_store %arg14[%swap3A_228], %get3A_227 {strides = array<i32>} : memref<80xi32, #tpu.memory_space<vmem>>, vector<16xi32>,
    %get3A_230 = arith.constant 208 : index
    %get3A_231 = tpu.vector_load %arg10[%get3A_230] {strides = array<i32>} : memref<240xi32, #tpu.memory_space<vmem>>, vector<16xi32>,
    %swap3A_232 = arith.constant 48 : index
    %swap3A_233 = tpu.vector_load %arg14[%swap3A_232] {strides = array<i32>} : memref<80xi32, #tpu.memory_space<vmem>>, vector<16xi32>,
    tpu.vector_store %arg14[%swap3A_232], %get3A_231 {strides = array<i32>} : memref<80xi32, #tpu.memory_space<vmem>>, vector<16xi32>,
    %get3A_234 = arith.constant 224 : index
    %get3A_235 = tpu.vector_load %arg10[%get3A_234] {strides = array<i32>} : memref<240xi32, #tpu.memory_space<vmem>>, vector<16xi32>,
    %swap3A_236 = arith.constant 64 : index
    %swap3A_237 = tpu.vector_load %arg14[%swap3A_236] {strides = array<i32>} : memref<80xi32, #tpu.memory_space<vmem>>, vector<16xi32>,
    tpu.vector_store %arg14[%swap3A_236], %get3A_235 {strides = array<i32>} : memref<80xi32, #tpu.memory_space<vmem>>, vector<16xi32>,
    %dma_start3A_238 = arith.constant 160 : i32
    %dma_start3A_239 = tpu.memref_slice %arg8[%dma_start3A_238] : memref<240xi32, #tpu.memory_space<vmem>> -> memref<80xi32, #tpu.memory_space<vmem>>
    %dma_start3A_240 = arith.constant 0 : i32
    %dma_start3A_241 = arith.constant 0 : i32
    %dma_start3A_242 = tpu.memref_slice %arg2[%dma_start3A_240, %dma_start3A_241] : memref<10000x128xf32, #tpu.memory_space<hbm>> -> memref<10000x128xf32, #tpu.memory_space<hbm>>
    tpu.enqueue_indirect_dma source(%dma_start3A_242 : memref<10000x128xf32, #tpu.memory_space<hbm>>) target(%arg17 : memref<80x128xf32, #tpu.memory_space<vmem>>) offsets(%dma_start3A_239 : memref<80xi32, #tpu.memory_space<vmem>>) semaphore(%arg20 : memref<!tpu.dma_semaphore, #tpu.memory_space<semaphore_mem>>)
    %dma_wait3A_243 = arith.constant 0 : i32
    %dma_wait3A_244 = arith.constant 0 : i32
    %dma_wait3A_245 = tpu.memref_slice %arg2[%dma_wait3A_243, %dma_wait3A_244] : memref<10000x128xf32, #tpu.memory_space<hbm>> -> memref<10000x128xf32, #tpu.memory_space<hbm>>
    tpu.wait_indirect_dma semaphore(%arg19 : memref<!tpu.dma_semaphore, #tpu.memory_space<semaphore_mem>>) src(%dma_wait3A_245 : memref<10000x128xf32, #tpu.memory_space<hbm>>) dst(%arg16 : memref<80x128xf32, #tpu.memory_space<vmem>>)
    %dma_start3A_246 = arith.constant 0 : i32
    %dma_start3A_247 = arith.constant 0 : i32
    %dma_start3A_248 = tpu.memref_slice %arg7[%dma_start3A_246, %dma_start3A_247] : memref<10000x128xf32, #tpu.memory_space<vmem_shared>> -> memref<10000x128xf32, #tpu.memory_space<vmem_shared>>
    tpu.enqueue_indirect_dma source(%arg16 : memref<80x128xf32, #tpu.memory_space<vmem>>) target(%dma_start3A_248 : memref<10000x128xf32, #tpu.memory_space<vmem_shared>>) offsets(%arg13 : memref<80xi32, #tpu.memory_space<vmem>>) semaphore(%arg22 : memref<!tpu.dma_semaphore, #tpu.memory_space<semaphore_mem>>) {add = true}
    %dma_wait3A_249 = arith.constant 0 : i32
    %dma_wait3A_250 = arith.constant 0 : i32
    %dma_wait3A_251 = tpu.memref_slice %arg2[%dma_wait3A_249, %dma_wait3A_250] : memref<10000x128xf32, #tpu.memory_space<hbm>> -> memref<10000x128xf32, #tpu.memory_space<hbm>>
    tpu.wait_indirect_dma semaphore(%arg20 : memref<!tpu.dma_semaphore, #tpu.memory_space<semaphore_mem>>) src(%dma_wait3A_251 : memref<10000x128xf32, #tpu.memory_space<hbm>>) dst(%arg17 : memref<80x128xf32, #tpu.memory_space<vmem>>)
    %dma_start3A_252 = arith.constant 0 : i32
    %dma_start3A_253 = arith.constant 0 : i32
    %dma_start3A_254 = tpu.memref_slice %arg7[%dma_start3A_252, %dma_start3A_253] : memref<10000x128xf32, #tpu.memory_space<vmem_shared>> -> memref<10000x128xf32, #tpu.memory_space<vmem_shared>>
    tpu.enqueue_indirect_dma source(%arg17 : memref<80x128xf32, #tpu.memory_space<vmem>>) target(%dma_start3A_254 : memref<10000x128xf32, #tpu.memory_space<vmem_shared>>) offsets(%arg14 : memref<80xi32, #tpu.memory_space<vmem>>) semaphore(%arg23 : memref<!tpu.dma_semaphore, #tpu.memory_space<semaphore_mem>>) {add = true}
    %dma_wait3A_255 = arith.constant 0 : i32
    %dma_wait3A_256 = arith.constant 0 : i32
    %dma_wait3A_257 = tpu.memref_slice %arg7[%dma_wait3A_255, %dma_wait3A_256] : memref<10000x128xf32, #tpu.memory_space<vmem_shared>> -> memref<10000x128xf32, #tpu.memory_space<vmem_shared>>
    tpu.wait_indirect_dma semaphore(%arg21 : memref<!tpu.dma_semaphore, #tpu.memory_space<semaphore_mem>>) src(%arg15 : memref<80x128xf32, #tpu.memory_space<vmem>>) dst(%dma_wait3A_257 : memref<10000x128xf32, #tpu.memory_space<vmem_shared>>)
    %add3A_258 = arith.constant 9840 : i32
    %add3A_259 = arith.addi %mul3A_2, %add3A_258 : i32
    "tpu.region"() ({
      %run_scoped3A = tpu.sem_alloc : memref<!tpu.dma_semaphore, #tpu.memory_space<semaphore_mem>>
      %dma_start3A_381 = tpu.memref_slice %arg4[%add3A_259] : memref<320000xi32, #tpu.memory_space<hbm>> -> memref<80xi32, #tpu.memory_space<hbm>>
      %dma_start3A_382 = tpu.memref_slice %arg4[%add3A_259] : memref<320000xi32, #tpu.memory_space<hbm>> -> memref<80xi32, #tpu.memory_space<hbm>>
      tpu.enqueue_dma source(%dma_start3A_382 : memref<80xi32, #tpu.memory_space<hbm>>) target(%arg12 : memref<80xi32, #tpu.memory_space<vmem>>) target_semaphore(%run_scoped3A : memref<!tpu.dma_semaphore, #tpu.memory_space<semaphore_mem>>)
      %dma_wait3A_383 = tpu.memref_slice %arg4[%add3A_259] : memref<320000xi32, #tpu.memory_space<hbm>> -> memref<80xi32, #tpu.memory_space<hbm>>
      %dma_wait3A_384 = tpu.memref_slice %arg4[%add3A_259] : memref<320000xi32, #tpu.memory_space<hbm>> -> memref<80xi32, #tpu.memory_space<hbm>>
      tpu.wait_dma2 semaphore(%run_scoped3A : memref<!tpu.dma_semaphore, #tpu.memory_space<semaphore_mem>>) src(%dma_wait3A_384 : memref<80xi32, #tpu.memory_space<hbm>>) dst(%arg12 : memref<80xi32, #tpu.memory_space<vmem>>)
      tpu.yield
    }) : () -> ()
    %add3A_260 = arith.constant 9840 : i32
    %add3A_261 = arith.addi %mul3A_2, %add3A_260 : i32
    "tpu.region"() ({
      %run_scoped3A = tpu.sem_alloc : memref<!tpu.dma_semaphore, #tpu.memory_space<semaphore_mem>>
      %dma_start3A_381 = arith.constant 0 : i32
      %dma_start3A_382 = tpu.memref_slice %arg8[%dma_start3A_381] : memref<240xi32, #tpu.memory_space<vmem>> -> memref<80xi32, #tpu.memory_space<vmem>>
      %dma_start3A_383 = tpu.memref_slice %arg3[%add3A_261] : memref<320000xi32, #tpu.memory_space<hbm>> -> memref<80xi32, #tpu.memory_space<hbm>>
      %dma_start3A_384 = arith.constant 0 : i32
      %dma_start3A_385 = tpu.memref_slice %arg8[%dma_start3A_384] : memref<240xi32, #tpu.memory_space<vmem>> -> memref<80xi32, #tpu.memory_space<vmem>>
      %dma_start3A_386 = tpu.memref_slice %arg3[%add3A_261] : memref<320000xi32, #tpu.memory_space<hbm>> -> memref<80xi32, #tpu.memory_space<hbm>>
      tpu.enqueue_dma source(%dma_start3A_386 : memref<80xi32, #tpu.memory_space<hbm>>) target(%dma_start3A_385 : memref<80xi32, #tpu.memory_space<vmem>>) target_semaphore(%run_scoped3A : memref<!tpu.dma_semaphore, #tpu.memory_space<semaphore_mem>>)
      %dma_wait3A_387 = arith.constant 0 : i32
      %dma_wait3A_388 = tpu.memref_slice %arg8[%dma_wait3A_387] : memref<240xi32, #tpu.memory_space<vmem>> -> memref<80xi32, #tpu.memory_space<vmem>>
      %dma_wait3A_389 = tpu.memref_slice %arg3[%add3A_261] : memref<320000xi32, #tpu.memory_space<hbm>> -> memref<80xi32, #tpu.memory_space<hbm>>
      %dma_wait3A_390 = arith.constant 0 : i32
      %dma_wait3A_391 = tpu.memref_slice %arg8[%dma_wait3A_390] : memref<240xi32, #tpu.memory_space<vmem>> -> memref<80xi32, #tpu.memory_space<vmem>>
      %dma_wait3A_392 = tpu.memref_slice %arg3[%add3A_261] : memref<320000xi32, #tpu.memory_space<hbm>> -> memref<80xi32, #tpu.memory_space<hbm>>
      tpu.wait_dma2 semaphore(%run_scoped3A : memref<!tpu.dma_semaphore, #tpu.memory_space<semaphore_mem>>) src(%dma_wait3A_392 : memref<80xi32, #tpu.memory_space<hbm>>) dst(%dma_wait3A_391 : memref<80xi32, #tpu.memory_space<vmem>>)
      tpu.yield
    }) : () -> ()
    %dma_start3A_262 = arith.constant 0 : i32
    %dma_start3A_263 = tpu.memref_slice %arg8[%dma_start3A_262] : memref<240xi32, #tpu.memory_space<vmem>> -> memref<80xi32, #tpu.memory_space<vmem>>
    %dma_start3A_264 = arith.constant 0 : i32
    %dma_start3A_265 = arith.constant 0 : i32
    %dma_start3A_266 = tpu.memref_slice %arg2[%dma_start3A_264, %dma_start3A_265] : memref<10000x128xf32, #tpu.memory_space<hbm>> -> memref<10000x128xf32, #tpu.memory_space<hbm>>
    tpu.enqueue_indirect_dma source(%dma_start3A_266 : memref<10000x128xf32, #tpu.memory_space<hbm>>) target(%arg15 : memref<80x128xf32, #tpu.memory_space<vmem>>) offsets(%dma_start3A_263 : memref<80xi32, #tpu.memory_space<vmem>>) semaphore(%arg18 : memref<!tpu.dma_semaphore, #tpu.memory_space<semaphore_mem>>)
    %dma_wait3A_267 = arith.constant 0 : i32
    %dma_wait3A_268 = arith.constant 0 : i32
    %dma_wait3A_269 = tpu.memref_slice %arg2[%dma_wait3A_267, %dma_wait3A_268] : memref<10000x128xf32, #tpu.memory_space<hbm>> -> memref<10000x128xf32, #tpu.memory_space<hbm>>
    tpu.wait_indirect_dma semaphore(%arg18 : memref<!tpu.dma_semaphore, #tpu.memory_space<semaphore_mem>>) src(%dma_wait3A_269 : memref<10000x128xf32, #tpu.memory_space<hbm>>) dst(%arg15 : memref<80x128xf32, #tpu.memory_space<vmem>>)
    %dma_start3A_270 = arith.constant 0 : i32
    %dma_start3A_271 = arith.constant 0 : i32
    %dma_start3A_272 = tpu.memref_slice %arg7[%dma_start3A_270, %dma_start3A_271] : memref<10000x128xf32, #tpu.memory_space<vmem_shared>> -> memref<10000x128xf32, #tpu.memory_space<vmem_shared>>
    tpu.enqueue_indirect_dma source(%arg15 : memref<80x128xf32, #tpu.memory_space<vmem>>) target(%dma_start3A_272 : memref<10000x128xf32, #tpu.memory_space<vmem_shared>>) offsets(%arg12 : memref<80xi32, #tpu.memory_space<vmem>>) semaphore(%arg21 : memref<!tpu.dma_semaphore, #tpu.memory_space<semaphore_mem>>) {add = true}
    %dma_wait3A_273 = arith.constant 0 : i32
    %dma_wait3A_274 = arith.constant 0 : i32
    %dma_wait3A_275 = tpu.memref_slice %arg7[%dma_wait3A_273, %dma_wait3A_274] : memref<10000x128xf32, #tpu.memory_space<vmem_shared>> -> memref<10000x128xf32, #tpu.memory_space<vmem_shared>>
    tpu.wait_indirect_dma semaphore(%arg22 : memref<!tpu.dma_semaphore, #tpu.memory_space<semaphore_mem>>) src(%arg16 : memref<80x128xf32, #tpu.memory_space<vmem>>) dst(%dma_wait3A_275 : memref<10000x128xf32, #tpu.memory_space<vmem_shared>>)
    %add3A_276 = arith.constant 9920 : i32
    %add3A_277 = arith.addi %mul3A_2, %add3A_276 : i32
    "tpu.region"() ({
      %run_scoped3A = tpu.sem_alloc : memref<!tpu.dma_semaphore, #tpu.memory_space<semaphore_mem>>
      %dma_start3A_381 = tpu.memref_slice %arg4[%add3A_277] : memref<320000xi32, #tpu.memory_space<hbm>> -> memref<80xi32, #tpu.memory_space<hbm>>
      %dma_start3A_382 = tpu.memref_slice %arg4[%add3A_277] : memref<320000xi32, #tpu.memory_space<hbm>> -> memref<80xi32, #tpu.memory_space<hbm>>
      tpu.enqueue_dma source(%dma_start3A_382 : memref<80xi32, #tpu.memory_space<hbm>>) target(%arg13 : memref<80xi32, #tpu.memory_space<vmem>>) target_semaphore(%run_scoped3A : memref<!tpu.dma_semaphore, #tpu.memory_space<semaphore_mem>>)
      %dma_wait3A_383 = tpu.memref_slice %arg4[%add3A_277] : memref<320000xi32, #tpu.memory_space<hbm>> -> memref<80xi32, #tpu.memory_space<hbm>>
      %dma_wait3A_384 = tpu.memref_slice %arg4[%add3A_277] : memref<320000xi32, #tpu.memory_space<hbm>> -> memref<80xi32, #tpu.memory_space<hbm>>
      tpu.wait_dma2 semaphore(%run_scoped3A : memref<!tpu.dma_semaphore, #tpu.memory_space<semaphore_mem>>) src(%dma_wait3A_384 : memref<80xi32, #tpu.memory_space<hbm>>) dst(%arg13 : memref<80xi32, #tpu.memory_space<vmem>>)
      tpu.yield
    }) : () -> ()
    %add3A_278 = arith.constant 9920 : i32
    %add3A_279 = arith.addi %mul3A_2, %add3A_278 : i32
    "tpu.region"() ({
      %run_scoped3A = tpu.sem_alloc : memref<!tpu.dma_semaphore, #tpu.memory_space<semaphore_mem>>
      %dma_start3A_381 = arith.constant 0 : i32
      %dma_start3A_382 = tpu.memref_slice %arg8[%dma_start3A_381] : memref<240xi32, #tpu.memory_space<vmem>> -> memref<80xi32, #tpu.memory_space<vmem>>
      %dma_start3A_383 = tpu.memref_slice %arg3[%add3A_279] : memref<320000xi32, #tpu.memory_space<hbm>> -> memref<80xi32, #tpu.memory_space<hbm>>
      %dma_start3A_384 = arith.constant 0 : i32
      %dma_start3A_385 = tpu.memref_slice %arg8[%dma_start3A_384] : memref<240xi32, #tpu.memory_space<vmem>> -> memref<80xi32, #tpu.memory_space<vmem>>
      %dma_start3A_386 = tpu.memref_slice %arg3[%add3A_279] : memref<320000xi32, #tpu.memory_space<hbm>> -> memref<80xi32, #tpu.memory_space<hbm>>
      tpu.enqueue_dma source(%dma_start3A_386 : memref<80xi32, #tpu.memory_space<hbm>>) target(%dma_start3A_385 : memref<80xi32, #tpu.memory_space<vmem>>) target_semaphore(%run_scoped3A : memref<!tpu.dma_semaphore, #tpu.memory_space<semaphore_mem>>)
      %dma_wait3A_387 = arith.constant 0 : i32
      %dma_wait3A_388 = tpu.memref_slice %arg8[%dma_wait3A_387] : memref<240xi32, #tpu.memory_space<vmem>> -> memref<80xi32, #tpu.memory_space<vmem>>
      %dma_wait3A_389 = tpu.memref_slice %arg3[%add3A_279] : memref<320000xi32, #tpu.memory_space<hbm>> -> memref<80xi32, #tpu.memory_space<hbm>>
      %dma_wait3A_390 = arith.constant 0 : i32
      %dma_wait3A_391 = tpu.memref_slice %arg8[%dma_wait3A_390] : memref<240xi32, #tpu.memory_space<vmem>> -> memref<80xi32, #tpu.memory_space<vmem>>
      %dma_wait3A_392 = tpu.memref_slice %arg3[%add3A_279] : memref<320000xi32, #tpu.memory_space<hbm>> -> memref<80xi32, #tpu.memory_space<hbm>>
      tpu.wait_dma2 semaphore(%run_scoped3A : memref<!tpu.dma_semaphore, #tpu.memory_space<semaphore_mem>>) src(%dma_wait3A_392 : memref<80xi32, #tpu.memory_space<hbm>>) dst(%dma_wait3A_391 : memref<80xi32, #tpu.memory_space<vmem>>)
      tpu.yield
    }) : () -> ()
    %dma_start3A_280 = arith.constant 0 : i32
    %dma_start3A_281 = tpu.memref_slice %arg8[%dma_start3A_280] : memref<240xi32, #tpu.memory_space<vmem>> -> memref<80xi32, #tpu.memory_space<vmem>>
    %dma_start3A_282 = arith.constant 0 : i32
    %dma_start3A_283 = arith.constant 0 : i32
    %dma_start3A_284 = tpu.memref_slice %arg2[%dma_start3A_282, %dma_start3A_283] : memref<10000x128xf32, #tpu.memory_space<hbm>> -> memref<10000x128xf32, #tpu.memory_space<hbm>>
    tpu.enqueue_indirect_dma source(%dma_start3A_284 : memref<10000x128xf32, #tpu.memory_space<hbm>>) target(%arg16 : memref<80x128xf32, #tpu.memory_space<vmem>>) offsets(%dma_start3A_281 : memref<80xi32, #tpu.memory_space<vmem>>) semaphore(%arg19 : memref<!tpu.dma_semaphore, #tpu.memory_space<semaphore_mem>>)
    %dma_wait3A_285 = arith.constant 0 : i32
    %dma_wait3A_286 = arith.constant 0 : i32
    %dma_wait3A_287 = tpu.memref_slice %arg2[%dma_wait3A_285, %dma_wait3A_286] : memref<10000x128xf32, #tpu.memory_space<hbm>> -> memref<10000x128xf32, #tpu.memory_space<hbm>>
    tpu.wait_indirect_dma semaphore(%arg19 : memref<!tpu.dma_semaphore, #tpu.memory_space<semaphore_mem>>) src(%dma_wait3A_287 : memref<10000x128xf32, #tpu.memory_space<hbm>>) dst(%arg16 : memref<80x128xf32, #tpu.memory_space<vmem>>)
    %dma_start3A_288 = arith.constant 0 : i32
    %dma_start3A_289 = arith.constant 0 : i32
    %dma_start3A_290 = tpu.memref_slice %arg7[%dma_start3A_288, %dma_start3A_289] : memref<10000x128xf32, #tpu.memory_space<vmem_shared>> -> memref<10000x128xf32, #tpu.memory_space<vmem_shared>>
    tpu.enqueue_indirect_dma source(%arg16 : memref<80x128xf32, #tpu.memory_space<vmem>>) target(%dma_start3A_290 : memref<10000x128xf32, #tpu.memory_space<vmem_shared>>) offsets(%arg13 : memref<80xi32, #tpu.memory_space<vmem>>) semaphore(%arg22 : memref<!tpu.dma_semaphore, #tpu.memory_space<semaphore_mem>>) {add = true}
    %dma_wait3A_291 = arith.constant 0 : i32
    %dma_wait3A_292 = arith.constant 0 : i32
    %dma_wait3A_293 = tpu.memref_slice %arg7[%dma_wait3A_291, %dma_wait3A_292] : memref<10000x128xf32, #tpu.memory_space<vmem_shared>> -> memref<10000x128xf32, #tpu.memory_space<vmem_shared>>
    tpu.wait_indirect_dma semaphore(%arg21 : memref<!tpu.dma_semaphore, #tpu.memory_space<semaphore_mem>>) src(%arg15 : memref<80x128xf32, #tpu.memory_space<vmem>>) dst(%dma_wait3A_293 : memref<10000x128xf32, #tpu.memory_space<vmem_shared>>)
    %dma_wait3A_294 = arith.constant 0 : i32
    %dma_wait3A_295 = arith.constant 0 : i32
    %dma_wait3A_296 = tpu.memref_slice %arg7[%dma_wait3A_294, %dma_wait3A_295] : memref<10000x128xf32, #tpu.memory_space<vmem_shared>> -> memref<10000x128xf32, #tpu.memory_space<vmem_shared>>
    tpu.wait_indirect_dma semaphore(%arg22 : memref<!tpu.dma_semaphore, #tpu.memory_space<semaphore_mem>>) src(%arg16 : memref<80x128xf32, #tpu.memory_space<vmem>>) dst(%dma_wait3A_296 : memref<10000x128xf32, #tpu.memory_space<vmem_shared>>)
    %dma_wait3A_297 = arith.constant 0 : i32
    %dma_wait3A_298 = arith.constant 0 : i32
    %dma_wait3A_299 = tpu.memref_slice %arg7[%dma_wait3A_297, %dma_wait3A_298] : memref<10000x128xf32, #tpu.memory_space<vmem_shared>> -> memref<10000x128xf32, #tpu.memory_space<vmem_shared>>
    tpu.wait_indirect_dma semaphore(%arg23 : memref<!tpu.dma_semaphore, #tpu.memory_space<semaphore_mem>>) src(%arg17 : memref<80x128xf32, #tpu.memory_space<vmem>>) dst(%dma_wait3A_299 : memref<10000x128xf32, #tpu.memory_space<vmem_shared>>)
    %barrier3A_300 = arith.constant 0 : index
    tpu.barrier barrier_id(%barrier3A_300)
    %add3A_301 = arith.constant 0 : i32
    %add3A_302 = arith.addi %arg1, %add3A_301 : i32
    %lt3A_303 = arith.constant 125 : i32
    %lt3A_304 = arith.cmpi slt, %add3A_302, %lt3A_303 : i32
    %convert_element_type3A_305 = arith.extui %lt3A_304 : i1 to i32
    %cond3A_306 = arith.constant 0 : i32
    %cond3A_307 = arith.cmpi ne, %convert_element_type3A_305, %cond3A_306 : i32
    scf.if %cond3A_307 {
      %mul3A_381 = arith.constant 80 : i32
      %mul3A_382 = arith.muli %add3A_302, %mul3A_381 : i32
      "tpu.region"() ({
        %run_scoped3A = tpu.sem_alloc : memref<!tpu.dma_semaphore, #tpu.memory_space<semaphore_mem>>
        %dma_start3A_389 = arith.constant 0 : i32
        %dma_start3A_390 = tpu.memref_slice %arg7[%mul3A_382, %dma_start3A_389] : memref<10000x128xf32, #tpu.memory_space<vmem_shared>> -> memref<80x128xf32, #tpu.memory_space<vmem_shared>>
        %dma_start3A_391 = arith.constant 0 : i32
        %dma_start3A_392 = tpu.memref_slice %arg7[%mul3A_382, %dma_start3A_391] : memref<10000x128xf32, #tpu.memory_space<vmem_shared>> -> memref<80x128xf32, #tpu.memory_space<vmem_shared>>
        tpu.enqueue_dma source(%dma_start3A_392 : memref<80x128xf32, #tpu.memory_space<vmem_shared>>) target(%arg15 : memref<80x128xf32, #tpu.memory_space<vmem>>) target_semaphore(%run_scoped3A : memref<!tpu.dma_semaphore, #tpu.memory_space<semaphore_mem>>)
        %dma_wait3A_393 = arith.constant 0 : i32
        %dma_wait3A_394 = tpu.memref_slice %arg7[%mul3A_382, %dma_wait3A_393] : memref<10000x128xf32, #tpu.memory_space<vmem_shared>> -> memref<80x128xf32, #tpu.memory_space<vmem_shared>>
        %dma_wait3A_395 = arith.constant 0 : i32
        %dma_wait3A_396 = tpu.memref_slice %arg7[%mul3A_382, %dma_wait3A_395] : memref<10000x128xf32, #tpu.memory_space<vmem_shared>> -> memref<80x128xf32, #tpu.memory_space<vmem_shared>>
        tpu.wait_dma2 semaphore(%run_scoped3A : memref<!tpu.dma_semaphore, #tpu.memory_space<semaphore_mem>>) src(%dma_wait3A_396 : memref<80x128xf32, #tpu.memory_space<vmem_shared>>) dst(%arg15 : memref<80x128xf32, #tpu.memory_space<vmem>>)
        tpu.yield
      }) : () -> ()
      %dma_start3A_383 = arith.constant 0 : i32
      %dma_start3A_384 = tpu.memref_slice %arg6[%arg0, %mul3A_382, %dma_start3A_383] : memref<2x10000x128xf32, #tpu.memory_space<hbm>> -> memref<1x80x128xf32, #tpu.memory_space<hbm>>
      %dma_start3A_385 = tpu.memref_squeeze %dma_start3A_384 : memref<1x80x128xf32, #tpu.memory_space<hbm>> -> memref<80x128xf32, #tpu.memory_space<hbm>>
      %dma_start3A_386 = arith.constant 0 : i32
      %dma_start3A_387 = tpu.memref_slice %arg6[%arg0, %mul3A_382, %dma_start3A_386] : memref<2x10000x128xf32, #tpu.memory_space<hbm>> -> memref<1x80x128xf32, #tpu.memory_space<hbm>>
      %dma_start3A_388 = tpu.memref_squeeze %dma_start3A_387 : memref<1x80x128xf32, #tpu.memory_space<hbm>> -> memref<80x128xf32, #tpu.memory_space<hbm>>
      tpu.enqueue_dma source(%arg15 : memref<80x128xf32, #tpu.memory_space<vmem>>) target(%dma_start3A_388 : memref<80x128xf32, #tpu.memory_space<hbm>>) target_semaphore(%arg21 : memref<!tpu.dma_semaphore, #tpu.memory_space<semaphore_mem>>)
    } else {
    }
    %add3A_308 = arith.constant 16 : i32
    %add3A_309 = arith.addi %arg1, %add3A_308 : i32
    %lt3A_310 = arith.constant 125 : i32
    %lt3A_311 = arith.cmpi slt, %add3A_309, %lt3A_310 : i32
    %convert_element_type3A_312 = arith.extui %lt3A_311 : i1 to i32
    %cond3A_313 = arith.constant 0 : i32
    %cond3A_314 = arith.cmpi ne, %convert_element_type3A_312, %cond3A_313 : i32
    scf.if %cond3A_314 {
      %mul3A_381 = arith.constant 80 : i32
      %mul3A_382 = arith.muli %add3A_309, %mul3A_381 : i32
      "tpu.region"() ({
        %run_scoped3A = tpu.sem_alloc : memref<!tpu.dma_semaphore, #tpu.memory_space<semaphore_mem>>
        %dma_start3A_389 = arith.constant 0 : i32
        %dma_start3A_390 = tpu.memref_slice %arg7[%mul3A_382, %dma_start3A_389] : memref<10000x128xf32, #tpu.memory_space<vmem_shared>> -> memref<80x128xf32, #tpu.memory_space<vmem_shared>>
        %dma_start3A_391 = arith.constant 0 : i32
        %dma_start3A_392 = tpu.memref_slice %arg7[%mul3A_382, %dma_start3A_391] : memref<10000x128xf32, #tpu.memory_space<vmem_shared>> -> memref<80x128xf32, #tpu.memory_space<vmem_shared>>
        tpu.enqueue_dma source(%dma_start3A_392 : memref<80x128xf32, #tpu.memory_space<vmem_shared>>) target(%arg16 : memref<80x128xf32, #tpu.memory_space<vmem>>) target_semaphore(%run_scoped3A : memref<!tpu.dma_semaphore, #tpu.memory_space<semaphore_mem>>)
        %dma_wait3A_393 = arith.constant 0 : i32
        %dma_wait3A_394 = tpu.memref_slice %arg7[%mul3A_382, %dma_wait3A_393] : memref<10000x128xf32, #tpu.memory_space<vmem_shared>> -> memref<80x128xf32, #tpu.memory_space<vmem_shared>>
        %dma_wait3A_395 = arith.constant 0 : i32
        %dma_wait3A_396 = tpu.memref_slice %arg7[%mul3A_382, %dma_wait3A_395] : memref<10000x128xf32, #tpu.memory_space<vmem_shared>> -> memref<80x128xf32, #tpu.memory_space<vmem_shared>>
        tpu.wait_dma2 semaphore(%run_scoped3A : memref<!tpu.dma_semaphore, #tpu.memory_space<semaphore_mem>>) src(%dma_wait3A_396 : memref<80x128xf32, #tpu.memory_space<vmem_shared>>) dst(%arg16 : memref<80x128xf32, #tpu.memory_space<vmem>>)
        tpu.yield
      }) : () -> ()
      %dma_start3A_383 = arith.constant 0 : i32
      %dma_start3A_384 = tpu.memref_slice %arg6[%arg0, %mul3A_382, %dma_start3A_383] : memref<2x10000x128xf32, #tpu.memory_space<hbm>> -> memref<1x80x128xf32, #tpu.memory_space<hbm>>
      %dma_start3A_385 = tpu.memref_squeeze %dma_start3A_384 : memref<1x80x128xf32, #tpu.memory_space<hbm>> -> memref<80x128xf32, #tpu.memory_space<hbm>>
      %dma_start3A_386 = arith.constant 0 : i32
      %dma_start3A_387 = tpu.memref_slice %arg6[%arg0, %mul3A_382, %dma_start3A_386] : memref<2x10000x128xf32, #tpu.memory_space<hbm>> -> memref<1x80x128xf32, #tpu.memory_space<hbm>>
      %dma_start3A_388 = tpu.memref_squeeze %dma_start3A_387 : memref<1x80x128xf32, #tpu.memory_space<hbm>> -> memref<80x128xf32, #tpu.memory_space<hbm>>
      tpu.enqueue_dma source(%arg16 : memref<80x128xf32, #tpu.memory_space<vmem>>) target(%dma_start3A_388 : memref<80x128xf32, #tpu.memory_space<hbm>>) target_semaphore(%arg22 : memref<!tpu.dma_semaphore, #tpu.memory_space<semaphore_mem>>)
    } else {
    }
    %add3A_315 = arith.constant 32 : i32
    %add3A_316 = arith.addi %arg1, %add3A_315 : i32
    %lt3A_317 = arith.constant 125 : i32
    %lt3A_318 = arith.cmpi slt, %add3A_316, %lt3A_317 : i32
    %convert_element_type3A_319 = arith.extui %lt3A_318 : i1 to i32
    %cond3A_320 = arith.constant 0 : i32
    %cond3A_321 = arith.cmpi ne, %convert_element_type3A_319, %cond3A_320 : i32
    scf.if %cond3A_321 {
      %mul3A_381 = arith.constant 80 : i32
      %mul3A_382 = arith.muli %add3A_316, %mul3A_381 : i32
      "tpu.region"() ({
        %run_scoped3A = tpu.sem_alloc : memref<!tpu.dma_semaphore, #tpu.memory_space<semaphore_mem>>
        %dma_start3A_389 = arith.constant 0 : i32
        %dma_start3A_390 = tpu.memref_slice %arg7[%mul3A_382, %dma_start3A_389] : memref<10000x128xf32, #tpu.memory_space<vmem_shared>> -> memref<80x128xf32, #tpu.memory_space<vmem_shared>>
        %dma_start3A_391 = arith.constant 0 : i32
        %dma_start3A_392 = tpu.memref_slice %arg7[%mul3A_382, %dma_start3A_391] : memref<10000x128xf32, #tpu.memory_space<vmem_shared>> -> memref<80x128xf32, #tpu.memory_space<vmem_shared>>
        tpu.enqueue_dma source(%dma_start3A_392 : memref<80x128xf32, #tpu.memory_space<vmem_shared>>) target(%arg17 : memref<80x128xf32, #tpu.memory_space<vmem>>) target_semaphore(%run_scoped3A : memref<!tpu.dma_semaphore, #tpu.memory_space<semaphore_mem>>)
        %dma_wait3A_393 = arith.constant 0 : i32
        %dma_wait3A_394 = tpu.memref_slice %arg7[%mul3A_382, %dma_wait3A_393] : memref<10000x128xf32, #tpu.memory_space<vmem_shared>> -> memref<80x128xf32, #tpu.memory_space<vmem_shared>>
        %dma_wait3A_395 = arith.constant 0 : i32
        %dma_wait3A_396 = tpu.memref_slice %arg7[%mul3A_382, %dma_wait3A_395] : memref<10000x128xf32, #tpu.memory_space<vmem_shared>> -> memref<80x128xf32, #tpu.memory_space<vmem_shared>>
        tpu.wait_dma2 semaphore(%run_scoped3A : memref<!tpu.dma_semaphore, #tpu.memory_space<semaphore_mem>>) src(%dma_wait3A_396 : memref<80x128xf32, #tpu.memory_space<vmem_shared>>) dst(%arg17 : memref<80x128xf32, #tpu.memory_space<vmem>>)
        tpu.yield
      }) : () -> ()
      %dma_start3A_383 = arith.constant 0 : i32
      %dma_start3A_384 = tpu.memref_slice %arg6[%arg0, %mul3A_382, %dma_start3A_383] : memref<2x10000x128xf32, #tpu.memory_space<hbm>> -> memref<1x80x128xf32, #tpu.memory_space<hbm>>
      %dma_start3A_385 = tpu.memref_squeeze %dma_start3A_384 : memref<1x80x128xf32, #tpu.memory_space<hbm>> -> memref<80x128xf32, #tpu.memory_space<hbm>>
      %dma_start3A_386 = arith.constant 0 : i32
      %dma_start3A_387 = tpu.memref_slice %arg6[%arg0, %mul3A_382, %dma_start3A_386] : memref<2x10000x128xf32, #tpu.memory_space<hbm>> -> memref<1x80x128xf32, #tpu.memory_space<hbm>>
      %dma_start3A_388 = tpu.memref_squeeze %dma_start3A_387 : memref<1x80x128xf32, #tpu.memory_space<hbm>> -> memref<80x128xf32, #tpu.memory_space<hbm>>
      tpu.enqueue_dma source(%arg17 : memref<80x128xf32, #tpu.memory_space<vmem>>) target(%dma_start3A_388 : memref<80x128xf32, #tpu.memory_space<hbm>>) target_semaphore(%arg23 : memref<!tpu.dma_semaphore, #tpu.memory_space<semaphore_mem>>)
    } else {
    }
    %add3A_322 = arith.constant 48 : i32
    %add3A_323 = arith.addi %arg1, %add3A_322 : i32
    %lt3A_324 = arith.constant 125 : i32
    %lt3A_325 = arith.cmpi slt, %add3A_323, %lt3A_324 : i32
    %convert_element_type3A_326 = arith.extui %lt3A_325 : i1 to i32
    %cond3A_327 = arith.constant 0 : i32
    %cond3A_328 = arith.cmpi ne, %convert_element_type3A_326, %cond3A_327 : i32
    scf.if %cond3A_328 {
      %mul3A_381 = arith.constant 80 : i32
      %mul3A_382 = arith.muli %add3A_323, %mul3A_381 : i32
      %dma_wait3A_383 = arith.constant 0 : i32
      %dma_wait3A_384 = arith.constant 0 : i32
      %dma_wait3A_385 = tpu.memref_slice %arg6[%arg0, %dma_wait3A_383, %dma_wait3A_384] : memref<2x10000x128xf32, #tpu.memory_space<hbm>> -> memref<1x80x128xf32, #tpu.memory_space<hbm>>
      %dma_wait3A_386 = tpu.memref_squeeze %dma_wait3A_385 : memref<1x80x128xf32, #tpu.memory_space<hbm>> -> memref<80x128xf32, #tpu.memory_space<hbm>>
      %dma_wait3A_387 = arith.constant 0 : i32
      %dma_wait3A_388 = arith.constant 0 : i32
      %dma_wait3A_389 = tpu.memref_slice %arg6[%arg0, %dma_wait3A_387, %dma_wait3A_388] : memref<2x10000x128xf32, #tpu.memory_space<hbm>> -> memref<1x80x128xf32, #tpu.memory_space<hbm>>
      %dma_wait3A_390 = tpu.memref_squeeze %dma_wait3A_389 : memref<1x80x128xf32, #tpu.memory_space<hbm>> -> memref<80x128xf32, #tpu.memory_space<hbm>>
      tpu.wait_dma2 semaphore(%arg21 : memref<!tpu.dma_semaphore, #tpu.memory_space<semaphore_mem>>) src(%arg15 : memref<80x128xf32, #tpu.memory_space<vmem>>) dst(%dma_wait3A_390 : memref<80x128xf32, #tpu.memory_space<hbm>>)
      "tpu.region"() ({
        %run_scoped3A = tpu.sem_alloc : memref<!tpu.dma_semaphore, #tpu.memory_space<semaphore_mem>>
        %dma_start3A_397 = arith.constant 0 : i32
        %dma_start3A_398 = tpu.memref_slice %arg7[%mul3A_382, %dma_start3A_397] : memref<10000x128xf32, #tpu.memory_space<vmem_shared>> -> memref<80x128xf32, #tpu.memory_space<vmem_shared>>
        %dma_start3A_399 = arith.constant 0 : i32
        %dma_start3A_400 = tpu.memref_slice %arg7[%mul3A_382, %dma_start3A_399] : memref<10000x128xf32, #tpu.memory_space<vmem_shared>> -> memref<80x128xf32, #tpu.memory_space<vmem_shared>>
        tpu.enqueue_dma source(%dma_start3A_400 : memref<80x128xf32, #tpu.memory_space<vmem_shared>>) target(%arg15 : memref<80x128xf32, #tpu.memory_space<vmem>>) target_semaphore(%run_scoped3A : memref<!tpu.dma_semaphore, #tpu.memory_space<semaphore_mem>>)
        %dma_wait3A_401 = arith.constant 0 : i32
        %dma_wait3A_402 = tpu.memref_slice %arg7[%mul3A_382, %dma_wait3A_401] : memref<10000x128xf32, #tpu.memory_space<vmem_shared>> -> memref<80x128xf32, #tpu.memory_space<vmem_shared>>
        %dma_wait3A_403 = arith.constant 0 : i32
        %dma_wait3A_404 = tpu.memref_slice %arg7[%mul3A_382, %dma_wait3A_403] : memref<10000x128xf32, #tpu.memory_space<vmem_shared>> -> memref<80x128xf32, #tpu.memory_space<vmem_shared>>
        tpu.wait_dma2 semaphore(%run_scoped3A : memref<!tpu.dma_semaphore, #tpu.memory_space<semaphore_mem>>) src(%dma_wait3A_404 : memref<80x128xf32, #tpu.memory_space<vmem_shared>>) dst(%arg15 : memref<80x128xf32, #tpu.memory_space<vmem>>)
        tpu.yield
      }) : () -> ()
      %dma_start3A_391 = arith.constant 0 : i32
      %dma_start3A_392 = tpu.memref_slice %arg6[%arg0, %mul3A_382, %dma_start3A_391] : memref<2x10000x128xf32, #tpu.memory_space<hbm>> -> memref<1x80x128xf32, #tpu.memory_space<hbm>>
      %dma_start3A_393 = tpu.memref_squeeze %dma_start3A_392 : memref<1x80x128xf32, #tpu.memory_space<hbm>> -> memref<80x128xf32, #tpu.memory_space<hbm>>
      %dma_start3A_394 = arith.constant 0 : i32
      %dma_start3A_395 = tpu.memref_slice %arg6[%arg0, %mul3A_382, %dma_start3A_394] : memref<2x10000x128xf32, #tpu.memory_space<hbm>> -> memref<1x80x128xf32, #tpu.memory_space<hbm>>
      %dma_start3A_396 = tpu.memref_squeeze %dma_start3A_395 : memref<1x80x128xf32, #tpu.memory_space<hbm>> -> memref<80x128xf32, #tpu.memory_space<hbm>>
      tpu.enqueue_dma source(%arg15 : memref<80x128xf32, #tpu.memory_space<vmem>>) target(%dma_start3A_396 : memref<80x128xf32, #tpu.memory_space<hbm>>) target_semaphore(%arg21 : memref<!tpu.dma_semaphore, #tpu.memory_space<semaphore_mem>>)
    } else {
    }
    %add3A_329 = arith.constant 64 : i32
    %add3A_330 = arith.addi %arg1, %add3A_329 : i32
    %lt3A_331 = arith.constant 125 : i32
    %lt3A_332 = arith.cmpi slt, %add3A_330, %lt3A_331 : i32
    %convert_element_type3A_333 = arith.extui %lt3A_332 : i1 to i32
    %cond3A_334 = arith.constant 0 : i32
    %cond3A_335 = arith.cmpi ne, %convert_element_type3A_333, %cond3A_334 : i32
    scf.if %cond3A_335 {
      %mul3A_381 = arith.constant 80 : i32
      %mul3A_382 = arith.muli %add3A_330, %mul3A_381 : i32
      %dma_wait3A_383 = arith.constant 0 : i32
      %dma_wait3A_384 = arith.constant 0 : i32
      %dma_wait3A_385 = tpu.memref_slice %arg6[%arg0, %dma_wait3A_383, %dma_wait3A_384] : memref<2x10000x128xf32, #tpu.memory_space<hbm>> -> memref<1x80x128xf32, #tpu.memory_space<hbm>>
      %dma_wait3A_386 = tpu.memref_squeeze %dma_wait3A_385 : memref<1x80x128xf32, #tpu.memory_space<hbm>> -> memref<80x128xf32, #tpu.memory_space<hbm>>
      %dma_wait3A_387 = arith.constant 0 : i32
      %dma_wait3A_388 = arith.constant 0 : i32
      %dma_wait3A_389 = tpu.memref_slice %arg6[%arg0, %dma_wait3A_387, %dma_wait3A_388] : memref<2x10000x128xf32, #tpu.memory_space<hbm>> -> memref<1x80x128xf32, #tpu.memory_space<hbm>>
      %dma_wait3A_390 = tpu.memref_squeeze %dma_wait3A_389 : memref<1x80x128xf32, #tpu.memory_space<hbm>> -> memref<80x128xf32, #tpu.memory_space<hbm>>
      tpu.wait_dma2 semaphore(%arg22 : memref<!tpu.dma_semaphore, #tpu.memory_space<semaphore_mem>>) src(%arg16 : memref<80x128xf32, #tpu.memory_space<vmem>>) dst(%dma_wait3A_390 : memref<80x128xf32, #tpu.memory_space<hbm>>)
      "tpu.region"() ({
        %run_scoped3A = tpu.sem_alloc : memref<!tpu.dma_semaphore, #tpu.memory_space<semaphore_mem>>
        %dma_start3A_397 = arith.constant 0 : i32
        %dma_start3A_398 = tpu.memref_slice %arg7[%mul3A_382, %dma_start3A_397] : memref<10000x128xf32, #tpu.memory_space<vmem_shared>> -> memref<80x128xf32, #tpu.memory_space<vmem_shared>>
        %dma_start3A_399 = arith.constant 0 : i32
        %dma_start3A_400 = tpu.memref_slice %arg7[%mul3A_382, %dma_start3A_399] : memref<10000x128xf32, #tpu.memory_space<vmem_shared>> -> memref<80x128xf32, #tpu.memory_space<vmem_shared>>
        tpu.enqueue_dma source(%dma_start3A_400 : memref<80x128xf32, #tpu.memory_space<vmem_shared>>) target(%arg16 : memref<80x128xf32, #tpu.memory_space<vmem>>) target_semaphore(%run_scoped3A : memref<!tpu.dma_semaphore, #tpu.memory_space<semaphore_mem>>)
        %dma_wait3A_401 = arith.constant 0 : i32
        %dma_wait3A_402 = tpu.memref_slice %arg7[%mul3A_382, %dma_wait3A_401] : memref<10000x128xf32, #tpu.memory_space<vmem_shared>> -> memref<80x128xf32, #tpu.memory_space<vmem_shared>>
        %dma_wait3A_403 = arith.constant 0 : i32
        %dma_wait3A_404 = tpu.memref_slice %arg7[%mul3A_382, %dma_wait3A_403] : memref<10000x128xf32, #tpu.memory_space<vmem_shared>> -> memref<80x128xf32, #tpu.memory_space<vmem_shared>>
        tpu.wait_dma2 semaphore(%run_scoped3A : memref<!tpu.dma_semaphore, #tpu.memory_space<semaphore_mem>>) src(%dma_wait3A_404 : memref<80x128xf32, #tpu.memory_space<vmem_shared>>) dst(%arg16 : memref<80x128xf32, #tpu.memory_space<vmem>>)
        tpu.yield
      }) : () -> ()
      %dma_start3A_391 = arith.constant 0 : i32
      %dma_start3A_392 = tpu.memref_slice %arg6[%arg0, %mul3A_382, %dma_start3A_391] : memref<2x10000x128xf32, #tpu.memory_space<hbm>> -> memref<1x80x128xf32, #tpu.memory_space<hbm>>
      %dma_start3A_393 = tpu.memref_squeeze %dma_start3A_392 : memref<1x80x128xf32, #tpu.memory_space<hbm>> -> memref<80x128xf32, #tpu.memory_space<hbm>>
      %dma_start3A_394 = arith.constant 0 : i32
      %dma_start3A_395 = tpu.memref_slice %arg6[%arg0, %mul3A_382, %dma_start3A_394] : memref<2x10000x128xf32, #tpu.memory_space<hbm>> -> memref<1x80x128xf32, #tpu.memory_space<hbm>>
      %dma_start3A_396 = tpu.memref_squeeze %dma_start3A_395 : memref<1x80x128xf32, #tpu.memory_space<hbm>> -> memref<80x128xf32, #tpu.memory_space<hbm>>
      tpu.enqueue_dma source(%arg16 : memref<80x128xf32, #tpu.memory_space<vmem>>) target(%dma_start3A_396 : memref<80x128xf32, #tpu.memory_space<hbm>>) target_semaphore(%arg22 : memref<!tpu.dma_semaphore, #tpu.memory_space<semaphore_mem>>)
    } else {
    }
    %add3A_336 = arith.constant 80 : i32
    %add3A_337 = arith.addi %arg1, %add3A_336 : i32
    %lt3A_338 = arith.constant 125 : i32
    %lt3A_339 = arith.cmpi slt, %add3A_337, %lt3A_338 : i32
    %convert_element_type3A_340 = arith.extui %lt3A_339 : i1 to i32
    %cond3A_341 = arith.constant 0 : i32
    %cond3A_342 = arith.cmpi ne, %convert_element_type3A_340, %cond3A_341 : i32
    scf.if %cond3A_342 {
      %mul3A_381 = arith.constant 80 : i32
      %mul3A_382 = arith.muli %add3A_337, %mul3A_381 : i32
      %dma_wait3A_383 = arith.constant 0 : i32
      %dma_wait3A_384 = arith.constant 0 : i32
      %dma_wait3A_385 = tpu.memref_slice %arg6[%arg0, %dma_wait3A_383, %dma_wait3A_384] : memref<2x10000x128xf32, #tpu.memory_space<hbm>> -> memref<1x80x128xf32, #tpu.memory_space<hbm>>
      %dma_wait3A_386 = tpu.memref_squeeze %dma_wait3A_385 : memref<1x80x128xf32, #tpu.memory_space<hbm>> -> memref<80x128xf32, #tpu.memory_space<hbm>>
      %dma_wait3A_387 = arith.constant 0 : i32
      %dma_wait3A_388 = arith.constant 0 : i32
      %dma_wait3A_389 = tpu.memref_slice %arg6[%arg0, %dma_wait3A_387, %dma_wait3A_388] : memref<2x10000x128xf32, #tpu.memory_space<hbm>> -> memref<1x80x128xf32, #tpu.memory_space<hbm>>
      %dma_wait3A_390 = tpu.memref_squeeze %dma_wait3A_389 : memref<1x80x128xf32, #tpu.memory_space<hbm>> -> memref<80x128xf32, #tpu.memory_space<hbm>>
      tpu.wait_dma2 semaphore(%arg23 : memref<!tpu.dma_semaphore, #tpu.memory_space<semaphore_mem>>) src(%arg17 : memref<80x128xf32, #tpu.memory_space<vmem>>) dst(%dma_wait3A_390 : memref<80x128xf32, #tpu.memory_space<hbm>>)
      "tpu.region"() ({
        %run_scoped3A = tpu.sem_alloc : memref<!tpu.dma_semaphore, #tpu.memory_space<semaphore_mem>>
        %dma_start3A_397 = arith.constant 0 : i32
        %dma_start3A_398 = tpu.memref_slice %arg7[%mul3A_382, %dma_start3A_397] : memref<10000x128xf32, #tpu.memory_space<vmem_shared>> -> memref<80x128xf32, #tpu.memory_space<vmem_shared>>
        %dma_start3A_399 = arith.constant 0 : i32
        %dma_start3A_400 = tpu.memref_slice %arg7[%mul3A_382, %dma_start3A_399] : memref<10000x128xf32, #tpu.memory_space<vmem_shared>> -> memref<80x128xf32, #tpu.memory_space<vmem_shared>>
        tpu.enqueue_dma source(%dma_start3A_400 : memref<80x128xf32, #tpu.memory_space<vmem_shared>>) target(%arg17 : memref<80x128xf32, #tpu.memory_space<vmem>>) target_semaphore(%run_scoped3A : memref<!tpu.dma_semaphore, #tpu.memory_space<semaphore_mem>>)
        %dma_wait3A_401 = arith.constant 0 : i32
        %dma_wait3A_402 = tpu.memref_slice %arg7[%mul3A_382, %dma_wait3A_401] : memref<10000x128xf32, #tpu.memory_space<vmem_shared>> -> memref<80x128xf32, #tpu.memory_space<vmem_shared>>
        %dma_wait3A_403 = arith.constant 0 : i32
        %dma_wait3A_404 = tpu.memref_slice %arg7[%mul3A_382, %dma_wait3A_403] : memref<10000x128xf32, #tpu.memory_space<vmem_shared>> -> memref<80x128xf32, #tpu.memory_space<vmem_shared>>
        tpu.wait_dma2 semaphore(%run_scoped3A : memref<!tpu.dma_semaphore, #tpu.memory_space<semaphore_mem>>) src(%dma_wait3A_404 : memref<80x128xf32, #tpu.memory_space<vmem_shared>>) dst(%arg17 : memref<80x128xf32, #tpu.memory_space<vmem>>)
        tpu.yield
      }) : () -> ()
      %dma_start3A_391 = arith.constant 0 : i32
      %dma_start3A_392 = tpu.memref_slice %arg6[%arg0, %mul3A_382, %dma_start3A_391] : memref<2x10000x128xf32, #tpu.memory_space<hbm>> -> memref<1x80x128xf32, #tpu.memory_space<hbm>>
      %dma_start3A_393 = tpu.memref_squeeze %dma_start3A_392 : memref<1x80x128xf32, #tpu.memory_space<hbm>> -> memref<80x128xf32, #tpu.memory_space<hbm>>
      %dma_start3A_394 = arith.constant 0 : i32
      %dma_start3A_395 = tpu.memref_slice %arg6[%arg0, %mul3A_382, %dma_start3A_394] : memref<2x10000x128xf32, #tpu.memory_space<hbm>> -> memref<1x80x128xf32, #tpu.memory_space<hbm>>
      %dma_start3A_396 = tpu.memref_squeeze %dma_start3A_395 : memref<1x80x128xf32, #tpu.memory_space<hbm>> -> memref<80x128xf32, #tpu.memory_space<hbm>>
      tpu.enqueue_dma source(%arg17 : memref<80x128xf32, #tpu.memory_space<vmem>>) target(%dma_start3A_396 : memref<80x128xf32, #tpu.memory_space<hbm>>) target_semaphore(%arg23 : memref<!tpu.dma_semaphore, #tpu.memory_space<semaphore_mem>>)
    } else {
    }
    %add3A_343 = arith.constant 96 : i32
    %add3A_344 = arith.addi %arg1, %add3A_343 : i32
    %lt3A_345 = arith.constant 125 : i32
    %lt3A_346 = arith.cmpi slt, %add3A_344, %lt3A_345 : i32
    %convert_element_type3A_347 = arith.extui %lt3A_346 : i1 to i32
    %cond3A_348 = arith.constant 0 : i32
    %cond3A_349 = arith.cmpi ne, %convert_element_type3A_347, %cond3A_348 : i32
    scf.if %cond3A_349 {
      %mul3A_381 = arith.constant 80 : i32
      %mul3A_382 = arith.muli %add3A_344, %mul3A_381 : i32
      %dma_wait3A_383 = arith.constant 0 : i32
      %dma_wait3A_384 = arith.constant 0 : i32
      %dma_wait3A_385 = tpu.memref_slice %arg6[%arg0, %dma_wait3A_383, %dma_wait3A_384] : memref<2x10000x128xf32, #tpu.memory_space<hbm>> -> memref<1x80x128xf32, #tpu.memory_space<hbm>>
      %dma_wait3A_386 = tpu.memref_squeeze %dma_wait3A_385 : memref<1x80x128xf32, #tpu.memory_space<hbm>> -> memref<80x128xf32, #tpu.memory_space<hbm>>
      %dma_wait3A_387 = arith.constant 0 : i32
      %dma_wait3A_388 = arith.constant 0 : i32
      %dma_wait3A_389 = tpu.memref_slice %arg6[%arg0, %dma_wait3A_387, %dma_wait3A_388] : memref<2x10000x128xf32, #tpu.memory_space<hbm>> -> memref<1x80x128xf32, #tpu.memory_space<hbm>>
      %dma_wait3A_390 = tpu.memref_squeeze %dma_wait3A_389 : memref<1x80x128xf32, #tpu.memory_space<hbm>> -> memref<80x128xf32, #tpu.memory_space<hbm>>
      tpu.wait_dma2 semaphore(%arg21 : memref<!tpu.dma_semaphore, #tpu.memory_space<semaphore_mem>>) src(%arg15 : memref<80x128xf32, #tpu.memory_space<vmem>>) dst(%dma_wait3A_390 : memref<80x128xf32, #tpu.memory_space<hbm>>)
      "tpu.region"() ({
        %run_scoped3A = tpu.sem_alloc : memref<!tpu.dma_semaphore, #tpu.memory_space<semaphore_mem>>
        %dma_start3A_397 = arith.constant 0 : i32
        %dma_start3A_398 = tpu.memref_slice %arg7[%mul3A_382, %dma_start3A_397] : memref<10000x128xf32, #tpu.memory_space<vmem_shared>> -> memref<80x128xf32, #tpu.memory_space<vmem_shared>>
        %dma_start3A_399 = arith.constant 0 : i32
        %dma_start3A_400 = tpu.memref_slice %arg7[%mul3A_382, %dma_start3A_399] : memref<10000x128xf32, #tpu.memory_space<vmem_shared>> -> memref<80x128xf32, #tpu.memory_space<vmem_shared>>
        tpu.enqueue_dma source(%dma_start3A_400 : memref<80x128xf32, #tpu.memory_space<vmem_shared>>) target(%arg15 : memref<80x128xf32, #tpu.memory_space<vmem>>) target_semaphore(%run_scoped3A : memref<!tpu.dma_semaphore, #tpu.memory_space<semaphore_mem>>)
        %dma_wait3A_401 = arith.constant 0 : i32
        %dma_wait3A_402 = tpu.memref_slice %arg7[%mul3A_382, %dma_wait3A_401] : memref<10000x128xf32, #tpu.memory_space<vmem_shared>> -> memref<80x128xf32, #tpu.memory_space<vmem_shared>>
        %dma_wait3A_403 = arith.constant 0 : i32
        %dma_wait3A_404 = tpu.memref_slice %arg7[%mul3A_382, %dma_wait3A_403] : memref<10000x128xf32, #tpu.memory_space<vmem_shared>> -> memref<80x128xf32, #tpu.memory_space<vmem_shared>>
        tpu.wait_dma2 semaphore(%run_scoped3A : memref<!tpu.dma_semaphore, #tpu.memory_space<semaphore_mem>>) src(%dma_wait3A_404 : memref<80x128xf32, #tpu.memory_space<vmem_shared>>) dst(%arg15 : memref<80x128xf32, #tpu.memory_space<vmem>>)
        tpu.yield
      }) : () -> ()
      %dma_start3A_391 = arith.constant 0 : i32
      %dma_start3A_392 = tpu.memref_slice %arg6[%arg0, %mul3A_382, %dma_start3A_391] : memref<2x10000x128xf32, #tpu.memory_space<hbm>> -> memref<1x80x128xf32, #tpu.memory_space<hbm>>
      %dma_start3A_393 = tpu.memref_squeeze %dma_start3A_392 : memref<1x80x128xf32, #tpu.memory_space<hbm>> -> memref<80x128xf32, #tpu.memory_space<hbm>>
      %dma_start3A_394 = arith.constant 0 : i32
      %dma_start3A_395 = tpu.memref_slice %arg6[%arg0, %mul3A_382, %dma_start3A_394] : memref<2x10000x128xf32, #tpu.memory_space<hbm>> -> memref<1x80x128xf32, #tpu.memory_space<hbm>>
      %dma_start3A_396 = tpu.memref_squeeze %dma_start3A_395 : memref<1x80x128xf32, #tpu.memory_space<hbm>> -> memref<80x128xf32, #tpu.memory_space<hbm>>
      tpu.enqueue_dma source(%arg15 : memref<80x128xf32, #tpu.memory_space<vmem>>) target(%dma_start3A_396 : memref<80x128xf32, #tpu.memory_space<hbm>>) target_semaphore(%arg21 : memref<!tpu.dma_semaphore, #tpu.memory_space<semaphore_mem>>)
    } else {
    }
    %add3A_350 = arith.constant 112 : i32
    %add3A_351 = arith.addi %arg1, %add3A_350 : i32
    %lt3A_352 = arith.constant 125 : i32
    %lt3A_353 = arith.cmpi slt, %add3A_351, %lt3A_352 : i32
    %convert_element_type3A_354 = arith.extui %lt3A_353 : i1 to i32
    %cond3A_355 = arith.constant 0 : i32
    %cond3A_356 = arith.cmpi ne, %convert_element_type3A_354, %cond3A_355 : i32
    scf.if %cond3A_356 {
      %mul3A_381 = arith.constant 80 : i32
      %mul3A_382 = arith.muli %add3A_351, %mul3A_381 : i32
      %dma_wait3A_383 = arith.constant 0 : i32
      %dma_wait3A_384 = arith.constant 0 : i32
      %dma_wait3A_385 = tpu.memref_slice %arg6[%arg0, %dma_wait3A_383, %dma_wait3A_384] : memref<2x10000x128xf32, #tpu.memory_space<hbm>> -> memref<1x80x128xf32, #tpu.memory_space<hbm>>
      %dma_wait3A_386 = tpu.memref_squeeze %dma_wait3A_385 : memref<1x80x128xf32, #tpu.memory_space<hbm>> -> memref<80x128xf32, #tpu.memory_space<hbm>>
      %dma_wait3A_387 = arith.constant 0 : i32
      %dma_wait3A_388 = arith.constant 0 : i32
      %dma_wait3A_389 = tpu.memref_slice %arg6[%arg0, %dma_wait3A_387, %dma_wait3A_388] : memref<2x10000x128xf32, #tpu.memory_space<hbm>> -> memref<1x80x128xf32, #tpu.memory_space<hbm>>
      %dma_wait3A_390 = tpu.memref_squeeze %dma_wait3A_389 : memref<1x80x128xf32, #tpu.memory_space<hbm>> -> memref<80x128xf32, #tpu.memory_space<hbm>>
      tpu.wait_dma2 semaphore(%arg22 : memref<!tpu.dma_semaphore, #tpu.memory_space<semaphore_mem>>) src(%arg16 : memref<80x128xf32, #tpu.memory_space<vmem>>) dst(%dma_wait3A_390 : memref<80x128xf32, #tpu.memory_space<hbm>>)
      "tpu.region"() ({
        %run_scoped3A = tpu.sem_alloc : memref<!tpu.dma_semaphore, #tpu.memory_space<semaphore_mem>>
        %dma_start3A_397 = arith.constant 0 : i32
        %dma_start3A_398 = tpu.memref_slice %arg7[%mul3A_382, %dma_start3A_397] : memref<10000x128xf32, #tpu.memory_space<vmem_shared>> -> memref<80x128xf32, #tpu.memory_space<vmem_shared>>
        %dma_start3A_399 = arith.constant 0 : i32
        %dma_start3A_400 = tpu.memref_slice %arg7[%mul3A_382, %dma_start3A_399] : memref<10000x128xf32, #tpu.memory_space<vmem_shared>> -> memref<80x128xf32, #tpu.memory_space<vmem_shared>>
        tpu.enqueue_dma source(%dma_start3A_400 : memref<80x128xf32, #tpu.memory_space<vmem_shared>>) target(%arg16 : memref<80x128xf32, #tpu.memory_space<vmem>>) target_semaphore(%run_scoped3A : memref<!tpu.dma_semaphore, #tpu.memory_space<semaphore_mem>>)
        %dma_wait3A_401 = arith.constant 0 : i32
        %dma_wait3A_402 = tpu.memref_slice %arg7[%mul3A_382, %dma_wait3A_401] : memref<10000x128xf32, #tpu.memory_space<vmem_shared>> -> memref<80x128xf32, #tpu.memory_space<vmem_shared>>
        %dma_wait3A_403 = arith.constant 0 : i32
        %dma_wait3A_404 = tpu.memref_slice %arg7[%mul3A_382, %dma_wait3A_403] : memref<10000x128xf32, #tpu.memory_space<vmem_shared>> -> memref<80x128xf32, #tpu.memory_space<vmem_shared>>
        tpu.wait_dma2 semaphore(%run_scoped3A : memref<!tpu.dma_semaphore, #tpu.memory_space<semaphore_mem>>) src(%dma_wait3A_404 : memref<80x128xf32, #tpu.memory_space<vmem_shared>>) dst(%arg16 : memref<80x128xf32, #tpu.memory_space<vmem>>)
        tpu.yield
      }) : () -> ()
      %dma_start3A_391 = arith.constant 0 : i32
      %dma_start3A_392 = tpu.memref_slice %arg6[%arg0, %mul3A_382, %dma_start3A_391] : memref<2x10000x128xf32, #tpu.memory_space<hbm>> -> memref<1x80x128xf32, #tpu.memory_space<hbm>>
      %dma_start3A_393 = tpu.memref_squeeze %dma_start3A_392 : memref<1x80x128xf32, #tpu.memory_space<hbm>> -> memref<80x128xf32, #tpu.memory_space<hbm>>
      %dma_start3A_394 = arith.constant 0 : i32
      %dma_start3A_395 = tpu.memref_slice %arg6[%arg0, %mul3A_382, %dma_start3A_394] : memref<2x10000x128xf32, #tpu.memory_space<hbm>> -> memref<1x80x128xf32, #tpu.memory_space<hbm>>
      %dma_start3A_396 = tpu.memref_squeeze %dma_start3A_395 : memref<1x80x128xf32, #tpu.memory_space<hbm>> -> memref<80x128xf32, #tpu.memory_space<hbm>>
      tpu.enqueue_dma source(%arg16 : memref<80x128xf32, #tpu.memory_space<vmem>>) target(%dma_start3A_396 : memref<80x128xf32, #tpu.memory_space<hbm>>) target_semaphore(%arg22 : memref<!tpu.dma_semaphore, #tpu.memory_space<semaphore_mem>>)
    } else {
    }
    %dma_wait3A_357 = arith.constant 0 : i32
    %dma_wait3A_358 = arith.constant 0 : i32
    %dma_wait3A_359 = tpu.memref_slice %arg6[%arg0, %dma_wait3A_357, %dma_wait3A_358] : memref<2x10000x128xf32, #tpu.memory_space<hbm>> -> memref<1x80x128xf32, #tpu.memory_space<hbm>>
    %dma_wait3A_360 = tpu.memref_squeeze %dma_wait3A_359 : memref<1x80x128xf32, #tpu.memory_space<hbm>> -> memref<80x128xf32, #tpu.memory_space<hbm>>
    %dma_wait3A_361 = arith.constant 0 : i32
    %dma_wait3A_362 = arith.constant 0 : i32
    %dma_wait3A_363 = tpu.memref_slice %arg6[%arg0, %dma_wait3A_361, %dma_wait3A_362] : memref<2x10000x128xf32, #tpu.memory_space<hbm>> -> memref<1x80x128xf32, #tpu.memory_space<hbm>>
    %dma_wait3A_364 = tpu.memref_squeeze %dma_wait3A_363 : memref<1x80x128xf32, #tpu.memory_space<hbm>> -> memref<80x128xf32, #tpu.memory_space<hbm>>
    tpu.wait_dma2 semaphore(%arg21 : memref<!tpu.dma_semaphore, #tpu.memory_space<semaphore_mem>>) src(%arg15 : memref<80x128xf32, #tpu.memory_space<vmem>>) dst(%dma_wait3A_364 : memref<80x128xf32, #tpu.memory_space<hbm>>)
    %dma_wait3A_365 = arith.constant 0 : i32
    %dma_wait3A_366 = arith.constant 0 : i32
    %dma_wait3A_367 = tpu.memref_slice %arg6[%arg0, %dma_wait3A_365, %dma_wait3A_366] : memref<2x10000x128xf32, #tpu.memory_space<hbm>> -> memref<1x80x128xf32, #tpu.memory_space<hbm>>
    %dma_wait3A_368 = tpu.memref_squeeze %dma_wait3A_367 : memref<1x80x128xf32, #tpu.memory_space<hbm>> -> memref<80x128xf32, #tpu.memory_space<hbm>>
    %dma_wait3A_369 = arith.constant 0 : i32
    %dma_wait3A_370 = arith.constant 0 : i32
    %dma_wait3A_371 = tpu.memref_slice %arg6[%arg0, %dma_wait3A_369, %dma_wait3A_370] : memref<2x10000x128xf32, #tpu.memory_space<hbm>> -> memref<1x80x128xf32, #tpu.memory_space<hbm>>
    %dma_wait3A_372 = tpu.memref_squeeze %dma_wait3A_371 : memref<1x80x128xf32, #tpu.memory_space<hbm>> -> memref<80x128xf32, #tpu.memory_space<hbm>>
    tpu.wait_dma2 semaphore(%arg22 : memref<!tpu.dma_semaphore, #tpu.memory_space<semaphore_mem>>) src(%arg16 : memref<80x128xf32, #tpu.memory_space<vmem>>) dst(%dma_wait3A_372 : memref<80x128xf32, #tpu.memory_space<hbm>>)
    %dma_wait3A_373 = arith.constant 0 : i32
    %dma_wait3A_374 = arith.constant 0 : i32
    %dma_wait3A_375 = tpu.memref_slice %arg6[%arg0, %dma_wait3A_373, %dma_wait3A_374] : memref<2x10000x128xf32, #tpu.memory_space<hbm>> -> memref<1x80x128xf32, #tpu.memory_space<hbm>>
    %dma_wait3A_376 = tpu.memref_squeeze %dma_wait3A_375 : memref<1x80x128xf32, #tpu.memory_space<hbm>> -> memref<80x128xf32, #tpu.memory_space<hbm>>
    %dma_wait3A_377 = arith.constant 0 : i32
    %dma_wait3A_378 = arith.constant 0 : i32
    %dma_wait3A_379 = tpu.memref_slice %arg6[%arg0, %dma_wait3A_377, %dma_wait3A_378] : memref<2x10000x128xf32, #tpu.memory_space<hbm>> -> memref<1x80x128xf32, #tpu.memory_space<hbm>>
    %dma_wait3A_380 = tpu.memref_squeeze %dma_wait3A_379 : memref<1x80x128xf32, #tpu.memory_space<hbm>> -> memref<80x128xf32, #tpu.memory_space<hbm>>
    tpu.wait_dma2 semaphore(%arg23 : memref<!tpu.dma_semaphore, #tpu.memory_space<semaphore_mem>>) src(%arg17 : memref<80x128xf32, #tpu.memory_space<vmem>>) dst(%dma_wait3A_380 : memref<80x128xf32, #tpu.memory_space<hbm>>)
    return
  }
}

#map = affine_map<(d0, d1) -> (0, 0)>
#map1 = affine_map<(d0, d1) -> (0)>
#map2 = affine_map<(d0, d1) -> (0, 0, 0)>
module attributes {stable_mosaic.version = 14 : i64} {
  func.func @body(%arg0: i32, %arg1: i32, %arg2: memref<10000x128xf32, #tpu.memory_space<hbm>>, %arg3: memref<320000xi32, #tpu.memory_space<hbm>>, %arg4: memref<320000xi32, #tpu.memory_space<hbm>>, %arg5: memref<80x128xf32, #tpu.memory_space<hbm>>, %arg6: memref<2x10000x128xf32, #tpu.memory_space<hbm>>, %arg7: memref<32x10000xf32, #tpu.memory_space<hbm>>, %arg8: memref<10000x128xf32, #tpu.memory_space<vmem_shared>>, %arg9: memref<240xi32, #tpu.memory_space<vmem>>, %arg10: memref<240xi32, #tpu.memory_space<vmem>>, %arg11: memref<240xi32, #tpu.memory_space<vmem>>, %arg12: memref<240xi32, #tpu.memory_space<vmem>>, %arg13: memref<80xi32, #tpu.memory_space<vmem>>, %arg14: memref<80xi32, #tpu.memory_space<vmem>>, %arg15: memref<80xi32, #tpu.memory_space<vmem>>, %arg16: memref<80x128xf32, #tpu.memory_space<vmem>>, %arg17: memref<80x128xf32, #tpu.memory_space<vmem>>, %arg18: memref<80x128xf32, #tpu.memory_space<vmem>>, %arg19: memref<!tpu.dma_semaphore, #tpu.memory_space<semaphore_mem>>, %arg20: memref<!tpu.dma_semaphore, #tpu.memory_space<semaphore_mem>>, %arg21: memref<!tpu.dma_semaphore, #tpu.memory_space<semaphore_mem>>, %arg22: memref<!tpu.dma_semaphore, #tpu.memory_space<semaphore_mem>>, %arg23: memref<!tpu.dma_semaphore, #tpu.memory_space<semaphore_mem>>, %arg24: memref<!tpu.dma_semaphore, #tpu.memory_space<semaphore_mem>>, %arg25: memref<!tpu.dma_semaphore, #tpu.memory_space<semaphore_mem>>, %arg26: memref<10000xf32, #tpu.memory_space<vmem>>) attributes {dimension_semantics = [#tpu.dimension_semantics<core_parallel>, #tpu.dimension_semantics<subcore_parallel>], iteration_bounds = array<i64: 2, 16>, scalar_prefetch = 0 : i64, scratch_operands = 19 : i64, tpu.core_type = #tpu.core_type<sc_vector_subcore>, window_params = [{transform_indices = #map}, {transform_indices = #map1}, {transform_indices = #map1}, {transform_indices = #map}, {transform_indices = #map2}, {transform_indices = #map}]} {
    %mul3A = arith.constant 16 : i32
    %mul3A_0 = arith.muli %arg0, %mul3A : i32
    %add3A = arith.addi %mul3A_0, %arg1 : i32
    %mul3A_1 = arith.constant 10000 : i32
    %mul3A_2 = arith.muli %add3A, %mul3A_1 : i32
    %broadcast_in_dim3A = arith.constant 1.000000e+00 : f32
    %broadcast_in_dim3A_3 = vector.broadcast %broadcast_in_dim3A : f32 to vector<16xf32>
    "tpu.region"() ({
      %run_scoped3A = tpu.sem_alloc : memref<!tpu.dma_semaphore, #tpu.memory_space<semaphore_mem>>
      tpu.enqueue_dma source(%arg5 : memref<80x128xf32, #tpu.memory_space<hbm>>) target(%arg16 : memref<80x128xf32, #tpu.memory_space<vmem>>) target_semaphore(%run_scoped3A : memref<!tpu.dma_semaphore, #tpu.memory_space<semaphore_mem>>)
      tpu.wait_dma2 semaphore(%run_scoped3A : memref<!tpu.dma_semaphore, #tpu.memory_space<semaphore_mem>>) src(%arg5 : memref<80x128xf32, #tpu.memory_space<hbm>>) dst(%arg16 : memref<80x128xf32, #tpu.memory_space<vmem>>)
      tpu.yield
    }) : () -> ()
    %add3A_4 = arith.constant 0 : i32
    %add3A_5 = arith.addi %arg1, %add3A_4 : i32
    %mul3A_6 = arith.constant 80 : i32
    %mul3A_7 = arith.muli %add3A_5, %mul3A_6 : i32
    %dma_start3A = arith.constant 0 : i32
    %dma_start3A_8 = tpu.memref_slice %arg8[%mul3A_7, %dma_start3A] : memref<10000x128xf32, #tpu.memory_space<vmem_shared>> -> memref<80x128xf32, #tpu.memory_space<vmem_shared>>
    %dma_start3A_9 = arith.constant 0 : i32
    %dma_start3A_10 = tpu.memref_slice %arg8[%mul3A_7, %dma_start3A_9] : memref<10000x128xf32, #tpu.memory_space<vmem_shared>> -> memref<80x128xf32, #tpu.memory_space<vmem_shared>>
    tpu.enqueue_dma source(%arg16 : memref<80x128xf32, #tpu.memory_space<vmem>>) target(%dma_start3A_10 : memref<80x128xf32, #tpu.memory_space<vmem_shared>>) target_semaphore(%arg19 : memref<!tpu.dma_semaphore, #tpu.memory_space<semaphore_mem>>)
    %add3A_11 = arith.constant 16 : i32
    %add3A_12 = arith.addi %arg1, %add3A_11 : i32
    %mul3A_13 = arith.constant 80 : i32
    %mul3A_14 = arith.muli %add3A_12, %mul3A_13 : i32
    %dma_start3A_15 = arith.constant 0 : i32
    %dma_start3A_16 = tpu.memref_slice %arg8[%mul3A_14, %dma_start3A_15] : memref<10000x128xf32, #tpu.memory_space<vmem_shared>> -> memref<80x128xf32, #tpu.memory_space<vmem_shared>>
    %dma_start3A_17 = arith.constant 0 : i32
    %dma_start3A_18 = tpu.memref_slice %arg8[%mul3A_14, %dma_start3A_17] : memref<10000x128xf32, #tpu.memory_space<vmem_shared>> -> memref<80x128xf32, #tpu.memory_space<vmem_shared>>
    tpu.enqueue_dma source(%arg16 : memref<80x128xf32, #tpu.memory_space<vmem>>) target(%dma_start3A_18 : memref<80x128xf32, #tpu.memory_space<vmem_shared>>) target_semaphore(%arg19 : memref<!tpu.dma_semaphore, #tpu.memory_space<semaphore_mem>>)
    %add3A_19 = arith.constant 32 : i32
    %add3A_20 = arith.addi %arg1, %add3A_19 : i32
    %mul3A_21 = arith.constant 80 : i32
    %mul3A_22 = arith.muli %add3A_20, %mul3A_21 : i32
    %dma_start3A_23 = arith.constant 0 : i32
    %dma_start3A_24 = tpu.memref_slice %arg8[%mul3A_22, %dma_start3A_23] : memref<10000x128xf32, #tpu.memory_space<vmem_shared>> -> memref<80x128xf32, #tpu.memory_space<vmem_shared>>
    %dma_start3A_25 = arith.constant 0 : i32
    %dma_start3A_26 = tpu.memref_slice %arg8[%mul3A_22, %dma_start3A_25] : memref<10000x128xf32, #tpu.memory_space<vmem_shared>> -> memref<80x128xf32, #tpu.memory_space<vmem_shared>>
    tpu.enqueue_dma source(%arg16 : memref<80x128xf32, #tpu.memory_space<vmem>>) target(%dma_start3A_26 : memref<80x128xf32, #tpu.memory_space<vmem_shared>>) target_semaphore(%arg19 : memref<!tpu.dma_semaphore, #tpu.memory_space<semaphore_mem>>)
    %add3A_27 = arith.constant 48 : i32
    %add3A_28 = arith.addi %arg1, %add3A_27 : i32
    %mul3A_29 = arith.constant 80 : i32
    %mul3A_30 = arith.muli %add3A_28, %mul3A_29 : i32
    %dma_start3A_31 = arith.constant 0 : i32
    %dma_start3A_32 = tpu.memref_slice %arg8[%mul3A_30, %dma_start3A_31] : memref<10000x128xf32, #tpu.memory_space<vmem_shared>> -> memref<80x128xf32, #tpu.memory_space<vmem_shared>>
    %dma_start3A_33 = arith.constant 0 : i32
    %dma_start3A_34 = tpu.memref_slice %arg8[%mul3A_30, %dma_start3A_33] : memref<10000x128xf32, #tpu.memory_space<vmem_shared>> -> memref<80x128xf32, #tpu.memory_space<vmem_shared>>
    tpu.enqueue_dma source(%arg16 : memref<80x128xf32, #tpu.memory_space<vmem>>) target(%dma_start3A_34 : memref<80x128xf32, #tpu.memory_space<vmem_shared>>) target_semaphore(%arg19 : memref<!tpu.dma_semaphore, #tpu.memory_space<semaphore_mem>>)
    %add3A_35 = arith.constant 64 : i32
    %add3A_36 = arith.addi %arg1, %add3A_35 : i32
    %mul3A_37 = arith.constant 80 : i32
    %mul3A_38 = arith.muli %add3A_36, %mul3A_37 : i32
    %dma_start3A_39 = arith.constant 0 : i32
    %dma_start3A_40 = tpu.memref_slice %arg8[%mul3A_38, %dma_start3A_39] : memref<10000x128xf32, #tpu.memory_space<vmem_shared>> -> memref<80x128xf32, #tpu.memory_space<vmem_shared>>
    %dma_start3A_41 = arith.constant 0 : i32
    %dma_start3A_42 = tpu.memref_slice %arg8[%mul3A_38, %dma_start3A_41] : memref<10000x128xf32, #tpu.memory_space<vmem_shared>> -> memref<80x128xf32, #tpu.memory_space<vmem_shared>>
    tpu.enqueue_dma source(%arg16 : memref<80x128xf32, #tpu.memory_space<vmem>>) target(%dma_start3A_42 : memref<80x128xf32, #tpu.memory_space<vmem_shared>>) target_semaphore(%arg19 : memref<!tpu.dma_semaphore, #tpu.memory_space<semaphore_mem>>)
    %add3A_43 = arith.constant 80 : i32
    %add3A_44 = arith.addi %arg1, %add3A_43 : i32
    %mul3A_45 = arith.constant 80 : i32
    %mul3A_46 = arith.muli %add3A_44, %mul3A_45 : i32
    %dma_start3A_47 = arith.constant 0 : i32
    %dma_start3A_48 = tpu.memref_slice %arg8[%mul3A_46, %dma_start3A_47] : memref<10000x128xf32, #tpu.memory_space<vmem_shared>> -> memref<80x128xf32, #tpu.memory_space<vmem_shared>>
    %dma_start3A_49 = arith.constant 0 : i32
    %dma_start3A_50 = tpu.memref_slice %arg8[%mul3A_46, %dma_start3A_49] : memref<10000x128xf32, #tpu.memory_space<vmem_shared>> -> memref<80x128xf32, #tpu.memory_space<vmem_shared>>
    tpu.enqueue_dma source(%arg16 : memref<80x128xf32, #tpu.memory_space<vmem>>) target(%dma_start3A_50 : memref<80x128xf32, #tpu.memory_space<vmem_shared>>) target_semaphore(%arg19 : memref<!tpu.dma_semaphore, #tpu.memory_space<semaphore_mem>>)
    %add3A_51 = arith.constant 96 : i32
    %add3A_52 = arith.addi %arg1, %add3A_51 : i32
    %mul3A_53 = arith.constant 80 : i32
    %mul3A_54 = arith.muli %add3A_52, %mul3A_53 : i32
    %dma_start3A_55 = arith.constant 0 : i32
    %dma_start3A_56 = tpu.memref_slice %arg8[%mul3A_54, %dma_start3A_55] : memref<10000x128xf32, #tpu.memory_space<vmem_shared>> -> memref<80x128xf32, #tpu.memory_space<vmem_shared>>
    %dma_start3A_57 = arith.constant 0 : i32
    %dma_start3A_58 = tpu.memref_slice %arg8[%mul3A_54, %dma_start3A_57] : memref<10000x128xf32, #tpu.memory_space<vmem_shared>> -> memref<80x128xf32, #tpu.memory_space<vmem_shared>>
    tpu.enqueue_dma source(%arg16 : memref<80x128xf32, #tpu.memory_space<vmem>>) target(%dma_start3A_58 : memref<80x128xf32, #tpu.memory_space<vmem_shared>>) target_semaphore(%arg19 : memref<!tpu.dma_semaphore, #tpu.memory_space<semaphore_mem>>)
    %add3A_59 = arith.constant 112 : i32
    %add3A_60 = arith.addi %arg1, %add3A_59 : i32
    %lt3A = arith.constant 125 : i32
    %lt3A_61 = arith.cmpi slt, %add3A_60, %lt3A : i32
    %convert_element_type3A = arith.extui %lt3A_61 : i1 to i32
    %cond3A = arith.constant 0 : i32
    %cond3A_62 = arith.cmpi ne, %convert_element_type3A, %cond3A : i32
    scf.if %cond3A_62 {
      %mul3A_439 = arith.constant 80 : i32
      %mul3A_440 = arith.muli %add3A_60, %mul3A_439 : i32
      %dma_start3A_441 = arith.constant 0 : i32
      %dma_start3A_442 = tpu.memref_slice %arg8[%mul3A_440, %dma_start3A_441] : memref<10000x128xf32, #tpu.memory_space<vmem_shared>> -> memref<80x128xf32, #tpu.memory_space<vmem_shared>>
      %dma_start3A_443 = arith.constant 0 : i32
      %dma_start3A_444 = tpu.memref_slice %arg8[%mul3A_440, %dma_start3A_443] : memref<10000x128xf32, #tpu.memory_space<vmem_shared>> -> memref<80x128xf32, #tpu.memory_space<vmem_shared>>
      tpu.enqueue_dma source(%arg16 : memref<80x128xf32, #tpu.memory_space<vmem>>) target(%dma_start3A_444 : memref<80x128xf32, #tpu.memory_space<vmem_shared>>) target_semaphore(%arg19 : memref<!tpu.dma_semaphore, #tpu.memory_space<semaphore_mem>>)
    } else {
    }
    %broadcast_in_dim3A_63 = arith.constant 0.000000e+00 : f32
    %broadcast_in_dim3A_64 = vector.broadcast %broadcast_in_dim3A_63 : f32 to vector<16xf32>
    %scan3A = arith.constant 0 : i32
    %scan3A_65 = arith.constant 0 : i32
    %scan3A_66 = arith.constant 625 : i32
    %scan3A_67 = arith.addi %scan3A_65, %scan3A_66 : i32
    %scan3A_68 = arith.constant 1 : i32
    scf.for %scan3A_439 = %scan3A_65 to %scan3A_67 step %scan3A_68  : i32 {
      %mul3A_440 = arith.constant 16 : i32
      %mul3A_441 = arith.muli %scan3A_439, %mul3A_440 : i32
      %swap3A_442 = arith.index_cast %mul3A_441 : i32 to index
      %swap3A_443 = tpu.vector_load %arg26[%swap3A_442] {strides = array<i32>} : memref<10000xf32, #tpu.memory_space<vmem>>, vector<16xf32>,
      tpu.vector_store %arg26[%swap3A_442], %broadcast_in_dim3A_64 {strides = array<i32>} : memref<10000xf32, #tpu.memory_space<vmem>>, vector<16xf32>,
    }
    %scan3A_69 = arith.constant 625 : i32
    %dma_wait3A = arith.constant 0 : i32
    %dma_wait3A_70 = arith.constant 0 : i32
    %dma_wait3A_71 = tpu.memref_slice %arg8[%dma_wait3A, %dma_wait3A_70] : memref<10000x128xf32, #tpu.memory_space<vmem_shared>> -> memref<80x128xf32, #tpu.memory_space<vmem_shared>>
    %dma_wait3A_72 = arith.constant 0 : i32
    %dma_wait3A_73 = arith.constant 0 : i32
    %dma_wait3A_74 = tpu.memref_slice %arg8[%dma_wait3A_72, %dma_wait3A_73] : memref<10000x128xf32, #tpu.memory_space<vmem_shared>> -> memref<80x128xf32, #tpu.memory_space<vmem_shared>>
    tpu.wait_dma2 semaphore(%arg19 : memref<!tpu.dma_semaphore, #tpu.memory_space<semaphore_mem>>) src(%arg16 : memref<80x128xf32, #tpu.memory_space<vmem>>) dst(%dma_wait3A_74 : memref<80x128xf32, #tpu.memory_space<vmem_shared>>)
    %dma_wait3A_75 = arith.constant 0 : i32
    %dma_wait3A_76 = arith.constant 0 : i32
    %dma_wait3A_77 = tpu.memref_slice %arg8[%dma_wait3A_75, %dma_wait3A_76] : memref<10000x128xf32, #tpu.memory_space<vmem_shared>> -> memref<80x128xf32, #tpu.memory_space<vmem_shared>>
    %dma_wait3A_78 = arith.constant 0 : i32
    %dma_wait3A_79 = arith.constant 0 : i32
    %dma_wait3A_80 = tpu.memref_slice %arg8[%dma_wait3A_78, %dma_wait3A_79] : memref<10000x128xf32, #tpu.memory_space<vmem_shared>> -> memref<80x128xf32, #tpu.memory_space<vmem_shared>>
    tpu.wait_dma2 semaphore(%arg19 : memref<!tpu.dma_semaphore, #tpu.memory_space<semaphore_mem>>) src(%arg16 : memref<80x128xf32, #tpu.memory_space<vmem>>) dst(%dma_wait3A_80 : memref<80x128xf32, #tpu.memory_space<vmem_shared>>)
    %dma_wait3A_81 = arith.constant 0 : i32
    %dma_wait3A_82 = arith.constant 0 : i32
    %dma_wait3A_83 = tpu.memref_slice %arg8[%dma_wait3A_81, %dma_wait3A_82] : memref<10000x128xf32, #tpu.memory_space<vmem_shared>> -> memref<80x128xf32, #tpu.memory_space<vmem_shared>>
    %dma_wait3A_84 = arith.constant 0 : i32
    %dma_wait3A_85 = arith.constant 0 : i32
    %dma_wait3A_86 = tpu.memref_slice %arg8[%dma_wait3A_84, %dma_wait3A_85] : memref<10000x128xf32, #tpu.memory_space<vmem_shared>> -> memref<80x128xf32, #tpu.memory_space<vmem_shared>>
    tpu.wait_dma2 semaphore(%arg19 : memref<!tpu.dma_semaphore, #tpu.memory_space<semaphore_mem>>) src(%arg16 : memref<80x128xf32, #tpu.memory_space<vmem>>) dst(%dma_wait3A_86 : memref<80x128xf32, #tpu.memory_space<vmem_shared>>)
    %dma_wait3A_87 = arith.constant 0 : i32
    %dma_wait3A_88 = arith.constant 0 : i32
    %dma_wait3A_89 = tpu.memref_slice %arg8[%dma_wait3A_87, %dma_wait3A_88] : memref<10000x128xf32, #tpu.memory_space<vmem_shared>> -> memref<80x128xf32, #tpu.memory_space<vmem_shared>>
    %dma_wait3A_90 = arith.constant 0 : i32
    %dma_wait3A_91 = arith.constant 0 : i32
    %dma_wait3A_92 = tpu.memref_slice %arg8[%dma_wait3A_90, %dma_wait3A_91] : memref<10000x128xf32, #tpu.memory_space<vmem_shared>> -> memref<80x128xf32, #tpu.memory_space<vmem_shared>>
    tpu.wait_dma2 semaphore(%arg19 : memref<!tpu.dma_semaphore, #tpu.memory_space<semaphore_mem>>) src(%arg16 : memref<80x128xf32, #tpu.memory_space<vmem>>) dst(%dma_wait3A_92 : memref<80x128xf32, #tpu.memory_space<vmem_shared>>)
    %dma_wait3A_93 = arith.constant 0 : i32
    %dma_wait3A_94 = arith.constant 0 : i32
    %dma_wait3A_95 = tpu.memref_slice %arg8[%dma_wait3A_93, %dma_wait3A_94] : memref<10000x128xf32, #tpu.memory_space<vmem_shared>> -> memref<80x128xf32, #tpu.memory_space<vmem_shared>>
    %dma_wait3A_96 = arith.constant 0 : i32
    %dma_wait3A_97 = arith.constant 0 : i32
    %dma_wait3A_98 = tpu.memref_slice %arg8[%dma_wait3A_96, %dma_wait3A_97] : memref<10000x128xf32, #tpu.memory_space<vmem_shared>> -> memref<80x128xf32, #tpu.memory_space<vmem_shared>>
    tpu.wait_dma2 semaphore(%arg19 : memref<!tpu.dma_semaphore, #tpu.memory_space<semaphore_mem>>) src(%arg16 : memref<80x128xf32, #tpu.memory_space<vmem>>) dst(%dma_wait3A_98 : memref<80x128xf32, #tpu.memory_space<vmem_shared>>)
    %dma_wait3A_99 = arith.constant 0 : i32
    %dma_wait3A_100 = arith.constant 0 : i32
    %dma_wait3A_101 = tpu.memref_slice %arg8[%dma_wait3A_99, %dma_wait3A_100] : memref<10000x128xf32, #tpu.memory_space<vmem_shared>> -> memref<80x128xf32, #tpu.memory_space<vmem_shared>>
    %dma_wait3A_102 = arith.constant 0 : i32
    %dma_wait3A_103 = arith.constant 0 : i32
    %dma_wait3A_104 = tpu.memref_slice %arg8[%dma_wait3A_102, %dma_wait3A_103] : memref<10000x128xf32, #tpu.memory_space<vmem_shared>> -> memref<80x128xf32, #tpu.memory_space<vmem_shared>>
    tpu.wait_dma2 semaphore(%arg19 : memref<!tpu.dma_semaphore, #tpu.memory_space<semaphore_mem>>) src(%arg16 : memref<80x128xf32, #tpu.memory_space<vmem>>) dst(%dma_wait3A_104 : memref<80x128xf32, #tpu.memory_space<vmem_shared>>)
    %dma_wait3A_105 = arith.constant 0 : i32
    %dma_wait3A_106 = arith.constant 0 : i32
    %dma_wait3A_107 = tpu.memref_slice %arg8[%dma_wait3A_105, %dma_wait3A_106] : memref<10000x128xf32, #tpu.memory_space<vmem_shared>> -> memref<80x128xf32, #tpu.memory_space<vmem_shared>>
    %dma_wait3A_108 = arith.constant 0 : i32
    %dma_wait3A_109 = arith.constant 0 : i32
    %dma_wait3A_110 = tpu.memref_slice %arg8[%dma_wait3A_108, %dma_wait3A_109] : memref<10000x128xf32, #tpu.memory_space<vmem_shared>> -> memref<80x128xf32, #tpu.memory_space<vmem_shared>>
    tpu.wait_dma2 semaphore(%arg19 : memref<!tpu.dma_semaphore, #tpu.memory_space<semaphore_mem>>) src(%arg16 : memref<80x128xf32, #tpu.memory_space<vmem>>) dst(%dma_wait3A_110 : memref<80x128xf32, #tpu.memory_space<vmem_shared>>)
    %add3A_111 = arith.constant 112 : i32
    %add3A_112 = arith.addi %arg1, %add3A_111 : i32
    %lt3A_113 = arith.constant 125 : i32
    %lt3A_114 = arith.cmpi slt, %add3A_112, %lt3A_113 : i32
    %convert_element_type3A_115 = arith.extui %lt3A_114 : i1 to i32
    %cond3A_116 = arith.constant 0 : i32
    %cond3A_117 = arith.cmpi ne, %convert_element_type3A_115, %cond3A_116 : i32
    scf.if %cond3A_117 {
      %dma_wait3A_439 = arith.constant 0 : i32
      %dma_wait3A_440 = arith.constant 0 : i32
      %dma_wait3A_441 = tpu.memref_slice %arg8[%dma_wait3A_439, %dma_wait3A_440] : memref<10000x128xf32, #tpu.memory_space<vmem_shared>> -> memref<80x128xf32, #tpu.memory_space<vmem_shared>>
      %dma_wait3A_442 = arith.constant 0 : i32
      %dma_wait3A_443 = arith.constant 0 : i32
      %dma_wait3A_444 = tpu.memref_slice %arg8[%dma_wait3A_442, %dma_wait3A_443] : memref<10000x128xf32, #tpu.memory_space<vmem_shared>> -> memref<80x128xf32, #tpu.memory_space<vmem_shared>>
      tpu.wait_dma2 semaphore(%arg19 : memref<!tpu.dma_semaphore, #tpu.memory_space<semaphore_mem>>) src(%arg16 : memref<80x128xf32, #tpu.memory_space<vmem>>) dst(%dma_wait3A_444 : memref<80x128xf32, #tpu.memory_space<vmem_shared>>)
    } else {
    }
    %barrier3A = arith.constant 0 : index
    tpu.barrier barrier_id(%barrier3A)
    %dma_start3A_118 = tpu.memref_slice %arg3[%mul3A_2] : memref<320000xi32, #tpu.memory_space<hbm>> -> memref<240xi32, #tpu.memory_space<hbm>>
    %dma_start3A_119 = tpu.memref_slice %arg3[%mul3A_2] : memref<320000xi32, #tpu.memory_space<hbm>> -> memref<240xi32, #tpu.memory_space<hbm>>
    tpu.enqueue_dma source(%dma_start3A_119 : memref<240xi32, #tpu.memory_space<hbm>>) target(%arg9 : memref<240xi32, #tpu.memory_space<vmem>>) target_semaphore(%arg25 : memref<!tpu.dma_semaphore, #tpu.memory_space<semaphore_mem>>)
    %dma_start3A_120 = tpu.memref_slice %arg4[%mul3A_2] : memref<320000xi32, #tpu.memory_space<hbm>> -> memref<240xi32, #tpu.memory_space<hbm>>
    %dma_start3A_121 = tpu.memref_slice %arg4[%mul3A_2] : memref<320000xi32, #tpu.memory_space<hbm>> -> memref<240xi32, #tpu.memory_space<hbm>>
    tpu.enqueue_dma source(%dma_start3A_121 : memref<240xi32, #tpu.memory_space<hbm>>) target(%arg11 : memref<240xi32, #tpu.memory_space<vmem>>) target_semaphore(%arg25 : memref<!tpu.dma_semaphore, #tpu.memory_space<semaphore_mem>>)
    %dma_wait3A_122 = arith.constant 0 : i32
    %dma_wait3A_123 = tpu.memref_slice %arg3[%dma_wait3A_122] : memref<320000xi32, #tpu.memory_space<hbm>> -> memref<240xi32, #tpu.memory_space<hbm>>
    %dma_wait3A_124 = arith.constant 0 : i32
    %dma_wait3A_125 = tpu.memref_slice %arg3[%dma_wait3A_124] : memref<320000xi32, #tpu.memory_space<hbm>> -> memref<240xi32, #tpu.memory_space<hbm>>
    tpu.wait_dma2 semaphore(%arg25 : memref<!tpu.dma_semaphore, #tpu.memory_space<semaphore_mem>>) src(%dma_wait3A_125 : memref<240xi32, #tpu.memory_space<hbm>>) dst(%arg9 : memref<240xi32, #tpu.memory_space<vmem>>)
    %dma_wait3A_126 = arith.constant 0 : i32
    %dma_wait3A_127 = tpu.memref_slice %arg4[%dma_wait3A_126] : memref<320000xi32, #tpu.memory_space<hbm>> -> memref<240xi32, #tpu.memory_space<hbm>>
    %dma_wait3A_128 = arith.constant 0 : i32
    %dma_wait3A_129 = tpu.memref_slice %arg4[%dma_wait3A_128] : memref<320000xi32, #tpu.memory_space<hbm>> -> memref<240xi32, #tpu.memory_space<hbm>>
    tpu.wait_dma2 semaphore(%arg25 : memref<!tpu.dma_semaphore, #tpu.memory_space<semaphore_mem>>) src(%dma_wait3A_129 : memref<240xi32, #tpu.memory_space<hbm>>) dst(%arg11 : memref<240xi32, #tpu.memory_space<vmem>>)
    %scan3A_130 = arith.constant 0 : i32
    %scan3A_131 = arith.constant 0 : i32
    %scan3A_132 = arith.constant 20 : i32
    %scan3A_133 = arith.addi %scan3A_131, %scan3A_132 : i32
    %scan3A_134 = arith.constant 1 : i32
    scf.for %scan3A_439 = %scan3A_131 to %scan3A_133 step %scan3A_134  : i32 {
      %mul3A_440 = arith.constant 2 : i32
      %mul3A_441 = arith.muli %mul3A_440, %scan3A_439 : i32
      %gt3A_442 = arith.constant 0 : i32
      %gt3A_443 = arith.cmpi sgt, %mul3A_441, %gt3A_442 : i32
      %convert_element_type3A_444 = arith.extui %gt3A_443 : i1 to i32
      %cond3A_445 = arith.constant 0 : i32
      %cond3A_446 = arith.cmpi ne, %convert_element_type3A_444, %cond3A_445 : i32
      scf.if %cond3A_446 {
        %dma_wait3A_720 = arith.constant 0 : i32
        %dma_wait3A_721 = tpu.memref_slice %arg3[%dma_wait3A_720] : memref<320000xi32, #tpu.memory_space<hbm>> -> memref<240xi32, #tpu.memory_space<hbm>>
        %dma_wait3A_722 = arith.constant 0 : i32
        %dma_wait3A_723 = tpu.memref_slice %arg3[%dma_wait3A_722] : memref<320000xi32, #tpu.memory_space<hbm>> -> memref<240xi32, #tpu.memory_space<hbm>>
        tpu.wait_dma2 semaphore(%arg25 : memref<!tpu.dma_semaphore, #tpu.memory_space<semaphore_mem>>) src(%dma_wait3A_723 : memref<240xi32, #tpu.memory_space<hbm>>) dst(%arg9 : memref<240xi32, #tpu.memory_space<vmem>>)
        %dma_wait3A_724 = arith.constant 0 : i32
        %dma_wait3A_725 = tpu.memref_slice %arg4[%dma_wait3A_724] : memref<320000xi32, #tpu.memory_space<hbm>> -> memref<240xi32, #tpu.memory_space<hbm>>
        %dma_wait3A_726 = arith.constant 0 : i32
        %dma_wait3A_727 = tpu.memref_slice %arg4[%dma_wait3A_726] : memref<320000xi32, #tpu.memory_space<hbm>> -> memref<240xi32, #tpu.memory_space<hbm>>
        tpu.wait_dma2 semaphore(%arg25 : memref<!tpu.dma_semaphore, #tpu.memory_space<semaphore_mem>>) src(%dma_wait3A_727 : memref<240xi32, #tpu.memory_space<hbm>>) dst(%arg11 : memref<240xi32, #tpu.memory_space<vmem>>)
      } else {
      }
      %gt3A_447 = arith.constant 0 : i32
      %gt3A_448 = arith.cmpi sgt, %mul3A_441, %gt3A_447 : i32
      %convert_element_type3A_449 = arith.extui %gt3A_448 : i1 to i32
      %cond3A_450 = arith.constant 0 : i32
      %cond3A_451 = arith.cmpi ne, %convert_element_type3A_449, %cond3A_450 : i32
      scf.if %cond3A_451 {
        %dma_wait3A_720 = arith.constant 0 : i32
        %dma_wait3A_721 = arith.constant 0 : i32
        %dma_wait3A_722 = tpu.memref_slice %arg8[%dma_wait3A_720, %dma_wait3A_721] : memref<10000x128xf32, #tpu.memory_space<vmem_shared>> -> memref<10000x128xf32, #tpu.memory_space<vmem_shared>>
        tpu.wait_indirect_dma semaphore(%arg22 : memref<!tpu.dma_semaphore, #tpu.memory_space<semaphore_mem>>) src(%arg16 : memref<80x128xf32, #tpu.memory_space<vmem>>) dst(%dma_wait3A_722 : memref<10000x128xf32, #tpu.memory_space<vmem_shared>>)
      } else {
      }
      %get3A_452 = arith.constant 0 : index
      %get3A_453 = tpu.vector_load %arg11[%get3A_452] {strides = array<i32>} : memref<240xi32, #tpu.memory_space<vmem>>, vector<16xi32>,
      %swap3A_454 = arith.constant 0 : index
      %swap3A_455 = tpu.vector_load %arg13[%swap3A_454] {strides = array<i32>} : memref<80xi32, #tpu.memory_space<vmem>>, vector<16xi32>,
      tpu.vector_store %arg13[%swap3A_454], %get3A_453 {strides = array<i32>} : memref<80xi32, #tpu.memory_space<vmem>>, vector<16xi32>,
      %get3A_456 = arith.constant 16 : index
      %get3A_457 = tpu.vector_load %arg11[%get3A_456] {strides = array<i32>} : memref<240xi32, #tpu.memory_space<vmem>>, vector<16xi32>,
      %swap3A_458 = arith.constant 16 : index
      %swap3A_459 = tpu.vector_load %arg13[%swap3A_458] {strides = array<i32>} : memref<80xi32, #tpu.memory_space<vmem>>, vector<16xi32>,
      tpu.vector_store %arg13[%swap3A_458], %get3A_457 {strides = array<i32>} : memref<80xi32, #tpu.memory_space<vmem>>, vector<16xi32>,
      %get3A_460 = arith.constant 32 : index
      %get3A_461 = tpu.vector_load %arg11[%get3A_460] {strides = array<i32>} : memref<240xi32, #tpu.memory_space<vmem>>, vector<16xi32>,
      %swap3A_462 = arith.constant 32 : index
      %swap3A_463 = tpu.vector_load %arg13[%swap3A_462] {strides = array<i32>} : memref<80xi32, #tpu.memory_space<vmem>>, vector<16xi32>,
      tpu.vector_store %arg13[%swap3A_462], %get3A_461 {strides = array<i32>} : memref<80xi32, #tpu.memory_space<vmem>>, vector<16xi32>,
      %get3A_464 = arith.constant 48 : index
      %get3A_465 = tpu.vector_load %arg11[%get3A_464] {strides = array<i32>} : memref<240xi32, #tpu.memory_space<vmem>>, vector<16xi32>,
      %swap3A_466 = arith.constant 48 : index
      %swap3A_467 = tpu.vector_load %arg13[%swap3A_466] {strides = array<i32>} : memref<80xi32, #tpu.memory_space<vmem>>, vector<16xi32>,
      tpu.vector_store %arg13[%swap3A_466], %get3A_465 {strides = array<i32>} : memref<80xi32, #tpu.memory_space<vmem>>, vector<16xi32>,
      %get3A_468 = arith.constant 64 : index
      %get3A_469 = tpu.vector_load %arg11[%get3A_468] {strides = array<i32>} : memref<240xi32, #tpu.memory_space<vmem>>, vector<16xi32>,
      %swap3A_470 = arith.constant 64 : index
      %swap3A_471 = tpu.vector_load %arg13[%swap3A_470] {strides = array<i32>} : memref<80xi32, #tpu.memory_space<vmem>>, vector<16xi32>,
      tpu.vector_store %arg13[%swap3A_470], %get3A_469 {strides = array<i32>} : memref<80xi32, #tpu.memory_space<vmem>>, vector<16xi32>,
      %dma_start3A_472 = arith.constant 0 : i32
      %dma_start3A_473 = tpu.memref_slice %arg9[%dma_start3A_472] : memref<240xi32, #tpu.memory_space<vmem>> -> memref<80xi32, #tpu.memory_space<vmem>>
      %dma_start3A_474 = arith.constant 0 : i32
      %dma_start3A_475 = arith.constant 0 : i32
      %dma_start3A_476 = tpu.memref_slice %arg2[%dma_start3A_474, %dma_start3A_475] : memref<10000x128xf32, #tpu.memory_space<hbm>> -> memref<10000x128xf32, #tpu.memory_space<hbm>>
      tpu.enqueue_indirect_dma source(%dma_start3A_476 : memref<10000x128xf32, #tpu.memory_space<hbm>>) target(%arg16 : memref<80x128xf32, #tpu.memory_space<vmem>>) offsets(%dma_start3A_473 : memref<80xi32, #tpu.memory_space<vmem>>) semaphore(%arg19 : memref<!tpu.dma_semaphore, #tpu.memory_space<semaphore_mem>>)
      %gt3A_477 = arith.constant 0 : i32
      %gt3A_478 = arith.cmpi sgt, %mul3A_441, %gt3A_477 : i32
      %convert_element_type3A_479 = arith.extui %gt3A_478 : i1 to i32
      %cond3A_480 = arith.constant 0 : i32
      %cond3A_481 = arith.cmpi ne, %convert_element_type3A_479, %cond3A_480 : i32
      scf.if %cond3A_481 {
        %dma_wait3A_720 = arith.constant 0 : i32
        %dma_wait3A_721 = arith.constant 0 : i32
        %dma_wait3A_722 = tpu.memref_slice %arg2[%dma_wait3A_720, %dma_wait3A_721] : memref<10000x128xf32, #tpu.memory_space<hbm>> -> memref<10000x128xf32, #tpu.memory_space<hbm>>
        tpu.wait_indirect_dma semaphore(%arg21 : memref<!tpu.dma_semaphore, #tpu.memory_space<semaphore_mem>>) src(%dma_wait3A_722 : memref<10000x128xf32, #tpu.memory_space<hbm>>) dst(%arg18 : memref<80x128xf32, #tpu.memory_space<vmem>>)
        %dma_start3A_723 = arith.constant 0 : i32
        %dma_start3A_724 = arith.constant 0 : i32
        %dma_start3A_725 = tpu.memref_slice %arg8[%dma_start3A_723, %dma_start3A_724] : memref<10000x128xf32, #tpu.memory_space<vmem_shared>> -> memref<10000x128xf32, #tpu.memory_space<vmem_shared>>
        tpu.enqueue_indirect_dma source(%arg18 : memref<80x128xf32, #tpu.memory_space<vmem>>) target(%dma_start3A_725 : memref<10000x128xf32, #tpu.memory_space<vmem_shared>>) offsets(%arg15 : memref<80xi32, #tpu.memory_space<vmem>>) semaphore(%arg24 : memref<!tpu.dma_semaphore, #tpu.memory_space<semaphore_mem>>) {add = true}
        %get3A_726 = arith.constant 0 : index
        %get3A_727 = tpu.vector_load %arg15[%get3A_726] {strides = array<i32>} : memref<80xi32, #tpu.memory_space<vmem>>, vector<16xi32>,
        tpu.vector_store_idx %arg26[%get3A_727], %broadcast_in_dim3A_3 {add = true} : memref<10000xf32, #tpu.memory_space<vmem>>[vector<16xi32>], vector<16xf32>,
        %get3A_728 = arith.constant 16 : index
        %get3A_729 = tpu.vector_load %arg15[%get3A_728] {strides = array<i32>} : memref<80xi32, #tpu.memory_space<vmem>>, vector<16xi32>,
        tpu.vector_store_idx %arg26[%get3A_729], %broadcast_in_dim3A_3 {add = true} : memref<10000xf32, #tpu.memory_space<vmem>>[vector<16xi32>], vector<16xf32>,
        %get3A_730 = arith.constant 32 : index
        %get3A_731 = tpu.vector_load %arg15[%get3A_730] {strides = array<i32>} : memref<80xi32, #tpu.memory_space<vmem>>, vector<16xi32>,
        tpu.vector_store_idx %arg26[%get3A_731], %broadcast_in_dim3A_3 {add = true} : memref<10000xf32, #tpu.memory_space<vmem>>[vector<16xi32>], vector<16xf32>,
        %get3A_732 = arith.constant 48 : index
        %get3A_733 = tpu.vector_load %arg15[%get3A_732] {strides = array<i32>} : memref<80xi32, #tpu.memory_space<vmem>>, vector<16xi32>,
        tpu.vector_store_idx %arg26[%get3A_733], %broadcast_in_dim3A_3 {add = true} : memref<10000xf32, #tpu.memory_space<vmem>>[vector<16xi32>], vector<16xf32>,
        %get3A_734 = arith.constant 64 : index
        %get3A_735 = tpu.vector_load %arg15[%get3A_734] {strides = array<i32>} : memref<80xi32, #tpu.memory_space<vmem>>, vector<16xi32>,
        tpu.vector_store_idx %arg26[%get3A_735], %broadcast_in_dim3A_3 {add = true} : memref<10000xf32, #tpu.memory_space<vmem>>[vector<16xi32>], vector<16xf32>,
      } else {
      }
      %lt3A_482 = arith.constant 40 : i32
      %lt3A_483 = arith.cmpi slt, %mul3A_441, %lt3A_482 : i32
      %convert_element_type3A_484 = arith.extui %lt3A_483 : i1 to i32
      %cond3A_485 = arith.constant 0 : i32
      %cond3A_486 = arith.cmpi ne, %convert_element_type3A_484, %cond3A_485 : i32
      scf.if %cond3A_486 {
        %add3A_720 = arith.constant 1 : i32
        %add3A_721 = arith.addi %mul3A_441, %add3A_720 : i32
        %mul3A_722 = arith.constant 240 : i32
        %mul3A_723 = arith.muli %add3A_721, %mul3A_722 : i32
        %add3A_724 = arith.addi %mul3A_2, %mul3A_723 : i32
        %dma_start3A_725 = tpu.memref_slice %arg3[%add3A_724] : memref<320000xi32, #tpu.memory_space<hbm>> -> memref<240xi32, #tpu.memory_space<hbm>>
        %dma_start3A_726 = tpu.memref_slice %arg3[%add3A_724] : memref<320000xi32, #tpu.memory_space<hbm>> -> memref<240xi32, #tpu.memory_space<hbm>>
        tpu.enqueue_dma source(%dma_start3A_726 : memref<240xi32, #tpu.memory_space<hbm>>) target(%arg10 : memref<240xi32, #tpu.memory_space<vmem>>) target_semaphore(%arg25 : memref<!tpu.dma_semaphore, #tpu.memory_space<semaphore_mem>>)
        %dma_start3A_727 = tpu.memref_slice %arg4[%add3A_724] : memref<320000xi32, #tpu.memory_space<hbm>> -> memref<240xi32, #tpu.memory_space<hbm>>
        %dma_start3A_728 = tpu.memref_slice %arg4[%add3A_724] : memref<320000xi32, #tpu.memory_space<hbm>> -> memref<240xi32, #tpu.memory_space<hbm>>
        tpu.enqueue_dma source(%dma_start3A_728 : memref<240xi32, #tpu.memory_space<hbm>>) target(%arg12 : memref<240xi32, #tpu.memory_space<vmem>>) target_semaphore(%arg25 : memref<!tpu.dma_semaphore, #tpu.memory_space<semaphore_mem>>)
      } else {
      }
      %gt3A_487 = arith.constant 0 : i32
      %gt3A_488 = arith.cmpi sgt, %mul3A_441, %gt3A_487 : i32
      %convert_element_type3A_489 = arith.extui %gt3A_488 : i1 to i32
      %cond3A_490 = arith.constant 0 : i32
      %cond3A_491 = arith.cmpi ne, %convert_element_type3A_489, %cond3A_490 : i32
      scf.if %cond3A_491 {
        %dma_wait3A_720 = arith.constant 0 : i32
        %dma_wait3A_721 = arith.constant 0 : i32
        %dma_wait3A_722 = tpu.memref_slice %arg8[%dma_wait3A_720, %dma_wait3A_721] : memref<10000x128xf32, #tpu.memory_space<vmem_shared>> -> memref<10000x128xf32, #tpu.memory_space<vmem_shared>>
        tpu.wait_indirect_dma semaphore(%arg23 : memref<!tpu.dma_semaphore, #tpu.memory_space<semaphore_mem>>) src(%arg17 : memref<80x128xf32, #tpu.memory_space<vmem>>) dst(%dma_wait3A_722 : memref<10000x128xf32, #tpu.memory_space<vmem_shared>>)
      } else {
      }
      %get3A_492 = arith.constant 80 : index
      %get3A_493 = tpu.vector_load %arg11[%get3A_492] {strides = array<i32>} : memref<240xi32, #tpu.memory_space<vmem>>, vector<16xi32>,
      %swap3A_494 = arith.constant 0 : index
      %swap3A_495 = tpu.vector_load %arg14[%swap3A_494] {strides = array<i32>} : memref<80xi32, #tpu.memory_space<vmem>>, vector<16xi32>,
      tpu.vector_store %arg14[%swap3A_494], %get3A_493 {strides = array<i32>} : memref<80xi32, #tpu.memory_space<vmem>>, vector<16xi32>,
      %get3A_496 = arith.constant 96 : index
      %get3A_497 = tpu.vector_load %arg11[%get3A_496] {strides = array<i32>} : memref<240xi32, #tpu.memory_space<vmem>>, vector<16xi32>,
      %swap3A_498 = arith.constant 16 : index
      %swap3A_499 = tpu.vector_load %arg14[%swap3A_498] {strides = array<i32>} : memref<80xi32, #tpu.memory_space<vmem>>, vector<16xi32>,
      tpu.vector_store %arg14[%swap3A_498], %get3A_497 {strides = array<i32>} : memref<80xi32, #tpu.memory_space<vmem>>, vector<16xi32>,
      %get3A_500 = arith.constant 112 : index
      %get3A_501 = tpu.vector_load %arg11[%get3A_500] {strides = array<i32>} : memref<240xi32, #tpu.memory_space<vmem>>, vector<16xi32>,
      %swap3A_502 = arith.constant 32 : index
      %swap3A_503 = tpu.vector_load %arg14[%swap3A_502] {strides = array<i32>} : memref<80xi32, #tpu.memory_space<vmem>>, vector<16xi32>,
      tpu.vector_store %arg14[%swap3A_502], %get3A_501 {strides = array<i32>} : memref<80xi32, #tpu.memory_space<vmem>>, vector<16xi32>,
      %get3A_504 = arith.constant 128 : index
      %get3A_505 = tpu.vector_load %arg11[%get3A_504] {strides = array<i32>} : memref<240xi32, #tpu.memory_space<vmem>>, vector<16xi32>,
      %swap3A_506 = arith.constant 48 : index
      %swap3A_507 = tpu.vector_load %arg14[%swap3A_506] {strides = array<i32>} : memref<80xi32, #tpu.memory_space<vmem>>, vector<16xi32>,
      tpu.vector_store %arg14[%swap3A_506], %get3A_505 {strides = array<i32>} : memref<80xi32, #tpu.memory_space<vmem>>, vector<16xi32>,
      %get3A_508 = arith.constant 144 : index
      %get3A_509 = tpu.vector_load %arg11[%get3A_508] {strides = array<i32>} : memref<240xi32, #tpu.memory_space<vmem>>, vector<16xi32>,
      %swap3A_510 = arith.constant 64 : index
      %swap3A_511 = tpu.vector_load %arg14[%swap3A_510] {strides = array<i32>} : memref<80xi32, #tpu.memory_space<vmem>>, vector<16xi32>,
      tpu.vector_store %arg14[%swap3A_510], %get3A_509 {strides = array<i32>} : memref<80xi32, #tpu.memory_space<vmem>>, vector<16xi32>,
      %dma_start3A_512 = arith.constant 80 : i32
      %dma_start3A_513 = tpu.memref_slice %arg9[%dma_start3A_512] : memref<240xi32, #tpu.memory_space<vmem>> -> memref<80xi32, #tpu.memory_space<vmem>>
      %dma_start3A_514 = arith.constant 0 : i32
      %dma_start3A_515 = arith.constant 0 : i32
      %dma_start3A_516 = tpu.memref_slice %arg2[%dma_start3A_514, %dma_start3A_515] : memref<10000x128xf32, #tpu.memory_space<hbm>> -> memref<10000x128xf32, #tpu.memory_space<hbm>>
      tpu.enqueue_indirect_dma source(%dma_start3A_516 : memref<10000x128xf32, #tpu.memory_space<hbm>>) target(%arg17 : memref<80x128xf32, #tpu.memory_space<vmem>>) offsets(%dma_start3A_513 : memref<80xi32, #tpu.memory_space<vmem>>) semaphore(%arg20 : memref<!tpu.dma_semaphore, #tpu.memory_space<semaphore_mem>>)
      %dma_wait3A_517 = arith.constant 0 : i32
      %dma_wait3A_518 = arith.constant 0 : i32
      %dma_wait3A_519 = tpu.memref_slice %arg2[%dma_wait3A_517, %dma_wait3A_518] : memref<10000x128xf32, #tpu.memory_space<hbm>> -> memref<10000x128xf32, #tpu.memory_space<hbm>>
      tpu.wait_indirect_dma semaphore(%arg19 : memref<!tpu.dma_semaphore, #tpu.memory_space<semaphore_mem>>) src(%dma_wait3A_519 : memref<10000x128xf32, #tpu.memory_space<hbm>>) dst(%arg16 : memref<80x128xf32, #tpu.memory_space<vmem>>)
      %dma_start3A_520 = arith.constant 0 : i32
      %dma_start3A_521 = arith.constant 0 : i32
      %dma_start3A_522 = tpu.memref_slice %arg8[%dma_start3A_520, %dma_start3A_521] : memref<10000x128xf32, #tpu.memory_space<vmem_shared>> -> memref<10000x128xf32, #tpu.memory_space<vmem_shared>>
      tpu.enqueue_indirect_dma source(%arg16 : memref<80x128xf32, #tpu.memory_space<vmem>>) target(%dma_start3A_522 : memref<10000x128xf32, #tpu.memory_space<vmem_shared>>) offsets(%arg13 : memref<80xi32, #tpu.memory_space<vmem>>) semaphore(%arg22 : memref<!tpu.dma_semaphore, #tpu.memory_space<semaphore_mem>>) {add = true}
      %get3A_523 = arith.constant 0 : index
      %get3A_524 = tpu.vector_load %arg13[%get3A_523] {strides = array<i32>} : memref<80xi32, #tpu.memory_space<vmem>>, vector<16xi32>,
      tpu.vector_store_idx %arg26[%get3A_524], %broadcast_in_dim3A_3 {add = true} : memref<10000xf32, #tpu.memory_space<vmem>>[vector<16xi32>], vector<16xf32>,
      %get3A_525 = arith.constant 16 : index
      %get3A_526 = tpu.vector_load %arg13[%get3A_525] {strides = array<i32>} : memref<80xi32, #tpu.memory_space<vmem>>, vector<16xi32>,
      tpu.vector_store_idx %arg26[%get3A_526], %broadcast_in_dim3A_3 {add = true} : memref<10000xf32, #tpu.memory_space<vmem>>[vector<16xi32>], vector<16xf32>,
      %get3A_527 = arith.constant 32 : index
      %get3A_528 = tpu.vector_load %arg13[%get3A_527] {strides = array<i32>} : memref<80xi32, #tpu.memory_space<vmem>>, vector<16xi32>,
      tpu.vector_store_idx %arg26[%get3A_528], %broadcast_in_dim3A_3 {add = true} : memref<10000xf32, #tpu.memory_space<vmem>>[vector<16xi32>], vector<16xf32>,
      %get3A_529 = arith.constant 48 : index
      %get3A_530 = tpu.vector_load %arg13[%get3A_529] {strides = array<i32>} : memref<80xi32, #tpu.memory_space<vmem>>, vector<16xi32>,
      tpu.vector_store_idx %arg26[%get3A_530], %broadcast_in_dim3A_3 {add = true} : memref<10000xf32, #tpu.memory_space<vmem>>[vector<16xi32>], vector<16xf32>,
      %get3A_531 = arith.constant 64 : index
      %get3A_532 = tpu.vector_load %arg13[%get3A_531] {strides = array<i32>} : memref<80xi32, #tpu.memory_space<vmem>>, vector<16xi32>,
      tpu.vector_store_idx %arg26[%get3A_532], %broadcast_in_dim3A_3 {add = true} : memref<10000xf32, #tpu.memory_space<vmem>>[vector<16xi32>], vector<16xf32>,
      %gt3A_533 = arith.constant 0 : i32
      %gt3A_534 = arith.cmpi sgt, %mul3A_441, %gt3A_533 : i32
      %convert_element_type3A_535 = arith.extui %gt3A_534 : i1 to i32
      %cond3A_536 = arith.constant 0 : i32
      %cond3A_537 = arith.cmpi ne, %convert_element_type3A_535, %cond3A_536 : i32
      scf.if %cond3A_537 {
        %dma_wait3A_720 = arith.constant 0 : i32
        %dma_wait3A_721 = arith.constant 0 : i32
        %dma_wait3A_722 = tpu.memref_slice %arg8[%dma_wait3A_720, %dma_wait3A_721] : memref<10000x128xf32, #tpu.memory_space<vmem_shared>> -> memref<10000x128xf32, #tpu.memory_space<vmem_shared>>
        tpu.wait_indirect_dma semaphore(%arg24 : memref<!tpu.dma_semaphore, #tpu.memory_space<semaphore_mem>>) src(%arg18 : memref<80x128xf32, #tpu.memory_space<vmem>>) dst(%dma_wait3A_722 : memref<10000x128xf32, #tpu.memory_space<vmem_shared>>)
      } else {
      }
      %get3A_538 = arith.constant 160 : index
      %get3A_539 = tpu.vector_load %arg11[%get3A_538] {strides = array<i32>} : memref<240xi32, #tpu.memory_space<vmem>>, vector<16xi32>,
      %swap3A_540 = arith.constant 0 : index
      %swap3A_541 = tpu.vector_load %arg15[%swap3A_540] {strides = array<i32>} : memref<80xi32, #tpu.memory_space<vmem>>, vector<16xi32>,
      tpu.vector_store %arg15[%swap3A_540], %get3A_539 {strides = array<i32>} : memref<80xi32, #tpu.memory_space<vmem>>, vector<16xi32>,
      %get3A_542 = arith.constant 176 : index
      %get3A_543 = tpu.vector_load %arg11[%get3A_542] {strides = array<i32>} : memref<240xi32, #tpu.memory_space<vmem>>, vector<16xi32>,
      %swap3A_544 = arith.constant 16 : index
      %swap3A_545 = tpu.vector_load %arg15[%swap3A_544] {strides = array<i32>} : memref<80xi32, #tpu.memory_space<vmem>>, vector<16xi32>,
      tpu.vector_store %arg15[%swap3A_544], %get3A_543 {strides = array<i32>} : memref<80xi32, #tpu.memory_space<vmem>>, vector<16xi32>,
      %get3A_546 = arith.constant 192 : index
      %get3A_547 = tpu.vector_load %arg11[%get3A_546] {strides = array<i32>} : memref<240xi32, #tpu.memory_space<vmem>>, vector<16xi32>,
      %swap3A_548 = arith.constant 32 : index
      %swap3A_549 = tpu.vector_load %arg15[%swap3A_548] {strides = array<i32>} : memref<80xi32, #tpu.memory_space<vmem>>, vector<16xi32>,
      tpu.vector_store %arg15[%swap3A_548], %get3A_547 {strides = array<i32>} : memref<80xi32, #tpu.memory_space<vmem>>, vector<16xi32>,
      %get3A_550 = arith.constant 208 : index
      %get3A_551 = tpu.vector_load %arg11[%get3A_550] {strides = array<i32>} : memref<240xi32, #tpu.memory_space<vmem>>, vector<16xi32>,
      %swap3A_552 = arith.constant 48 : index
      %swap3A_553 = tpu.vector_load %arg15[%swap3A_552] {strides = array<i32>} : memref<80xi32, #tpu.memory_space<vmem>>, vector<16xi32>,
      tpu.vector_store %arg15[%swap3A_552], %get3A_551 {strides = array<i32>} : memref<80xi32, #tpu.memory_space<vmem>>, vector<16xi32>,
      %get3A_554 = arith.constant 224 : index
      %get3A_555 = tpu.vector_load %arg11[%get3A_554] {strides = array<i32>} : memref<240xi32, #tpu.memory_space<vmem>>, vector<16xi32>,
      %swap3A_556 = arith.constant 64 : index
      %swap3A_557 = tpu.vector_load %arg15[%swap3A_556] {strides = array<i32>} : memref<80xi32, #tpu.memory_space<vmem>>, vector<16xi32>,
      tpu.vector_store %arg15[%swap3A_556], %get3A_555 {strides = array<i32>} : memref<80xi32, #tpu.memory_space<vmem>>, vector<16xi32>,
      %dma_start3A_558 = arith.constant 160 : i32
      %dma_start3A_559 = tpu.memref_slice %arg9[%dma_start3A_558] : memref<240xi32, #tpu.memory_space<vmem>> -> memref<80xi32, #tpu.memory_space<vmem>>
      %dma_start3A_560 = arith.constant 0 : i32
      %dma_start3A_561 = arith.constant 0 : i32
      %dma_start3A_562 = tpu.memref_slice %arg2[%dma_start3A_560, %dma_start3A_561] : memref<10000x128xf32, #tpu.memory_space<hbm>> -> memref<10000x128xf32, #tpu.memory_space<hbm>>
      tpu.enqueue_indirect_dma source(%dma_start3A_562 : memref<10000x128xf32, #tpu.memory_space<hbm>>) target(%arg18 : memref<80x128xf32, #tpu.memory_space<vmem>>) offsets(%dma_start3A_559 : memref<80xi32, #tpu.memory_space<vmem>>) semaphore(%arg21 : memref<!tpu.dma_semaphore, #tpu.memory_space<semaphore_mem>>)
      %dma_wait3A_563 = arith.constant 0 : i32
      %dma_wait3A_564 = arith.constant 0 : i32
      %dma_wait3A_565 = tpu.memref_slice %arg2[%dma_wait3A_563, %dma_wait3A_564] : memref<10000x128xf32, #tpu.memory_space<hbm>> -> memref<10000x128xf32, #tpu.memory_space<hbm>>
      tpu.wait_indirect_dma semaphore(%arg20 : memref<!tpu.dma_semaphore, #tpu.memory_space<semaphore_mem>>) src(%dma_wait3A_565 : memref<10000x128xf32, #tpu.memory_space<hbm>>) dst(%arg17 : memref<80x128xf32, #tpu.memory_space<vmem>>)
      %dma_start3A_566 = arith.constant 0 : i32
      %dma_start3A_567 = arith.constant 0 : i32
      %dma_start3A_568 = tpu.memref_slice %arg8[%dma_start3A_566, %dma_start3A_567] : memref<10000x128xf32, #tpu.memory_space<vmem_shared>> -> memref<10000x128xf32, #tpu.memory_space<vmem_shared>>
      tpu.enqueue_indirect_dma source(%arg17 : memref<80x128xf32, #tpu.memory_space<vmem>>) target(%dma_start3A_568 : memref<10000x128xf32, #tpu.memory_space<vmem_shared>>) offsets(%arg14 : memref<80xi32, #tpu.memory_space<vmem>>) semaphore(%arg23 : memref<!tpu.dma_semaphore, #tpu.memory_space<semaphore_mem>>) {add = true}
      %get3A_569 = arith.constant 0 : index
      %get3A_570 = tpu.vector_load %arg14[%get3A_569] {strides = array<i32>} : memref<80xi32, #tpu.memory_space<vmem>>, vector<16xi32>,
      tpu.vector_store_idx %arg26[%get3A_570], %broadcast_in_dim3A_3 {add = true} : memref<10000xf32, #tpu.memory_space<vmem>>[vector<16xi32>], vector<16xf32>,
      %get3A_571 = arith.constant 16 : index
      %get3A_572 = tpu.vector_load %arg14[%get3A_571] {strides = array<i32>} : memref<80xi32, #tpu.memory_space<vmem>>, vector<16xi32>,
      tpu.vector_store_idx %arg26[%get3A_572], %broadcast_in_dim3A_3 {add = true} : memref<10000xf32, #tpu.memory_space<vmem>>[vector<16xi32>], vector<16xf32>,
      %get3A_573 = arith.constant 32 : index
      %get3A_574 = tpu.vector_load %arg14[%get3A_573] {strides = array<i32>} : memref<80xi32, #tpu.memory_space<vmem>>, vector<16xi32>,
      tpu.vector_store_idx %arg26[%get3A_574], %broadcast_in_dim3A_3 {add = true} : memref<10000xf32, #tpu.memory_space<vmem>>[vector<16xi32>], vector<16xf32>,
      %get3A_575 = arith.constant 48 : index
      %get3A_576 = tpu.vector_load %arg14[%get3A_575] {strides = array<i32>} : memref<80xi32, #tpu.memory_space<vmem>>, vector<16xi32>,
      tpu.vector_store_idx %arg26[%get3A_576], %broadcast_in_dim3A_3 {add = true} : memref<10000xf32, #tpu.memory_space<vmem>>[vector<16xi32>], vector<16xf32>,
      %get3A_577 = arith.constant 64 : index
      %get3A_578 = tpu.vector_load %arg14[%get3A_577] {strides = array<i32>} : memref<80xi32, #tpu.memory_space<vmem>>, vector<16xi32>,
      tpu.vector_store_idx %arg26[%get3A_578], %broadcast_in_dim3A_3 {add = true} : memref<10000xf32, #tpu.memory_space<vmem>>[vector<16xi32>], vector<16xf32>,
      %mul3A_579 = arith.constant 2 : i32
      %mul3A_580 = arith.muli %mul3A_579, %scan3A_439 : i32
      %add3A_581 = arith.constant 1 : i32
      %add3A_582 = arith.addi %mul3A_580, %add3A_581 : i32
      %gt3A_583 = arith.constant 0 : i32
      %gt3A_584 = arith.cmpi sgt, %add3A_582, %gt3A_583 : i32
      %convert_element_type3A_585 = arith.extui %gt3A_584 : i1 to i32
      %cond3A_586 = arith.constant 0 : i32
      %cond3A_587 = arith.cmpi ne, %convert_element_type3A_585, %cond3A_586 : i32
      scf.if %cond3A_587 {
        %dma_wait3A_720 = arith.constant 0 : i32
        %dma_wait3A_721 = tpu.memref_slice %arg3[%dma_wait3A_720] : memref<320000xi32, #tpu.memory_space<hbm>> -> memref<240xi32, #tpu.memory_space<hbm>>
        %dma_wait3A_722 = arith.constant 0 : i32
        %dma_wait3A_723 = tpu.memref_slice %arg3[%dma_wait3A_722] : memref<320000xi32, #tpu.memory_space<hbm>> -> memref<240xi32, #tpu.memory_space<hbm>>
        tpu.wait_dma2 semaphore(%arg25 : memref<!tpu.dma_semaphore, #tpu.memory_space<semaphore_mem>>) src(%dma_wait3A_723 : memref<240xi32, #tpu.memory_space<hbm>>) dst(%arg10 : memref<240xi32, #tpu.memory_space<vmem>>)
        %dma_wait3A_724 = arith.constant 0 : i32
        %dma_wait3A_725 = tpu.memref_slice %arg4[%dma_wait3A_724] : memref<320000xi32, #tpu.memory_space<hbm>> -> memref<240xi32, #tpu.memory_space<hbm>>
        %dma_wait3A_726 = arith.constant 0 : i32
        %dma_wait3A_727 = tpu.memref_slice %arg4[%dma_wait3A_726] : memref<320000xi32, #tpu.memory_space<hbm>> -> memref<240xi32, #tpu.memory_space<hbm>>
        tpu.wait_dma2 semaphore(%arg25 : memref<!tpu.dma_semaphore, #tpu.memory_space<semaphore_mem>>) src(%dma_wait3A_727 : memref<240xi32, #tpu.memory_space<hbm>>) dst(%arg12 : memref<240xi32, #tpu.memory_space<vmem>>)
      } else {
      }
      %gt3A_588 = arith.constant 0 : i32
      %gt3A_589 = arith.cmpi sgt, %add3A_582, %gt3A_588 : i32
      %convert_element_type3A_590 = arith.extui %gt3A_589 : i1 to i32
      %cond3A_591 = arith.constant 0 : i32
      %cond3A_592 = arith.cmpi ne, %convert_element_type3A_590, %cond3A_591 : i32
      scf.if %cond3A_592 {
        %dma_wait3A_720 = arith.constant 0 : i32
        %dma_wait3A_721 = arith.constant 0 : i32
        %dma_wait3A_722 = tpu.memref_slice %arg8[%dma_wait3A_720, %dma_wait3A_721] : memref<10000x128xf32, #tpu.memory_space<vmem_shared>> -> memref<10000x128xf32, #tpu.memory_space<vmem_shared>>
        tpu.wait_indirect_dma semaphore(%arg22 : memref<!tpu.dma_semaphore, #tpu.memory_space<semaphore_mem>>) src(%arg16 : memref<80x128xf32, #tpu.memory_space<vmem>>) dst(%dma_wait3A_722 : memref<10000x128xf32, #tpu.memory_space<vmem_shared>>)
      } else {
      }
      %get3A_593 = arith.constant 0 : index
      %get3A_594 = tpu.vector_load %arg12[%get3A_593] {strides = array<i32>} : memref<240xi32, #tpu.memory_space<vmem>>, vector<16xi32>,
      %swap3A_595 = arith.constant 0 : index
      %swap3A_596 = tpu.vector_load %arg13[%swap3A_595] {strides = array<i32>} : memref<80xi32, #tpu.memory_space<vmem>>, vector<16xi32>,
      tpu.vector_store %arg13[%swap3A_595], %get3A_594 {strides = array<i32>} : memref<80xi32, #tpu.memory_space<vmem>>, vector<16xi32>,
      %get3A_597 = arith.constant 16 : index
      %get3A_598 = tpu.vector_load %arg12[%get3A_597] {strides = array<i32>} : memref<240xi32, #tpu.memory_space<vmem>>, vector<16xi32>,
      %swap3A_599 = arith.constant 16 : index
      %swap3A_600 = tpu.vector_load %arg13[%swap3A_599] {strides = array<i32>} : memref<80xi32, #tpu.memory_space<vmem>>, vector<16xi32>,
      tpu.vector_store %arg13[%swap3A_599], %get3A_598 {strides = array<i32>} : memref<80xi32, #tpu.memory_space<vmem>>, vector<16xi32>,
      %get3A_601 = arith.constant 32 : index
      %get3A_602 = tpu.vector_load %arg12[%get3A_601] {strides = array<i32>} : memref<240xi32, #tpu.memory_space<vmem>>, vector<16xi32>,
      %swap3A_603 = arith.constant 32 : index
      %swap3A_604 = tpu.vector_load %arg13[%swap3A_603] {strides = array<i32>} : memref<80xi32, #tpu.memory_space<vmem>>, vector<16xi32>,
      tpu.vector_store %arg13[%swap3A_603], %get3A_602 {strides = array<i32>} : memref<80xi32, #tpu.memory_space<vmem>>, vector<16xi32>,
      %get3A_605 = arith.constant 48 : index
      %get3A_606 = tpu.vector_load %arg12[%get3A_605] {strides = array<i32>} : memref<240xi32, #tpu.memory_space<vmem>>, vector<16xi32>,
      %swap3A_607 = arith.constant 48 : index
      %swap3A_608 = tpu.vector_load %arg13[%swap3A_607] {strides = array<i32>} : memref<80xi32, #tpu.memory_space<vmem>>, vector<16xi32>,
      tpu.vector_store %arg13[%swap3A_607], %get3A_606 {strides = array<i32>} : memref<80xi32, #tpu.memory_space<vmem>>, vector<16xi32>,
      %get3A_609 = arith.constant 64 : index
      %get3A_610 = tpu.vector_load %arg12[%get3A_609] {strides = array<i32>} : memref<240xi32, #tpu.memory_space<vmem>>, vector<16xi32>,
      %swap3A_611 = arith.constant 64 : index
      %swap3A_612 = tpu.vector_load %arg13[%swap3A_611] {strides = array<i32>} : memref<80xi32, #tpu.memory_space<vmem>>, vector<16xi32>,
      tpu.vector_store %arg13[%swap3A_611], %get3A_610 {strides = array<i32>} : memref<80xi32, #tpu.memory_space<vmem>>, vector<16xi32>,
      %dma_start3A_613 = arith.constant 0 : i32
      %dma_start3A_614 = tpu.memref_slice %arg10[%dma_start3A_613] : memref<240xi32, #tpu.memory_space<vmem>> -> memref<80xi32, #tpu.memory_space<vmem>>
      %dma_start3A_615 = arith.constant 0 : i32
      %dma_start3A_616 = arith.constant 0 : i32
      %dma_start3A_617 = tpu.memref_slice %arg2[%dma_start3A_615, %dma_start3A_616] : memref<10000x128xf32, #tpu.memory_space<hbm>> -> memref<10000x128xf32, #tpu.memory_space<hbm>>
      tpu.enqueue_indirect_dma source(%dma_start3A_617 : memref<10000x128xf32, #tpu.memory_space<hbm>>) target(%arg16 : memref<80x128xf32, #tpu.memory_space<vmem>>) offsets(%dma_start3A_614 : memref<80xi32, #tpu.memory_space<vmem>>) semaphore(%arg19 : memref<!tpu.dma_semaphore, #tpu.memory_space<semaphore_mem>>)
      %gt3A_618 = arith.constant 0 : i32
      %gt3A_619 = arith.cmpi sgt, %add3A_582, %gt3A_618 : i32
      %convert_element_type3A_620 = arith.extui %gt3A_619 : i1 to i32
      %cond3A_621 = arith.constant 0 : i32
      %cond3A_622 = arith.cmpi ne, %convert_element_type3A_620, %cond3A_621 : i32
      scf.if %cond3A_622 {
        %dma_wait3A_720 = arith.constant 0 : i32
        %dma_wait3A_721 = arith.constant 0 : i32
        %dma_wait3A_722 = tpu.memref_slice %arg2[%dma_wait3A_720, %dma_wait3A_721] : memref<10000x128xf32, #tpu.memory_space<hbm>> -> memref<10000x128xf32, #tpu.memory_space<hbm>>
        tpu.wait_indirect_dma semaphore(%arg21 : memref<!tpu.dma_semaphore, #tpu.memory_space<semaphore_mem>>) src(%dma_wait3A_722 : memref<10000x128xf32, #tpu.memory_space<hbm>>) dst(%arg18 : memref<80x128xf32, #tpu.memory_space<vmem>>)
        %dma_start3A_723 = arith.constant 0 : i32
        %dma_start3A_724 = arith.constant 0 : i32
        %dma_start3A_725 = tpu.memref_slice %arg8[%dma_start3A_723, %dma_start3A_724] : memref<10000x128xf32, #tpu.memory_space<vmem_shared>> -> memref<10000x128xf32, #tpu.memory_space<vmem_shared>>
        tpu.enqueue_indirect_dma source(%arg18 : memref<80x128xf32, #tpu.memory_space<vmem>>) target(%dma_start3A_725 : memref<10000x128xf32, #tpu.memory_space<vmem_shared>>) offsets(%arg15 : memref<80xi32, #tpu.memory_space<vmem>>) semaphore(%arg24 : memref<!tpu.dma_semaphore, #tpu.memory_space<semaphore_mem>>) {add = true}
        %get3A_726 = arith.constant 0 : index
        %get3A_727 = tpu.vector_load %arg15[%get3A_726] {strides = array<i32>} : memref<80xi32, #tpu.memory_space<vmem>>, vector<16xi32>,
        tpu.vector_store_idx %arg26[%get3A_727], %broadcast_in_dim3A_3 {add = true} : memref<10000xf32, #tpu.memory_space<vmem>>[vector<16xi32>], vector<16xf32>,
        %get3A_728 = arith.constant 16 : index
        %get3A_729 = tpu.vector_load %arg15[%get3A_728] {strides = array<i32>} : memref<80xi32, #tpu.memory_space<vmem>>, vector<16xi32>,
        tpu.vector_store_idx %arg26[%get3A_729], %broadcast_in_dim3A_3 {add = true} : memref<10000xf32, #tpu.memory_space<vmem>>[vector<16xi32>], vector<16xf32>,
        %get3A_730 = arith.constant 32 : index
        %get3A_731 = tpu.vector_load %arg15[%get3A_730] {strides = array<i32>} : memref<80xi32, #tpu.memory_space<vmem>>, vector<16xi32>,
        tpu.vector_store_idx %arg26[%get3A_731], %broadcast_in_dim3A_3 {add = true} : memref<10000xf32, #tpu.memory_space<vmem>>[vector<16xi32>], vector<16xf32>,
        %get3A_732 = arith.constant 48 : index
        %get3A_733 = tpu.vector_load %arg15[%get3A_732] {strides = array<i32>} : memref<80xi32, #tpu.memory_space<vmem>>, vector<16xi32>,
        tpu.vector_store_idx %arg26[%get3A_733], %broadcast_in_dim3A_3 {add = true} : memref<10000xf32, #tpu.memory_space<vmem>>[vector<16xi32>], vector<16xf32>,
        %get3A_734 = arith.constant 64 : index
        %get3A_735 = tpu.vector_load %arg15[%get3A_734] {strides = array<i32>} : memref<80xi32, #tpu.memory_space<vmem>>, vector<16xi32>,
        tpu.vector_store_idx %arg26[%get3A_735], %broadcast_in_dim3A_3 {add = true} : memref<10000xf32, #tpu.memory_space<vmem>>[vector<16xi32>], vector<16xf32>,
      } else {
      }
      %lt3A_623 = arith.constant 40 : i32
      %lt3A_624 = arith.cmpi slt, %add3A_582, %lt3A_623 : i32
      %convert_element_type3A_625 = arith.extui %lt3A_624 : i1 to i32
      %cond3A_626 = arith.constant 0 : i32
      %cond3A_627 = arith.cmpi ne, %convert_element_type3A_625, %cond3A_626 : i32
      scf.if %cond3A_627 {
        %add3A_720 = arith.constant 1 : i32
        %add3A_721 = arith.addi %add3A_582, %add3A_720 : i32
        %mul3A_722 = arith.constant 240 : i32
        %mul3A_723 = arith.muli %add3A_721, %mul3A_722 : i32
        %add3A_724 = arith.addi %mul3A_2, %mul3A_723 : i32
        %dma_start3A_725 = tpu.memref_slice %arg3[%add3A_724] : memref<320000xi32, #tpu.memory_space<hbm>> -> memref<240xi32, #tpu.memory_space<hbm>>
        %dma_start3A_726 = tpu.memref_slice %arg3[%add3A_724] : memref<320000xi32, #tpu.memory_space<hbm>> -> memref<240xi32, #tpu.memory_space<hbm>>
        tpu.enqueue_dma source(%dma_start3A_726 : memref<240xi32, #tpu.memory_space<hbm>>) target(%arg9 : memref<240xi32, #tpu.memory_space<vmem>>) target_semaphore(%arg25 : memref<!tpu.dma_semaphore, #tpu.memory_space<semaphore_mem>>)
        %dma_start3A_727 = tpu.memref_slice %arg4[%add3A_724] : memref<320000xi32, #tpu.memory_space<hbm>> -> memref<240xi32, #tpu.memory_space<hbm>>
        %dma_start3A_728 = tpu.memref_slice %arg4[%add3A_724] : memref<320000xi32, #tpu.memory_space<hbm>> -> memref<240xi32, #tpu.memory_space<hbm>>
        tpu.enqueue_dma source(%dma_start3A_728 : memref<240xi32, #tpu.memory_space<hbm>>) target(%arg11 : memref<240xi32, #tpu.memory_space<vmem>>) target_semaphore(%arg25 : memref<!tpu.dma_semaphore, #tpu.memory_space<semaphore_mem>>)
      } else {
      }
      %gt3A_628 = arith.constant 0 : i32
      %gt3A_629 = arith.cmpi sgt, %add3A_582, %gt3A_628 : i32
      %convert_element_type3A_630 = arith.extui %gt3A_629 : i1 to i32
      %cond3A_631 = arith.constant 0 : i32
      %cond3A_632 = arith.cmpi ne, %convert_element_type3A_630, %cond3A_631 : i32
      scf.if %cond3A_632 {
        %dma_wait3A_720 = arith.constant 0 : i32
        %dma_wait3A_721 = arith.constant 0 : i32
        %dma_wait3A_722 = tpu.memref_slice %arg8[%dma_wait3A_720, %dma_wait3A_721] : memref<10000x128xf32, #tpu.memory_space<vmem_shared>> -> memref<10000x128xf32, #tpu.memory_space<vmem_shared>>
        tpu.wait_indirect_dma semaphore(%arg23 : memref<!tpu.dma_semaphore, #tpu.memory_space<semaphore_mem>>) src(%arg17 : memref<80x128xf32, #tpu.memory_space<vmem>>) dst(%dma_wait3A_722 : memref<10000x128xf32, #tpu.memory_space<vmem_shared>>)
      } else {
      }
      %get3A_633 = arith.constant 80 : index
      %get3A_634 = tpu.vector_load %arg12[%get3A_633] {strides = array<i32>} : memref<240xi32, #tpu.memory_space<vmem>>, vector<16xi32>,
      %swap3A_635 = arith.constant 0 : index
      %swap3A_636 = tpu.vector_load %arg14[%swap3A_635] {strides = array<i32>} : memref<80xi32, #tpu.memory_space<vmem>>, vector<16xi32>,
      tpu.vector_store %arg14[%swap3A_635], %get3A_634 {strides = array<i32>} : memref<80xi32, #tpu.memory_space<vmem>>, vector<16xi32>,
      %get3A_637 = arith.constant 96 : index
      %get3A_638 = tpu.vector_load %arg12[%get3A_637] {strides = array<i32>} : memref<240xi32, #tpu.memory_space<vmem>>, vector<16xi32>,
      %swap3A_639 = arith.constant 16 : index
      %swap3A_640 = tpu.vector_load %arg14[%swap3A_639] {strides = array<i32>} : memref<80xi32, #tpu.memory_space<vmem>>, vector<16xi32>,
      tpu.vector_store %arg14[%swap3A_639], %get3A_638 {strides = array<i32>} : memref<80xi32, #tpu.memory_space<vmem>>, vector<16xi32>,
      %get3A_641 = arith.constant 112 : index
      %get3A_642 = tpu.vector_load %arg12[%get3A_641] {strides = array<i32>} : memref<240xi32, #tpu.memory_space<vmem>>, vector<16xi32>,
      %swap3A_643 = arith.constant 32 : index
      %swap3A_644 = tpu.vector_load %arg14[%swap3A_643] {strides = array<i32>} : memref<80xi32, #tpu.memory_space<vmem>>, vector<16xi32>,
      tpu.vector_store %arg14[%swap3A_643], %get3A_642 {strides = array<i32>} : memref<80xi32, #tpu.memory_space<vmem>>, vector<16xi32>,
      %get3A_645 = arith.constant 128 : index
      %get3A_646 = tpu.vector_load %arg12[%get3A_645] {strides = array<i32>} : memref<240xi32, #tpu.memory_space<vmem>>, vector<16xi32>,
      %swap3A_647 = arith.constant 48 : index
      %swap3A_648 = tpu.vector_load %arg14[%swap3A_647] {strides = array<i32>} : memref<80xi32, #tpu.memory_space<vmem>>, vector<16xi32>,
      tpu.vector_store %arg14[%swap3A_647], %get3A_646 {strides = array<i32>} : memref<80xi32, #tpu.memory_space<vmem>>, vector<16xi32>,
      %get3A_649 = arith.constant 144 : index
      %get3A_650 = tpu.vector_load %arg12[%get3A_649] {strides = array<i32>} : memref<240xi32, #tpu.memory_space<vmem>>, vector<16xi32>,
      %swap3A_651 = arith.constant 64 : index
      %swap3A_652 = tpu.vector_load %arg14[%swap3A_651] {strides = array<i32>} : memref<80xi32, #tpu.memory_space<vmem>>, vector<16xi32>,
      tpu.vector_store %arg14[%swap3A_651], %get3A_650 {strides = array<i32>} : memref<80xi32, #tpu.memory_space<vmem>>, vector<16xi32>,
      %dma_start3A_653 = arith.constant 80 : i32
      %dma_start3A_654 = tpu.memref_slice %arg10[%dma_start3A_653] : memref<240xi32, #tpu.memory_space<vmem>> -> memref<80xi32, #tpu.memory_space<vmem>>
      %dma_start3A_655 = arith.constant 0 : i32
      %dma_start3A_656 = arith.constant 0 : i32
      %dma_start3A_657 = tpu.memref_slice %arg2[%dma_start3A_655, %dma_start3A_656] : memref<10000x128xf32, #tpu.memory_space<hbm>> -> memref<10000x128xf32, #tpu.memory_space<hbm>>
      tpu.enqueue_indirect_dma source(%dma_start3A_657 : memref<10000x128xf32, #tpu.memory_space<hbm>>) target(%arg17 : memref<80x128xf32, #tpu.memory_space<vmem>>) offsets(%dma_start3A_654 : memref<80xi32, #tpu.memory_space<vmem>>) semaphore(%arg20 : memref<!tpu.dma_semaphore, #tpu.memory_space<semaphore_mem>>)
      %dma_wait3A_658 = arith.constant 0 : i32
      %dma_wait3A_659 = arith.constant 0 : i32
      %dma_wait3A_660 = tpu.memref_slice %arg2[%dma_wait3A_658, %dma_wait3A_659] : memref<10000x128xf32, #tpu.memory_space<hbm>> -> memref<10000x128xf32, #tpu.memory_space<hbm>>
      tpu.wait_indirect_dma semaphore(%arg19 : memref<!tpu.dma_semaphore, #tpu.memory_space<semaphore_mem>>) src(%dma_wait3A_660 : memref<10000x128xf32, #tpu.memory_space<hbm>>) dst(%arg16 : memref<80x128xf32, #tpu.memory_space<vmem>>)
      %dma_start3A_661 = arith.constant 0 : i32
      %dma_start3A_662 = arith.constant 0 : i32
      %dma_start3A_663 = tpu.memref_slice %arg8[%dma_start3A_661, %dma_start3A_662] : memref<10000x128xf32, #tpu.memory_space<vmem_shared>> -> memref<10000x128xf32, #tpu.memory_space<vmem_shared>>
      tpu.enqueue_indirect_dma source(%arg16 : memref<80x128xf32, #tpu.memory_space<vmem>>) target(%dma_start3A_663 : memref<10000x128xf32, #tpu.memory_space<vmem_shared>>) offsets(%arg13 : memref<80xi32, #tpu.memory_space<vmem>>) semaphore(%arg22 : memref<!tpu.dma_semaphore, #tpu.memory_space<semaphore_mem>>) {add = true}
      %get3A_664 = arith.constant 0 : index
      %get3A_665 = tpu.vector_load %arg13[%get3A_664] {strides = array<i32>} : memref<80xi32, #tpu.memory_space<vmem>>, vector<16xi32>,
      tpu.vector_store_idx %arg26[%get3A_665], %broadcast_in_dim3A_3 {add = true} : memref<10000xf32, #tpu.memory_space<vmem>>[vector<16xi32>], vector<16xf32>,
      %get3A_666 = arith.constant 16 : index
      %get3A_667 = tpu.vector_load %arg13[%get3A_666] {strides = array<i32>} : memref<80xi32, #tpu.memory_space<vmem>>, vector<16xi32>,
      tpu.vector_store_idx %arg26[%get3A_667], %broadcast_in_dim3A_3 {add = true} : memref<10000xf32, #tpu.memory_space<vmem>>[vector<16xi32>], vector<16xf32>,
      %get3A_668 = arith.constant 32 : index
      %get3A_669 = tpu.vector_load %arg13[%get3A_668] {strides = array<i32>} : memref<80xi32, #tpu.memory_space<vmem>>, vector<16xi32>,
      tpu.vector_store_idx %arg26[%get3A_669], %broadcast_in_dim3A_3 {add = true} : memref<10000xf32, #tpu.memory_space<vmem>>[vector<16xi32>], vector<16xf32>,
      %get3A_670 = arith.constant 48 : index
      %get3A_671 = tpu.vector_load %arg13[%get3A_670] {strides = array<i32>} : memref<80xi32, #tpu.memory_space<vmem>>, vector<16xi32>,
      tpu.vector_store_idx %arg26[%get3A_671], %broadcast_in_dim3A_3 {add = true} : memref<10000xf32, #tpu.memory_space<vmem>>[vector<16xi32>], vector<16xf32>,
      %get3A_672 = arith.constant 64 : index
      %get3A_673 = tpu.vector_load %arg13[%get3A_672] {strides = array<i32>} : memref<80xi32, #tpu.memory_space<vmem>>, vector<16xi32>,
      tpu.vector_store_idx %arg26[%get3A_673], %broadcast_in_dim3A_3 {add = true} : memref<10000xf32, #tpu.memory_space<vmem>>[vector<16xi32>], vector<16xf32>,
      %gt3A_674 = arith.constant 0 : i32
      %gt3A_675 = arith.cmpi sgt, %add3A_582, %gt3A_674 : i32
      %convert_element_type3A_676 = arith.extui %gt3A_675 : i1 to i32
      %cond3A_677 = arith.constant 0 : i32
      %cond3A_678 = arith.cmpi ne, %convert_element_type3A_676, %cond3A_677 : i32
      scf.if %cond3A_678 {
        %dma_wait3A_720 = arith.constant 0 : i32
        %dma_wait3A_721 = arith.constant 0 : i32
        %dma_wait3A_722 = tpu.memref_slice %arg8[%dma_wait3A_720, %dma_wait3A_721] : memref<10000x128xf32, #tpu.memory_space<vmem_shared>> -> memref<10000x128xf32, #tpu.memory_space<vmem_shared>>
        tpu.wait_indirect_dma semaphore(%arg24 : memref<!tpu.dma_semaphore, #tpu.memory_space<semaphore_mem>>) src(%arg18 : memref<80x128xf32, #tpu.memory_space<vmem>>) dst(%dma_wait3A_722 : memref<10000x128xf32, #tpu.memory_space<vmem_shared>>)
      } else {
      }
      %get3A_679 = arith.constant 160 : index
      %get3A_680 = tpu.vector_load %arg12[%get3A_679] {strides = array<i32>} : memref<240xi32, #tpu.memory_space<vmem>>, vector<16xi32>,
      %swap3A_681 = arith.constant 0 : index
      %swap3A_682 = tpu.vector_load %arg15[%swap3A_681] {strides = array<i32>} : memref<80xi32, #tpu.memory_space<vmem>>, vector<16xi32>,
      tpu.vector_store %arg15[%swap3A_681], %get3A_680 {strides = array<i32>} : memref<80xi32, #tpu.memory_space<vmem>>, vector<16xi32>,
      %get3A_683 = arith.constant 176 : index
      %get3A_684 = tpu.vector_load %arg12[%get3A_683] {strides = array<i32>} : memref<240xi32, #tpu.memory_space<vmem>>, vector<16xi32>,
      %swap3A_685 = arith.constant 16 : index
      %swap3A_686 = tpu.vector_load %arg15[%swap3A_685] {strides = array<i32>} : memref<80xi32, #tpu.memory_space<vmem>>, vector<16xi32>,
      tpu.vector_store %arg15[%swap3A_685], %get3A_684 {strides = array<i32>} : memref<80xi32, #tpu.memory_space<vmem>>, vector<16xi32>,
      %get3A_687 = arith.constant 192 : index
      %get3A_688 = tpu.vector_load %arg12[%get3A_687] {strides = array<i32>} : memref<240xi32, #tpu.memory_space<vmem>>, vector<16xi32>,
      %swap3A_689 = arith.constant 32 : index
      %swap3A_690 = tpu.vector_load %arg15[%swap3A_689] {strides = array<i32>} : memref<80xi32, #tpu.memory_space<vmem>>, vector<16xi32>,
      tpu.vector_store %arg15[%swap3A_689], %get3A_688 {strides = array<i32>} : memref<80xi32, #tpu.memory_space<vmem>>, vector<16xi32>,
      %get3A_691 = arith.constant 208 : index
      %get3A_692 = tpu.vector_load %arg12[%get3A_691] {strides = array<i32>} : memref<240xi32, #tpu.memory_space<vmem>>, vector<16xi32>,
      %swap3A_693 = arith.constant 48 : index
      %swap3A_694 = tpu.vector_load %arg15[%swap3A_693] {strides = array<i32>} : memref<80xi32, #tpu.memory_space<vmem>>, vector<16xi32>,
      tpu.vector_store %arg15[%swap3A_693], %get3A_692 {strides = array<i32>} : memref<80xi32, #tpu.memory_space<vmem>>, vector<16xi32>,
      %get3A_695 = arith.constant 224 : index
      %get3A_696 = tpu.vector_load %arg12[%get3A_695] {strides = array<i32>} : memref<240xi32, #tpu.memory_space<vmem>>, vector<16xi32>,
      %swap3A_697 = arith.constant 64 : index
      %swap3A_698 = tpu.vector_load %arg15[%swap3A_697] {strides = array<i32>} : memref<80xi32, #tpu.memory_space<vmem>>, vector<16xi32>,
      tpu.vector_store %arg15[%swap3A_697], %get3A_696 {strides = array<i32>} : memref<80xi32, #tpu.memory_space<vmem>>, vector<16xi32>,
      %dma_start3A_699 = arith.constant 160 : i32
      %dma_start3A_700 = tpu.memref_slice %arg10[%dma_start3A_699] : memref<240xi32, #tpu.memory_space<vmem>> -> memref<80xi32, #tpu.memory_space<vmem>>
      %dma_start3A_701 = arith.constant 0 : i32
      %dma_start3A_702 = arith.constant 0 : i32
      %dma_start3A_703 = tpu.memref_slice %arg2[%dma_start3A_701, %dma_start3A_702] : memref<10000x128xf32, #tpu.memory_space<hbm>> -> memref<10000x128xf32, #tpu.memory_space<hbm>>
      tpu.enqueue_indirect_dma source(%dma_start3A_703 : memref<10000x128xf32, #tpu.memory_space<hbm>>) target(%arg18 : memref<80x128xf32, #tpu.memory_space<vmem>>) offsets(%dma_start3A_700 : memref<80xi32, #tpu.memory_space<vmem>>) semaphore(%arg21 : memref<!tpu.dma_semaphore, #tpu.memory_space<semaphore_mem>>)
      %dma_wait3A_704 = arith.constant 0 : i32
      %dma_wait3A_705 = arith.constant 0 : i32
      %dma_wait3A_706 = tpu.memref_slice %arg2[%dma_wait3A_704, %dma_wait3A_705] : memref<10000x128xf32, #tpu.memory_space<hbm>> -> memref<10000x128xf32, #tpu.memory_space<hbm>>
      tpu.wait_indirect_dma semaphore(%arg20 : memref<!tpu.dma_semaphore, #tpu.memory_space<semaphore_mem>>) src(%dma_wait3A_706 : memref<10000x128xf32, #tpu.memory_space<hbm>>) dst(%arg17 : memref<80x128xf32, #tpu.memory_space<vmem>>)
      %dma_start3A_707 = arith.constant 0 : i32
      %dma_start3A_708 = arith.constant 0 : i32
      %dma_start3A_709 = tpu.memref_slice %arg8[%dma_start3A_707, %dma_start3A_708] : memref<10000x128xf32, #tpu.memory_space<vmem_shared>> -> memref<10000x128xf32, #tpu.memory_space<vmem_shared>>
      tpu.enqueue_indirect_dma source(%arg17 : memref<80x128xf32, #tpu.memory_space<vmem>>) target(%dma_start3A_709 : memref<10000x128xf32, #tpu.memory_space<vmem_shared>>) offsets(%arg14 : memref<80xi32, #tpu.memory_space<vmem>>) semaphore(%arg23 : memref<!tpu.dma_semaphore, #tpu.memory_space<semaphore_mem>>) {add = true}
      %get3A_710 = arith.constant 0 : index
      %get3A_711 = tpu.vector_load %arg14[%get3A_710] {strides = array<i32>} : memref<80xi32, #tpu.memory_space<vmem>>, vector<16xi32>,
      tpu.vector_store_idx %arg26[%get3A_711], %broadcast_in_dim3A_3 {add = true} : memref<10000xf32, #tpu.memory_space<vmem>>[vector<16xi32>], vector<16xf32>,
      %get3A_712 = arith.constant 16 : index
      %get3A_713 = tpu.vector_load %arg14[%get3A_712] {strides = array<i32>} : memref<80xi32, #tpu.memory_space<vmem>>, vector<16xi32>,
      tpu.vector_store_idx %arg26[%get3A_713], %broadcast_in_dim3A_3 {add = true} : memref<10000xf32, #tpu.memory_space<vmem>>[vector<16xi32>], vector<16xf32>,
      %get3A_714 = arith.constant 32 : index
      %get3A_715 = tpu.vector_load %arg14[%get3A_714] {strides = array<i32>} : memref<80xi32, #tpu.memory_space<vmem>>, vector<16xi32>,
      tpu.vector_store_idx %arg26[%get3A_715], %broadcast_in_dim3A_3 {add = true} : memref<10000xf32, #tpu.memory_space<vmem>>[vector<16xi32>], vector<16xf32>,
      %get3A_716 = arith.constant 48 : index
      %get3A_717 = tpu.vector_load %arg14[%get3A_716] {strides = array<i32>} : memref<80xi32, #tpu.memory_space<vmem>>, vector<16xi32>,
      tpu.vector_store_idx %arg26[%get3A_717], %broadcast_in_dim3A_3 {add = true} : memref<10000xf32, #tpu.memory_space<vmem>>[vector<16xi32>], vector<16xf32>,
      %get3A_718 = arith.constant 64 : index
      %get3A_719 = tpu.vector_load %arg14[%get3A_718] {strides = array<i32>} : memref<80xi32, #tpu.memory_space<vmem>>, vector<16xi32>,
      tpu.vector_store_idx %arg26[%get3A_719], %broadcast_in_dim3A_3 {add = true} : memref<10000xf32, #tpu.memory_space<vmem>>[vector<16xi32>], vector<16xf32>,
    }
    %scan3A_135 = arith.constant 20 : i32
    %gt3A = arith.constant 40 : i32
    %gt3A_136 = arith.constant 0 : i32
    %gt3A_137 = arith.cmpi sgt, %gt3A, %gt3A_136 : i32
    %convert_element_type3A_138 = arith.extui %gt3A_137 : i1 to i32
    %cond3A_139 = arith.constant 0 : i32
    %cond3A_140 = arith.cmpi ne, %convert_element_type3A_138, %cond3A_139 : i32
    scf.if %cond3A_140 {
      %dma_wait3A_439 = arith.constant 0 : i32
      %dma_wait3A_440 = tpu.memref_slice %arg3[%dma_wait3A_439] : memref<320000xi32, #tpu.memory_space<hbm>> -> memref<240xi32, #tpu.memory_space<hbm>>
      %dma_wait3A_441 = arith.constant 0 : i32
      %dma_wait3A_442 = tpu.memref_slice %arg3[%dma_wait3A_441] : memref<320000xi32, #tpu.memory_space<hbm>> -> memref<240xi32, #tpu.memory_space<hbm>>
      tpu.wait_dma2 semaphore(%arg25 : memref<!tpu.dma_semaphore, #tpu.memory_space<semaphore_mem>>) src(%dma_wait3A_442 : memref<240xi32, #tpu.memory_space<hbm>>) dst(%arg9 : memref<240xi32, #tpu.memory_space<vmem>>)
      %dma_wait3A_443 = arith.constant 0 : i32
      %dma_wait3A_444 = tpu.memref_slice %arg4[%dma_wait3A_443] : memref<320000xi32, #tpu.memory_space<hbm>> -> memref<240xi32, #tpu.memory_space<hbm>>
      %dma_wait3A_445 = arith.constant 0 : i32
      %dma_wait3A_446 = tpu.memref_slice %arg4[%dma_wait3A_445] : memref<320000xi32, #tpu.memory_space<hbm>> -> memref<240xi32, #tpu.memory_space<hbm>>
      tpu.wait_dma2 semaphore(%arg25 : memref<!tpu.dma_semaphore, #tpu.memory_space<semaphore_mem>>) src(%dma_wait3A_446 : memref<240xi32, #tpu.memory_space<hbm>>) dst(%arg11 : memref<240xi32, #tpu.memory_space<vmem>>)
    } else {
    }
    %gt3A_141 = arith.constant 40 : i32
    %gt3A_142 = arith.constant 0 : i32
    %gt3A_143 = arith.cmpi sgt, %gt3A_141, %gt3A_142 : i32
    %convert_element_type3A_144 = arith.extui %gt3A_143 : i1 to i32
    %cond3A_145 = arith.constant 0 : i32
    %cond3A_146 = arith.cmpi ne, %convert_element_type3A_144, %cond3A_145 : i32
    scf.if %cond3A_146 {
      %dma_wait3A_439 = arith.constant 0 : i32
      %dma_wait3A_440 = arith.constant 0 : i32
      %dma_wait3A_441 = tpu.memref_slice %arg8[%dma_wait3A_439, %dma_wait3A_440] : memref<10000x128xf32, #tpu.memory_space<vmem_shared>> -> memref<10000x128xf32, #tpu.memory_space<vmem_shared>>
      tpu.wait_indirect_dma semaphore(%arg22 : memref<!tpu.dma_semaphore, #tpu.memory_space<semaphore_mem>>) src(%arg16 : memref<80x128xf32, #tpu.memory_space<vmem>>) dst(%dma_wait3A_441 : memref<10000x128xf32, #tpu.memory_space<vmem_shared>>)
    } else {
    }
    %get3A = arith.constant 0 : index
    %get3A_147 = tpu.vector_load %arg11[%get3A] {strides = array<i32>} : memref<240xi32, #tpu.memory_space<vmem>>, vector<16xi32>,
    %swap3A = arith.constant 0 : index
    %swap3A_148 = tpu.vector_load %arg13[%swap3A] {strides = array<i32>} : memref<80xi32, #tpu.memory_space<vmem>>, vector<16xi32>,
    tpu.vector_store %arg13[%swap3A], %get3A_147 {strides = array<i32>} : memref<80xi32, #tpu.memory_space<vmem>>, vector<16xi32>,
    %get3A_149 = arith.constant 16 : index
    %get3A_150 = tpu.vector_load %arg11[%get3A_149] {strides = array<i32>} : memref<240xi32, #tpu.memory_space<vmem>>, vector<16xi32>,
    %swap3A_151 = arith.constant 16 : index
    %swap3A_152 = tpu.vector_load %arg13[%swap3A_151] {strides = array<i32>} : memref<80xi32, #tpu.memory_space<vmem>>, vector<16xi32>,
    tpu.vector_store %arg13[%swap3A_151], %get3A_150 {strides = array<i32>} : memref<80xi32, #tpu.memory_space<vmem>>, vector<16xi32>,
    %get3A_153 = arith.constant 32 : index
    %get3A_154 = tpu.vector_load %arg11[%get3A_153] {strides = array<i32>} : memref<240xi32, #tpu.memory_space<vmem>>, vector<16xi32>,
    %swap3A_155 = arith.constant 32 : index
    %swap3A_156 = tpu.vector_load %arg13[%swap3A_155] {strides = array<i32>} : memref<80xi32, #tpu.memory_space<vmem>>, vector<16xi32>,
    tpu.vector_store %arg13[%swap3A_155], %get3A_154 {strides = array<i32>} : memref<80xi32, #tpu.memory_space<vmem>>, vector<16xi32>,
    %get3A_157 = arith.constant 48 : index
    %get3A_158 = tpu.vector_load %arg11[%get3A_157] {strides = array<i32>} : memref<240xi32, #tpu.memory_space<vmem>>, vector<16xi32>,
    %swap3A_159 = arith.constant 48 : index
    %swap3A_160 = tpu.vector_load %arg13[%swap3A_159] {strides = array<i32>} : memref<80xi32, #tpu.memory_space<vmem>>, vector<16xi32>,
    tpu.vector_store %arg13[%swap3A_159], %get3A_158 {strides = array<i32>} : memref<80xi32, #tpu.memory_space<vmem>>, vector<16xi32>,
    %get3A_161 = arith.constant 64 : index
    %get3A_162 = tpu.vector_load %arg11[%get3A_161] {strides = array<i32>} : memref<240xi32, #tpu.memory_space<vmem>>, vector<16xi32>,
    %swap3A_163 = arith.constant 64 : index
    %swap3A_164 = tpu.vector_load %arg13[%swap3A_163] {strides = array<i32>} : memref<80xi32, #tpu.memory_space<vmem>>, vector<16xi32>,
    tpu.vector_store %arg13[%swap3A_163], %get3A_162 {strides = array<i32>} : memref<80xi32, #tpu.memory_space<vmem>>, vector<16xi32>,
    %dma_start3A_165 = arith.constant 0 : i32
    %dma_start3A_166 = tpu.memref_slice %arg9[%dma_start3A_165] : memref<240xi32, #tpu.memory_space<vmem>> -> memref<80xi32, #tpu.memory_space<vmem>>
    %dma_start3A_167 = arith.constant 0 : i32
    %dma_start3A_168 = arith.constant 0 : i32
    %dma_start3A_169 = tpu.memref_slice %arg2[%dma_start3A_167, %dma_start3A_168] : memref<10000x128xf32, #tpu.memory_space<hbm>> -> memref<10000x128xf32, #tpu.memory_space<hbm>>
    tpu.enqueue_indirect_dma source(%dma_start3A_169 : memref<10000x128xf32, #tpu.memory_space<hbm>>) target(%arg16 : memref<80x128xf32, #tpu.memory_space<vmem>>) offsets(%dma_start3A_166 : memref<80xi32, #tpu.memory_space<vmem>>) semaphore(%arg19 : memref<!tpu.dma_semaphore, #tpu.memory_space<semaphore_mem>>)
    %gt3A_170 = arith.constant 40 : i32
    %gt3A_171 = arith.constant 0 : i32
    %gt3A_172 = arith.cmpi sgt, %gt3A_170, %gt3A_171 : i32
    %convert_element_type3A_173 = arith.extui %gt3A_172 : i1 to i32
    %cond3A_174 = arith.constant 0 : i32
    %cond3A_175 = arith.cmpi ne, %convert_element_type3A_173, %cond3A_174 : i32
    scf.if %cond3A_175 {
      %dma_wait3A_439 = arith.constant 0 : i32
      %dma_wait3A_440 = arith.constant 0 : i32
      %dma_wait3A_441 = tpu.memref_slice %arg2[%dma_wait3A_439, %dma_wait3A_440] : memref<10000x128xf32, #tpu.memory_space<hbm>> -> memref<10000x128xf32, #tpu.memory_space<hbm>>
      tpu.wait_indirect_dma semaphore(%arg21 : memref<!tpu.dma_semaphore, #tpu.memory_space<semaphore_mem>>) src(%dma_wait3A_441 : memref<10000x128xf32, #tpu.memory_space<hbm>>) dst(%arg18 : memref<80x128xf32, #tpu.memory_space<vmem>>)
      %dma_start3A_442 = arith.constant 0 : i32
      %dma_start3A_443 = arith.constant 0 : i32
      %dma_start3A_444 = tpu.memref_slice %arg8[%dma_start3A_442, %dma_start3A_443] : memref<10000x128xf32, #tpu.memory_space<vmem_shared>> -> memref<10000x128xf32, #tpu.memory_space<vmem_shared>>
      tpu.enqueue_indirect_dma source(%arg18 : memref<80x128xf32, #tpu.memory_space<vmem>>) target(%dma_start3A_444 : memref<10000x128xf32, #tpu.memory_space<vmem_shared>>) offsets(%arg15 : memref<80xi32, #tpu.memory_space<vmem>>) semaphore(%arg24 : memref<!tpu.dma_semaphore, #tpu.memory_space<semaphore_mem>>) {add = true}
      %get3A_445 = arith.constant 0 : index
      %get3A_446 = tpu.vector_load %arg15[%get3A_445] {strides = array<i32>} : memref<80xi32, #tpu.memory_space<vmem>>, vector<16xi32>,
      tpu.vector_store_idx %arg26[%get3A_446], %broadcast_in_dim3A_3 {add = true} : memref<10000xf32, #tpu.memory_space<vmem>>[vector<16xi32>], vector<16xf32>,
      %get3A_447 = arith.constant 16 : index
      %get3A_448 = tpu.vector_load %arg15[%get3A_447] {strides = array<i32>} : memref<80xi32, #tpu.memory_space<vmem>>, vector<16xi32>,
      tpu.vector_store_idx %arg26[%get3A_448], %broadcast_in_dim3A_3 {add = true} : memref<10000xf32, #tpu.memory_space<vmem>>[vector<16xi32>], vector<16xf32>,
      %get3A_449 = arith.constant 32 : index
      %get3A_450 = tpu.vector_load %arg15[%get3A_449] {strides = array<i32>} : memref<80xi32, #tpu.memory_space<vmem>>, vector<16xi32>,
      tpu.vector_store_idx %arg26[%get3A_450], %broadcast_in_dim3A_3 {add = true} : memref<10000xf32, #tpu.memory_space<vmem>>[vector<16xi32>], vector<16xf32>,
      %get3A_451 = arith.constant 48 : index
      %get3A_452 = tpu.vector_load %arg15[%get3A_451] {strides = array<i32>} : memref<80xi32, #tpu.memory_space<vmem>>, vector<16xi32>,
      tpu.vector_store_idx %arg26[%get3A_452], %broadcast_in_dim3A_3 {add = true} : memref<10000xf32, #tpu.memory_space<vmem>>[vector<16xi32>], vector<16xf32>,
      %get3A_453 = arith.constant 64 : index
      %get3A_454 = tpu.vector_load %arg15[%get3A_453] {strides = array<i32>} : memref<80xi32, #tpu.memory_space<vmem>>, vector<16xi32>,
      tpu.vector_store_idx %arg26[%get3A_454], %broadcast_in_dim3A_3 {add = true} : memref<10000xf32, #tpu.memory_space<vmem>>[vector<16xi32>], vector<16xf32>,
    } else {
    }
    %lt3A_176 = arith.constant 40 : i32
    %lt3A_177 = arith.constant 40 : i32
    %lt3A_178 = arith.cmpi slt, %lt3A_176, %lt3A_177 : i32
    %convert_element_type3A_179 = arith.extui %lt3A_178 : i1 to i32
    %cond3A_180 = arith.constant 40 : i32
    %cond3A_181 = arith.constant 0 : i32
    %cond3A_182 = arith.cmpi ne, %convert_element_type3A_179, %cond3A_181 : i32
    scf.if %cond3A_182 {
      %add3A_439 = arith.constant 1 : i32
      %add3A_440 = arith.addi %cond3A_180, %add3A_439 : i32
      %mul3A_441 = arith.constant 240 : i32
      %mul3A_442 = arith.muli %add3A_440, %mul3A_441 : i32
      %add3A_443 = arith.addi %mul3A_2, %mul3A_442 : i32
      %dma_start3A_444 = tpu.memref_slice %arg3[%add3A_443] : memref<320000xi32, #tpu.memory_space<hbm>> -> memref<240xi32, #tpu.memory_space<hbm>>
      %dma_start3A_445 = tpu.memref_slice %arg3[%add3A_443] : memref<320000xi32, #tpu.memory_space<hbm>> -> memref<240xi32, #tpu.memory_space<hbm>>
      tpu.enqueue_dma source(%dma_start3A_445 : memref<240xi32, #tpu.memory_space<hbm>>) target(%arg10 : memref<240xi32, #tpu.memory_space<vmem>>) target_semaphore(%arg25 : memref<!tpu.dma_semaphore, #tpu.memory_space<semaphore_mem>>)
      %dma_start3A_446 = tpu.memref_slice %arg4[%add3A_443] : memref<320000xi32, #tpu.memory_space<hbm>> -> memref<240xi32, #tpu.memory_space<hbm>>
      %dma_start3A_447 = tpu.memref_slice %arg4[%add3A_443] : memref<320000xi32, #tpu.memory_space<hbm>> -> memref<240xi32, #tpu.memory_space<hbm>>
      tpu.enqueue_dma source(%dma_start3A_447 : memref<240xi32, #tpu.memory_space<hbm>>) target(%arg12 : memref<240xi32, #tpu.memory_space<vmem>>) target_semaphore(%arg25 : memref<!tpu.dma_semaphore, #tpu.memory_space<semaphore_mem>>)
    } else {
    }
    %gt3A_183 = arith.constant 40 : i32
    %gt3A_184 = arith.constant 0 : i32
    %gt3A_185 = arith.cmpi sgt, %gt3A_183, %gt3A_184 : i32
    %convert_element_type3A_186 = arith.extui %gt3A_185 : i1 to i32
    %cond3A_187 = arith.constant 0 : i32
    %cond3A_188 = arith.cmpi ne, %convert_element_type3A_186, %cond3A_187 : i32
    scf.if %cond3A_188 {
      %dma_wait3A_439 = arith.constant 0 : i32
      %dma_wait3A_440 = arith.constant 0 : i32
      %dma_wait3A_441 = tpu.memref_slice %arg8[%dma_wait3A_439, %dma_wait3A_440] : memref<10000x128xf32, #tpu.memory_space<vmem_shared>> -> memref<10000x128xf32, #tpu.memory_space<vmem_shared>>
      tpu.wait_indirect_dma semaphore(%arg23 : memref<!tpu.dma_semaphore, #tpu.memory_space<semaphore_mem>>) src(%arg17 : memref<80x128xf32, #tpu.memory_space<vmem>>) dst(%dma_wait3A_441 : memref<10000x128xf32, #tpu.memory_space<vmem_shared>>)
    } else {
    }
    %get3A_189 = arith.constant 80 : index
    %get3A_190 = tpu.vector_load %arg11[%get3A_189] {strides = array<i32>} : memref<240xi32, #tpu.memory_space<vmem>>, vector<16xi32>,
    %swap3A_191 = arith.constant 0 : index
    %swap3A_192 = tpu.vector_load %arg14[%swap3A_191] {strides = array<i32>} : memref<80xi32, #tpu.memory_space<vmem>>, vector<16xi32>,
    tpu.vector_store %arg14[%swap3A_191], %get3A_190 {strides = array<i32>} : memref<80xi32, #tpu.memory_space<vmem>>, vector<16xi32>,
    %get3A_193 = arith.constant 96 : index
    %get3A_194 = tpu.vector_load %arg11[%get3A_193] {strides = array<i32>} : memref<240xi32, #tpu.memory_space<vmem>>, vector<16xi32>,
    %swap3A_195 = arith.constant 16 : index
    %swap3A_196 = tpu.vector_load %arg14[%swap3A_195] {strides = array<i32>} : memref<80xi32, #tpu.memory_space<vmem>>, vector<16xi32>,
    tpu.vector_store %arg14[%swap3A_195], %get3A_194 {strides = array<i32>} : memref<80xi32, #tpu.memory_space<vmem>>, vector<16xi32>,
    %get3A_197 = arith.constant 112 : index
    %get3A_198 = tpu.vector_load %arg11[%get3A_197] {strides = array<i32>} : memref<240xi32, #tpu.memory_space<vmem>>, vector<16xi32>,
    %swap3A_199 = arith.constant 32 : index
    %swap3A_200 = tpu.vector_load %arg14[%swap3A_199] {strides = array<i32>} : memref<80xi32, #tpu.memory_space<vmem>>, vector<16xi32>,
    tpu.vector_store %arg14[%swap3A_199], %get3A_198 {strides = array<i32>} : memref<80xi32, #tpu.memory_space<vmem>>, vector<16xi32>,
    %get3A_201 = arith.constant 128 : index
    %get3A_202 = tpu.vector_load %arg11[%get3A_201] {strides = array<i32>} : memref<240xi32, #tpu.memory_space<vmem>>, vector<16xi32>,
    %swap3A_203 = arith.constant 48 : index
    %swap3A_204 = tpu.vector_load %arg14[%swap3A_203] {strides = array<i32>} : memref<80xi32, #tpu.memory_space<vmem>>, vector<16xi32>,
    tpu.vector_store %arg14[%swap3A_203], %get3A_202 {strides = array<i32>} : memref<80xi32, #tpu.memory_space<vmem>>, vector<16xi32>,
    %get3A_205 = arith.constant 144 : index
    %get3A_206 = tpu.vector_load %arg11[%get3A_205] {strides = array<i32>} : memref<240xi32, #tpu.memory_space<vmem>>, vector<16xi32>,
    %swap3A_207 = arith.constant 64 : index
    %swap3A_208 = tpu.vector_load %arg14[%swap3A_207] {strides = array<i32>} : memref<80xi32, #tpu.memory_space<vmem>>, vector<16xi32>,
    tpu.vector_store %arg14[%swap3A_207], %get3A_206 {strides = array<i32>} : memref<80xi32, #tpu.memory_space<vmem>>, vector<16xi32>,
    %dma_start3A_209 = arith.constant 80 : i32
    %dma_start3A_210 = tpu.memref_slice %arg9[%dma_start3A_209] : memref<240xi32, #tpu.memory_space<vmem>> -> memref<80xi32, #tpu.memory_space<vmem>>
    %dma_start3A_211 = arith.constant 0 : i32
    %dma_start3A_212 = arith.constant 0 : i32
    %dma_start3A_213 = tpu.memref_slice %arg2[%dma_start3A_211, %dma_start3A_212] : memref<10000x128xf32, #tpu.memory_space<hbm>> -> memref<10000x128xf32, #tpu.memory_space<hbm>>
    tpu.enqueue_indirect_dma source(%dma_start3A_213 : memref<10000x128xf32, #tpu.memory_space<hbm>>) target(%arg17 : memref<80x128xf32, #tpu.memory_space<vmem>>) offsets(%dma_start3A_210 : memref<80xi32, #tpu.memory_space<vmem>>) semaphore(%arg20 : memref<!tpu.dma_semaphore, #tpu.memory_space<semaphore_mem>>)
    %dma_wait3A_214 = arith.constant 0 : i32
    %dma_wait3A_215 = arith.constant 0 : i32
    %dma_wait3A_216 = tpu.memref_slice %arg2[%dma_wait3A_214, %dma_wait3A_215] : memref<10000x128xf32, #tpu.memory_space<hbm>> -> memref<10000x128xf32, #tpu.memory_space<hbm>>
    tpu.wait_indirect_dma semaphore(%arg19 : memref<!tpu.dma_semaphore, #tpu.memory_space<semaphore_mem>>) src(%dma_wait3A_216 : memref<10000x128xf32, #tpu.memory_space<hbm>>) dst(%arg16 : memref<80x128xf32, #tpu.memory_space<vmem>>)
    %dma_start3A_217 = arith.constant 0 : i32
    %dma_start3A_218 = arith.constant 0 : i32
    %dma_start3A_219 = tpu.memref_slice %arg8[%dma_start3A_217, %dma_start3A_218] : memref<10000x128xf32, #tpu.memory_space<vmem_shared>> -> memref<10000x128xf32, #tpu.memory_space<vmem_shared>>
    tpu.enqueue_indirect_dma source(%arg16 : memref<80x128xf32, #tpu.memory_space<vmem>>) target(%dma_start3A_219 : memref<10000x128xf32, #tpu.memory_space<vmem_shared>>) offsets(%arg13 : memref<80xi32, #tpu.memory_space<vmem>>) semaphore(%arg22 : memref<!tpu.dma_semaphore, #tpu.memory_space<semaphore_mem>>) {add = true}
    %get3A_220 = arith.constant 0 : index
    %get3A_221 = tpu.vector_load %arg13[%get3A_220] {strides = array<i32>} : memref<80xi32, #tpu.memory_space<vmem>>, vector<16xi32>,
    tpu.vector_store_idx %arg26[%get3A_221], %broadcast_in_dim3A_3 {add = true} : memref<10000xf32, #tpu.memory_space<vmem>>[vector<16xi32>], vector<16xf32>,
    %get3A_222 = arith.constant 16 : index
    %get3A_223 = tpu.vector_load %arg13[%get3A_222] {strides = array<i32>} : memref<80xi32, #tpu.memory_space<vmem>>, vector<16xi32>,
    tpu.vector_store_idx %arg26[%get3A_223], %broadcast_in_dim3A_3 {add = true} : memref<10000xf32, #tpu.memory_space<vmem>>[vector<16xi32>], vector<16xf32>,
    %get3A_224 = arith.constant 32 : index
    %get3A_225 = tpu.vector_load %arg13[%get3A_224] {strides = array<i32>} : memref<80xi32, #tpu.memory_space<vmem>>, vector<16xi32>,
    tpu.vector_store_idx %arg26[%get3A_225], %broadcast_in_dim3A_3 {add = true} : memref<10000xf32, #tpu.memory_space<vmem>>[vector<16xi32>], vector<16xf32>,
    %get3A_226 = arith.constant 48 : index
    %get3A_227 = tpu.vector_load %arg13[%get3A_226] {strides = array<i32>} : memref<80xi32, #tpu.memory_space<vmem>>, vector<16xi32>,
    tpu.vector_store_idx %arg26[%get3A_227], %broadcast_in_dim3A_3 {add = true} : memref<10000xf32, #tpu.memory_space<vmem>>[vector<16xi32>], vector<16xf32>,
    %get3A_228 = arith.constant 64 : index
    %get3A_229 = tpu.vector_load %arg13[%get3A_228] {strides = array<i32>} : memref<80xi32, #tpu.memory_space<vmem>>, vector<16xi32>,
    tpu.vector_store_idx %arg26[%get3A_229], %broadcast_in_dim3A_3 {add = true} : memref<10000xf32, #tpu.memory_space<vmem>>[vector<16xi32>], vector<16xf32>,
    %gt3A_230 = arith.constant 40 : i32
    %gt3A_231 = arith.constant 0 : i32
    %gt3A_232 = arith.cmpi sgt, %gt3A_230, %gt3A_231 : i32
    %convert_element_type3A_233 = arith.extui %gt3A_232 : i1 to i32
    %cond3A_234 = arith.constant 0 : i32
    %cond3A_235 = arith.cmpi ne, %convert_element_type3A_233, %cond3A_234 : i32
    scf.if %cond3A_235 {
      %dma_wait3A_439 = arith.constant 0 : i32
      %dma_wait3A_440 = arith.constant 0 : i32
      %dma_wait3A_441 = tpu.memref_slice %arg8[%dma_wait3A_439, %dma_wait3A_440] : memref<10000x128xf32, #tpu.memory_space<vmem_shared>> -> memref<10000x128xf32, #tpu.memory_space<vmem_shared>>
      tpu.wait_indirect_dma semaphore(%arg24 : memref<!tpu.dma_semaphore, #tpu.memory_space<semaphore_mem>>) src(%arg18 : memref<80x128xf32, #tpu.memory_space<vmem>>) dst(%dma_wait3A_441 : memref<10000x128xf32, #tpu.memory_space<vmem_shared>>)
    } else {
    }
    %get3A_236 = arith.constant 160 : index
    %get3A_237 = tpu.vector_load %arg11[%get3A_236] {strides = array<i32>} : memref<240xi32, #tpu.memory_space<vmem>>, vector<16xi32>,
    %swap3A_238 = arith.constant 0 : index
    %swap3A_239 = tpu.vector_load %arg15[%swap3A_238] {strides = array<i32>} : memref<80xi32, #tpu.memory_space<vmem>>, vector<16xi32>,
    tpu.vector_store %arg15[%swap3A_238], %get3A_237 {strides = array<i32>} : memref<80xi32, #tpu.memory_space<vmem>>, vector<16xi32>,
    %get3A_240 = arith.constant 176 : index
    %get3A_241 = tpu.vector_load %arg11[%get3A_240] {strides = array<i32>} : memref<240xi32, #tpu.memory_space<vmem>>, vector<16xi32>,
    %swap3A_242 = arith.constant 16 : index
    %swap3A_243 = tpu.vector_load %arg15[%swap3A_242] {strides = array<i32>} : memref<80xi32, #tpu.memory_space<vmem>>, vector<16xi32>,
    tpu.vector_store %arg15[%swap3A_242], %get3A_241 {strides = array<i32>} : memref<80xi32, #tpu.memory_space<vmem>>, vector<16xi32>,
    %get3A_244 = arith.constant 192 : index
    %get3A_245 = tpu.vector_load %arg11[%get3A_244] {strides = array<i32>} : memref<240xi32, #tpu.memory_space<vmem>>, vector<16xi32>,
    %swap3A_246 = arith.constant 32 : index
    %swap3A_247 = tpu.vector_load %arg15[%swap3A_246] {strides = array<i32>} : memref<80xi32, #tpu.memory_space<vmem>>, vector<16xi32>,
    tpu.vector_store %arg15[%swap3A_246], %get3A_245 {strides = array<i32>} : memref<80xi32, #tpu.memory_space<vmem>>, vector<16xi32>,
    %get3A_248 = arith.constant 208 : index
    %get3A_249 = tpu.vector_load %arg11[%get3A_248] {strides = array<i32>} : memref<240xi32, #tpu.memory_space<vmem>>, vector<16xi32>,
    %swap3A_250 = arith.constant 48 : index
    %swap3A_251 = tpu.vector_load %arg15[%swap3A_250] {strides = array<i32>} : memref<80xi32, #tpu.memory_space<vmem>>, vector<16xi32>,
    tpu.vector_store %arg15[%swap3A_250], %get3A_249 {strides = array<i32>} : memref<80xi32, #tpu.memory_space<vmem>>, vector<16xi32>,
    %get3A_252 = arith.constant 224 : index
    %get3A_253 = tpu.vector_load %arg11[%get3A_252] {strides = array<i32>} : memref<240xi32, #tpu.memory_space<vmem>>, vector<16xi32>,
    %swap3A_254 = arith.constant 64 : index
    %swap3A_255 = tpu.vector_load %arg15[%swap3A_254] {strides = array<i32>} : memref<80xi32, #tpu.memory_space<vmem>>, vector<16xi32>,
    tpu.vector_store %arg15[%swap3A_254], %get3A_253 {strides = array<i32>} : memref<80xi32, #tpu.memory_space<vmem>>, vector<16xi32>,
    %dma_start3A_256 = arith.constant 160 : i32
    %dma_start3A_257 = tpu.memref_slice %arg9[%dma_start3A_256] : memref<240xi32, #tpu.memory_space<vmem>> -> memref<80xi32, #tpu.memory_space<vmem>>
    %dma_start3A_258 = arith.constant 0 : i32
    %dma_start3A_259 = arith.constant 0 : i32
    %dma_start3A_260 = tpu.memref_slice %arg2[%dma_start3A_258, %dma_start3A_259] : memref<10000x128xf32, #tpu.memory_space<hbm>> -> memref<10000x128xf32, #tpu.memory_space<hbm>>
    tpu.enqueue_indirect_dma source(%dma_start3A_260 : memref<10000x128xf32, #tpu.memory_space<hbm>>) target(%arg18 : memref<80x128xf32, #tpu.memory_space<vmem>>) offsets(%dma_start3A_257 : memref<80xi32, #tpu.memory_space<vmem>>) semaphore(%arg21 : memref<!tpu.dma_semaphore, #tpu.memory_space<semaphore_mem>>)
    %dma_wait3A_261 = arith.constant 0 : i32
    %dma_wait3A_262 = arith.constant 0 : i32
    %dma_wait3A_263 = tpu.memref_slice %arg2[%dma_wait3A_261, %dma_wait3A_262] : memref<10000x128xf32, #tpu.memory_space<hbm>> -> memref<10000x128xf32, #tpu.memory_space<hbm>>
    tpu.wait_indirect_dma semaphore(%arg20 : memref<!tpu.dma_semaphore, #tpu.memory_space<semaphore_mem>>) src(%dma_wait3A_263 : memref<10000x128xf32, #tpu.memory_space<hbm>>) dst(%arg17 : memref<80x128xf32, #tpu.memory_space<vmem>>)
    %dma_start3A_264 = arith.constant 0 : i32
    %dma_start3A_265 = arith.constant 0 : i32
    %dma_start3A_266 = tpu.memref_slice %arg8[%dma_start3A_264, %dma_start3A_265] : memref<10000x128xf32, #tpu.memory_space<vmem_shared>> -> memref<10000x128xf32, #tpu.memory_space<vmem_shared>>
    tpu.enqueue_indirect_dma source(%arg17 : memref<80x128xf32, #tpu.memory_space<vmem>>) target(%dma_start3A_266 : memref<10000x128xf32, #tpu.memory_space<vmem_shared>>) offsets(%arg14 : memref<80xi32, #tpu.memory_space<vmem>>) semaphore(%arg23 : memref<!tpu.dma_semaphore, #tpu.memory_space<semaphore_mem>>) {add = true}
    %get3A_267 = arith.constant 0 : index
    %get3A_268 = tpu.vector_load %arg14[%get3A_267] {strides = array<i32>} : memref<80xi32, #tpu.memory_space<vmem>>, vector<16xi32>,
    tpu.vector_store_idx %arg26[%get3A_268], %broadcast_in_dim3A_3 {add = true} : memref<10000xf32, #tpu.memory_space<vmem>>[vector<16xi32>], vector<16xf32>,
    %get3A_269 = arith.constant 16 : index
    %get3A_270 = tpu.vector_load %arg14[%get3A_269] {strides = array<i32>} : memref<80xi32, #tpu.memory_space<vmem>>, vector<16xi32>,
    tpu.vector_store_idx %arg26[%get3A_270], %broadcast_in_dim3A_3 {add = true} : memref<10000xf32, #tpu.memory_space<vmem>>[vector<16xi32>], vector<16xf32>,
    %get3A_271 = arith.constant 32 : index
    %get3A_272 = tpu.vector_load %arg14[%get3A_271] {strides = array<i32>} : memref<80xi32, #tpu.memory_space<vmem>>, vector<16xi32>,
    tpu.vector_store_idx %arg26[%get3A_272], %broadcast_in_dim3A_3 {add = true} : memref<10000xf32, #tpu.memory_space<vmem>>[vector<16xi32>], vector<16xf32>,
    %get3A_273 = arith.constant 48 : index
    %get3A_274 = tpu.vector_load %arg14[%get3A_273] {strides = array<i32>} : memref<80xi32, #tpu.memory_space<vmem>>, vector<16xi32>,
    tpu.vector_store_idx %arg26[%get3A_274], %broadcast_in_dim3A_3 {add = true} : memref<10000xf32, #tpu.memory_space<vmem>>[vector<16xi32>], vector<16xf32>,
    %get3A_275 = arith.constant 64 : index
    %get3A_276 = tpu.vector_load %arg14[%get3A_275] {strides = array<i32>} : memref<80xi32, #tpu.memory_space<vmem>>, vector<16xi32>,
    tpu.vector_store_idx %arg26[%get3A_276], %broadcast_in_dim3A_3 {add = true} : memref<10000xf32, #tpu.memory_space<vmem>>[vector<16xi32>], vector<16xf32>,
    %dma_wait3A_277 = arith.constant 0 : i32
    %dma_wait3A_278 = arith.constant 0 : i32
    %dma_wait3A_279 = tpu.memref_slice %arg2[%dma_wait3A_277, %dma_wait3A_278] : memref<10000x128xf32, #tpu.memory_space<hbm>> -> memref<10000x128xf32, #tpu.memory_space<hbm>>
    tpu.wait_indirect_dma semaphore(%arg21 : memref<!tpu.dma_semaphore, #tpu.memory_space<semaphore_mem>>) src(%dma_wait3A_279 : memref<10000x128xf32, #tpu.memory_space<hbm>>) dst(%arg18 : memref<80x128xf32, #tpu.memory_space<vmem>>)
    %dma_start3A_280 = arith.constant 0 : i32
    %dma_start3A_281 = arith.constant 0 : i32
    %dma_start3A_282 = tpu.memref_slice %arg8[%dma_start3A_280, %dma_start3A_281] : memref<10000x128xf32, #tpu.memory_space<vmem_shared>> -> memref<10000x128xf32, #tpu.memory_space<vmem_shared>>
    tpu.enqueue_indirect_dma source(%arg18 : memref<80x128xf32, #tpu.memory_space<vmem>>) target(%dma_start3A_282 : memref<10000x128xf32, #tpu.memory_space<vmem_shared>>) offsets(%arg15 : memref<80xi32, #tpu.memory_space<vmem>>) semaphore(%arg24 : memref<!tpu.dma_semaphore, #tpu.memory_space<semaphore_mem>>) {add = true}
    %get3A_283 = arith.constant 0 : index
    %get3A_284 = tpu.vector_load %arg15[%get3A_283] {strides = array<i32>} : memref<80xi32, #tpu.memory_space<vmem>>, vector<16xi32>,
    tpu.vector_store_idx %arg26[%get3A_284], %broadcast_in_dim3A_3 {add = true} : memref<10000xf32, #tpu.memory_space<vmem>>[vector<16xi32>], vector<16xf32>,
    %get3A_285 = arith.constant 16 : index
    %get3A_286 = tpu.vector_load %arg15[%get3A_285] {strides = array<i32>} : memref<80xi32, #tpu.memory_space<vmem>>, vector<16xi32>,
    tpu.vector_store_idx %arg26[%get3A_286], %broadcast_in_dim3A_3 {add = true} : memref<10000xf32, #tpu.memory_space<vmem>>[vector<16xi32>], vector<16xf32>,
    %get3A_287 = arith.constant 32 : index
    %get3A_288 = tpu.vector_load %arg15[%get3A_287] {strides = array<i32>} : memref<80xi32, #tpu.memory_space<vmem>>, vector<16xi32>,
    tpu.vector_store_idx %arg26[%get3A_288], %broadcast_in_dim3A_3 {add = true} : memref<10000xf32, #tpu.memory_space<vmem>>[vector<16xi32>], vector<16xf32>,
    %get3A_289 = arith.constant 48 : index
    %get3A_290 = tpu.vector_load %arg15[%get3A_289] {strides = array<i32>} : memref<80xi32, #tpu.memory_space<vmem>>, vector<16xi32>,
    tpu.vector_store_idx %arg26[%get3A_290], %broadcast_in_dim3A_3 {add = true} : memref<10000xf32, #tpu.memory_space<vmem>>[vector<16xi32>], vector<16xf32>,
    %get3A_291 = arith.constant 64 : index
    %get3A_292 = tpu.vector_load %arg15[%get3A_291] {strides = array<i32>} : memref<80xi32, #tpu.memory_space<vmem>>, vector<16xi32>,
    tpu.vector_store_idx %arg26[%get3A_292], %broadcast_in_dim3A_3 {add = true} : memref<10000xf32, #tpu.memory_space<vmem>>[vector<16xi32>], vector<16xf32>,
    %dma_wait3A_293 = arith.constant 0 : i32
    %dma_wait3A_294 = arith.constant 0 : i32
    %dma_wait3A_295 = tpu.memref_slice %arg8[%dma_wait3A_293, %dma_wait3A_294] : memref<10000x128xf32, #tpu.memory_space<vmem_shared>> -> memref<10000x128xf32, #tpu.memory_space<vmem_shared>>
    tpu.wait_indirect_dma semaphore(%arg22 : memref<!tpu.dma_semaphore, #tpu.memory_space<semaphore_mem>>) src(%arg16 : memref<80x128xf32, #tpu.memory_space<vmem>>) dst(%dma_wait3A_295 : memref<10000x128xf32, #tpu.memory_space<vmem_shared>>)
    %add3A_296 = arith.constant 9840 : i32
    %add3A_297 = arith.addi %mul3A_2, %add3A_296 : i32
    "tpu.region"() ({
      %run_scoped3A = tpu.sem_alloc : memref<!tpu.dma_semaphore, #tpu.memory_space<semaphore_mem>>
      %dma_start3A_439 = tpu.memref_slice %arg4[%add3A_297] : memref<320000xi32, #tpu.memory_space<hbm>> -> memref<80xi32, #tpu.memory_space<hbm>>
      %dma_start3A_440 = tpu.memref_slice %arg4[%add3A_297] : memref<320000xi32, #tpu.memory_space<hbm>> -> memref<80xi32, #tpu.memory_space<hbm>>
      tpu.enqueue_dma source(%dma_start3A_440 : memref<80xi32, #tpu.memory_space<hbm>>) target(%arg13 : memref<80xi32, #tpu.memory_space<vmem>>) target_semaphore(%run_scoped3A : memref<!tpu.dma_semaphore, #tpu.memory_space<semaphore_mem>>)
      %dma_wait3A_441 = tpu.memref_slice %arg4[%add3A_297] : memref<320000xi32, #tpu.memory_space<hbm>> -> memref<80xi32, #tpu.memory_space<hbm>>
      %dma_wait3A_442 = tpu.memref_slice %arg4[%add3A_297] : memref<320000xi32, #tpu.memory_space<hbm>> -> memref<80xi32, #tpu.memory_space<hbm>>
      tpu.wait_dma2 semaphore(%run_scoped3A : memref<!tpu.dma_semaphore, #tpu.memory_space<semaphore_mem>>) src(%dma_wait3A_442 : memref<80xi32, #tpu.memory_space<hbm>>) dst(%arg13 : memref<80xi32, #tpu.memory_space<vmem>>)
      tpu.yield
    }) : () -> ()
    %add3A_298 = arith.constant 9840 : i32
    %add3A_299 = arith.addi %mul3A_2, %add3A_298 : i32
    "tpu.region"() ({
      %run_scoped3A = tpu.sem_alloc : memref<!tpu.dma_semaphore, #tpu.memory_space<semaphore_mem>>
      %dma_start3A_439 = arith.constant 0 : i32
      %dma_start3A_440 = tpu.memref_slice %arg9[%dma_start3A_439] : memref<240xi32, #tpu.memory_space<vmem>> -> memref<80xi32, #tpu.memory_space<vmem>>
      %dma_start3A_441 = tpu.memref_slice %arg3[%add3A_299] : memref<320000xi32, #tpu.memory_space<hbm>> -> memref<80xi32, #tpu.memory_space<hbm>>
      %dma_start3A_442 = arith.constant 0 : i32
      %dma_start3A_443 = tpu.memref_slice %arg9[%dma_start3A_442] : memref<240xi32, #tpu.memory_space<vmem>> -> memref<80xi32, #tpu.memory_space<vmem>>
      %dma_start3A_444 = tpu.memref_slice %arg3[%add3A_299] : memref<320000xi32, #tpu.memory_space<hbm>> -> memref<80xi32, #tpu.memory_space<hbm>>
      tpu.enqueue_dma source(%dma_start3A_444 : memref<80xi32, #tpu.memory_space<hbm>>) target(%dma_start3A_443 : memref<80xi32, #tpu.memory_space<vmem>>) target_semaphore(%run_scoped3A : memref<!tpu.dma_semaphore, #tpu.memory_space<semaphore_mem>>)
      %dma_wait3A_445 = arith.constant 0 : i32
      %dma_wait3A_446 = tpu.memref_slice %arg9[%dma_wait3A_445] : memref<240xi32, #tpu.memory_space<vmem>> -> memref<80xi32, #tpu.memory_space<vmem>>
      %dma_wait3A_447 = tpu.memref_slice %arg3[%add3A_299] : memref<320000xi32, #tpu.memory_space<hbm>> -> memref<80xi32, #tpu.memory_space<hbm>>
      %dma_wait3A_448 = arith.constant 0 : i32
      %dma_wait3A_449 = tpu.memref_slice %arg9[%dma_wait3A_448] : memref<240xi32, #tpu.memory_space<vmem>> -> memref<80xi32, #tpu.memory_space<vmem>>
      %dma_wait3A_450 = tpu.memref_slice %arg3[%add3A_299] : memref<320000xi32, #tpu.memory_space<hbm>> -> memref<80xi32, #tpu.memory_space<hbm>>
      tpu.wait_dma2 semaphore(%run_scoped3A : memref<!tpu.dma_semaphore, #tpu.memory_space<semaphore_mem>>) src(%dma_wait3A_450 : memref<80xi32, #tpu.memory_space<hbm>>) dst(%dma_wait3A_449 : memref<80xi32, #tpu.memory_space<vmem>>)
      tpu.yield
    }) : () -> ()
    %dma_start3A_300 = arith.constant 0 : i32
    %dma_start3A_301 = tpu.memref_slice %arg9[%dma_start3A_300] : memref<240xi32, #tpu.memory_space<vmem>> -> memref<80xi32, #tpu.memory_space<vmem>>
    %dma_start3A_302 = arith.constant 0 : i32
    %dma_start3A_303 = arith.constant 0 : i32
    %dma_start3A_304 = tpu.memref_slice %arg2[%dma_start3A_302, %dma_start3A_303] : memref<10000x128xf32, #tpu.memory_space<hbm>> -> memref<10000x128xf32, #tpu.memory_space<hbm>>
    tpu.enqueue_indirect_dma source(%dma_start3A_304 : memref<10000x128xf32, #tpu.memory_space<hbm>>) target(%arg16 : memref<80x128xf32, #tpu.memory_space<vmem>>) offsets(%dma_start3A_301 : memref<80xi32, #tpu.memory_space<vmem>>) semaphore(%arg19 : memref<!tpu.dma_semaphore, #tpu.memory_space<semaphore_mem>>)
    %dma_wait3A_305 = arith.constant 0 : i32
    %dma_wait3A_306 = arith.constant 0 : i32
    %dma_wait3A_307 = tpu.memref_slice %arg2[%dma_wait3A_305, %dma_wait3A_306] : memref<10000x128xf32, #tpu.memory_space<hbm>> -> memref<10000x128xf32, #tpu.memory_space<hbm>>
    tpu.wait_indirect_dma semaphore(%arg19 : memref<!tpu.dma_semaphore, #tpu.memory_space<semaphore_mem>>) src(%dma_wait3A_307 : memref<10000x128xf32, #tpu.memory_space<hbm>>) dst(%arg16 : memref<80x128xf32, #tpu.memory_space<vmem>>)
    %dma_start3A_308 = arith.constant 0 : i32
    %dma_start3A_309 = arith.constant 0 : i32
    %dma_start3A_310 = tpu.memref_slice %arg8[%dma_start3A_308, %dma_start3A_309] : memref<10000x128xf32, #tpu.memory_space<vmem_shared>> -> memref<10000x128xf32, #tpu.memory_space<vmem_shared>>
    tpu.enqueue_indirect_dma source(%arg16 : memref<80x128xf32, #tpu.memory_space<vmem>>) target(%dma_start3A_310 : memref<10000x128xf32, #tpu.memory_space<vmem_shared>>) offsets(%arg13 : memref<80xi32, #tpu.memory_space<vmem>>) semaphore(%arg22 : memref<!tpu.dma_semaphore, #tpu.memory_space<semaphore_mem>>) {add = true}
    %get3A_311 = arith.constant 0 : index
    %get3A_312 = tpu.vector_load %arg13[%get3A_311] {strides = array<i32>} : memref<80xi32, #tpu.memory_space<vmem>>, vector<16xi32>,
    tpu.vector_store_idx %arg26[%get3A_312], %broadcast_in_dim3A_3 {add = true} : memref<10000xf32, #tpu.memory_space<vmem>>[vector<16xi32>], vector<16xf32>,
    %get3A_313 = arith.constant 16 : index
    %get3A_314 = tpu.vector_load %arg13[%get3A_313] {strides = array<i32>} : memref<80xi32, #tpu.memory_space<vmem>>, vector<16xi32>,
    tpu.vector_store_idx %arg26[%get3A_314], %broadcast_in_dim3A_3 {add = true} : memref<10000xf32, #tpu.memory_space<vmem>>[vector<16xi32>], vector<16xf32>,
    %get3A_315 = arith.constant 32 : index
    %get3A_316 = tpu.vector_load %arg13[%get3A_315] {strides = array<i32>} : memref<80xi32, #tpu.memory_space<vmem>>, vector<16xi32>,
    tpu.vector_store_idx %arg26[%get3A_316], %broadcast_in_dim3A_3 {add = true} : memref<10000xf32, #tpu.memory_space<vmem>>[vector<16xi32>], vector<16xf32>,
    %get3A_317 = arith.constant 48 : index
    %get3A_318 = tpu.vector_load %arg13[%get3A_317] {strides = array<i32>} : memref<80xi32, #tpu.memory_space<vmem>>, vector<16xi32>,
    tpu.vector_store_idx %arg26[%get3A_318], %broadcast_in_dim3A_3 {add = true} : memref<10000xf32, #tpu.memory_space<vmem>>[vector<16xi32>], vector<16xf32>,
    %get3A_319 = arith.constant 64 : index
    %get3A_320 = tpu.vector_load %arg13[%get3A_319] {strides = array<i32>} : memref<80xi32, #tpu.memory_space<vmem>>, vector<16xi32>,
    tpu.vector_store_idx %arg26[%get3A_320], %broadcast_in_dim3A_3 {add = true} : memref<10000xf32, #tpu.memory_space<vmem>>[vector<16xi32>], vector<16xf32>,
    %dma_wait3A_321 = arith.constant 0 : i32
    %dma_wait3A_322 = arith.constant 0 : i32
    %dma_wait3A_323 = tpu.memref_slice %arg8[%dma_wait3A_321, %dma_wait3A_322] : memref<10000x128xf32, #tpu.memory_space<vmem_shared>> -> memref<10000x128xf32, #tpu.memory_space<vmem_shared>>
    tpu.wait_indirect_dma semaphore(%arg23 : memref<!tpu.dma_semaphore, #tpu.memory_space<semaphore_mem>>) src(%arg17 : memref<80x128xf32, #tpu.memory_space<vmem>>) dst(%dma_wait3A_323 : memref<10000x128xf32, #tpu.memory_space<vmem_shared>>)
    %add3A_324 = arith.constant 9920 : i32
    %add3A_325 = arith.addi %mul3A_2, %add3A_324 : i32
    "tpu.region"() ({
      %run_scoped3A = tpu.sem_alloc : memref<!tpu.dma_semaphore, #tpu.memory_space<semaphore_mem>>
      %dma_start3A_439 = tpu.memref_slice %arg4[%add3A_325] : memref<320000xi32, #tpu.memory_space<hbm>> -> memref<80xi32, #tpu.memory_space<hbm>>
      %dma_start3A_440 = tpu.memref_slice %arg4[%add3A_325] : memref<320000xi32, #tpu.memory_space<hbm>> -> memref<80xi32, #tpu.memory_space<hbm>>
      tpu.enqueue_dma source(%dma_start3A_440 : memref<80xi32, #tpu.memory_space<hbm>>) target(%arg14 : memref<80xi32, #tpu.memory_space<vmem>>) target_semaphore(%run_scoped3A : memref<!tpu.dma_semaphore, #tpu.memory_space<semaphore_mem>>)
      %dma_wait3A_441 = tpu.memref_slice %arg4[%add3A_325] : memref<320000xi32, #tpu.memory_space<hbm>> -> memref<80xi32, #tpu.memory_space<hbm>>
      %dma_wait3A_442 = tpu.memref_slice %arg4[%add3A_325] : memref<320000xi32, #tpu.memory_space<hbm>> -> memref<80xi32, #tpu.memory_space<hbm>>
      tpu.wait_dma2 semaphore(%run_scoped3A : memref<!tpu.dma_semaphore, #tpu.memory_space<semaphore_mem>>) src(%dma_wait3A_442 : memref<80xi32, #tpu.memory_space<hbm>>) dst(%arg14 : memref<80xi32, #tpu.memory_space<vmem>>)
      tpu.yield
    }) : () -> ()
    %add3A_326 = arith.constant 9920 : i32
    %add3A_327 = arith.addi %mul3A_2, %add3A_326 : i32
    "tpu.region"() ({
      %run_scoped3A = tpu.sem_alloc : memref<!tpu.dma_semaphore, #tpu.memory_space<semaphore_mem>>
      %dma_start3A_439 = arith.constant 0 : i32
      %dma_start3A_440 = tpu.memref_slice %arg9[%dma_start3A_439] : memref<240xi32, #tpu.memory_space<vmem>> -> memref<80xi32, #tpu.memory_space<vmem>>
      %dma_start3A_441 = tpu.memref_slice %arg3[%add3A_327] : memref<320000xi32, #tpu.memory_space<hbm>> -> memref<80xi32, #tpu.memory_space<hbm>>
      %dma_start3A_442 = arith.constant 0 : i32
      %dma_start3A_443 = tpu.memref_slice %arg9[%dma_start3A_442] : memref<240xi32, #tpu.memory_space<vmem>> -> memref<80xi32, #tpu.memory_space<vmem>>
      %dma_start3A_444 = tpu.memref_slice %arg3[%add3A_327] : memref<320000xi32, #tpu.memory_space<hbm>> -> memref<80xi32, #tpu.memory_space<hbm>>
      tpu.enqueue_dma source(%dma_start3A_444 : memref<80xi32, #tpu.memory_space<hbm>>) target(%dma_start3A_443 : memref<80xi32, #tpu.memory_space<vmem>>) target_semaphore(%run_scoped3A : memref<!tpu.dma_semaphore, #tpu.memory_space<semaphore_mem>>)
      %dma_wait3A_445 = arith.constant 0 : i32
      %dma_wait3A_446 = tpu.memref_slice %arg9[%dma_wait3A_445] : memref<240xi32, #tpu.memory_space<vmem>> -> memref<80xi32, #tpu.memory_space<vmem>>
      %dma_wait3A_447 = tpu.memref_slice %arg3[%add3A_327] : memref<320000xi32, #tpu.memory_space<hbm>> -> memref<80xi32, #tpu.memory_space<hbm>>
      %dma_wait3A_448 = arith.constant 0 : i32
      %dma_wait3A_449 = tpu.memref_slice %arg9[%dma_wait3A_448] : memref<240xi32, #tpu.memory_space<vmem>> -> memref<80xi32, #tpu.memory_space<vmem>>
      %dma_wait3A_450 = tpu.memref_slice %arg3[%add3A_327] : memref<320000xi32, #tpu.memory_space<hbm>> -> memref<80xi32, #tpu.memory_space<hbm>>
      tpu.wait_dma2 semaphore(%run_scoped3A : memref<!tpu.dma_semaphore, #tpu.memory_space<semaphore_mem>>) src(%dma_wait3A_450 : memref<80xi32, #tpu.memory_space<hbm>>) dst(%dma_wait3A_449 : memref<80xi32, #tpu.memory_space<vmem>>)
      tpu.yield
    }) : () -> ()
    %dma_start3A_328 = arith.constant 0 : i32
    %dma_start3A_329 = tpu.memref_slice %arg9[%dma_start3A_328] : memref<240xi32, #tpu.memory_space<vmem>> -> memref<80xi32, #tpu.memory_space<vmem>>
    %dma_start3A_330 = arith.constant 0 : i32
    %dma_start3A_331 = arith.constant 0 : i32
    %dma_start3A_332 = tpu.memref_slice %arg2[%dma_start3A_330, %dma_start3A_331] : memref<10000x128xf32, #tpu.memory_space<hbm>> -> memref<10000x128xf32, #tpu.memory_space<hbm>>
    tpu.enqueue_indirect_dma source(%dma_start3A_332 : memref<10000x128xf32, #tpu.memory_space<hbm>>) target(%arg17 : memref<80x128xf32, #tpu.memory_space<vmem>>) offsets(%dma_start3A_329 : memref<80xi32, #tpu.memory_space<vmem>>) semaphore(%arg20 : memref<!tpu.dma_semaphore, #tpu.memory_space<semaphore_mem>>)
    %dma_wait3A_333 = arith.constant 0 : i32
    %dma_wait3A_334 = arith.constant 0 : i32
    %dma_wait3A_335 = tpu.memref_slice %arg2[%dma_wait3A_333, %dma_wait3A_334] : memref<10000x128xf32, #tpu.memory_space<hbm>> -> memref<10000x128xf32, #tpu.memory_space<hbm>>
    tpu.wait_indirect_dma semaphore(%arg20 : memref<!tpu.dma_semaphore, #tpu.memory_space<semaphore_mem>>) src(%dma_wait3A_335 : memref<10000x128xf32, #tpu.memory_space<hbm>>) dst(%arg17 : memref<80x128xf32, #tpu.memory_space<vmem>>)
    %dma_start3A_336 = arith.constant 0 : i32
    %dma_start3A_337 = arith.constant 0 : i32
    %dma_start3A_338 = tpu.memref_slice %arg8[%dma_start3A_336, %dma_start3A_337] : memref<10000x128xf32, #tpu.memory_space<vmem_shared>> -> memref<10000x128xf32, #tpu.memory_space<vmem_shared>>
    tpu.enqueue_indirect_dma source(%arg17 : memref<80x128xf32, #tpu.memory_space<vmem>>) target(%dma_start3A_338 : memref<10000x128xf32, #tpu.memory_space<vmem_shared>>) offsets(%arg14 : memref<80xi32, #tpu.memory_space<vmem>>) semaphore(%arg23 : memref<!tpu.dma_semaphore, #tpu.memory_space<semaphore_mem>>) {add = true}
    %get3A_339 = arith.constant 0 : index
    %get3A_340 = tpu.vector_load %arg14[%get3A_339] {strides = array<i32>} : memref<80xi32, #tpu.memory_space<vmem>>, vector<16xi32>,
    tpu.vector_store_idx %arg26[%get3A_340], %broadcast_in_dim3A_3 {add = true} : memref<10000xf32, #tpu.memory_space<vmem>>[vector<16xi32>], vector<16xf32>,
    %get3A_341 = arith.constant 16 : index
    %get3A_342 = tpu.vector_load %arg14[%get3A_341] {strides = array<i32>} : memref<80xi32, #tpu.memory_space<vmem>>, vector<16xi32>,
    tpu.vector_store_idx %arg26[%get3A_342], %broadcast_in_dim3A_3 {add = true} : memref<10000xf32, #tpu.memory_space<vmem>>[vector<16xi32>], vector<16xf32>,
    %get3A_343 = arith.constant 32 : index
    %get3A_344 = tpu.vector_load %arg14[%get3A_343] {strides = array<i32>} : memref<80xi32, #tpu.memory_space<vmem>>, vector<16xi32>,
    tpu.vector_store_idx %arg26[%get3A_344], %broadcast_in_dim3A_3 {add = true} : memref<10000xf32, #tpu.memory_space<vmem>>[vector<16xi32>], vector<16xf32>,
    %get3A_345 = arith.constant 48 : index
    %get3A_346 = tpu.vector_load %arg14[%get3A_345] {strides = array<i32>} : memref<80xi32, #tpu.memory_space<vmem>>, vector<16xi32>,
    tpu.vector_store_idx %arg26[%get3A_346], %broadcast_in_dim3A_3 {add = true} : memref<10000xf32, #tpu.memory_space<vmem>>[vector<16xi32>], vector<16xf32>,
    %get3A_347 = arith.constant 64 : index
    %get3A_348 = tpu.vector_load %arg14[%get3A_347] {strides = array<i32>} : memref<80xi32, #tpu.memory_space<vmem>>, vector<16xi32>,
    tpu.vector_store_idx %arg26[%get3A_348], %broadcast_in_dim3A_3 {add = true} : memref<10000xf32, #tpu.memory_space<vmem>>[vector<16xi32>], vector<16xf32>,
    %dma_wait3A_349 = arith.constant 0 : i32
    %dma_wait3A_350 = arith.constant 0 : i32
    %dma_wait3A_351 = tpu.memref_slice %arg8[%dma_wait3A_349, %dma_wait3A_350] : memref<10000x128xf32, #tpu.memory_space<vmem_shared>> -> memref<10000x128xf32, #tpu.memory_space<vmem_shared>>
    tpu.wait_indirect_dma semaphore(%arg22 : memref<!tpu.dma_semaphore, #tpu.memory_space<semaphore_mem>>) src(%arg16 : memref<80x128xf32, #tpu.memory_space<vmem>>) dst(%dma_wait3A_351 : memref<10000x128xf32, #tpu.memory_space<vmem_shared>>)
    %dma_wait3A_352 = arith.constant 0 : i32
    %dma_wait3A_353 = arith.constant 0 : i32
    %dma_wait3A_354 = tpu.memref_slice %arg8[%dma_wait3A_352, %dma_wait3A_353] : memref<10000x128xf32, #tpu.memory_space<vmem_shared>> -> memref<10000x128xf32, #tpu.memory_space<vmem_shared>>
    tpu.wait_indirect_dma semaphore(%arg23 : memref<!tpu.dma_semaphore, #tpu.memory_space<semaphore_mem>>) src(%arg17 : memref<80x128xf32, #tpu.memory_space<vmem>>) dst(%dma_wait3A_354 : memref<10000x128xf32, #tpu.memory_space<vmem_shared>>)
    %dma_wait3A_355 = arith.constant 0 : i32
    %dma_wait3A_356 = arith.constant 0 : i32
    %dma_wait3A_357 = tpu.memref_slice %arg8[%dma_wait3A_355, %dma_wait3A_356] : memref<10000x128xf32, #tpu.memory_space<vmem_shared>> -> memref<10000x128xf32, #tpu.memory_space<vmem_shared>>
    tpu.wait_indirect_dma semaphore(%arg24 : memref<!tpu.dma_semaphore, #tpu.memory_space<semaphore_mem>>) src(%arg18 : memref<80x128xf32, #tpu.memory_space<vmem>>) dst(%dma_wait3A_357 : memref<10000x128xf32, #tpu.memory_space<vmem_shared>>)
    %barrier3A_358 = arith.constant 0 : index
    tpu.barrier barrier_id(%barrier3A_358)
    %add3A_359 = arith.constant 0 : i32
    %add3A_360 = arith.addi %arg1, %add3A_359 : i32
    %lt3A_361 = arith.constant 125 : i32
    %lt3A_362 = arith.cmpi slt, %add3A_360, %lt3A_361 : i32
    %convert_element_type3A_363 = arith.extui %lt3A_362 : i1 to i32
    %cond3A_364 = arith.constant 0 : i32
    %cond3A_365 = arith.cmpi ne, %convert_element_type3A_363, %cond3A_364 : i32
    scf.if %cond3A_365 {
      %mul3A_439 = arith.constant 80 : i32
      %mul3A_440 = arith.muli %add3A_360, %mul3A_439 : i32
      "tpu.region"() ({
        %run_scoped3A = tpu.sem_alloc : memref<!tpu.dma_semaphore, #tpu.memory_space<semaphore_mem>>
        %dma_start3A_447 = arith.constant 0 : i32
        %dma_start3A_448 = tpu.memref_slice %arg8[%mul3A_440, %dma_start3A_447] : memref<10000x128xf32, #tpu.memory_space<vmem_shared>> -> memref<80x128xf32, #tpu.memory_space<vmem_shared>>
        %dma_start3A_449 = arith.constant 0 : i32
        %dma_start3A_450 = tpu.memref_slice %arg8[%mul3A_440, %dma_start3A_449] : memref<10000x128xf32, #tpu.memory_space<vmem_shared>> -> memref<80x128xf32, #tpu.memory_space<vmem_shared>>
        tpu.enqueue_dma source(%dma_start3A_450 : memref<80x128xf32, #tpu.memory_space<vmem_shared>>) target(%arg16 : memref<80x128xf32, #tpu.memory_space<vmem>>) target_semaphore(%run_scoped3A : memref<!tpu.dma_semaphore, #tpu.memory_space<semaphore_mem>>)
        %dma_wait3A_451 = arith.constant 0 : i32
        %dma_wait3A_452 = tpu.memref_slice %arg8[%mul3A_440, %dma_wait3A_451] : memref<10000x128xf32, #tpu.memory_space<vmem_shared>> -> memref<80x128xf32, #tpu.memory_space<vmem_shared>>
        %dma_wait3A_453 = arith.constant 0 : i32
        %dma_wait3A_454 = tpu.memref_slice %arg8[%mul3A_440, %dma_wait3A_453] : memref<10000x128xf32, #tpu.memory_space<vmem_shared>> -> memref<80x128xf32, #tpu.memory_space<vmem_shared>>
        tpu.wait_dma2 semaphore(%run_scoped3A : memref<!tpu.dma_semaphore, #tpu.memory_space<semaphore_mem>>) src(%dma_wait3A_454 : memref<80x128xf32, #tpu.memory_space<vmem_shared>>) dst(%arg16 : memref<80x128xf32, #tpu.memory_space<vmem>>)
        tpu.yield
      }) : () -> ()
      %dma_start3A_441 = arith.constant 0 : i32
      %dma_start3A_442 = tpu.memref_slice %arg6[%arg0, %mul3A_440, %dma_start3A_441] : memref<2x10000x128xf32, #tpu.memory_space<hbm>> -> memref<1x80x128xf32, #tpu.memory_space<hbm>>
      %dma_start3A_443 = tpu.memref_squeeze %dma_start3A_442 : memref<1x80x128xf32, #tpu.memory_space<hbm>> -> memref<80x128xf32, #tpu.memory_space<hbm>>
      %dma_start3A_444 = arith.constant 0 : i32
      %dma_start3A_445 = tpu.memref_slice %arg6[%arg0, %mul3A_440, %dma_start3A_444] : memref<2x10000x128xf32, #tpu.memory_space<hbm>> -> memref<1x80x128xf32, #tpu.memory_space<hbm>>
      %dma_start3A_446 = tpu.memref_squeeze %dma_start3A_445 : memref<1x80x128xf32, #tpu.memory_space<hbm>> -> memref<80x128xf32, #tpu.memory_space<hbm>>
      tpu.enqueue_dma source(%arg16 : memref<80x128xf32, #tpu.memory_space<vmem>>) target(%dma_start3A_446 : memref<80x128xf32, #tpu.memory_space<hbm>>) target_semaphore(%arg22 : memref<!tpu.dma_semaphore, #tpu.memory_space<semaphore_mem>>)
    } else {
    }
    %add3A_366 = arith.constant 16 : i32
    %add3A_367 = arith.addi %arg1, %add3A_366 : i32
    %lt3A_368 = arith.constant 125 : i32
    %lt3A_369 = arith.cmpi slt, %add3A_367, %lt3A_368 : i32
    %convert_element_type3A_370 = arith.extui %lt3A_369 : i1 to i32
    %cond3A_371 = arith.constant 0 : i32
    %cond3A_372 = arith.cmpi ne, %convert_element_type3A_370, %cond3A_371 : i32
    scf.if %cond3A_372 {
      %mul3A_439 = arith.constant 80 : i32
      %mul3A_440 = arith.muli %add3A_367, %mul3A_439 : i32
      "tpu.region"() ({
        %run_scoped3A = tpu.sem_alloc : memref<!tpu.dma_semaphore, #tpu.memory_space<semaphore_mem>>
        %dma_start3A_447 = arith.constant 0 : i32
        %dma_start3A_448 = tpu.memref_slice %arg8[%mul3A_440, %dma_start3A_447] : memref<10000x128xf32, #tpu.memory_space<vmem_shared>> -> memref<80x128xf32, #tpu.memory_space<vmem_shared>>
        %dma_start3A_449 = arith.constant 0 : i32
        %dma_start3A_450 = tpu.memref_slice %arg8[%mul3A_440, %dma_start3A_449] : memref<10000x128xf32, #tpu.memory_space<vmem_shared>> -> memref<80x128xf32, #tpu.memory_space<vmem_shared>>
        tpu.enqueue_dma source(%dma_start3A_450 : memref<80x128xf32, #tpu.memory_space<vmem_shared>>) target(%arg17 : memref<80x128xf32, #tpu.memory_space<vmem>>) target_semaphore(%run_scoped3A : memref<!tpu.dma_semaphore, #tpu.memory_space<semaphore_mem>>)
        %dma_wait3A_451 = arith.constant 0 : i32
        %dma_wait3A_452 = tpu.memref_slice %arg8[%mul3A_440, %dma_wait3A_451] : memref<10000x128xf32, #tpu.memory_space<vmem_shared>> -> memref<80x128xf32, #tpu.memory_space<vmem_shared>>
        %dma_wait3A_453 = arith.constant 0 : i32
        %dma_wait3A_454 = tpu.memref_slice %arg8[%mul3A_440, %dma_wait3A_453] : memref<10000x128xf32, #tpu.memory_space<vmem_shared>> -> memref<80x128xf32, #tpu.memory_space<vmem_shared>>
        tpu.wait_dma2 semaphore(%run_scoped3A : memref<!tpu.dma_semaphore, #tpu.memory_space<semaphore_mem>>) src(%dma_wait3A_454 : memref<80x128xf32, #tpu.memory_space<vmem_shared>>) dst(%arg17 : memref<80x128xf32, #tpu.memory_space<vmem>>)
        tpu.yield
      }) : () -> ()
      %dma_start3A_441 = arith.constant 0 : i32
      %dma_start3A_442 = tpu.memref_slice %arg6[%arg0, %mul3A_440, %dma_start3A_441] : memref<2x10000x128xf32, #tpu.memory_space<hbm>> -> memref<1x80x128xf32, #tpu.memory_space<hbm>>
      %dma_start3A_443 = tpu.memref_squeeze %dma_start3A_442 : memref<1x80x128xf32, #tpu.memory_space<hbm>> -> memref<80x128xf32, #tpu.memory_space<hbm>>
      %dma_start3A_444 = arith.constant 0 : i32
      %dma_start3A_445 = tpu.memref_slice %arg6[%arg0, %mul3A_440, %dma_start3A_444] : memref<2x10000x128xf32, #tpu.memory_space<hbm>> -> memref<1x80x128xf32, #tpu.memory_space<hbm>>
      %dma_start3A_446 = tpu.memref_squeeze %dma_start3A_445 : memref<1x80x128xf32, #tpu.memory_space<hbm>> -> memref<80x128xf32, #tpu.memory_space<hbm>>
      tpu.enqueue_dma source(%arg17 : memref<80x128xf32, #tpu.memory_space<vmem>>) target(%dma_start3A_446 : memref<80x128xf32, #tpu.memory_space<hbm>>) target_semaphore(%arg23 : memref<!tpu.dma_semaphore, #tpu.memory_space<semaphore_mem>>)
    } else {
    }
    %add3A_373 = arith.constant 32 : i32
    %add3A_374 = arith.addi %arg1, %add3A_373 : i32
    %lt3A_375 = arith.constant 125 : i32
    %lt3A_376 = arith.cmpi slt, %add3A_374, %lt3A_375 : i32
    %convert_element_type3A_377 = arith.extui %lt3A_376 : i1 to i32
    %cond3A_378 = arith.constant 0 : i32
    %cond3A_379 = arith.cmpi ne, %convert_element_type3A_377, %cond3A_378 : i32
    scf.if %cond3A_379 {
      %mul3A_439 = arith.constant 80 : i32
      %mul3A_440 = arith.muli %add3A_374, %mul3A_439 : i32
      "tpu.region"() ({
        %run_scoped3A = tpu.sem_alloc : memref<!tpu.dma_semaphore, #tpu.memory_space<semaphore_mem>>
        %dma_start3A_447 = arith.constant 0 : i32
        %dma_start3A_448 = tpu.memref_slice %arg8[%mul3A_440, %dma_start3A_447] : memref<10000x128xf32, #tpu.memory_space<vmem_shared>> -> memref<80x128xf32, #tpu.memory_space<vmem_shared>>
        %dma_start3A_449 = arith.constant 0 : i32
        %dma_start3A_450 = tpu.memref_slice %arg8[%mul3A_440, %dma_start3A_449] : memref<10000x128xf32, #tpu.memory_space<vmem_shared>> -> memref<80x128xf32, #tpu.memory_space<vmem_shared>>
        tpu.enqueue_dma source(%dma_start3A_450 : memref<80x128xf32, #tpu.memory_space<vmem_shared>>) target(%arg18 : memref<80x128xf32, #tpu.memory_space<vmem>>) target_semaphore(%run_scoped3A : memref<!tpu.dma_semaphore, #tpu.memory_space<semaphore_mem>>)
        %dma_wait3A_451 = arith.constant 0 : i32
        %dma_wait3A_452 = tpu.memref_slice %arg8[%mul3A_440, %dma_wait3A_451] : memref<10000x128xf32, #tpu.memory_space<vmem_shared>> -> memref<80x128xf32, #tpu.memory_space<vmem_shared>>
        %dma_wait3A_453 = arith.constant 0 : i32
        %dma_wait3A_454 = tpu.memref_slice %arg8[%mul3A_440, %dma_wait3A_453] : memref<10000x128xf32, #tpu.memory_space<vmem_shared>> -> memref<80x128xf32, #tpu.memory_space<vmem_shared>>
        tpu.wait_dma2 semaphore(%run_scoped3A : memref<!tpu.dma_semaphore, #tpu.memory_space<semaphore_mem>>) src(%dma_wait3A_454 : memref<80x128xf32, #tpu.memory_space<vmem_shared>>) dst(%arg18 : memref<80x128xf32, #tpu.memory_space<vmem>>)
        tpu.yield
      }) : () -> ()
      %dma_start3A_441 = arith.constant 0 : i32
      %dma_start3A_442 = tpu.memref_slice %arg6[%arg0, %mul3A_440, %dma_start3A_441] : memref<2x10000x128xf32, #tpu.memory_space<hbm>> -> memref<1x80x128xf32, #tpu.memory_space<hbm>>
      %dma_start3A_443 = tpu.memref_squeeze %dma_start3A_442 : memref<1x80x128xf32, #tpu.memory_space<hbm>> -> memref<80x128xf32, #tpu.memory_space<hbm>>
      %dma_start3A_444 = arith.constant 0 : i32
      %dma_start3A_445 = tpu.memref_slice %arg6[%arg0, %mul3A_440, %dma_start3A_444] : memref<2x10000x128xf32, #tpu.memory_space<hbm>> -> memref<1x80x128xf32, #tpu.memory_space<hbm>>
      %dma_start3A_446 = tpu.memref_squeeze %dma_start3A_445 : memref<1x80x128xf32, #tpu.memory_space<hbm>> -> memref<80x128xf32, #tpu.memory_space<hbm>>
      tpu.enqueue_dma source(%arg18 : memref<80x128xf32, #tpu.memory_space<vmem>>) target(%dma_start3A_446 : memref<80x128xf32, #tpu.memory_space<hbm>>) target_semaphore(%arg24 : memref<!tpu.dma_semaphore, #tpu.memory_space<semaphore_mem>>)
    } else {
    }
    %add3A_380 = arith.constant 48 : i32
    %add3A_381 = arith.addi %arg1, %add3A_380 : i32
    %lt3A_382 = arith.constant 125 : i32
    %lt3A_383 = arith.cmpi slt, %add3A_381, %lt3A_382 : i32
    %convert_element_type3A_384 = arith.extui %lt3A_383 : i1 to i32
    %cond3A_385 = arith.constant 0 : i32
    %cond3A_386 = arith.cmpi ne, %convert_element_type3A_384, %cond3A_385 : i32
    scf.if %cond3A_386 {
      %mul3A_439 = arith.constant 80 : i32
      %mul3A_440 = arith.muli %add3A_381, %mul3A_439 : i32
      %dma_wait3A_441 = arith.constant 0 : i32
      %dma_wait3A_442 = arith.constant 0 : i32
      %dma_wait3A_443 = tpu.memref_slice %arg6[%arg0, %dma_wait3A_441, %dma_wait3A_442] : memref<2x10000x128xf32, #tpu.memory_space<hbm>> -> memref<1x80x128xf32, #tpu.memory_space<hbm>>
      %dma_wait3A_444 = tpu.memref_squeeze %dma_wait3A_443 : memref<1x80x128xf32, #tpu.memory_space<hbm>> -> memref<80x128xf32, #tpu.memory_space<hbm>>
      %dma_wait3A_445 = arith.constant 0 : i32
      %dma_wait3A_446 = arith.constant 0 : i32
      %dma_wait3A_447 = tpu.memref_slice %arg6[%arg0, %dma_wait3A_445, %dma_wait3A_446] : memref<2x10000x128xf32, #tpu.memory_space<hbm>> -> memref<1x80x128xf32, #tpu.memory_space<hbm>>
      %dma_wait3A_448 = tpu.memref_squeeze %dma_wait3A_447 : memref<1x80x128xf32, #tpu.memory_space<hbm>> -> memref<80x128xf32, #tpu.memory_space<hbm>>
      tpu.wait_dma2 semaphore(%arg22 : memref<!tpu.dma_semaphore, #tpu.memory_space<semaphore_mem>>) src(%arg16 : memref<80x128xf32, #tpu.memory_space<vmem>>) dst(%dma_wait3A_448 : memref<80x128xf32, #tpu.memory_space<hbm>>)
      "tpu.region"() ({
        %run_scoped3A = tpu.sem_alloc : memref<!tpu.dma_semaphore, #tpu.memory_space<semaphore_mem>>
        %dma_start3A_455 = arith.constant 0 : i32
        %dma_start3A_456 = tpu.memref_slice %arg8[%mul3A_440, %dma_start3A_455] : memref<10000x128xf32, #tpu.memory_space<vmem_shared>> -> memref<80x128xf32, #tpu.memory_space<vmem_shared>>
        %dma_start3A_457 = arith.constant 0 : i32
        %dma_start3A_458 = tpu.memref_slice %arg8[%mul3A_440, %dma_start3A_457] : memref<10000x128xf32, #tpu.memory_space<vmem_shared>> -> memref<80x128xf32, #tpu.memory_space<vmem_shared>>
        tpu.enqueue_dma source(%dma_start3A_458 : memref<80x128xf32, #tpu.memory_space<vmem_shared>>) target(%arg16 : memref<80x128xf32, #tpu.memory_space<vmem>>) target_semaphore(%run_scoped3A : memref<!tpu.dma_semaphore, #tpu.memory_space<semaphore_mem>>)
        %dma_wait3A_459 = arith.constant 0 : i32
        %dma_wait3A_460 = tpu.memref_slice %arg8[%mul3A_440, %dma_wait3A_459] : memref<10000x128xf32, #tpu.memory_space<vmem_shared>> -> memref<80x128xf32, #tpu.memory_space<vmem_shared>>
        %dma_wait3A_461 = arith.constant 0 : i32
        %dma_wait3A_462 = tpu.memref_slice %arg8[%mul3A_440, %dma_wait3A_461] : memref<10000x128xf32, #tpu.memory_space<vmem_shared>> -> memref<80x128xf32, #tpu.memory_space<vmem_shared>>
        tpu.wait_dma2 semaphore(%run_scoped3A : memref<!tpu.dma_semaphore, #tpu.memory_space<semaphore_mem>>) src(%dma_wait3A_462 : memref<80x128xf32, #tpu.memory_space<vmem_shared>>) dst(%arg16 : memref<80x128xf32, #tpu.memory_space<vmem>>)
        tpu.yield
      }) : () -> ()
      %dma_start3A_449 = arith.constant 0 : i32
      %dma_start3A_450 = tpu.memref_slice %arg6[%arg0, %mul3A_440, %dma_start3A_449] : memref<2x10000x128xf32, #tpu.memory_space<hbm>> -> memref<1x80x128xf32, #tpu.memory_space<hbm>>
      %dma_start3A_451 = tpu.memref_squeeze %dma_start3A_450 : memref<1x80x128xf32, #tpu.memory_space<hbm>> -> memref<80x128xf32, #tpu.memory_space<hbm>>
      %dma_start3A_452 = arith.constant 0 : i32
      %dma_start3A_453 = tpu.memref_slice %arg6[%arg0, %mul3A_440, %dma_start3A_452] : memref<2x10000x128xf32, #tpu.memory_space<hbm>> -> memref<1x80x128xf32, #tpu.memory_space<hbm>>
      %dma_start3A_454 = tpu.memref_squeeze %dma_start3A_453 : memref<1x80x128xf32, #tpu.memory_space<hbm>> -> memref<80x128xf32, #tpu.memory_space<hbm>>
      tpu.enqueue_dma source(%arg16 : memref<80x128xf32, #tpu.memory_space<vmem>>) target(%dma_start3A_454 : memref<80x128xf32, #tpu.memory_space<hbm>>) target_semaphore(%arg22 : memref<!tpu.dma_semaphore, #tpu.memory_space<semaphore_mem>>)
    } else {
    }
    %add3A_387 = arith.constant 64 : i32
    %add3A_388 = arith.addi %arg1, %add3A_387 : i32
    %lt3A_389 = arith.constant 125 : i32
    %lt3A_390 = arith.cmpi slt, %add3A_388, %lt3A_389 : i32
    %convert_element_type3A_391 = arith.extui %lt3A_390 : i1 to i32
    %cond3A_392 = arith.constant 0 : i32
    %cond3A_393 = arith.cmpi ne, %convert_element_type3A_391, %cond3A_392 : i32
    scf.if %cond3A_393 {
      %mul3A_439 = arith.constant 80 : i32
      %mul3A_440 = arith.muli %add3A_388, %mul3A_439 : i32
      %dma_wait3A_441 = arith.constant 0 : i32
      %dma_wait3A_442 = arith.constant 0 : i32
      %dma_wait3A_443 = tpu.memref_slice %arg6[%arg0, %dma_wait3A_441, %dma_wait3A_442] : memref<2x10000x128xf32, #tpu.memory_space<hbm>> -> memref<1x80x128xf32, #tpu.memory_space<hbm>>
      %dma_wait3A_444 = tpu.memref_squeeze %dma_wait3A_443 : memref<1x80x128xf32, #tpu.memory_space<hbm>> -> memref<80x128xf32, #tpu.memory_space<hbm>>
      %dma_wait3A_445 = arith.constant 0 : i32
      %dma_wait3A_446 = arith.constant 0 : i32
      %dma_wait3A_447 = tpu.memref_slice %arg6[%arg0, %dma_wait3A_445, %dma_wait3A_446] : memref<2x10000x128xf32, #tpu.memory_space<hbm>> -> memref<1x80x128xf32, #tpu.memory_space<hbm>>
      %dma_wait3A_448 = tpu.memref_squeeze %dma_wait3A_447 : memref<1x80x128xf32, #tpu.memory_space<hbm>> -> memref<80x128xf32, #tpu.memory_space<hbm>>
      tpu.wait_dma2 semaphore(%arg23 : memref<!tpu.dma_semaphore, #tpu.memory_space<semaphore_mem>>) src(%arg17 : memref<80x128xf32, #tpu.memory_space<vmem>>) dst(%dma_wait3A_448 : memref<80x128xf32, #tpu.memory_space<hbm>>)
      "tpu.region"() ({
        %run_scoped3A = tpu.sem_alloc : memref<!tpu.dma_semaphore, #tpu.memory_space<semaphore_mem>>
        %dma_start3A_455 = arith.constant 0 : i32
        %dma_start3A_456 = tpu.memref_slice %arg8[%mul3A_440, %dma_start3A_455] : memref<10000x128xf32, #tpu.memory_space<vmem_shared>> -> memref<80x128xf32, #tpu.memory_space<vmem_shared>>
        %dma_start3A_457 = arith.constant 0 : i32
        %dma_start3A_458 = tpu.memref_slice %arg8[%mul3A_440, %dma_start3A_457] : memref<10000x128xf32, #tpu.memory_space<vmem_shared>> -> memref<80x128xf32, #tpu.memory_space<vmem_shared>>
        tpu.enqueue_dma source(%dma_start3A_458 : memref<80x128xf32, #tpu.memory_space<vmem_shared>>) target(%arg17 : memref<80x128xf32, #tpu.memory_space<vmem>>) target_semaphore(%run_scoped3A : memref<!tpu.dma_semaphore, #tpu.memory_space<semaphore_mem>>)
        %dma_wait3A_459 = arith.constant 0 : i32
        %dma_wait3A_460 = tpu.memref_slice %arg8[%mul3A_440, %dma_wait3A_459] : memref<10000x128xf32, #tpu.memory_space<vmem_shared>> -> memref<80x128xf32, #tpu.memory_space<vmem_shared>>
        %dma_wait3A_461 = arith.constant 0 : i32
        %dma_wait3A_462 = tpu.memref_slice %arg8[%mul3A_440, %dma_wait3A_461] : memref<10000x128xf32, #tpu.memory_space<vmem_shared>> -> memref<80x128xf32, #tpu.memory_space<vmem_shared>>
        tpu.wait_dma2 semaphore(%run_scoped3A : memref<!tpu.dma_semaphore, #tpu.memory_space<semaphore_mem>>) src(%dma_wait3A_462 : memref<80x128xf32, #tpu.memory_space<vmem_shared>>) dst(%arg17 : memref<80x128xf32, #tpu.memory_space<vmem>>)
        tpu.yield
      }) : () -> ()
      %dma_start3A_449 = arith.constant 0 : i32
      %dma_start3A_450 = tpu.memref_slice %arg6[%arg0, %mul3A_440, %dma_start3A_449] : memref<2x10000x128xf32, #tpu.memory_space<hbm>> -> memref<1x80x128xf32, #tpu.memory_space<hbm>>
      %dma_start3A_451 = tpu.memref_squeeze %dma_start3A_450 : memref<1x80x128xf32, #tpu.memory_space<hbm>> -> memref<80x128xf32, #tpu.memory_space<hbm>>
      %dma_start3A_452 = arith.constant 0 : i32
      %dma_start3A_453 = tpu.memref_slice %arg6[%arg0, %mul3A_440, %dma_start3A_452] : memref<2x10000x128xf32, #tpu.memory_space<hbm>> -> memref<1x80x128xf32, #tpu.memory_space<hbm>>
      %dma_start3A_454 = tpu.memref_squeeze %dma_start3A_453 : memref<1x80x128xf32, #tpu.memory_space<hbm>> -> memref<80x128xf32, #tpu.memory_space<hbm>>
      tpu.enqueue_dma source(%arg17 : memref<80x128xf32, #tpu.memory_space<vmem>>) target(%dma_start3A_454 : memref<80x128xf32, #tpu.memory_space<hbm>>) target_semaphore(%arg23 : memref<!tpu.dma_semaphore, #tpu.memory_space<semaphore_mem>>)
    } else {
    }
    %add3A_394 = arith.constant 80 : i32
    %add3A_395 = arith.addi %arg1, %add3A_394 : i32
    %lt3A_396 = arith.constant 125 : i32
    %lt3A_397 = arith.cmpi slt, %add3A_395, %lt3A_396 : i32
    %convert_element_type3A_398 = arith.extui %lt3A_397 : i1 to i32
    %cond3A_399 = arith.constant 0 : i32
    %cond3A_400 = arith.cmpi ne, %convert_element_type3A_398, %cond3A_399 : i32
    scf.if %cond3A_400 {
      %mul3A_439 = arith.constant 80 : i32
      %mul3A_440 = arith.muli %add3A_395, %mul3A_439 : i32
      %dma_wait3A_441 = arith.constant 0 : i32
      %dma_wait3A_442 = arith.constant 0 : i32
      %dma_wait3A_443 = tpu.memref_slice %arg6[%arg0, %dma_wait3A_441, %dma_wait3A_442] : memref<2x10000x128xf32, #tpu.memory_space<hbm>> -> memref<1x80x128xf32, #tpu.memory_space<hbm>>
      %dma_wait3A_444 = tpu.memref_squeeze %dma_wait3A_443 : memref<1x80x128xf32, #tpu.memory_space<hbm>> -> memref<80x128xf32, #tpu.memory_space<hbm>>
      %dma_wait3A_445 = arith.constant 0 : i32
      %dma_wait3A_446 = arith.constant 0 : i32
      %dma_wait3A_447 = tpu.memref_slice %arg6[%arg0, %dma_wait3A_445, %dma_wait3A_446] : memref<2x10000x128xf32, #tpu.memory_space<hbm>> -> memref<1x80x128xf32, #tpu.memory_space<hbm>>
      %dma_wait3A_448 = tpu.memref_squeeze %dma_wait3A_447 : memref<1x80x128xf32, #tpu.memory_space<hbm>> -> memref<80x128xf32, #tpu.memory_space<hbm>>
      tpu.wait_dma2 semaphore(%arg24 : memref<!tpu.dma_semaphore, #tpu.memory_space<semaphore_mem>>) src(%arg18 : memref<80x128xf32, #tpu.memory_space<vmem>>) dst(%dma_wait3A_448 : memref<80x128xf32, #tpu.memory_space<hbm>>)
      "tpu.region"() ({
        %run_scoped3A = tpu.sem_alloc : memref<!tpu.dma_semaphore, #tpu.memory_space<semaphore_mem>>
        %dma_start3A_455 = arith.constant 0 : i32
        %dma_start3A_456 = tpu.memref_slice %arg8[%mul3A_440, %dma_start3A_455] : memref<10000x128xf32, #tpu.memory_space<vmem_shared>> -> memref<80x128xf32, #tpu.memory_space<vmem_shared>>
        %dma_start3A_457 = arith.constant 0 : i32
        %dma_start3A_458 = tpu.memref_slice %arg8[%mul3A_440, %dma_start3A_457] : memref<10000x128xf32, #tpu.memory_space<vmem_shared>> -> memref<80x128xf32, #tpu.memory_space<vmem_shared>>
        tpu.enqueue_dma source(%dma_start3A_458 : memref<80x128xf32, #tpu.memory_space<vmem_shared>>) target(%arg18 : memref<80x128xf32, #tpu.memory_space<vmem>>) target_semaphore(%run_scoped3A : memref<!tpu.dma_semaphore, #tpu.memory_space<semaphore_mem>>)
        %dma_wait3A_459 = arith.constant 0 : i32
        %dma_wait3A_460 = tpu.memref_slice %arg8[%mul3A_440, %dma_wait3A_459] : memref<10000x128xf32, #tpu.memory_space<vmem_shared>> -> memref<80x128xf32, #tpu.memory_space<vmem_shared>>
        %dma_wait3A_461 = arith.constant 0 : i32
        %dma_wait3A_462 = tpu.memref_slice %arg8[%mul3A_440, %dma_wait3A_461] : memref<10000x128xf32, #tpu.memory_space<vmem_shared>> -> memref<80x128xf32, #tpu.memory_space<vmem_shared>>
        tpu.wait_dma2 semaphore(%run_scoped3A : memref<!tpu.dma_semaphore, #tpu.memory_space<semaphore_mem>>) src(%dma_wait3A_462 : memref<80x128xf32, #tpu.memory_space<vmem_shared>>) dst(%arg18 : memref<80x128xf32, #tpu.memory_space<vmem>>)
        tpu.yield
      }) : () -> ()
      %dma_start3A_449 = arith.constant 0 : i32
      %dma_start3A_450 = tpu.memref_slice %arg6[%arg0, %mul3A_440, %dma_start3A_449] : memref<2x10000x128xf32, #tpu.memory_space<hbm>> -> memref<1x80x128xf32, #tpu.memory_space<hbm>>
      %dma_start3A_451 = tpu.memref_squeeze %dma_start3A_450 : memref<1x80x128xf32, #tpu.memory_space<hbm>> -> memref<80x128xf32, #tpu.memory_space<hbm>>
      %dma_start3A_452 = arith.constant 0 : i32
      %dma_start3A_453 = tpu.memref_slice %arg6[%arg0, %mul3A_440, %dma_start3A_452] : memref<2x10000x128xf32, #tpu.memory_space<hbm>> -> memref<1x80x128xf32, #tpu.memory_space<hbm>>
      %dma_start3A_454 = tpu.memref_squeeze %dma_start3A_453 : memref<1x80x128xf32, #tpu.memory_space<hbm>> -> memref<80x128xf32, #tpu.memory_space<hbm>>
      tpu.enqueue_dma source(%arg18 : memref<80x128xf32, #tpu.memory_space<vmem>>) target(%dma_start3A_454 : memref<80x128xf32, #tpu.memory_space<hbm>>) target_semaphore(%arg24 : memref<!tpu.dma_semaphore, #tpu.memory_space<semaphore_mem>>)
    } else {
    }
    %add3A_401 = arith.constant 96 : i32
    %add3A_402 = arith.addi %arg1, %add3A_401 : i32
    %lt3A_403 = arith.constant 125 : i32
    %lt3A_404 = arith.cmpi slt, %add3A_402, %lt3A_403 : i32
    %convert_element_type3A_405 = arith.extui %lt3A_404 : i1 to i32
    %cond3A_406 = arith.constant 0 : i32
    %cond3A_407 = arith.cmpi ne, %convert_element_type3A_405, %cond3A_406 : i32
    scf.if %cond3A_407 {
      %mul3A_439 = arith.constant 80 : i32
      %mul3A_440 = arith.muli %add3A_402, %mul3A_439 : i32
      %dma_wait3A_441 = arith.constant 0 : i32
      %dma_wait3A_442 = arith.constant 0 : i32
      %dma_wait3A_443 = tpu.memref_slice %arg6[%arg0, %dma_wait3A_441, %dma_wait3A_442] : memref<2x10000x128xf32, #tpu.memory_space<hbm>> -> memref<1x80x128xf32, #tpu.memory_space<hbm>>
      %dma_wait3A_444 = tpu.memref_squeeze %dma_wait3A_443 : memref<1x80x128xf32, #tpu.memory_space<hbm>> -> memref<80x128xf32, #tpu.memory_space<hbm>>
      %dma_wait3A_445 = arith.constant 0 : i32
      %dma_wait3A_446 = arith.constant 0 : i32
      %dma_wait3A_447 = tpu.memref_slice %arg6[%arg0, %dma_wait3A_445, %dma_wait3A_446] : memref<2x10000x128xf32, #tpu.memory_space<hbm>> -> memref<1x80x128xf32, #tpu.memory_space<hbm>>
      %dma_wait3A_448 = tpu.memref_squeeze %dma_wait3A_447 : memref<1x80x128xf32, #tpu.memory_space<hbm>> -> memref<80x128xf32, #tpu.memory_space<hbm>>
      tpu.wait_dma2 semaphore(%arg22 : memref<!tpu.dma_semaphore, #tpu.memory_space<semaphore_mem>>) src(%arg16 : memref<80x128xf32, #tpu.memory_space<vmem>>) dst(%dma_wait3A_448 : memref<80x128xf32, #tpu.memory_space<hbm>>)
      "tpu.region"() ({
        %run_scoped3A = tpu.sem_alloc : memref<!tpu.dma_semaphore, #tpu.memory_space<semaphore_mem>>
        %dma_start3A_455 = arith.constant 0 : i32
        %dma_start3A_456 = tpu.memref_slice %arg8[%mul3A_440, %dma_start3A_455] : memref<10000x128xf32, #tpu.memory_space<vmem_shared>> -> memref<80x128xf32, #tpu.memory_space<vmem_shared>>
        %dma_start3A_457 = arith.constant 0 : i32
        %dma_start3A_458 = tpu.memref_slice %arg8[%mul3A_440, %dma_start3A_457] : memref<10000x128xf32, #tpu.memory_space<vmem_shared>> -> memref<80x128xf32, #tpu.memory_space<vmem_shared>>
        tpu.enqueue_dma source(%dma_start3A_458 : memref<80x128xf32, #tpu.memory_space<vmem_shared>>) target(%arg16 : memref<80x128xf32, #tpu.memory_space<vmem>>) target_semaphore(%run_scoped3A : memref<!tpu.dma_semaphore, #tpu.memory_space<semaphore_mem>>)
        %dma_wait3A_459 = arith.constant 0 : i32
        %dma_wait3A_460 = tpu.memref_slice %arg8[%mul3A_440, %dma_wait3A_459] : memref<10000x128xf32, #tpu.memory_space<vmem_shared>> -> memref<80x128xf32, #tpu.memory_space<vmem_shared>>
        %dma_wait3A_461 = arith.constant 0 : i32
        %dma_wait3A_462 = tpu.memref_slice %arg8[%mul3A_440, %dma_wait3A_461] : memref<10000x128xf32, #tpu.memory_space<vmem_shared>> -> memref<80x128xf32, #tpu.memory_space<vmem_shared>>
        tpu.wait_dma2 semaphore(%run_scoped3A : memref<!tpu.dma_semaphore, #tpu.memory_space<semaphore_mem>>) src(%dma_wait3A_462 : memref<80x128xf32, #tpu.memory_space<vmem_shared>>) dst(%arg16 : memref<80x128xf32, #tpu.memory_space<vmem>>)
        tpu.yield
      }) : () -> ()
      %dma_start3A_449 = arith.constant 0 : i32
      %dma_start3A_450 = tpu.memref_slice %arg6[%arg0, %mul3A_440, %dma_start3A_449] : memref<2x10000x128xf32, #tpu.memory_space<hbm>> -> memref<1x80x128xf32, #tpu.memory_space<hbm>>
      %dma_start3A_451 = tpu.memref_squeeze %dma_start3A_450 : memref<1x80x128xf32, #tpu.memory_space<hbm>> -> memref<80x128xf32, #tpu.memory_space<hbm>>
      %dma_start3A_452 = arith.constant 0 : i32
      %dma_start3A_453 = tpu.memref_slice %arg6[%arg0, %mul3A_440, %dma_start3A_452] : memref<2x10000x128xf32, #tpu.memory_space<hbm>> -> memref<1x80x128xf32, #tpu.memory_space<hbm>>
      %dma_start3A_454 = tpu.memref_squeeze %dma_start3A_453 : memref<1x80x128xf32, #tpu.memory_space<hbm>> -> memref<80x128xf32, #tpu.memory_space<hbm>>
      tpu.enqueue_dma source(%arg16 : memref<80x128xf32, #tpu.memory_space<vmem>>) target(%dma_start3A_454 : memref<80x128xf32, #tpu.memory_space<hbm>>) target_semaphore(%arg22 : memref<!tpu.dma_semaphore, #tpu.memory_space<semaphore_mem>>)
    } else {
    }
    %add3A_408 = arith.constant 112 : i32
    %add3A_409 = arith.addi %arg1, %add3A_408 : i32
    %lt3A_410 = arith.constant 125 : i32
    %lt3A_411 = arith.cmpi slt, %add3A_409, %lt3A_410 : i32
    %convert_element_type3A_412 = arith.extui %lt3A_411 : i1 to i32
    %cond3A_413 = arith.constant 0 : i32
    %cond3A_414 = arith.cmpi ne, %convert_element_type3A_412, %cond3A_413 : i32
    scf.if %cond3A_414 {
      %mul3A_439 = arith.constant 80 : i32
      %mul3A_440 = arith.muli %add3A_409, %mul3A_439 : i32
      %dma_wait3A_441 = arith.constant 0 : i32
      %dma_wait3A_442 = arith.constant 0 : i32
      %dma_wait3A_443 = tpu.memref_slice %arg6[%arg0, %dma_wait3A_441, %dma_wait3A_442] : memref<2x10000x128xf32, #tpu.memory_space<hbm>> -> memref<1x80x128xf32, #tpu.memory_space<hbm>>
      %dma_wait3A_444 = tpu.memref_squeeze %dma_wait3A_443 : memref<1x80x128xf32, #tpu.memory_space<hbm>> -> memref<80x128xf32, #tpu.memory_space<hbm>>
      %dma_wait3A_445 = arith.constant 0 : i32
      %dma_wait3A_446 = arith.constant 0 : i32
      %dma_wait3A_447 = tpu.memref_slice %arg6[%arg0, %dma_wait3A_445, %dma_wait3A_446] : memref<2x10000x128xf32, #tpu.memory_space<hbm>> -> memref<1x80x128xf32, #tpu.memory_space<hbm>>
      %dma_wait3A_448 = tpu.memref_squeeze %dma_wait3A_447 : memref<1x80x128xf32, #tpu.memory_space<hbm>> -> memref<80x128xf32, #tpu.memory_space<hbm>>
      tpu.wait_dma2 semaphore(%arg23 : memref<!tpu.dma_semaphore, #tpu.memory_space<semaphore_mem>>) src(%arg17 : memref<80x128xf32, #tpu.memory_space<vmem>>) dst(%dma_wait3A_448 : memref<80x128xf32, #tpu.memory_space<hbm>>)
      "tpu.region"() ({
        %run_scoped3A = tpu.sem_alloc : memref<!tpu.dma_semaphore, #tpu.memory_space<semaphore_mem>>
        %dma_start3A_455 = arith.constant 0 : i32
        %dma_start3A_456 = tpu.memref_slice %arg8[%mul3A_440, %dma_start3A_455] : memref<10000x128xf32, #tpu.memory_space<vmem_shared>> -> memref<80x128xf32, #tpu.memory_space<vmem_shared>>
        %dma_start3A_457 = arith.constant 0 : i32
        %dma_start3A_458 = tpu.memref_slice %arg8[%mul3A_440, %dma_start3A_457] : memref<10000x128xf32, #tpu.memory_space<vmem_shared>> -> memref<80x128xf32, #tpu.memory_space<vmem_shared>>
        tpu.enqueue_dma source(%dma_start3A_458 : memref<80x128xf32, #tpu.memory_space<vmem_shared>>) target(%arg17 : memref<80x128xf32, #tpu.memory_space<vmem>>) target_semaphore(%run_scoped3A : memref<!tpu.dma_semaphore, #tpu.memory_space<semaphore_mem>>)
        %dma_wait3A_459 = arith.constant 0 : i32
        %dma_wait3A_460 = tpu.memref_slice %arg8[%mul3A_440, %dma_wait3A_459] : memref<10000x128xf32, #tpu.memory_space<vmem_shared>> -> memref<80x128xf32, #tpu.memory_space<vmem_shared>>
        %dma_wait3A_461 = arith.constant 0 : i32
        %dma_wait3A_462 = tpu.memref_slice %arg8[%mul3A_440, %dma_wait3A_461] : memref<10000x128xf32, #tpu.memory_space<vmem_shared>> -> memref<80x128xf32, #tpu.memory_space<vmem_shared>>
        tpu.wait_dma2 semaphore(%run_scoped3A : memref<!tpu.dma_semaphore, #tpu.memory_space<semaphore_mem>>) src(%dma_wait3A_462 : memref<80x128xf32, #tpu.memory_space<vmem_shared>>) dst(%arg17 : memref<80x128xf32, #tpu.memory_space<vmem>>)
        tpu.yield
      }) : () -> ()
      %dma_start3A_449 = arith.constant 0 : i32
      %dma_start3A_450 = tpu.memref_slice %arg6[%arg0, %mul3A_440, %dma_start3A_449] : memref<2x10000x128xf32, #tpu.memory_space<hbm>> -> memref<1x80x128xf32, #tpu.memory_space<hbm>>
      %dma_start3A_451 = tpu.memref_squeeze %dma_start3A_450 : memref<1x80x128xf32, #tpu.memory_space<hbm>> -> memref<80x128xf32, #tpu.memory_space<hbm>>
      %dma_start3A_452 = arith.constant 0 : i32
      %dma_start3A_453 = tpu.memref_slice %arg6[%arg0, %mul3A_440, %dma_start3A_452] : memref<2x10000x128xf32, #tpu.memory_space<hbm>> -> memref<1x80x128xf32, #tpu.memory_space<hbm>>
      %dma_start3A_454 = tpu.memref_squeeze %dma_start3A_453 : memref<1x80x128xf32, #tpu.memory_space<hbm>> -> memref<80x128xf32, #tpu.memory_space<hbm>>
      tpu.enqueue_dma source(%arg17 : memref<80x128xf32, #tpu.memory_space<vmem>>) target(%dma_start3A_454 : memref<80x128xf32, #tpu.memory_space<hbm>>) target_semaphore(%arg23 : memref<!tpu.dma_semaphore, #tpu.memory_space<semaphore_mem>>)
    } else {
    }
    %dma_wait3A_415 = arith.constant 0 : i32
    %dma_wait3A_416 = arith.constant 0 : i32
    %dma_wait3A_417 = tpu.memref_slice %arg6[%arg0, %dma_wait3A_415, %dma_wait3A_416] : memref<2x10000x128xf32, #tpu.memory_space<hbm>> -> memref<1x80x128xf32, #tpu.memory_space<hbm>>
    %dma_wait3A_418 = tpu.memref_squeeze %dma_wait3A_417 : memref<1x80x128xf32, #tpu.memory_space<hbm>> -> memref<80x128xf32, #tpu.memory_space<hbm>>
    %dma_wait3A_419 = arith.constant 0 : i32
    %dma_wait3A_420 = arith.constant 0 : i32
    %dma_wait3A_421 = tpu.memref_slice %arg6[%arg0, %dma_wait3A_419, %dma_wait3A_420] : memref<2x10000x128xf32, #tpu.memory_space<hbm>> -> memref<1x80x128xf32, #tpu.memory_space<hbm>>
    %dma_wait3A_422 = tpu.memref_squeeze %dma_wait3A_421 : memref<1x80x128xf32, #tpu.memory_space<hbm>> -> memref<80x128xf32, #tpu.memory_space<hbm>>
    tpu.wait_dma2 semaphore(%arg22 : memref<!tpu.dma_semaphore, #tpu.memory_space<semaphore_mem>>) src(%arg16 : memref<80x128xf32, #tpu.memory_space<vmem>>) dst(%dma_wait3A_422 : memref<80x128xf32, #tpu.memory_space<hbm>>)
    %dma_wait3A_423 = arith.constant 0 : i32
    %dma_wait3A_424 = arith.constant 0 : i32
    %dma_wait3A_425 = tpu.memref_slice %arg6[%arg0, %dma_wait3A_423, %dma_wait3A_424] : memref<2x10000x128xf32, #tpu.memory_space<hbm>> -> memref<1x80x128xf32, #tpu.memory_space<hbm>>
    %dma_wait3A_426 = tpu.memref_squeeze %dma_wait3A_425 : memref<1x80x128xf32, #tpu.memory_space<hbm>> -> memref<80x128xf32, #tpu.memory_space<hbm>>
    %dma_wait3A_427 = arith.constant 0 : i32
    %dma_wait3A_428 = arith.constant 0 : i32
    %dma_wait3A_429 = tpu.memref_slice %arg6[%arg0, %dma_wait3A_427, %dma_wait3A_428] : memref<2x10000x128xf32, #tpu.memory_space<hbm>> -> memref<1x80x128xf32, #tpu.memory_space<hbm>>
    %dma_wait3A_430 = tpu.memref_squeeze %dma_wait3A_429 : memref<1x80x128xf32, #tpu.memory_space<hbm>> -> memref<80x128xf32, #tpu.memory_space<hbm>>
    tpu.wait_dma2 semaphore(%arg23 : memref<!tpu.dma_semaphore, #tpu.memory_space<semaphore_mem>>) src(%arg17 : memref<80x128xf32, #tpu.memory_space<vmem>>) dst(%dma_wait3A_430 : memref<80x128xf32, #tpu.memory_space<hbm>>)
    %dma_wait3A_431 = arith.constant 0 : i32
    %dma_wait3A_432 = arith.constant 0 : i32
    %dma_wait3A_433 = tpu.memref_slice %arg6[%arg0, %dma_wait3A_431, %dma_wait3A_432] : memref<2x10000x128xf32, #tpu.memory_space<hbm>> -> memref<1x80x128xf32, #tpu.memory_space<hbm>>
    %dma_wait3A_434 = tpu.memref_squeeze %dma_wait3A_433 : memref<1x80x128xf32, #tpu.memory_space<hbm>> -> memref<80x128xf32, #tpu.memory_space<hbm>>
    %dma_wait3A_435 = arith.constant 0 : i32
    %dma_wait3A_436 = arith.constant 0 : i32
    %dma_wait3A_437 = tpu.memref_slice %arg6[%arg0, %dma_wait3A_435, %dma_wait3A_436] : memref<2x10000x128xf32, #tpu.memory_space<hbm>> -> memref<1x80x128xf32, #tpu.memory_space<hbm>>
    %dma_wait3A_438 = tpu.memref_squeeze %dma_wait3A_437 : memref<1x80x128xf32, #tpu.memory_space<hbm>> -> memref<80x128xf32, #tpu.memory_space<hbm>>
    tpu.wait_dma2 semaphore(%arg24 : memref<!tpu.dma_semaphore, #tpu.memory_space<semaphore_mem>>) src(%arg18 : memref<80x128xf32, #tpu.memory_space<vmem>>) dst(%dma_wait3A_438 : memref<80x128xf32, #tpu.memory_space<hbm>>)
    "tpu.region"() ({
      %run_scoped3A = tpu.sem_alloc : memref<!tpu.dma_semaphore, #tpu.memory_space<semaphore_mem>>
      %dma_start3A_439 = arith.constant 0 : i32
      %dma_start3A_440 = tpu.memref_slice %arg7[%add3A, %dma_start3A_439] : memref<32x10000xf32, #tpu.memory_space<hbm>> -> memref<1x10000xf32, #tpu.memory_space<hbm>>
      %dma_start3A_441 = tpu.memref_squeeze %dma_start3A_440 : memref<1x10000xf32, #tpu.memory_space<hbm>> -> memref<10000xf32, #tpu.memory_space<hbm>>
      %dma_start3A_442 = arith.constant 0 : i32
      %dma_start3A_443 = tpu.memref_slice %arg7[%add3A, %dma_start3A_442] : memref<32x10000xf32, #tpu.memory_space<hbm>> -> memref<1x10000xf32, #tpu.memory_space<hbm>>
      %dma_start3A_444 = tpu.memref_squeeze %dma_start3A_443 : memref<1x10000xf32, #tpu.memory_space<hbm>> -> memref<10000xf32, #tpu.memory_space<hbm>>
      tpu.enqueue_dma source(%arg26 : memref<10000xf32, #tpu.memory_space<vmem>>) target(%dma_start3A_444 : memref<10000xf32, #tpu.memory_space<hbm>>) target_semaphore(%run_scoped3A : memref<!tpu.dma_semaphore, #tpu.memory_space<semaphore_mem>>)
      %dma_wait3A_445 = arith.constant 0 : i32
      %dma_wait3A_446 = tpu.memref_slice %arg7[%add3A, %dma_wait3A_445] : memref<32x10000xf32, #tpu.memory_space<hbm>> -> memref<1x10000xf32, #tpu.memory_space<hbm>>
      %dma_wait3A_447 = tpu.memref_squeeze %dma_wait3A_446 : memref<1x10000xf32, #tpu.memory_space<hbm>> -> memref<10000xf32, #tpu.memory_space<hbm>>
      %dma_wait3A_448 = arith.constant 0 : i32
      %dma_wait3A_449 = tpu.memref_slice %arg7[%add3A, %dma_wait3A_448] : memref<32x10000xf32, #tpu.memory_space<hbm>> -> memref<1x10000xf32, #tpu.memory_space<hbm>>
      %dma_wait3A_450 = tpu.memref_squeeze %dma_wait3A_449 : memref<1x10000xf32, #tpu.memory_space<hbm>> -> memref<10000xf32, #tpu.memory_space<hbm>>
      tpu.wait_dma2 semaphore(%run_scoped3A : memref<!tpu.dma_semaphore, #tpu.memory_space<semaphore_mem>>) src(%arg26 : memref<10000xf32, #tpu.memory_space<vmem>>) dst(%dma_wait3A_450 : memref<10000xf32, #tpu.memory_space<hbm>>)
      tpu.yield
    }) : () -> ()
    return
  }
}

module attributes {stable_mosaic.version = 14 : i64} {
  func.func @_tc1_body(%arg0: memref<2x10000x128xf32, #tpu.memory_space<vmem>>, %arg1: memref<32x10000xf32, #tpu.memory_space<vmem>>, %arg2: memref<10000x128xf32, #tpu.memory_space<vmem>>, %arg3: memref<128x128xf32, #tpu.memory_space<vmem>>, %arg4: memref<128x128xf32, #tpu.memory_space<vmem>>, %arg5: memref<128xf32, #tpu.memory_space<vmem>>, %arg6: memref<10000x128xf32, #tpu.memory_space<vmem>>) attributes {dimension_semantics = [], scalar_prefetch = 0 : i64, scratch_operands = 0 : i64, tpu.core_type = #tpu.core_type<tc>} {
    %get3A = arith.constant 0 : index
    %get3A_0 = arith.constant 0 : index
    %get3A_1 = arith.constant 0 : index
    %get3A_2 = vector.load %arg0[%get3A, %get3A_0, %get3A_1] : memref<2x10000x128xf32, #tpu.memory_space<vmem>>, vector<1x10000x128xf32>
    %get3A_3 = vector.shape_cast %get3A_2 : vector<1x10000x128xf32> to vector<10000x128xf32>
    %get3A_4 = arith.constant 1 : index
    %get3A_5 = arith.constant 0 : index
    %get3A_6 = arith.constant 0 : index
    %get3A_7 = vector.load %arg0[%get3A_4, %get3A_5, %get3A_6] : memref<2x10000x128xf32, #tpu.memory_space<vmem>>, vector<1x10000x128xf32>
    %get3A_8 = vector.shape_cast %get3A_7 : vector<1x10000x128xf32> to vector<10000x128xf32>
    %add3A = arith.addf %get3A_3, %get3A_8 : vector<10000x128xf32>
    %get3A_9 = arith.constant 0 : index
    %get3A_10 = arith.constant 0 : index
    %get3A_11 = vector.load %arg1[%get3A_9, %get3A_10] : memref<32x10000xf32, #tpu.memory_space<vmem>>, vector<32x10000xf32>
    %reduce_sum3A = arith.constant dense<0.000000e+00> : vector<10000xf32>
    %reduce_sum3A_12 = vector.multi_reduction <add>, %get3A_11, %reduce_sum3A [0] : vector<32x10000xf32> to vector<10000xf32>
    %max3A = arith.constant 1.000000e+00 : f32
    %max3A_13 = vector.broadcast %max3A : f32 to vector<10000xf32>
    %max3A_14 = arith.maximumf %reduce_sum3A_12, %max3A_13 : vector<10000xf32>
    %broadcast_in_dim3A = vector.shape_cast %max3A_14 : vector<10000xf32> to vector<10000x1xf32>
    %div3A = vector.broadcast %broadcast_in_dim3A : vector<10000x1xf32> to vector<10000x128xf32>
    %div3A_15 = arith.divf %add3A, %div3A : vector<10000x128xf32>
    %get3A_16 = arith.constant 0 : index
    %get3A_17 = arith.constant 0 : index
    %get3A_18 = vector.load %arg3[%get3A_16, %get3A_17] : memref<128x128xf32, #tpu.memory_space<vmem>>, vector<128x128xf32>
    %dot_general3A = arith.constant dense<0.000000e+00> : vector<10000x128xf32>
    %dot_general3A_19 = tpu.matmul %div3A_15, %get3A_18, %dot_general3A {dimension_numbers = #tpu.dot_dimension_numbers<[1], [0], [0], [1], [0, 0, 1, 1], [], []>, transpose_lhs_hint = false} : vector<10000x128xf32>, vector<128x128xf32>, vector<10000x128xf32> -> vector<10000x128xf32>
    %get3A_20 = arith.constant 0 : index
    %get3A_21 = arith.constant 0 : index
    %get3A_22 = vector.load %arg2[%get3A_20, %get3A_21] : memref<10000x128xf32, #tpu.memory_space<vmem>>, vector<10000x128xf32>
    %get3A_23 = arith.constant 0 : index
    %get3A_24 = arith.constant 0 : index
    %get3A_25 = vector.load %arg4[%get3A_23, %get3A_24] : memref<128x128xf32, #tpu.memory_space<vmem>>, vector<128x128xf32>
    %dot_general3A_26 = arith.constant dense<0.000000e+00> : vector<10000x128xf32>
    %dot_general3A_27 = tpu.matmul %get3A_22, %get3A_25, %dot_general3A_26 {dimension_numbers = #tpu.dot_dimension_numbers<[1], [0], [0], [1], [0, 0, 1, 1], [], []>, transpose_lhs_hint = false} : vector<10000x128xf32>, vector<128x128xf32>, vector<10000x128xf32> -> vector<10000x128xf32>
    %add3A_28 = arith.addf %dot_general3A_19, %dot_general3A_27 : vector<10000x128xf32>
    %get3A_29 = arith.constant 0 : index
    %get3A_30 = vector.load %arg5[%get3A_29] : memref<128xf32, #tpu.memory_space<vmem>>, vector<128xf32>
    %broadcast_in_dim3A_31 = vector.shape_cast %get3A_30 : vector<128xf32> to vector<1x128xf32>
    %add3A_32 = vector.broadcast %broadcast_in_dim3A_31 : vector<1x128xf32> to vector<10000x128xf32>
    %add3A_33 = arith.addf %add3A_28, %add3A_32 : vector<10000x128xf32>
    %max3A_34 = arith.constant 0.000000e+00 : f32
    %max3A_35 = vector.broadcast %max3A_34 : f32 to vector<10000x128xf32>
    %max3A_36 = arith.maximumf %add3A_33, %max3A_35 : vector<10000x128xf32>
    %swap3A = arith.constant 0 : index
    %swap3A_37 = arith.constant 0 : index
    %swap3A_38 = vector.load %arg6[%swap3A, %swap3A_37] : memref<10000x128xf32, #tpu.memory_space<vmem>>, vector<10000x128xf32>
    tpu.vector_store %arg6[%swap3A, %swap3A_37], %max3A_36 {strides = array<i32>} : memref<10000x128xf32, #tpu.memory_space<vmem>>, vector<10000x128xf32>,
    return
  }
}

module attributes {stable_mosaic.version = 14 : i64} {
  func.func @_tc2_body(%arg0: memref<2x10000x128xf32, #tpu.memory_space<vmem>>, %arg1: memref<32x10000xf32, #tpu.memory_space<vmem>>, %arg2: memref<10000x128xf32, #tpu.memory_space<vmem>>, %arg3: memref<128x128xf32, #tpu.memory_space<vmem>>, %arg4: memref<128x128xf32, #tpu.memory_space<vmem>>, %arg5: memref<128xf32, #tpu.memory_space<vmem>>, %arg6: memref<128x128xf32, #tpu.memory_space<vmem>>, %arg7: memref<128xf32, #tpu.memory_space<vmem>>, %arg8: memref<128x64xf32, #tpu.memory_space<vmem>>, %arg9: memref<64xf32, #tpu.memory_space<vmem>>, %arg10: memref<64x1xf32, #tpu.memory_space<vmem>>, %arg11: memref<1xf32, #tpu.memory_space<vmem>>, %arg12: memref<10000x128xf32, #tpu.memory_space<vmem>>, %arg13: memref<10000x1xf32, #tpu.memory_space<vmem>>) attributes {dimension_semantics = [], scalar_prefetch = 0 : i64, scratch_operands = 0 : i64, tpu.core_type = #tpu.core_type<tc>} {
    %get3A = arith.constant 0 : index
    %get3A_0 = arith.constant 0 : index
    %get3A_1 = arith.constant 0 : index
    %get3A_2 = vector.load %arg0[%get3A, %get3A_0, %get3A_1] : memref<2x10000x128xf32, #tpu.memory_space<vmem>>, vector<1x10000x128xf32>
    %get3A_3 = vector.shape_cast %get3A_2 : vector<1x10000x128xf32> to vector<10000x128xf32>
    %get3A_4 = arith.constant 1 : index
    %get3A_5 = arith.constant 0 : index
    %get3A_6 = arith.constant 0 : index
    %get3A_7 = vector.load %arg0[%get3A_4, %get3A_5, %get3A_6] : memref<2x10000x128xf32, #tpu.memory_space<vmem>>, vector<1x10000x128xf32>
    %get3A_8 = vector.shape_cast %get3A_7 : vector<1x10000x128xf32> to vector<10000x128xf32>
    %add3A = arith.addf %get3A_3, %get3A_8 : vector<10000x128xf32>
    %get3A_9 = arith.constant 0 : index
    %get3A_10 = arith.constant 0 : index
    %get3A_11 = vector.load %arg1[%get3A_9, %get3A_10] : memref<32x10000xf32, #tpu.memory_space<vmem>>, vector<32x10000xf32>
    %reduce_sum3A = arith.constant dense<0.000000e+00> : vector<10000xf32>
    %reduce_sum3A_12 = vector.multi_reduction <add>, %get3A_11, %reduce_sum3A [0] : vector<32x10000xf32> to vector<10000xf32>
    %max3A = arith.constant 1.000000e+00 : f32
    %max3A_13 = vector.broadcast %max3A : f32 to vector<10000xf32>
    %max3A_14 = arith.maximumf %reduce_sum3A_12, %max3A_13 : vector<10000xf32>
    %broadcast_in_dim3A = vector.shape_cast %max3A_14 : vector<10000xf32> to vector<10000x1xf32>
    %div3A = vector.broadcast %broadcast_in_dim3A : vector<10000x1xf32> to vector<10000x128xf32>
    %div3A_15 = arith.divf %add3A, %div3A : vector<10000x128xf32>
    %get3A_16 = arith.constant 0 : index
    %get3A_17 = arith.constant 0 : index
    %get3A_18 = vector.load %arg3[%get3A_16, %get3A_17] : memref<128x128xf32, #tpu.memory_space<vmem>>, vector<128x128xf32>
    %dot_general3A = arith.constant dense<0.000000e+00> : vector<10000x128xf32>
    %dot_general3A_19 = tpu.matmul %div3A_15, %get3A_18, %dot_general3A {dimension_numbers = #tpu.dot_dimension_numbers<[1], [0], [0], [1], [0, 0, 1, 1], [], []>, transpose_lhs_hint = false} : vector<10000x128xf32>, vector<128x128xf32>, vector<10000x128xf32> -> vector<10000x128xf32>
    %get3A_20 = arith.constant 0 : index
    %get3A_21 = arith.constant 0 : index
    %get3A_22 = vector.load %arg2[%get3A_20, %get3A_21] : memref<10000x128xf32, #tpu.memory_space<vmem>>, vector<10000x128xf32>
    %get3A_23 = arith.constant 0 : index
    %get3A_24 = arith.constant 0 : index
    %get3A_25 = vector.load %arg4[%get3A_23, %get3A_24] : memref<128x128xf32, #tpu.memory_space<vmem>>, vector<128x128xf32>
    %dot_general3A_26 = arith.constant dense<0.000000e+00> : vector<10000x128xf32>
    %dot_general3A_27 = tpu.matmul %get3A_22, %get3A_25, %dot_general3A_26 {dimension_numbers = #tpu.dot_dimension_numbers<[1], [0], [0], [1], [0, 0, 1, 1], [], []>, transpose_lhs_hint = false} : vector<10000x128xf32>, vector<128x128xf32>, vector<10000x128xf32> -> vector<10000x128xf32>
    %add3A_28 = arith.addf %dot_general3A_19, %dot_general3A_27 : vector<10000x128xf32>
    %get3A_29 = arith.constant 0 : index
    %get3A_30 = vector.load %arg5[%get3A_29] : memref<128xf32, #tpu.memory_space<vmem>>, vector<128xf32>
    %broadcast_in_dim3A_31 = vector.shape_cast %get3A_30 : vector<128xf32> to vector<1x128xf32>
    %add3A_32 = vector.broadcast %broadcast_in_dim3A_31 : vector<1x128xf32> to vector<10000x128xf32>
    %add3A_33 = arith.addf %add3A_28, %add3A_32 : vector<10000x128xf32>
    %swap3A = arith.constant 0 : index
    %swap3A_34 = arith.constant 0 : index
    %swap3A_35 = vector.load %arg12[%swap3A, %swap3A_34] : memref<10000x128xf32, #tpu.memory_space<vmem>>, vector<10000x128xf32>
    tpu.vector_store %arg12[%swap3A, %swap3A_34], %add3A_33 {strides = array<i32>} : memref<10000x128xf32, #tpu.memory_space<vmem>>, vector<10000x128xf32>,
    %get3A_36 = arith.constant 0 : index
    %get3A_37 = arith.constant 0 : index
    %get3A_38 = vector.load %arg6[%get3A_36, %get3A_37] : memref<128x128xf32, #tpu.memory_space<vmem>>, vector<128x128xf32>
    %dot_general3A_39 = arith.constant dense<0.000000e+00> : vector<10000x128xf32>
    %dot_general3A_40 = tpu.matmul %add3A_33, %get3A_38, %dot_general3A_39 {dimension_numbers = #tpu.dot_dimension_numbers<[1], [0], [0], [1], [0, 0, 1, 1], [], []>, transpose_lhs_hint = false} : vector<10000x128xf32>, vector<128x128xf32>, vector<10000x128xf32> -> vector<10000x128xf32>
    %get3A_41 = arith.constant 0 : index
    %get3A_42 = vector.load %arg7[%get3A_41] : memref<128xf32, #tpu.memory_space<vmem>>, vector<128xf32>
    %broadcast_in_dim3A_43 = vector.shape_cast %get3A_42 : vector<128xf32> to vector<1x128xf32>
    %add3A_44 = vector.broadcast %broadcast_in_dim3A_43 : vector<1x128xf32> to vector<10000x128xf32>
    %add3A_45 = arith.addf %dot_general3A_40, %add3A_44 : vector<10000x128xf32>
    %max3A_46 = arith.constant 0.000000e+00 : f32
    %max3A_47 = vector.broadcast %max3A_46 : f32 to vector<10000x128xf32>
    %max3A_48 = arith.maximumf %add3A_45, %max3A_47 : vector<10000x128xf32>
    %get3A_49 = arith.constant 0 : index
    %get3A_50 = arith.constant 0 : index
    %get3A_51 = vector.load %arg8[%get3A_49, %get3A_50] : memref<128x64xf32, #tpu.memory_space<vmem>>, vector<128x64xf32>
    %dot_general3A_52 = arith.constant dense<0.000000e+00> : vector<10000x64xf32>
    %dot_general3A_53 = tpu.matmul %max3A_48, %get3A_51, %dot_general3A_52 {dimension_numbers = #tpu.dot_dimension_numbers<[1], [0], [0], [1], [0, 0, 1, 1], [], []>, transpose_lhs_hint = false} : vector<10000x128xf32>, vector<128x64xf32>, vector<10000x64xf32> -> vector<10000x64xf32>
    %get3A_54 = arith.constant 0 : index
    %get3A_55 = vector.load %arg9[%get3A_54] : memref<64xf32, #tpu.memory_space<vmem>>, vector<64xf32>
    %broadcast_in_dim3A_56 = vector.shape_cast %get3A_55 : vector<64xf32> to vector<1x64xf32>
    %add3A_57 = vector.broadcast %broadcast_in_dim3A_56 : vector<1x64xf32> to vector<10000x64xf32>
    %add3A_58 = arith.addf %dot_general3A_53, %add3A_57 : vector<10000x64xf32>
    %max3A_59 = arith.constant 0.000000e+00 : f32
    %max3A_60 = vector.broadcast %max3A_59 : f32 to vector<10000x64xf32>
    %max3A_61 = arith.maximumf %add3A_58, %max3A_60 : vector<10000x64xf32>
    %get3A_62 = arith.constant 0 : index
    %get3A_63 = arith.constant 0 : index
    %get3A_64 = vector.load %arg10[%get3A_62, %get3A_63] : memref<64x1xf32, #tpu.memory_space<vmem>>, vector<64x1xf32>
    %dot_general3A_65 = arith.constant dense<0.000000e+00> : vector<10000x1xf32>
    %dot_general3A_66 = tpu.matmul %max3A_61, %get3A_64, %dot_general3A_65 {dimension_numbers = #tpu.dot_dimension_numbers<[1], [0], [0], [1], [0, 0, 1, 1], [], []>, transpose_lhs_hint = false} : vector<10000x64xf32>, vector<64x1xf32>, vector<10000x1xf32> -> vector<10000x1xf32>
    %get3A_67 = arith.constant 0 : index
    %get3A_68 = vector.load %arg11[%get3A_67] : memref<1xf32, #tpu.memory_space<vmem>>, vector<1xf32>
    %broadcast_in_dim3A_69 = vector.shape_cast %get3A_68 : vector<1xf32> to vector<1x1xf32>
    %add3A_70 = vector.broadcast %broadcast_in_dim3A_69 : vector<1x1xf32> to vector<10000x1xf32>
    %add3A_71 = arith.addf %dot_general3A_66, %add3A_70 : vector<10000x1xf32>
    %logistic3A = arith.negf %add3A_71 : vector<10000x1xf32>
    %logistic3A_72 = math.exp %logistic3A : vector<10000x1xf32>
    %logistic3A_73 = arith.constant 1.000000e+00 : f32
    %logistic3A_74 = vector.broadcast %logistic3A_73 : f32 to vector<10000x1xf32>
    %logistic3A_75 = arith.addf %logistic3A_74, %logistic3A_72 : vector<10000x1xf32>
    %logistic3A_76 = arith.divf %logistic3A_74, %logistic3A_75 : vector<10000x1xf32>
    %swap3A_77 = arith.constant 0 : index
    %swap3A_78 = arith.constant 0 : index
    %swap3A_79 = vector.load %arg13[%swap3A_77, %swap3A_78] : memref<10000x1xf32, #tpu.memory_space<vmem>>, vector<10000x1xf32>
    tpu.vector_store %arg13[%swap3A_77, %swap3A_78], %logistic3A_76 {strides = array<i32>} : memref<10000x1xf32, #tpu.memory_space<vmem>>, vector<10000x1xf32>,
    return
  }
}

</mosaic_0001>

<sc_bundles>
// kernel: kernel.6.cloned.1.call-start
scs
__scs_entry_jumppad:
0x0: {  	(pc) =	sbr.rel $0x88, $3  }
0x1: {  	(tag) =	ssettag $0x0;
	lr =	simm.s32 $0x1  }
0x2: {  	[smem:$0x3F93] =	sst lr;
	_ =	strace $0xD0000000  }
0x3: {  	_ = 	snop  }
0x4: {  	_ = 	snop  }
0x5: {  	_ = 	snop  }
0x6: {  	_ = 	snop  }
0x7: {  	_ = 	snop  }
__scs_overlays_trampoline_lowered:
0x8: {  	[smem:$0x3FA2] =	sst s0  }
0x9: {  	[smem:$0x3FA3] =	sst s1  }
0xa: {  	[smem:$0x3FA4] =	sst s2  }
0xb: {  	[smem:$0x3FA5] =	sst s3  }
0xc: {  	[smem:$0x3FA6] =	sst s4  }
0xd: {  	[smem:$0x3FA7] =	sst s5  }
0xe: {  	[smem:$0x3FA8] =	sst s6  }
0xf: {  	[smem:$0x3FA9] =	sst s7  }
0x10: {  	[smem:$0x3FAA] =	sst s8  }
0x11: {  	[smem:$0x3FAB] =	sst s9;
	s0 =	simm.s32 @!p0 $0x0  }
0x12: {  	s1 =	sld [smem:$0x3F91];
	s0 =	simm.s32 @p0 $0x1  }
0x13: {  	[smem:$0x3FAC] =	sst s0;
	s0 =	simm.s32 @!p1 $0x0  }
0x14: {  	s2 =	sld [smem:$0x3F90];
	s0 =	simm.s32 @p1 $0x1  }
0x15: {  	[smem:$0x3FAD] =	sst s0;
	s0 =	simm.s32 @!p2 $0x0  }
0x16: {  	s3 =	sld [smem:$0x3FDB];
	s0 =	simm.s32 @p2 $0x1  }
0x17: {  	s4 =	simm.s32 $0x1BF5;
	[smem:$0x3FAF] =	sst s0  }
0x18: {  	s0 =	sld [smem:$0x3F92];
	_ =	swait.ge [sflag:s4], $0x0  }
0x19: {  	s7 =	sld [smem:$0x3F93]  }
0x1a: {  	s8 =	sadd.s32 $0xFFFFE003, lr  }
0x1b: {  	s9 =	sadd.s32 $0xFFFFFEF7, lr;
	s5 =	simm.s32 $0xFFFFFFFF;
	p2 =	slt.u32 s8, $0xFFFFF086  }
0x1c: {  	p1 =	slt.u32 s9, $0xF7A;
	s5 =	simm.s32 @!p2 $0x0  }
0x1d: {  	s5 =	simm.s32 @p1 $0x1;
	p0 =	seq.s32 s7, s2  }
0x1e: {  	s7 =	smul.u32 @!p0 $0xF7A, s2;
	p2 =	seq.s32 @!p0 s5, $0x0  }
0x1f: {  	s9 =	smul.u32 $0xF7A, s1;
	s8 =	simm.s32 @!p0 $0x1BF5;
	p2 =	por !p2, p0  }
0x20: {  	[sflag:s8] =	ssyncset.s32 @!p0 $0xFFFFF086;
	s6 =	sadd.s32 @!p0 s3, s7;
	s7 =	simm.s32 @!p0 $0x108  }
0x21: {  	s3 =	sadd.s32 s3, s9;
	s6 =	sadd.s32 @!p0 $0x88, s6;
	s7 =	simm.s32 @p2 $0x1082  }
0x22: {  	[simem:s7], [sflag:s8] =	dma.local @!p0 [hbm:s6], $0xF7A  }
0x23: {  	s9 =	sor.u32 $0xD0000000, s2;
	s6 =	simm.s32 $0x108;
	_ =	swait.ge @!p0 [sflag:s8], $0x0  }
0x24: {  	s3 =	sadd.s32 $0x88, s3;
	s6 =	simm.s32 @!p1 $0x1082;
	[sflag:s4] =	ssyncset.s32 $0xFFFFF086  }
0x25: {  	[simem:s6], [sflag:s4] =	dma.local [hbm:s3], $0xF7A  }
0x26: {  	[smem:$0x3F93] =	sst s1;
	(tag) =	ssettag s2;
	_ =	strace s9  }
0x27: {  	s1 =	sld [smem:$0x3FA3]  }
0x28: {  	s2 =	sld [smem:$0x3FA4]  }
0x29: {  	s4 =	sld [smem:$0x3FA6]  }
0x2a: {  	p0 =	seq.s32 s5, $0x0;
	s5 =	sld [smem:$0x3FA7]  }
0x2b: {  	s6 =	sld [smem:$0x3FA8]  }
0x2c: {  	s7 =	sld [smem:$0x3FA9]  }
0x2d: {  	s3 =	simm.s32 $0x108;
	s8 =	sld [smem:$0x3FAA]  }
0x2e: {  	s3 =	simm.s32 @!p0 $0x1082;
	s9 =	sld [smem:$0x3FAB]  }
0x2f: {  	lr =	sadd.s32 s0, s3;
	s0 =	sld [smem:$0x3FA2]  }
0x30: {  	s3 =	sld [smem:$0x3FA5]  }
0x31: {  	[smem:$0x3FAE] =	sst s10  }
0x32: {  	s10 =	sld [smem:$0x3FAC];
	_ =	sdelay $0x3  }
0x33: {  	p0 =	seq.s32 s10, $0x1;
	s10 =	sld [smem:$0x3FAE];
	_ =	sdelay $0x3  }
0x34: {  	[smem:$0x3FAE] =	sst s10  }
0x35: {  	s10 =	sld [smem:$0x3FAD];
	_ =	sdelay $0x3  }
0x36: {  	p1 =	seq.s32 s10, $0x1;
	s10 =	sld [smem:$0x3FAE];
	_ =	sdelay $0x3  }
0x37: {  	[smem:$0x3FAE] =	sst s10  }
0x38: {  	s10 =	sld [smem:$0x3FAF]  }
0x39: {  	_ = 	snop;
	(pc) =	sbr.ind lr, $3  }
0x3a: {  	_ = 	snop  }
0x3b: {  	_ = 	snop  }
0x3c: {  	p2 =	seq.s32 s10, $0x1;
	s10 =	sld [smem:$0x3FAE]  }
0x3d: {  	_ =	shalt  }
0x3e: {  	_ =	shalt  }
0x3f: {  	_ =	shalt  }
0x40: {  	_ =	shalt  }
0x41: {  	_ =	shalt  }
0x42: {  	_ =	shalt  }
0x43: {  	_ =	shalt  }
0x44: {  	_ =	shalt  }
0x45: {  	_ =	shalt  }
0x46: {  	_ =	shalt  }
0x47: {  	_ =	shalt  }
0x48: {  	_ =	shalt  }
0x49: {  	_ =	shalt  }
0x4a: {  	_ =	shalt  }
0x4b: {  	_ =	shalt  }
0x4c: {  	_ =	shalt  }
0x4d: {  	_ =	shalt  }
0x4e: {  	_ =	shalt  }
0x4f: {  	_ =	shalt  }
0x50: {  	_ =	shalt  }
0x51: {  	_ =	shalt  }
0x52: {  	_ =	shalt  }
0x53: {  	_ =	shalt  }
0x54: {  	_ =	shalt  }
0x55: {  	_ =	shalt  }
0x56: {  	_ =	shalt  }
0x57: {  	_ =	shalt  }
0x58: {  	_ =	shalt  }
0x59: {  	_ =	shalt  }
0x5a: {  	_ =	shalt  }
0x5b: {  	_ =	shalt  }
0x5c: {  	_ =	shalt  }
0x5d: {  	_ =	shalt  }
0x5e: {  	_ =	shalt  }
0x5f: {  	_ =	shalt  }
0x60: {  	_ =	shalt  }
0x61: {  	_ =	shalt  }
0x62: {  	_ =	shalt  }
0x63: {  	_ =	shalt  }
0x64: {  	_ =	shalt  }
0x65: {  	_ =	shalt  }
0x66: {  	_ =	shalt  }
0x67: {  	_ =	shalt  }
0x68: {  	_ =	shalt  }
0x69: {  	_ =	shalt  }
0x6a: {  	_ =	shalt  }
0x6b: {  	_ =	shalt  }
0x6c: {  	_ =	shalt  }
0x6d: {  	_ =	shalt  }
0x6e: {  	_ =	shalt  }
0x6f: {  	_ =	shalt  }
0x70: {  	_ =	shalt  }
0x71: {  	_ =	shalt  }
0x72: {  	_ =	shalt  }
0x73: {  	_ =	shalt  }
0x74: {  	_ =	shalt  }
0x75: {  	_ =	shalt  }
0x76: {  	_ =	shalt  }
0x77: {  	_ =	shalt  }
0x78: {  	_ =	shalt  }
0x79: {  	_ =	shalt  }
0x7a: {  	_ =	shalt  }
0x7b: {  	_ =	shalt  }
0x7c: {  	_ =	shalt  }
0x7d: {  	_ =	shalt  }
0x7e: {  	_ =	shalt  }
0x7f: {  	_ =	shalt  }
0x80: {  	_ =	shalt  }
0x81: {  	_ =	shalt  }
0x82: {  	_ =	shalt  }
0x83: {  	_ =	shalt  }
0x84: {  	_ =	shalt  }
0x85: {  	_ =	shalt  }
0x86: {  	_ =	shalt  }
0x87: {  	_ =	shalt  }
.Lfunc_end0:
.L_simem_size_0:
called_computation_lowered:
.L_overlay_start_0:
0x88: {  	s2 =	sld [smem:$0x3FD9]  }
0x89: {  	s3 =	sld [smem:$0x3FFE];
	_ =	sdelay $0x1  }
0x8a: {  	s1 =	srdreg.scid  }
0x8b: {  	s0 =	sand.u32 $0x1, s1  }
0x8c: {  	s17 =	sshll.u32 s0, $0xA;
	s2 =	sadd.s32 s3, s2  }
0x8d: {  	s2 =	sadd.s32 s2, s17  }
0x8e: {  	[smem:$0x3FBA] =	sst s2  }
0x8f: {  	_ = 	snop  }
0x90: {  	s2 =	sld [smem:$0x3FC9];
	(tm) =	ssettm $0x1  }
0x91: {  	s18 =	sld [smem:$0x3FFB];
	_ =	sdelay $0x3  }
0x92: {  	_ =	strace s18  }
0x93: {  	s3 =	sld [smem:$0x3FFC];
	_ =	sdelay $0x3  }
0x94: {  	_ =	strace s3  }
0x95: {  	s3 =	sld [smem:$0x3FFD];
	_ =	sdelay $0x3  }
0x96: {  	_ =	strace s3  }
0x97: {  	_ =	strace $0x8FFFFFFF  }
0x98: {  	s19 =	sld [smem:$0x3FDB];
	_ =	sdelay $0x1  }
0x99: {  	s4 =	simm.s32 $_scs_section_size  }
0x9a: {  	s5 =	simm.s32 $_size__tile_overlayer_lowered;
	s6 =	simm.s32 $_tile_overlayer_lowered  }
0x9b: {  	s22 =	simm.s32 $0x1BFF;
	s21 =	sshll.u32 s6, $0x1;
	s3 =	sadd.s32 s4, s19  }
0x9c: {  	s7 =	simm.s32 $0x0;
	s20 =	sshll.u32 s5, $0x1;
	s5 =	sadd.s32 s21, s3  }
0x9d: {  	[timem:s7], [sflag:s22] =	dma.local [hbm:s5], s20  }
0x9e: {  	_ =	swait.ge [sflag:s22], s20  }
0x9f: {  	s4 =	ssub.s32 $0x0, s20;
	[sflag:s22] =	ssyncset.done $0x0  }
0xa0: {  	[sflag:s22] =	ssyncadd.s32 s4;
	_ =	sdelay $0x1  }
0xa1: {  	s23 =	simm.s32 $0x1B8B  }
0xa2: {  	_ =	swait.ge [sflag:s23], $0x1  }
0xa3: {  	[sflag:s23] =	ssyncset.done $0x0  }
0xa4: {  	s25 =	simm.s32 $0x1B8E;
	s24 =	sld [smem:$0x3FFE];
	[sflag:s23] =	ssyncadd.s32 $0xFFFFFFFF  }
0xa5: {  	s26 =	simm.s32 $execute0_lowered;
	[smem:$0x3FD2] =	sst s25  }
0xa6: {  	s5 =	sshll.u32 s26, $0x1;
	_ =	strace $0x80000046;
	[dreg:$0x1] =	wrdreg $0xFFFFFFFF  }
0xa7: {  	s28 =	simm.s32 $_size_execute0_lowered;
	s3 =	sadd.s32 s3, s5;
	[dreg:$0x0] =	wrdreg $0x0  }
0xa8: {  	s5 =	sshll.u32 s28, $0x1;
	[dreg:$0x2] =	wrdreg s3  }
0xa9: {  	[dreg:$0x3] =	wrdreg s5  }
0xaa: {  	[dreg:$0x4] =	wrdreg $0xC0  }
0xab: {  	_ =	task [dreg:s7], $0x5FFFF  }
0xac: {  	[dreg:$0x1] =	wrdreg $0xFFFFFFFF  }
0xad: {  	[dreg:$0x0] =	wrdreg $0x60  }
0xae: {  	[dreg:$0x2] =	wrdreg s2  }
0xaf: {  	[dreg:$0x3] =	wrdreg s24  }
0xb0: {  	[dreg:$0x4] =	wrdreg $0x0  }
0xb1: {  	[dreg:$0x5] =	wrdreg $0x9  }
0xb2: {  	_ =	task.clear_ibuf [dreg:s7], $0x6FFFF;
	_ =	strace $0x90000046  }
0xb3: {  	s29 =	simm.s32 $0x9;
	_ =	strace $0x80000048  }
0xb4: {  	_ =	swait.ge [sflag:s29], $0x1  }
0xb5: {  	[sflag:s29] =	ssyncadd.s32 $0xFFFFFFFF  }
0xb6: {  	_ =	strace $0x90000048  }
0xb7: {  	_ =	sfence  }
0xb8: {  	s30 =	sld [smem:$0x0];
	_ =	sdelay $0x2  }
0xb9: {  	s31 =	sshll.u32 s1, $0xD;
	s1 =	sshrl.u32 s1, $0x2  }
0xba: {  	s3 =	sand.u32 $0x4000, s31;
	s1 =	sadd.s32 s1, s30  }
0xbb: {  	s0 =	sor.u32 s3, s0;
	s1 =	sshll.u32 s1, $0x11  }
0xbc: {  	s0 =	sor.u32 s1, s0  }
0xbd: {  	s0 =	sadd.s32 $0x8F2B, s0  }
0xbe: {  	[sflag:s0] =	ssyncadd.remote.s32 $0x1  }
0xbf: {  	_ =	sfence.sel $0xFFFF  }
0xc0: {  	[dreg:$0x0] =	wrdreg $0xFFFFFFFF;
	(pc) =	sbr.abs _section_cstart, $3  }
0xc1: {  	[dreg:$0x1] =	wrdreg $0xFFFFFFFF  }
0xc2: {  	_ =	task.clear_ibuf [dreg:s7], $0x2FFFF;
	_ =	strace $0x9FFFFFFF  }
0xc3: {  	(tm) =	ssettm $0x7FFFFFFF  }
tec
execute0_lowered:
.L_overlay_start_1:
0x0: {  	(tag) =	ssettag $0x1  }
0x1: {  	s28 =	stileid.u32  }
0x2: {  	s0 =	srdreg.scid;
	s24 =	smul.u32 $0x2710, s28  }
0x3: {  	s1 =	rddreg [dreg:$0x0];
	s3 =	sand.u32 $0x1, s0;
	s18 =	smul.u32 $0x2800, s28  }
0x4: {  	s7 =	rddreg [dreg:$0x1];
	s15 =	sor.u32 $0x10, s28;
	s13 =	smul.u32 $0x138800, s3  }
0x5: {  	s0 =	sshll.u32 s3, $0x4;
	s9 =	ssub.s32 $0x2, s3;
	s3 =	smul.u32 $0x27100, s3  }
0x6: {  	s2 =	rddreg [dreg:$0x2];
	s16 =	sor.u32 $0x20, s28;
	s19 =	smul.u32 $0x2800, s15  }
0x7: {  	s4 =	simm.s32 $0x0;
	s17 =	sor.u32 $0x30, s28;
	s25 =	smul.u32 $0x2800, s16  }
0x8: {  	s29 =	simm.s32 $0x18E00;
	s12 =	sor.u32 $0x40, s28;
	s21 =	smul.u32 $0x2800, s17  }
0x9: {  	s30 =	simm.s32 $0x2;
	s11 =	sor.u32 $0x70, s28;
	s22 =	smul.u32 $0x2800, s12  }
0xa: {  	s31 =	simm.s32 $0x13D00;
	[smem:$0x7FF] =	sst s4;
	s26 =	smul.u32 $0x2800, s11  }
0xb: {  	s5 =	sadd.s32 $0x3000, s7;
	s6 =	sshll.u32 s28, $0x7;
	s15 =	smul.u32 $0xA000, s15  }
0xc: {  	p0 =	sgt.u32 s28, $0xC;
	_ =	strace $0x80000047;
	s16 =	smul.u32 $0xA000, s16  }
0xd: {  	s6 =	sand.u32 $0x380, s6;
	s12 =	smul.u32 $0xA000, s12;
	s8 =	sor.u32 s28, s0  }
0xe: {  	s10 =	sshrl.u32 s9, $0x1;
	s0 =	sshrl.u32 s8, $0x3;
	s3 =	sadd.s32 s24, s3  }
0xf: {  	s18 =	sadd.s32 s18, s13;
	s19 =	sadd.s32 s13, s19;
	s24 =	sadd.s32 s13, s25  }
0x10: {  	s21 =	sadd.s32 s13, s21;
	s22 =	sadd.s32 s13, s22;
	s0 =	smul.u32 $0x13C00, s0  }
0x11: {  	s8 =	smul.u32 $0x2710, s8;
	s20 =	sadd.s32 $0xF0, s3;
	s18 =	sshrl.u32 s18, $0x3  }
0x12: {  	s19 =	sshrl.u32 s19, $0x3;
	s20 =	sshrl.u32 s20, $0x3;
	s14 =	sor.u32 s6, s0  }
0x13: {  	s0 =	ssub.s32 s9, s10;
	s9 =	sor.u32 $0x50, s28;
	s23 =	sadd.s32 s20, s5  }
0x14: {  	s10 =	sor.u32 $0x60, s28;
	[dreg:$0x4] =	wrdreg s23;
	s23 =	smul.u32 $0x2800, s9  }
0x15: {  	s21 =	sshrl.u32 s21, $0x3;
	s6 =	sadd.s32 $0xCE00, s7;
	s25 =	smul.u32 $0x2800, s10  }
0x16: {  	s8 =	sshrl.u32 s8, $0x3;
	s20 =	sadd.s32 s20, s6;
	s9 =	smul.u32 $0xA000, s9  }
0x17: {  	s10 =	smul.u32 $0xA000, s10;
	s0 =	smax.u32 s0, $0x1;
	[dreg:$0x5] =	wrdreg s20  }
0x18: {  	s20 =	sadd.s32 $0x17200, s7;
	[smem:$0x7FC] =	sst s0;
	s23 =	sadd.s32 s13, s23  }
0x19: {  	s25 =	sadd.s32 s13, s25;
	s13 =	sadd.s32 s13, s26;
	s26 =	simm.s32 $0x13B80  }
0x1a: {  	s0 =	simm.s32 $0x4;
	s18 =	sadd.s32 s20, s18;
	[dreg:$0x6] =	wrdreg s26  }
0x1b: {  	[dreg:$0x9] =	wrdreg s18;
	s26 =	sshrl.u32 s24, $0x3;
	s18 =	sadd.s32 s20, s19  }
0x1c: {  	s24 =	sshrl.u32 s22, $0x3;
	s22 =	sshrl.u32 s25, $0x3;
	s13 =	sshrl.u32 s13, $0x3  }
0x1d: {  	s25 =	smul.u32 $0xA000, s28;
	[dreg:$0xa] =	wrdreg s18;
	s19 =	sadd.s32 s20, s26  }
0x1e: {  	s28 =	simm.s32 $0x8;
	s18 =	sadd.s32 s20, s21;
	[dreg:$0xb] =	wrdreg s19  }
0x1f: {  	s26 =	sshrl.u32 s23, $0x3;
	s13 =	sadd.s32 s20, s13;
	[dreg:$0xc] =	wrdreg s18  }
0x20: {  	s23 =	simm.s32 $0x139D0;
	s18 =	sadd.s32 s20, s24;
	[dreg:$0x10] =	wrdreg s13  }
0x21: {  	s21 =	sadd.s32 s20, s26;
	[dreg:$0x7] =	wrdreg s23;
	s24 =	sshrl.u32 s14, $0x3  }
0x22: {  	s26 =	simm.s32 $0x13A20;
	s19 =	smul.u32 $0xA000, s17;
	[dreg:$0xd] =	wrdreg s18  }
0x23: {  	s14 =	sshrl.u32 s25, $0x2;
	s25 =	smul.u32 $0xA000, s11;
	[dreg:$0xe] =	wrdreg s21  }
0x24: {  	s18 =	sadd.s32 s20, s22;
	[dreg:$0x8] =	wrdreg s26;
	s13 =	sadd.s32 s24, s7  }
0x25: {  	s7 =	sadd.s32 $0x16C00, s7;
	s23 =	sadd.s32 s14, s2;
	s20 =	sshrl.u32 s16, $0x2  }
0x26: {  	s22 =	sshrl.u32 s12, $0x2;
	s24 =	sshrl.u32 s9, $0x2;
	[dreg:$0xf] =	wrdreg s18  }
0x27: {  	s26 =	sshrl.u32 s10, $0x2;
	s12 =	sadd.s32 $0x4CE, s8;
	[dreg:$0x11] =	wrdreg s7  }
0x28: {  	s9 =	simm.s32 $0x1;
	s14 =	sadd.s32 s5, s12;
	[dreg:$0x12] =	wrdreg s23  }
0x29: {  	s18 =	sshrl.u32 s15, $0x2;
	s17 =	sadd.s32 s6, s12;
	[dreg:$0x1a] =	wrdreg s14  }
0x2a: {  	s21 =	sshrl.u32 s19, $0x2;
	s19 =	sadd.s32 s5, s8;
	[dreg:$0x1b] =	wrdreg s17  }
0x2b: {  	s10 =	sshrl.u32 s25, $0x2;
	s25 =	sadd.s32 $0x65400, s13;
	[dreg:$0x1d] =	wrdreg s19  }
0x2c: {  	s16 =	sadd.s32 s26, s2;
	s26 =	sadd.s32 $0x1E0, s3;
	[smem:$0x7FB] =	sst s25  }
0x2d: {  	s20 =	sadd.s32 s20, s2;
	s15 =	sadd.s32 s22, s2;
	[smem:$0x7FD] =	sst s26  }
0x2e: {  	s11 =	sadd.s32 s24, s2;
	s24 =	sadd.s32 $0x4D8, s8;
	[dreg:$0x14] =	wrdreg s20  }
0x2f: {  	s12 =	simm.s32 $0x7;
	s13 =	simm.s32 $0x50;
	[dreg:$0x16] =	wrdreg s15  }
0x30: {  	s3 =	simm.s32 $0x3;
	s7 =	sadd.s32 s18, s2;
	[dreg:$0x17] =	wrdreg s11  }
0x31: {  	s21 =	sadd.s32 s21, s2;
	s22 =	sadd.s32 s10, s2;
	[dreg:$0x18] =	wrdreg s16  }
0x32: {  	s18 =	sadd.s32 s6, s8;
	s8 =	sadd.s32 s5, s24;
	[dreg:$0x13] =	wrdreg s7  }
0x33: {  	s10 =	simm.s32 $0x13880;
	s14 =	simm.s32 $0x13980;
	[dreg:$0x1c] =	wrdreg s18  }
0x34: {  	s25 =	simm.s32 $0x13C80;
	s26 =	simm.s32 $0x1B600;
	[dreg:$0x1e] =	wrdreg s8  }
0x35: {  	s17 =	simm.s32 $0x5;
	s19 =	simm.s32 $0x0;
	[dreg:$0x15] =	wrdreg s21  }
0x36: {  	s7 =	sadd.s32 s6, s24;
	s24 =	simm.s32 $0x16600;
	[dreg:$0x19] =	wrdreg s22  }
0x37: {  	v0 =	vimm.f32 $0.0e+00;
	v1 =	vimm.f32 $1.000000000e+00;
	s18 =	simm.s32 $0x6;
	[dreg:$0x1f] =	wrdreg s7;
	s7 =	simm.s32 $0x13E00  }
.LBB2_1:
0x38: {  	[smem:$0x7FA] =	sst s19  }
0x39: {  	s8 =	rddreg [dreg:$0x11]  }
0x3a: {  	[tilespmem:s7], [sflag:$0x8] =	stream.linear.gather [hbm4b:s8+s4], $0x2800, $0x38;
	[tilespmem:$0x1DD80] =	vst v63  }
0x3b: {  	_ =	swait.ge [sflag:s28], $0x2800  }
0x3c: {  	[sflag:s28] =	ssyncset.done $0x0  }
0x3d: {  	[sflag:s28] =	ssyncadd.s32 $0xFFFFD800  }
0x3e: {  	[spmem:s23] =	stream.linear.scatter [tilespmem:s7], [sflag:$0x1], $0x2800, $0x38;
	[tilespmem:$0x1DD80] =	vst v63  }
0x3f: {  	s8 =	rddreg [dreg:$0x13]  }
0x40: {  	[spmem:s8] =	stream.linear.scatter [tilespmem:s7], [sflag:$0x1], $0x2800, $0x38;
	[tilespmem:$0x1DD80] =	vst v63  }
0x41: {  	_ = 	snop  }
0x42: {  	[spmem:s20] =	stream.linear.scatter [tilespmem:s7], [sflag:$0x1], $0x2800, $0x38;
	[tilespmem:$0x1DD80] =	vst v63  }
0x43: {  	_ = 	snop  }
0x44: {  	[spmem:s21] =	stream.linear.scatter [tilespmem:s7], [sflag:$0x1], $0x2800, $0x38;
	[tilespmem:$0x1DD80] =	vst v63  }
0x45: {  	_ = 	snop  }
0x46: {  	[spmem:s15] =	stream.linear.scatter [tilespmem:s7], [sflag:$0x1], $0x2800, $0x38;
	[tilespmem:$0x1DD80] =	vst v63  }
0x47: {  	_ = 	snop  }
0x48: {  	[spmem:s11] =	stream.linear.scatter [tilespmem:s7], [sflag:$0x1], $0x2800, $0x38;
	[tilespmem:$0x1DD80] =	vst v63  }
0x49: {  	_ = 	snop  }
0x4a: {  	[spmem:s16] =	stream.linear.scatter [tilespmem:s7], [sflag:$0x1], $0x2800, $0x38;
	[tilespmem:$0x1DD80] =	vst v63  }
0x4b: {  	s20 =	simm.s32 @!p0 $0x13E00  }
0x4c: {  	[spmem:s22] =	stream.linear.scatter @!p0 [tilespmem:s20], [sflag:$0x1], $0x2800, $0x38;
	[tilespmem:$0x1DD80] =	vst v63  }
0x4d: {  	s21 =	simm.s32 $0x0;
	s20 =	simm.s32 $0x40  }
.LBB2_2:
0x4e: {  	p1 =	sne.s32 s20, $0x9C00;
	[tilespmem:s21+$0x1B600] =	vst v0;
	s21 =	smov.u32 s20;
	s20 =	sadd.s32 $0x40, s20  }
.Ltmp0:
0x4f: {  	(pc) =	sbr.rel @p1 .LBB2_2-.Ltmp0, $2  }
0x50: {  	_ =	sdelay $0x2  }
0x51: {  	s21 =	sshra.s32 s21, $0x2  }
0x52: {  	[tilespmem:s21+$0x1B600] =	vst v0  }
0x53: {  	_ =	swait.ge [sflag:s9], $0x2800  }
0x54: {  	[sflag:s9] =	ssyncset.done $0x0  }
0x55: {  	[sflag:s9] =	ssyncadd.s32 $0xFFFFD800  }
0x56: {  	_ =	swait.ge [sflag:s9], $0x2800  }
0x57: {  	[sflag:s9] =	ssyncset.done $0x0  }
0x58: {  	[sflag:s9] =	ssyncadd.s32 $0xFFFFD800  }
0x59: {  	_ =	swait.ge [sflag:s9], $0x2800  }
0x5a: {  	[sflag:s9] =	ssyncset.done $0x0  }
0x5b: {  	[sflag:s9] =	ssyncadd.s32 $0xFFFFD800  }
0x5c: {  	_ =	swait.ge [sflag:s9], $0x2800  }
0x5d: {  	[sflag:s9] =	ssyncset.done $0x0  }
0x5e: {  	[sflag:s9] =	ssyncadd.s32 $0xFFFFD800  }
0x5f: {  	_ =	swait.ge [sflag:s9], $0x2800  }
0x60: {  	[sflag:s9] =	ssyncset.done $0x0  }
0x61: {  	[sflag:s9] =	ssyncadd.s32 $0xFFFFD800  }
0x62: {  	_ =	swait.ge [sflag:s9], $0x2800  }
0x63: {  	[sflag:s9] =	ssyncset.done $0x0  }
0x64: {  	[sflag:s9] =	ssyncadd.s32 $0xFFFFD800  }
0x65: {  	_ =	swait.ge [sflag:s9], $0x2800  }
0x66: {  	[sflag:s9] =	ssyncset.done $0x0  }
0x67: {  	s20 =	simm.s32 @!p0 $0x1;
	[sflag:s9] =	ssyncadd.s32 $0xFFFFD800  }
0x68: {  	_ =	swait.ge @!p0 [sflag:s20], $0x2800  }
0x69: {  	[sflag:s20] =	ssyncset.done @!p0 $0x0  }
0x6a: {  	[sflag:s20] =	ssyncadd.s32 @!p0 $0xFFFFD800  }
0x6b: {  	[bflag:$0x0] =	sbarrier.arrive $0xFFFF  }
0x6c: {  	s20 =	simm.s32 $0x0;
	s8 =	rddreg [dreg:$0x1c]  }
0x6d: {  	[tilespmem:s10], [sflag:$0x7] =	stream.linear.gather [hbm4b:s8+s20], $0xF0, $0x38;
	[tilespmem:$0x1DD80] =	vst v63  }
0x6e: {  	s11 =	simm.s32 $0x13A80;
	s23 =	rddreg [dreg:$0x1d]  }
0x6f: {  	[tilespmem:s11], [sflag:$0x7] =	stream.linear.gather [hbm4b:s23+s20], $0xF0, $0x38;
	[tilespmem:$0x1DD80] =	vst v63  }
0x70: {  	_ =	swait.ge [sflag:s12], $0xF0  }
0x71: {  	[sflag:s12] =	ssyncset.done $0x0  }
0x72: {  	[sflag:s12] =	ssyncadd.s32 $0xFFFFFF10  }
0x73: {  	s15 =	simm.s32 $0x13920;
	_ =	swait.ge [sflag:s12], $0xF0  }
0x74: {  	s16 =	simm.s32 $0x13D80;
	s8 =	simm.s32 $0x13A80;
	[sflag:s12] =	ssyncset.done $0x0  }
0x75: {  	s11 =	simm.s32 $0x138D0;
	s21 =	sld [smem:$0x7FD];
	[sflag:s12] =	ssyncadd.s32 $0xFFFFFF10  }
.LBB2_4:
0x76: {  	p1 =	seq.s32 s20, $0x0  }
0x77: {  	s22 =	simm.s32 @!p1 $0x7  }
0x78: {  	_ =	swait.ge @!p1 [sflag:s22], $0xF0  }
0x79: {  	[sflag:s22] =	ssyncset.done @!p1 $0x0  }
0x7a: {  	[sflag:s22] =	ssyncadd.s32 @!p1 $0xFFFFFF10  }
0x7b: {  	_ =	swait.ge @!p1 [sflag:s22], $0xF0  }
0x7c: {  	[sflag:s22] =	ssyncset.done @!p1 $0x0  }
0x7d: {  	[sflag:s22] =	ssyncadd.s32 @!p1 $0xFFFFFF10;
	s22 =	simm.s32 @!p1 $0x4  }
0x7e: {  	_ =	swait.ge @!p1 [sflag:s22], $0x2800  }
0x7f: {  	[sflag:s22] =	ssyncset.done @!p1 $0x0  }
0x80: {  	[sflag:s22] =	ssyncadd.s32 @!p1 $0xFFFFD800  }
0x81: {  	v2 =	vld [tilespmem:$0x13A80]  }
0x82: {  	v3 =	vld [tilespmem:$0x13A90]  }
0x83: {  	v4 =	vld [tilespmem:$0x13AA0]  }
0x84: {  	v5 =	vld [tilespmem:$0x13AB0]  }
0x85: {  	v6 =	vld [tilespmem:$0x13AC0]  }
0x86: {  	[tilespmem:$0x13C80] =	vst v2  }
0x87: {  	[tilespmem:$0x13C90] =	vst v3  }
0x88: {  	[tilespmem:$0x13CA0] =	vst v4  }
0x89: {  	[tilespmem:$0x13CB0] =	vst v5  }
0x8a: {  	s22 =	simm.s32 @!p1 $0x3;
	[tilespmem:$0x13CC0] =	vst v6  }
0x8b: {  	[tilespmem:s7], [sflag:$0x1] =	stream.indirect.gather [hbm4b:s1+s13], $0x80, s10, s13, $0xb8;
	[tilespmem:$0x1DD80] =	vst v63  }
0x8c: {  	_ =	swait.ge @!p1 [sflag:s22], $0x2800  }
0x8d: {  	s23 =	simm.s32 @!p1 $0x13D80;
	[sflag:s22] =	ssyncset.done @!p1 $0x0  }
0x8e: {  	s19 =	simm.s32 @!p1 $0x18E00;
	[sflag:s22] =	ssyncadd.s32 @!p1 $0xFFFFD800;
	s22 =	simm.s32 @!p1 $0x50  }
0x8f: {  	[spmem:s2] =	stream.indirect.scatter.add.f32 @!p1 [tilespmem:s19], [sflag:$0x6], $0x80, s23, s22, $0xb8;
	[tilespmem:$0x1DD80] =	vst v63  }
0x90: {  	v2 =	vld @!p1 [tilespmem:$0x13D80];
	_ =	sdelay $0x6  }
0x91: {  	v3 =	vimm.f32 @!p1 $1.000000000e+00;
	s19 =	simm.s32 @!p1 $0x1B600  }
0x92: {  	[tilespmem:v2+s19+$0x0] =	vst.idx.add.f32.msk @!p1 $0xffff, v3  }
0x93: {  	v2 =	vld @!p1 [tilespmem:$0x13D90];
	_ =	sdelay $0x7  }
0x94: {  	[tilespmem:v2+s19+$0x0] =	vst.idx.add.f32.msk @!p1 $0xffff, v3  }
0x95: {  	v2 =	vld @!p1 [tilespmem:$0x13DA0];
	_ =	sdelay $0x7  }
0x96: {  	[tilespmem:v2+s19+$0x0] =	vst.idx.add.f32.msk @!p1 $0xffff, v3  }
0x97: {  	v2 =	vld @!p1 [tilespmem:$0x13DB0];
	_ =	sdelay $0x7  }
0x98: {  	[tilespmem:v2+s19+$0x0] =	vst.idx.add.f32.msk @!p1 $0xffff, v3  }
0x99: {  	v2 =	vld @!p1 [tilespmem:$0x13DC0];
	_ =	sdelay $0x6  }
0x9a: {  	s22 =	rddreg [dreg:$0x5]  }
0x9b: {  	s23 =	rddreg [dreg:$0x4];
	[tilespmem:v2+s19+$0x0] =	vst.idx.add.f32.msk @!p1 $0xffff, v3;
	s19 =	sadd.s32 s20, s22  }
0x9c: {  	[tilespmem:s14], [sflag:$0x7] =	stream.linear.gather [hbm4b:s19+s4], $0xF0, $0x38;
	[tilespmem:$0x1DD80] =	vst v63  }
0x9d: {  	s23 =	sadd.s32 s20, s23;
	s22 =	rddreg [dreg:$0x6];
	s19 =	simm.s32 @!p1 $0x5  }
0x9e: {  	[tilespmem:s22], [sflag:$0x7] =	stream.linear.gather [hbm4b:s23+s4], $0xF0, $0x38;
	[tilespmem:$0x1DD80] =	vst v63  }
0x9f: {  	_ =	swait.ge @!p1 [sflag:s19], $0x2800  }
0xa0: {  	[sflag:s19] =	ssyncset.done @!p1 $0x0  }
0xa1: {  	[sflag:s19] =	ssyncadd.s32 @!p1 $0xFFFFD800  }
0xa2: {  	v2 =	vld [tilespmem:$0x13AD0]  }
0xa3: {  	v3 =	vld [tilespmem:$0x13AE0]  }
0xa4: {  	v49 =	vld [tilespmem:$0x13AF0]  }
0xa5: {  	v50 =	vld [tilespmem:$0x13B00]  }
0xa6: {  	v51 =	vld [tilespmem:$0x13B10]  }
0xa7: {  	[tilespmem:$0x13D00] =	vst v2  }
0xa8: {  	[tilespmem:$0x13D10] =	vst v3  }
0xa9: {  	[tilespmem:$0x13D20] =	vst v49  }
0xaa: {  	[tilespmem:$0x13D30] =	vst v50  }
0xab: {  	[tilespmem:$0x13D40] =	vst v51  }
0xac: {  	[tilespmem:s24], [sflag:$0x2] =	stream.indirect.gather [hbm4b:s1+s13], $0x80, s11, s13, $0xb8;
	[tilespmem:$0x1DD80] =	vst v63  }
0xad: {  	_ =	swait.ge [sflag:s9], $0x2800  }
0xae: {  	[sflag:s9] =	ssyncset.done $0x0  }
0xaf: {  	[sflag:s9] =	ssyncadd.s32 $0xFFFFD800  }
0xb0: {  	[spmem:s2] =	stream.indirect.scatter.add.f32 [tilespmem:s7], [sflag:$0x4], $0x80, s25, s13, $0xb8;
	[tilespmem:$0x1DD80] =	vst v63  }
0xb1: {  	v2 =	vld [tilespmem:$0x13C80];
	_ =	sdelay $0x7  }
0xb2: {  	[tilespmem:v2+s26+$0x0] =	vst.idx.add.f32.msk $0xffff, v1  }
0xb3: {  	v2 =	vld [tilespmem:$0x13C90];
	_ =	sdelay $0x7  }
0xb4: {  	[tilespmem:v2+s26+$0x0] =	vst.idx.add.f32.msk $0xffff, v1  }
0xb5: {  	v2 =	vld [tilespmem:$0x13CA0];
	_ =	sdelay $0x7  }
0xb6: {  	[tilespmem:v2+s26+$0x0] =	vst.idx.add.f32.msk $0xffff, v1  }
0xb7: {  	v2 =	vld [tilespmem:$0x13CB0];
	_ =	sdelay $0x7  }
0xb8: {  	[tilespmem:v2+s26+$0x0] =	vst.idx.add.f32.msk $0xffff, v1  }
0xb9: {  	v2 =	vld [tilespmem:$0x13CC0];
	_ =	sdelay $0x7  }
0xba: {  	s19 =	simm.s32 @!p1 $0x6;
	[tilespmem:v2+s26+$0x0] =	vst.idx.add.f32.msk $0xffff, v1  }
0xbb: {  	_ =	swait.ge @!p1 [sflag:s19], $0x2800  }
0xbc: {  	[sflag:s19] =	ssyncset.done @!p1 $0x0  }
0xbd: {  	[sflag:s19] =	ssyncadd.s32 @!p1 $0xFFFFD800  }
0xbe: {  	v2 =	vld [tilespmem:$0x13B20]  }
0xbf: {  	v3 =	vld [tilespmem:$0x13B30]  }
0xc0: {  	v52 =	vld [tilespmem:$0x13B40]  }
0xc1: {  	v53 =	vld [tilespmem:$0x13B50]  }
0xc2: {  	v54 =	vld [tilespmem:$0x13B60]  }
0xc3: {  	[tilespmem:$0x13D80] =	vst v2  }
0xc4: {  	[tilespmem:$0x13D90] =	vst v3  }
0xc5: {  	[tilespmem:$0x13DA0] =	vst v52  }
0xc6: {  	[tilespmem:$0x13DB0] =	vst v53  }
0xc7: {  	[tilespmem:$0x13DC0] =	vst v54  }
0xc8: {  	[tilespmem:s29], [sflag:$0x3] =	stream.indirect.gather [hbm4b:s1+s13], $0x80, s15, s13, $0xb8;
	[tilespmem:$0x1DD80] =	vst v63  }
0xc9: {  	_ =	swait.ge [sflag:s30], $0x2800  }
0xca: {  	[sflag:s30] =	ssyncset.done $0x0  }
0xcb: {  	[sflag:s30] =	ssyncadd.s32 $0xFFFFD800  }
0xcc: {  	[spmem:s2] =	stream.indirect.scatter.add.f32 [tilespmem:s24], [sflag:$0x5], $0x80, s31, s13, $0xb8;
	[tilespmem:$0x1DD80] =	vst v63  }
0xcd: {  	v2 =	vld [tilespmem:$0x13D00];
	_ =	sdelay $0x7  }
0xce: {  	[tilespmem:v2+s26+$0x0] =	vst.idx.add.f32.msk $0xffff, v1  }
0xcf: {  	v2 =	vld [tilespmem:$0x13D10];
	_ =	sdelay $0x7  }
0xd0: {  	[tilespmem:v2+s26+$0x0] =	vst.idx.add.f32.msk $0xffff, v1  }
0xd1: {  	v2 =	vld [tilespmem:$0x13D20];
	_ =	sdelay $0x7  }
0xd2: {  	[tilespmem:v2+s26+$0x0] =	vst.idx.add.f32.msk $0xffff, v1  }
0xd3: {  	v2 =	vld [tilespmem:$0x13D30];
	_ =	sdelay $0x7  }
0xd4: {  	[tilespmem:v2+s26+$0x0] =	vst.idx.add.f32.msk $0xffff, v1  }
0xd5: {  	v2 =	vld [tilespmem:$0x13D40];
	_ =	sdelay $0x7  }
0xd6: {  	[tilespmem:v2+s26+$0x0] =	vst.idx.add.f32.msk $0xffff, v1  }
0xd7: {  	_ =	swait.ge [sflag:s12], $0xF0  }
0xd8: {  	[sflag:s12] =	ssyncset.done $0x0  }
0xd9: {  	[sflag:s12] =	ssyncadd.s32 $0xFFFFFF10  }
0xda: {  	_ =	swait.ge [sflag:s12], $0xF0  }
0xdb: {  	[sflag:s12] =	ssyncset.done $0x0  }
0xdc: {  	[sflag:s12] =	ssyncadd.s32 $0xFFFFFF10  }
0xdd: {  	_ =	swait.ge [sflag:s0], $0x2800  }
0xde: {  	[sflag:s0] =	ssyncset.done $0x0  }
0xdf: {  	[sflag:s0] =	ssyncadd.s32 $0xFFFFD800  }
0xe0: {  	v2 =	vld [tilespmem:$0x13B80]  }
0xe1: {  	v3 =	vld [tilespmem:$0x13B90]  }
0xe2: {  	v55 =	vld [tilespmem:$0x13BA0]  }
0xe3: {  	v56 =	vld [tilespmem:$0x13BB0]  }
0xe4: {  	v57 =	vld [tilespmem:$0x13BC0]  }
0xe5: {  	[tilespmem:$0x13C80] =	vst v2  }
0xe6: {  	[tilespmem:$0x13C90] =	vst v3  }
0xe7: {  	[tilespmem:$0x13CA0] =	vst v55  }
0xe8: {  	[tilespmem:$0x13CB0] =	vst v56  }
0xe9: {  	[tilespmem:$0x13CC0] =	vst v57  }
0xea: {  	[tilespmem:s7], [sflag:$0x1] =	stream.indirect.gather [hbm4b:s1+s13], $0x80, s14, s13, $0xb8;
	[tilespmem:$0x1DD80] =	vst v63  }
0xeb: {  	_ =	swait.ge [sflag:s3], $0x2800  }
0xec: {  	[sflag:s3] =	ssyncset.done $0x0  }
0xed: {  	[sflag:s3] =	ssyncadd.s32 $0xFFFFD800  }
0xee: {  	[spmem:s2] =	stream.indirect.scatter.add.f32 [tilespmem:s29], [sflag:$0x6], $0x80, s16, s13, $0xb8;
	[tilespmem:$0x1DD80] =	vst v63  }
0xef: {  	v2 =	vld [tilespmem:$0x13D80];
	_ =	sdelay $0x7  }
0xf0: {  	[tilespmem:v2+s26+$0x0] =	vst.idx.add.f32.msk $0xffff, v1  }
0xf1: {  	v2 =	vld [tilespmem:$0x13D90];
	_ =	sdelay $0x7  }
0xf2: {  	[tilespmem:v2+s26+$0x0] =	vst.idx.add.f32.msk $0xffff, v1  }
0xf3: {  	v2 =	vld [tilespmem:$0x13DA0];
	_ =	sdelay $0x7  }
0xf4: {  	[tilespmem:v2+s26+$0x0] =	vst.idx.add.f32.msk $0xffff, v1  }
0xf5: {  	v2 =	vld [tilespmem:$0x13DB0];
	_ =	sdelay $0x7  }
0xf6: {  	[tilespmem:v2+s26+$0x0] =	vst.idx.add.f32.msk $0xffff, v1  }
0xf7: {  	v2 =	vld [tilespmem:$0x13DC0];
	_ =	sdelay $0x6  }
0xf8: {  	s19 =	sshrl.u32 s21, $0x3  }
0xf9: {  	s23 =	sadd.s32 s6, s19;
	[tilespmem:v2+s26+$0x0] =	vst.idx.add.f32.msk $0xffff, v1  }
0xfa: {  	[tilespmem:s10], [sflag:$0x7] =	stream.linear.gather [hbm4b:s23+s4], $0xF0, $0x38;
	[tilespmem:$0x1DD80] =	vst v63  }
0xfb: {  	s19 =	sadd.s32 s5, s19  }
0xfc: {  	[tilespmem:s8], [sflag:$0x7] =	stream.linear.gather [hbm4b:s19+s4], $0xF0, $0x38;
	[tilespmem:$0x1DD80] =	vst v63  }
0xfd: {  	_ =	swait.ge [sflag:s17], $0x2800  }
0xfe: {  	[sflag:s17] =	ssyncset.done $0x0  }
0xff: {  	[sflag:s17] =	ssyncadd.s32 $0xFFFFD800  }
0x100: {  	v2 =	vld [tilespmem:$0x13BD0]  }
0x101: {  	v3 =	vld [tilespmem:$0x13BE0]  }
0x102: {  	v58 =	vld [tilespmem:$0x13BF0]  }
0x103: {  	v59 =	vld [tilespmem:$0x13C00]  }
0x104: {  	v60 =	vld [tilespmem:$0x13C10]  }
0x105: {  	[tilespmem:$0x13D00] =	vst v2  }
0x106: {  	[tilespmem:$0x13D10] =	vst v3  }
0x107: {  	[tilespmem:$0x13D20] =	vst v58  }
0x108: {  	[tilespmem:$0x13D30] =	vst v59  }
0x109: {  	s22 =	rddreg [dreg:$0x7];
	[tilespmem:$0x13D40] =	vst v60  }
0x10a: {  	[tilespmem:s24], [sflag:$0x2] =	stream.indirect.gather [hbm4b:s1+s13], $0x80, s22, s13, $0xb8;
	[tilespmem:$0x1DD80] =	vst v63  }
0x10b: {  	_ =	swait.ge [sflag:s9], $0x2800  }
0x10c: {  	[sflag:s9] =	ssyncset.done $0x0  }
0x10d: {  	[sflag:s9] =	ssyncadd.s32 $0xFFFFD800  }
0x10e: {  	[spmem:s2] =	stream.indirect.scatter.add.f32 [tilespmem:s7], [sflag:$0x4], $0x80, s25, s13, $0xb8;
	[tilespmem:$0x1DD80] =	vst v63  }
0x10f: {  	v2 =	vld [tilespmem:$0x13C80];
	_ =	sdelay $0x7  }
0x110: {  	[tilespmem:v2+s26+$0x0] =	vst.idx.add.f32.msk $0xffff, v1  }
0x111: {  	v2 =	vld [tilespmem:$0x13C90];
	_ =	sdelay $0x7  }
0x112: {  	[tilespmem:v2+s26+$0x0] =	vst.idx.add.f32.msk $0xffff, v1  }
0x113: {  	v2 =	vld [tilespmem:$0x13CA0];
	_ =	sdelay $0x7  }
0x114: {  	[tilespmem:v2+s26+$0x0] =	vst.idx.add.f32.msk $0xffff, v1  }
0x115: {  	v2 =	vld [tilespmem:$0x13CB0];
	_ =	sdelay $0x7  }
0x116: {  	[tilespmem:v2+s26+$0x0] =	vst.idx.add.f32.msk $0xffff, v1  }
0x117: {  	v2 =	vld [tilespmem:$0x13CC0];
	_ =	sdelay $0x7  }
0x118: {  	[tilespmem:v2+s26+$0x0] =	vst.idx.add.f32.msk $0xffff, v1  }
0x119: {  	_ =	swait.ge [sflag:s18], $0x2800  }
0x11a: {  	[sflag:s18] =	ssyncset.done $0x0  }
0x11b: {  	[sflag:s18] =	ssyncadd.s32 $0xFFFFD800  }
0x11c: {  	v2 =	vld [tilespmem:$0x13C20]  }
0x11d: {  	v3 =	vld [tilespmem:$0x13C30]  }
0x11e: {  	v61 =	vld [tilespmem:$0x13C40]  }
0x11f: {  	v62 =	vld [tilespmem:$0x13C50]  }
0x120: {  	v63 =	vld [tilespmem:$0x13C60]  }
0x121: {  	[tilespmem:$0x13D80] =	vst v2  }
0x122: {  	[tilespmem:$0x13D90] =	vst v3  }
0x123: {  	[tilespmem:$0x13DA0] =	vst v61  }
0x124: {  	[tilespmem:$0x13DB0] =	vst v62  }
0x125: {  	s23 =	rddreg [dreg:$0x8];
	[tilespmem:$0x13DC0] =	vst v63  }
0x126: {  	[tilespmem:s29], [sflag:$0x3] =	stream.indirect.gather [hbm4b:s1+s13], $0x80, s23, s13, $0xb8;
	[tilespmem:$0x1DD80] =	vst v63  }
0x127: {  	_ =	swait.ge [sflag:s30], $0x2800  }
0x128: {  	[sflag:s30] =	ssyncset.done $0x0  }
0x129: {  	[sflag:s30] =	ssyncadd.s32 $0xFFFFD800  }
0x12a: {  	[spmem:s2] =	stream.indirect.scatter.add.f32 [tilespmem:s24], [sflag:$0x5], $0x80, s31, s13, $0xb8;
	[tilespmem:$0x1DD80] =	vst v63  }
0x12b: {  	v2 =	vld [tilespmem:$0x13D00];
	_ =	sdelay $0x7  }
0x12c: {  	[tilespmem:v2+s26+$0x0] =	vst.idx.add.f32.msk $0xffff, v1  }
0x12d: {  	v2 =	vld [tilespmem:$0x13D10];
	_ =	sdelay $0x7  }
0x12e: {  	[tilespmem:v2+s26+$0x0] =	vst.idx.add.f32.msk $0xffff, v1  }
0x12f: {  	v2 =	vld [tilespmem:$0x13D20];
	_ =	sdelay $0x7  }
0x130: {  	[tilespmem:v2+s26+$0x0] =	vst.idx.add.f32.msk $0xffff, v1  }
0x131: {  	v2 =	vld [tilespmem:$0x13D30];
	_ =	sdelay $0x7  }
0x132: {  	[tilespmem:v2+s26+$0x0] =	vst.idx.add.f32.msk $0xffff, v1  }
0x133: {  	v2 =	vld [tilespmem:$0x13D40];
	_ =	sdelay $0x1  }
0x134: {  	s20 =	sadd.s32 $0x3C, s20  }
0x135: {  	p1 =	sne.s32 s20, $0x4B0  }
.Ltmp1:
0x136: {  	_ = 	snop;
	(pc) =	sbr.rel @p1 .LBB2_4-.Ltmp1, $2  }
0x137: {  	_ =	sdelay $0x2  }
0x138: {  	s21 =	sadd.s32 $0x1E0, s21;
	[tilespmem:v2+s26+$0x0] =	vst.idx.add.f32.msk $0xffff, v1  }
0x139: {  	_ =	swait.ge [sflag:s12], $0xF0  }
0x13a: {  	[sflag:s12] =	ssyncset.done $0x0  }
0x13b: {  	[sflag:s12] =	ssyncadd.s32 $0xFFFFFF10  }
0x13c: {  	_ =	swait.ge [sflag:s12], $0xF0  }
0x13d: {  	[sflag:s12] =	ssyncset.done $0x0  }
0x13e: {  	[sflag:s12] =	ssyncadd.s32 $0xFFFFFF10  }
0x13f: {  	_ =	swait.ge [sflag:s0], $0x2800  }
0x140: {  	[sflag:s0] =	ssyncset.done $0x0  }
0x141: {  	[sflag:s0] =	ssyncadd.s32 $0xFFFFD800  }
0x142: {  	v2 =	vld [tilespmem:$0x13A80]  }
0x143: {  	v3 =	vld [tilespmem:$0x13A90]  }
0x144: {  	v4 =	vld [tilespmem:$0x13AA0]  }
0x145: {  	v5 =	vld [tilespmem:$0x13AB0]  }
0x146: {  	v6 =	vld [tilespmem:$0x13AC0]  }
0x147: {  	[tilespmem:$0x13C80] =	vst v2  }
0x148: {  	[tilespmem:$0x13C90] =	vst v3  }
0x149: {  	[tilespmem:$0x13CA0] =	vst v4  }
0x14a: {  	[tilespmem:$0x13CB0] =	vst v5  }
0x14b: {  	[tilespmem:$0x13CC0] =	vst v6  }
0x14c: {  	[tilespmem:s7], [sflag:$0x1] =	stream.indirect.gather [hbm4b:s1+s13], $0x80, s10, s13, $0xb8;
	[tilespmem:$0x1DD80] =	vst v63  }
0x14d: {  	_ =	swait.ge [sflag:s3], $0x2800  }
0x14e: {  	[sflag:s3] =	ssyncset.done $0x0  }
0x14f: {  	[sflag:s3] =	ssyncadd.s32 $0xFFFFD800  }
0x150: {  	[spmem:s2] =	stream.indirect.scatter.add.f32 [tilespmem:s29], [sflag:$0x6], $0x80, s16, s13, $0xb8;
	[tilespmem:$0x1DD80] =	vst v63  }
0x151: {  	v2 =	vld [tilespmem:$0x13D80];
	_ =	sdelay $0x7  }
0x152: {  	[tilespmem:v2+s26+$0x0] =	vst.idx.add.f32.msk $0xffff, v1  }
0x153: {  	v2 =	vld [tilespmem:$0x13D90];
	_ =	sdelay $0x7  }
0x154: {  	[tilespmem:v2+s26+$0x0] =	vst.idx.add.f32.msk $0xffff, v1  }
0x155: {  	v2 =	vld [tilespmem:$0x13DA0];
	_ =	sdelay $0x7  }
0x156: {  	[tilespmem:v2+s26+$0x0] =	vst.idx.add.f32.msk $0xffff, v1  }
0x157: {  	v2 =	vld [tilespmem:$0x13DB0];
	_ =	sdelay $0x7  }
0x158: {  	[tilespmem:v2+s26+$0x0] =	vst.idx.add.f32.msk $0xffff, v1  }
0x159: {  	v2 =	vld [tilespmem:$0x13DC0];
	_ =	sdelay $0x7  }
0x15a: {  	[tilespmem:v2+s26+$0x0] =	vst.idx.add.f32.msk $0xffff, v1  }
0x15b: {  	_ =	swait.ge [sflag:s17], $0x2800  }
0x15c: {  	[sflag:s17] =	ssyncset.done $0x0  }
0x15d: {  	[sflag:s17] =	ssyncadd.s32 $0xFFFFD800  }
0x15e: {  	v2 =	vld [tilespmem:$0x13AD0]  }
0x15f: {  	v3 =	vld [tilespmem:$0x13AE0]  }
0x160: {  	v58 =	vld [tilespmem:$0x13AF0]  }
0x161: {  	v59 =	vld [tilespmem:$0x13B00]  }
0x162: {  	v60 =	vld [tilespmem:$0x13B10]  }
0x163: {  	[tilespmem:$0x13D00] =	vst v2  }
0x164: {  	[tilespmem:$0x13D10] =	vst v3  }
0x165: {  	[tilespmem:$0x13D20] =	vst v58  }
0x166: {  	[tilespmem:$0x13D30] =	vst v59  }
0x167: {  	[tilespmem:$0x13D40] =	vst v60  }
0x168: {  	[tilespmem:s24], [sflag:$0x2] =	stream.indirect.gather [hbm4b:s1+s13], $0x80, s11, s13, $0xb8;
	[tilespmem:$0x1DD80] =	vst v63  }
0x169: {  	_ =	swait.ge [sflag:s9], $0x2800  }
0x16a: {  	[sflag:s9] =	ssyncset.done $0x0  }
0x16b: {  	[sflag:s9] =	ssyncadd.s32 $0xFFFFD800  }
0x16c: {  	[spmem:s2] =	stream.indirect.scatter.add.f32 [tilespmem:s7], [sflag:$0x4], $0x80, s25, s13, $0xb8;
	[tilespmem:$0x1DD80] =	vst v63  }
0x16d: {  	v2 =	vld [tilespmem:$0x13C80];
	_ =	sdelay $0x7  }
0x16e: {  	[tilespmem:v2+s26+$0x0] =	vst.idx.add.f32.msk $0xffff, v1  }
0x16f: {  	v2 =	vld [tilespmem:$0x13C90];
	_ =	sdelay $0x7  }
0x170: {  	[tilespmem:v2+s26+$0x0] =	vst.idx.add.f32.msk $0xffff, v1  }
0x171: {  	v2 =	vld [tilespmem:$0x13CA0];
	_ =	sdelay $0x7  }
0x172: {  	[tilespmem:v2+s26+$0x0] =	vst.idx.add.f32.msk $0xffff, v1  }
0x173: {  	v2 =	vld [tilespmem:$0x13CB0];
	_ =	sdelay $0x7  }
0x174: {  	[tilespmem:v2+s26+$0x0] =	vst.idx.add.f32.msk $0xffff, v1  }
0x175: {  	v2 =	vld [tilespmem:$0x13CC0];
	_ =	sdelay $0x7  }
0x176: {  	[tilespmem:v2+s26+$0x0] =	vst.idx.add.f32.msk $0xffff, v1  }
0x177: {  	_ =	swait.ge [sflag:s18], $0x2800  }
0x178: {  	[sflag:s18] =	ssyncset.done $0x0  }
0x179: {  	[sflag:s18] =	ssyncadd.s32 $0xFFFFD800  }
0x17a: {  	v2 =	vld [tilespmem:$0x13B20]  }
0x17b: {  	v3 =	vld [tilespmem:$0x13B30]  }
0x17c: {  	v61 =	vld [tilespmem:$0x13B40]  }
0x17d: {  	v62 =	vld [tilespmem:$0x13B50]  }
0x17e: {  	v63 =	vld [tilespmem:$0x13B60]  }
0x17f: {  	[tilespmem:$0x13D80] =	vst v2  }
0x180: {  	[tilespmem:$0x13D90] =	vst v3  }
0x181: {  	[tilespmem:$0x13DA0] =	vst v61  }
0x182: {  	[tilespmem:$0x13DB0] =	vst v62  }
0x183: {  	[tilespmem:$0x13DC0] =	vst v63  }
0x184: {  	[tilespmem:s29], [sflag:$0x3] =	stream.indirect.gather [hbm4b:s1+s13], $0x80, s15, s13, $0xb8;
	[tilespmem:$0x1DD80] =	vst v63  }
0x185: {  	_ =	swait.ge [sflag:s30], $0x2800  }
0x186: {  	[sflag:s30] =	ssyncset.done $0x0  }
0x187: {  	[sflag:s30] =	ssyncadd.s32 $0xFFFFD800  }
0x188: {  	[spmem:s2] =	stream.indirect.scatter.add.f32 [tilespmem:s24], [sflag:$0x5], $0x80, s31, s13, $0xb8;
	[tilespmem:$0x1DD80] =	vst v63  }
0x189: {  	v2 =	vld [tilespmem:$0x13D00];
	_ =	sdelay $0x7  }
0x18a: {  	[tilespmem:v2+s26+$0x0] =	vst.idx.add.f32.msk $0xffff, v1  }
0x18b: {  	v2 =	vld [tilespmem:$0x13D10];
	_ =	sdelay $0x7  }
0x18c: {  	[tilespmem:v2+s26+$0x0] =	vst.idx.add.f32.msk $0xffff, v1  }
0x18d: {  	v2 =	vld [tilespmem:$0x13D20];
	_ =	sdelay $0x7  }
0x18e: {  	[tilespmem:v2+s26+$0x0] =	vst.idx.add.f32.msk $0xffff, v1  }
0x18f: {  	v2 =	vld [tilespmem:$0x13D30];
	_ =	sdelay $0x7  }
0x190: {  	[tilespmem:v2+s26+$0x0] =	vst.idx.add.f32.msk $0xffff, v1  }
0x191: {  	v2 =	vld [tilespmem:$0x13D40];
	_ =	sdelay $0x7  }
0x192: {  	[tilespmem:v2+s26+$0x0] =	vst.idx.add.f32.msk $0xffff, v1  }
0x193: {  	_ =	swait.ge [sflag:s3], $0x2800  }
0x194: {  	[sflag:s3] =	ssyncset.done $0x0  }
0x195: {  	[sflag:s3] =	ssyncadd.s32 $0xFFFFD800  }
0x196: {  	[spmem:s2] =	stream.indirect.scatter.add.f32 [tilespmem:s29], [sflag:$0x6], $0x80, s16, s13, $0xb8;
	[tilespmem:$0x1DD80] =	vst v63  }
0x197: {  	v2 =	vld [tilespmem:$0x13D80];
	_ =	sdelay $0x7  }
0x198: {  	[tilespmem:v2+s26+$0x0] =	vst.idx.add.f32.msk $0xffff, v1  }
0x199: {  	v2 =	vld [tilespmem:$0x13D90];
	_ =	sdelay $0x7  }
0x19a: {  	[tilespmem:v2+s26+$0x0] =	vst.idx.add.f32.msk $0xffff, v1  }
0x19b: {  	v2 =	vld [tilespmem:$0x13DA0];
	_ =	sdelay $0x7  }
0x19c: {  	[tilespmem:v2+s26+$0x0] =	vst.idx.add.f32.msk $0xffff, v1  }
0x19d: {  	v2 =	vld [tilespmem:$0x13DB0];
	_ =	sdelay $0x7  }
0x19e: {  	[tilespmem:v2+s26+$0x0] =	vst.idx.add.f32.msk $0xffff, v1  }
0x19f: {  	v2 =	vld [tilespmem:$0x13DC0];
	_ =	sdelay $0x7  }
0x1a0: {  	[tilespmem:v2+s26+$0x0] =	vst.idx.add.f32.msk $0xffff, v1  }
0x1a1: {  	_ =	swait.ge [sflag:s0], $0x2800  }
0x1a2: {  	[sflag:s0] =	ssyncset.done $0x0  }
0x1a3: {  	s8 =	rddreg [dreg:$0x1a];
	[sflag:s0] =	ssyncadd.s32 $0xFFFFD800  }
0x1a4: {  	[tilespmem:s25], [sflag:$0x8] =	stream.linear.gather [hbm4b:s8+s4], $0x50, $0x38;
	[tilespmem:$0x1DD80] =	vst v63  }
0x1a5: {  	_ =	swait.ge [sflag:s28], $0x50  }
0x1a6: {  	[sflag:s28] =	ssyncset.done $0x0  }
0x1a7: {  	s19 =	rddreg [dreg:$0x1b];
	[sflag:s28] =	ssyncadd.s32 $0xFFFFFFB0  }
0x1a8: {  	[tilespmem:s10], [sflag:$0x8] =	stream.linear.gather [hbm4b:s19+s4], $0x50, $0x38;
	[tilespmem:$0x1DD80] =	vst v63  }
0x1a9: {  	_ =	swait.ge [sflag:s28], $0x50  }
0x1aa: {  	[sflag:s28] =	ssyncset.done $0x0  }
0x1ab: {  	[sflag:s28] =	ssyncadd.s32 $0xFFFFFFB0  }
0x1ac: {  	[tilespmem:s7], [sflag:$0x1] =	stream.indirect.gather [hbm4b:s1+s13], $0x80, s10, s13, $0xb8;
	[tilespmem:$0x1DD80] =	vst v63  }
0x1ad: {  	_ =	swait.ge [sflag:s9], $0x2800  }
0x1ae: {  	[sflag:s9] =	ssyncset.done $0x0  }
0x1af: {  	[sflag:s9] =	ssyncadd.s32 $0xFFFFD800  }
0x1b0: {  	[spmem:s2] =	stream.indirect.scatter.add.f32 [tilespmem:s7], [sflag:$0x4], $0x80, s25, s13, $0xb8;
	[tilespmem:$0x1DD80] =	vst v63  }
0x1b1: {  	v2 =	vld [tilespmem:$0x13C80];
	_ =	sdelay $0x7  }
0x1b2: {  	[tilespmem:v2+s26+$0x0] =	vst.idx.add.f32.msk $0xffff, v1  }
0x1b3: {  	v2 =	vld [tilespmem:$0x13C90];
	_ =	sdelay $0x7  }
0x1b4: {  	[tilespmem:v2+s26+$0x0] =	vst.idx.add.f32.msk $0xffff, v1  }
0x1b5: {  	v2 =	vld [tilespmem:$0x13CA0];
	_ =	sdelay $0x7  }
0x1b6: {  	[tilespmem:v2+s26+$0x0] =	vst.idx.add.f32.msk $0xffff, v1  }
0x1b7: {  	v2 =	vld [tilespmem:$0x13CB0];
	_ =	sdelay $0x7  }
0x1b8: {  	[tilespmem:v2+s26+$0x0] =	vst.idx.add.f32.msk $0xffff, v1  }
0x1b9: {  	v2 =	vld [tilespmem:$0x13CC0];
	_ =	sdelay $0x7  }
0x1ba: {  	[tilespmem:v2+s26+$0x0] =	vst.idx.add.f32.msk $0xffff, v1  }
0x1bb: {  	_ =	swait.ge [sflag:s17], $0x2800  }
0x1bc: {  	[sflag:s17] =	ssyncset.done $0x0  }
0x1bd: {  	s20 =	rddreg [dreg:$0x1e];
	[sflag:s17] =	ssyncadd.s32 $0xFFFFD800  }
0x1be: {  	[tilespmem:s31], [sflag:$0x8] =	stream.linear.gather [hbm4b:s20+s4], $0x50, $0x38;
	[tilespmem:$0x1DD80] =	vst v63  }
0x1bf: {  	_ =	swait.ge [sflag:s28], $0x50  }
0x1c0: {  	[sflag:s28] =	ssyncset.done $0x0  }
0x1c1: {  	s21 =	rddreg [dreg:$0x1f];
	[sflag:s28] =	ssyncadd.s32 $0xFFFFFFB0  }
0x1c2: {  	[tilespmem:s10], [sflag:$0x8] =	stream.linear.gather [hbm4b:s21+s4], $0x50, $0x38;
	[tilespmem:$0x1DD80] =	vst v63  }
0x1c3: {  	_ =	swait.ge [sflag:s28], $0x50  }
0x1c4: {  	[sflag:s28] =	ssyncset.done $0x0  }
0x1c5: {  	[sflag:s28] =	ssyncadd.s32 $0xFFFFFFB0  }
0x1c6: {  	[tilespmem:s24], [sflag:$0x2] =	stream.indirect.gather [hbm4b:s1+s13], $0x80, s10, s13, $0xb8;
	[tilespmem:$0x1DD80] =	vst v63  }
0x1c7: {  	_ =	swait.ge [sflag:s30], $0x2800  }
0x1c8: {  	[sflag:s30] =	ssyncset.done $0x0  }
0x1c9: {  	[sflag:s30] =	ssyncadd.s32 $0xFFFFD800  }
0x1ca: {  	[spmem:s2] =	stream.indirect.scatter.add.f32 [tilespmem:s24], [sflag:$0x5], $0x80, s31, s13, $0xb8;
	[tilespmem:$0x1DD80] =	vst v63  }
0x1cb: {  	v2 =	vld [tilespmem:$0x13D00];
	_ =	sdelay $0x7  }
0x1cc: {  	[tilespmem:v2+s26+$0x0] =	vst.idx.add.f32.msk $0xffff, v1  }
0x1cd: {  	v2 =	vld [tilespmem:$0x13D10];
	_ =	sdelay $0x7  }
0x1ce: {  	[tilespmem:v2+s26+$0x0] =	vst.idx.add.f32.msk $0xffff, v1  }
0x1cf: {  	v2 =	vld [tilespmem:$0x13D20];
	_ =	sdelay $0x7  }
0x1d0: {  	[tilespmem:v2+s26+$0x0] =	vst.idx.add.f32.msk $0xffff, v1  }
0x1d1: {  	v2 =	vld [tilespmem:$0x13D30];
	_ =	sdelay $0x7  }
0x1d2: {  	[tilespmem:v2+s26+$0x0] =	vst.idx.add.f32.msk $0xffff, v1  }
0x1d3: {  	v2 =	vld [tilespmem:$0x13D40];
	_ =	sdelay $0x7  }
0x1d4: {  	[tilespmem:v2+s26+$0x0] =	vst.idx.add.f32.msk $0xffff, v1  }
0x1d5: {  	_ =	swait.ge [sflag:s0], $0x2800  }
0x1d6: {  	[sflag:s0] =	ssyncset.done $0x0  }
0x1d7: {  	[sflag:s0] =	ssyncadd.s32 $0xFFFFD800  }
0x1d8: {  	_ =	swait.ge [sflag:s17], $0x2800  }
0x1d9: {  	[sflag:s17] =	ssyncset.done $0x0  }
0x1da: {  	[sflag:s17] =	ssyncadd.s32 $0xFFFFD800  }
0x1db: {  	_ =	swait.ge [sflag:s18], $0x2800  }
0x1dc: {  	[sflag:s18] =	ssyncset.done $0x0  }
0x1dd: {  	[sflag:s18] =	ssyncadd.s32 $0xFFFFD800  }
0x1de: {  	[bflag:$0x0] =	sbarrier.arrive $0xFFFF  }
0x1df: {  	s22 =	rddreg [dreg:$0x12]  }
0x1e0: {  	[tilespmem:s7], [sflag:$0x8] =	stream.linear.gather [spmem:s22], $0x2800, $0x38;
	[tilespmem:$0x1DD80] =	vst v63  }
0x1e1: {  	_ =	swait.ge [sflag:s28], $0x2800  }
0x1e2: {  	[sflag:s28] =	ssyncset.done $0x0  }
0x1e3: {  	s19 =	rddreg [dreg:$0x9];
	[sflag:s28] =	ssyncadd.s32 $0xFFFFD800  }
0x1e4: {  	[hbm4b:s19+s4] =	stream.linear.scatter [tilespmem:s7], [sflag:$0x4], $0x2800, $0x38;
	[tilespmem:$0x1DD80] =	vst v63  }
0x1e5: {  	s23 =	rddreg [dreg:$0x13]  }
0x1e6: {  	[tilespmem:s24], [sflag:$0x8] =	stream.linear.gather [spmem:s23], $0x2800, $0x38;
	[tilespmem:$0x1DD80] =	vst v63  }
0x1e7: {  	_ =	swait.ge [sflag:s28], $0x2800  }
0x1e8: {  	[sflag:s28] =	ssyncset.done $0x0  }
0x1e9: {  	s11 =	rddreg [dreg:$0xa];
	[sflag:s28] =	ssyncadd.s32 $0xFFFFD800  }
0x1ea: {  	[hbm4b:s11+s4] =	stream.linear.scatter [tilespmem:s24], [sflag:$0x5], $0x2800, $0x38;
	[tilespmem:$0x1DD80] =	vst v63  }
0x1eb: {  	s8 =	rddreg [dreg:$0x14]  }
0x1ec: {  	[tilespmem:s29], [sflag:$0x8] =	stream.linear.gather [spmem:s8], $0x2800, $0x38;
	[tilespmem:$0x1DD80] =	vst v63  }
0x1ed: {  	_ =	swait.ge [sflag:s28], $0x2800  }
0x1ee: {  	[sflag:s28] =	ssyncset.done $0x0  }
0x1ef: {  	s15 =	rddreg [dreg:$0xb];
	[sflag:s28] =	ssyncadd.s32 $0xFFFFD800  }
0x1f0: {  	[hbm4b:s15+s4] =	stream.linear.scatter [tilespmem:s29], [sflag:$0x6], $0x2800, $0x38;
	[tilespmem:$0x1DD80] =	vst v63  }
0x1f1: {  	_ =	swait.ge [sflag:s0], $0x2800  }
0x1f2: {  	[sflag:s0] =	ssyncset.done $0x0  }
0x1f3: {  	s20 =	simm.s32 $0x8;
	s28 =	rddreg [dreg:$0x15];
	[sflag:s0] =	ssyncadd.s32 $0xFFFFD800  }
0x1f4: {  	[tilespmem:s7], [sflag:$0x8] =	stream.linear.gather [spmem:s28], $0x2800, $0x38;
	[tilespmem:$0x1DD80] =	vst v63  }
0x1f5: {  	_ =	swait.ge [sflag:s20], $0x2800  }
0x1f6: {  	[sflag:s20] =	ssyncset.done $0x0  }
0x1f7: {  	s16 =	rddreg [dreg:$0xc];
	[sflag:s20] =	ssyncadd.s32 $0xFFFFD800  }
0x1f8: {  	[hbm4b:s16+s4] =	stream.linear.scatter [tilespmem:s7], [sflag:$0x4], $0x2800, $0x38;
	[tilespmem:$0x1DD80] =	vst v63  }
0x1f9: {  	_ =	swait.ge [sflag:s17], $0x2800  }
0x1fa: {  	[sflag:s17] =	ssyncset.done $0x0  }
0x1fb: {  	s15 =	rddreg [dreg:$0x16];
	[sflag:s17] =	ssyncadd.s32 $0xFFFFD800  }
0x1fc: {  	[tilespmem:s24], [sflag:$0x8] =	stream.linear.gather [spmem:s15], $0x2800, $0x38;
	[tilespmem:$0x1DD80] =	vst v63  }
0x1fd: {  	_ =	swait.ge [sflag:s20], $0x2800  }
0x1fe: {  	[sflag:s20] =	ssyncset.done $0x0  }
0x1ff: {  	s21 =	rddreg [dreg:$0xd];
	[sflag:s20] =	ssyncadd.s32 $0xFFFFD800  }
0x200: {  	[hbm4b:s21+s4] =	stream.linear.scatter [tilespmem:s24], [sflag:$0x5], $0x2800, $0x38;
	[tilespmem:$0x1DD80] =	vst v63  }
0x201: {  	_ =	swait.ge [sflag:s18], $0x2800  }
0x202: {  	[sflag:s18] =	ssyncset.done $0x0  }
0x203: {  	s11 =	rddreg [dreg:$0x17];
	[sflag:s18] =	ssyncadd.s32 $0xFFFFD800  }
0x204: {  	[tilespmem:s29], [sflag:$0x8] =	stream.linear.gather [spmem:s11], $0x2800, $0x38;
	[tilespmem:$0x1DD80] =	vst v63  }
0x205: {  	_ =	swait.ge [sflag:s20], $0x2800  }
0x206: {  	[sflag:s20] =	ssyncset.done $0x0  }
0x207: {  	s22 =	rddreg [dreg:$0xe];
	[sflag:s20] =	ssyncadd.s32 $0xFFFFD800  }
0x208: {  	[hbm4b:s22+s4] =	stream.linear.scatter [tilespmem:s29], [sflag:$0x6], $0x2800, $0x38;
	[tilespmem:$0x1DD80] =	vst v63  }
0x209: {  	_ =	swait.ge [sflag:s0], $0x2800  }
0x20a: {  	[sflag:s0] =	ssyncset.done $0x0  }
0x20b: {  	s16 =	rddreg [dreg:$0x18];
	[sflag:s0] =	ssyncadd.s32 $0xFFFFD800  }
0x20c: {  	[tilespmem:s7], [sflag:$0x8] =	stream.linear.gather [spmem:s16], $0x2800, $0x38;
	[tilespmem:$0x1DD80] =	vst v63  }
0x20d: {  	_ =	swait.ge [sflag:s20], $0x2800  }
0x20e: {  	[sflag:s20] =	ssyncset.done $0x0  }
0x20f: {  	s19 =	simm.s32 @!p0 $0x5;
	s23 =	rddreg [dreg:$0xf];
	[sflag:s20] =	ssyncadd.s32 $0xFFFFD800  }
0x210: {  	[hbm4b:s23+s4] =	stream.linear.scatter [tilespmem:s7], [sflag:$0x4], $0x2800, $0x38;
	[tilespmem:$0x1DD80] =	vst v63  }
0x211: {  	_ =	swait.ge @!p0 [sflag:s19], $0x2800  }
0x212: {  	s20 =	simm.s32 @!p0 $0x8;
	[sflag:s19] =	ssyncset.done @!p0 $0x0  }
0x213: {  	s22 =	rddreg [dreg:$0x19];
	[sflag:s19] =	ssyncadd.s32 @!p0 $0xFFFFD800;
	s19 =	simm.s32 @!p0 $0x16600  }
0x214: {  	[tilespmem:s19], [sflag:$0x8] =	stream.linear.gather @!p0 [spmem:s22], $0x2800, $0x38;
	[tilespmem:$0x1DD80] =	vst v63  }
0x215: {  	_ =	swait.ge @!p0 [sflag:s20], $0x2800  }
0x216: {  	[sflag:s20] =	ssyncset.done @!p0 $0x0  }
0x217: {  	s21 =	rddreg [dreg:$0x10];
	[sflag:s20] =	ssyncadd.s32 @!p0 $0xFFFFD800;
	s20 =	simm.s32 @!p0 $0x0  }
0x218: {  	[hbm4b:s21+s20] =	stream.linear.scatter @!p0 [tilespmem:s19], [sflag:$0x5], $0x2800, $0x38;
	[tilespmem:$0x1DD80] =	vst v63  }
0x219: {  	_ =	swait.ge [sflag:s0], $0x2800  }
0x21a: {  	[sflag:s0] =	ssyncset.done $0x0  }
0x21b: {  	[sflag:s0] =	ssyncadd.s32 $0xFFFFD800  }
0x21c: {  	_ =	swait.ge [sflag:s17], $0x2800  }
0x21d: {  	[sflag:s17] =	ssyncset.done $0x0  }
0x21e: {  	[sflag:s17] =	ssyncadd.s32 $0xFFFFD800  }
0x21f: {  	_ =	swait.ge [sflag:s18], $0x2800  }
0x220: {  	s20 =	smov.u32 s8;
	s8 =	sld [smem:$0x7FB]  }
0x221: {  	s23 =	simm.s32 $0x400;
	s21 =	smov.u32 s28;
	[sflag:s18] =	ssyncset.done $0x0  }
0x222: {  	s28 =	simm.s32 $0x8;
	s19 =	simm.s32 $0x80;
	[sflag:s18] =	ssyncadd.s32 $0xFFFFD800  }
0x223: {  	[hbm4b:s8+s19] =	stream.strided.scatter [tilespmem:s26], [sflag:$0x8], $0x2780, s23, s19, $0x38;
	[tilespmem:$0x1DD80] =	vst v63  }
0x224: {  	s23 =	rddreg [dreg:$0x12];
	_ =	swait.ge [sflag:s28], $0x2780  }
0x225: {  	s8 =	sld [smem:$0x7FA];
	_ =	sdelay $0x2  }
0x226: {  	s19 =	sadd.s32 $0x1, s8;
	s8 =	sld [smem:$0x7FC];
	_ =	sdelay $0x2  }
0x227: {  	p1 =	sne.s32 s19, s8  }
.Ltmp2:
0x228: {  	_ = 	snop;
	(pc) =	sbr.rel @p1 .LBB2_1-.Ltmp2, $3  }
0x229: {  	_ =	sdelay $0x1  }
0x22a: {  	[sflag:s28] =	ssyncset.done $0x0  }
0x22b: {  	[sflag:s28] =	ssyncadd.s32 $0xFFFFD880  }
0x22c: {  	_ =	sfence.sel $0x180000  }
0x22d: {  	[bflag:$0x0] =	sbarrier.arrive $0xFFFF  }
0x22e: {  	_ =	strace $0x90000047  }
0x22f: {  	s0 =	stileid.u32;
	[bflag:$0x2] =	sbarrier.arrive $0xFFFF  }
0x230: {  	p0 =	sne.s32 s0, $0x0;
	s0 =	rddreg [dreg:$0x3]  }
0x231: {  	s0 =	sadd.s32 @!p0 $0x100000, s0  }
0x232: {  	[sflag:s0] =	ssyncadd.tile.s32 @!p0 $0x1;
	_ =	shalt  }
.Lfunc_end2:
_tile_overlayer_lowered:
.L_overlay_start_2:
0x233: {  	(tag) =	ssettag $0x2  }
0x234: {  	s0 =	rddreg [dreg:$0x0];
	s2 =	stileid.u32  }
0x235: {  	s1 =	rddreg [dreg:$0x1];
	p0 =	sne.s32 s2, $0x0  }
0x236: {  	s3 =	rddreg [dreg:$0x2];
	[bflag:$0x3] =	sbarrier.arrive $0xFFFF;
	s2 =	simm.s32 @!p0 $0x1C08  }
0x237: {  	[timem:s3], [sflag:s2] =	dma.local @!p0 [hbm:s0], s1  }
0x238: {  	s0 =	simm.s32 @!p0 $0x8  }
0x239: {  	_ =	swait.ge @!p0 [sflag:s0], s1  }
0x23a: {  	s1 =	ssub.s32 @!p0 $0x0, s1;
	[sflag:s0] =	ssyncset.done @!p0 $0x0  }
0x23b: {  	[sflag:s0] =	ssyncadd.s32 @!p0 s1  }
0x23c: {  	[bflag:$0x3] =	sbarrier.arrive $0xFFFF  }
0x23d: {  	_ =	shalt  }

// kernel: kernel.9.cloned.1.call-start
scs
__scs_entry_jumppad:
0x0: {  	(pc) =	sbr.rel $0x88, $3  }
0x1: {  	(tag) =	ssettag $0x0;
	lr =	simm.s32 $0x1  }
0x2: {  	[smem:$0x3F93] =	sst lr;
	_ =	strace $0xD0000000  }
0x3: {  	_ = 	snop  }
0x4: {  	_ = 	snop  }
0x5: {  	_ = 	snop  }
0x6: {  	_ = 	snop  }
0x7: {  	_ = 	snop  }
__scs_overlays_trampoline_lowered:
0x8: {  	[smem:$0x3FA2] =	sst s0  }
0x9: {  	[smem:$0x3FA3] =	sst s1  }
0xa: {  	[smem:$0x3FA4] =	sst s2  }
0xb: {  	[smem:$0x3FA5] =	sst s3  }
0xc: {  	[smem:$0x3FA6] =	sst s4  }
0xd: {  	[smem:$0x3FA7] =	sst s5  }
0xe: {  	[smem:$0x3FA8] =	sst s6  }
0xf: {  	[smem:$0x3FA9] =	sst s7  }
0x10: {  	[smem:$0x3FAA] =	sst s8  }
0x11: {  	[smem:$0x3FAB] =	sst s9;
	s0 =	simm.s32 @!p0 $0x0  }
0x12: {  	s1 =	sld [smem:$0x3F91];
	s0 =	simm.s32 @p0 $0x1  }
0x13: {  	[smem:$0x3FAC] =	sst s0;
	s0 =	simm.s32 @!p1 $0x0  }
0x14: {  	s2 =	sld [smem:$0x3F90];
	s0 =	simm.s32 @p1 $0x1  }
0x15: {  	[smem:$0x3FAD] =	sst s0;
	s0 =	simm.s32 @!p2 $0x0  }
0x16: {  	s3 =	sld [smem:$0x3FDB];
	s0 =	simm.s32 @p2 $0x1  }
0x17: {  	s4 =	simm.s32 $0x1BF5;
	[smem:$0x3FAF] =	sst s0  }
0x18: {  	s0 =	sld [smem:$0x3F92];
	_ =	swait.ge [sflag:s4], $0x0  }
0x19: {  	s7 =	sld [smem:$0x3F93]  }
0x1a: {  	s8 =	sadd.s32 $0xFFFFE003, lr  }
0x1b: {  	s9 =	sadd.s32 $0xFFFFFEF7, lr;
	s5 =	simm.s32 $0xFFFFFFFF;
	p2 =	slt.u32 s8, $0xFFFFF086  }
0x1c: {  	p1 =	slt.u32 s9, $0xF7A;
	s5 =	simm.s32 @!p2 $0x0  }
0x1d: {  	s5 =	simm.s32 @p1 $0x1;
	p0 =	seq.s32 s7, s2  }
0x1e: {  	s7 =	smul.u32 @!p0 $0xF7A, s2;
	p2 =	seq.s32 @!p0 s5, $0x0  }
0x1f: {  	s9 =	smul.u32 $0xF7A, s1;
	s8 =	simm.s32 @!p0 $0x1BF5;
	p2 =	por !p2, p0  }
0x20: {  	[sflag:s8] =	ssyncset.s32 @!p0 $0xFFFFF086;
	s6 =	sadd.s32 @!p0 s3, s7;
	s7 =	simm.s32 @!p0 $0x108  }
0x21: {  	s3 =	sadd.s32 s3, s9;
	s6 =	sadd.s32 @!p0 $0x88, s6;
	s7 =	simm.s32 @p2 $0x1082  }
0x22: {  	[simem:s7], [sflag:s8] =	dma.local @!p0 [hbm:s6], $0xF7A  }
0x23: {  	s9 =	sor.u32 $0xD0000000, s2;
	s6 =	simm.s32 $0x108;
	_ =	swait.ge @!p0 [sflag:s8], $0x0  }
0x24: {  	s3 =	sadd.s32 $0x88, s3;
	s6 =	simm.s32 @!p1 $0x1082;
	[sflag:s4] =	ssyncset.s32 $0xFFFFF086  }
0x25: {  	[simem:s6], [sflag:s4] =	dma.local [hbm:s3], $0xF7A  }
0x26: {  	[smem:$0x3F93] =	sst s1;
	(tag) =	ssettag s2;
	_ =	strace s9  }
0x27: {  	s1 =	sld [smem:$0x3FA3]  }
0x28: {  	s2 =	sld [smem:$0x3FA4]  }
0x29: {  	s4 =	sld [smem:$0x3FA6]  }
0x2a: {  	p0 =	seq.s32 s5, $0x0;
	s5 =	sld [smem:$0x3FA7]  }
0x2b: {  	s6 =	sld [smem:$0x3FA8]  }
0x2c: {  	s7 =	sld [smem:$0x3FA9]  }
0x2d: {  	s3 =	simm.s32 $0x108;
	s8 =	sld [smem:$0x3FAA]  }
0x2e: {  	s3 =	simm.s32 @!p0 $0x1082;
	s9 =	sld [smem:$0x3FAB]  }
0x2f: {  	lr =	sadd.s32 s0, s3;
	s0 =	sld [smem:$0x3FA2]  }
0x30: {  	s3 =	sld [smem:$0x3FA5]  }
0x31: {  	[smem:$0x3FAE] =	sst s10  }
0x32: {  	s10 =	sld [smem:$0x3FAC];
	_ =	sdelay $0x3  }
0x33: {  	p0 =	seq.s32 s10, $0x1;
	s10 =	sld [smem:$0x3FAE];
	_ =	sdelay $0x3  }
0x34: {  	[smem:$0x3FAE] =	sst s10  }
0x35: {  	s10 =	sld [smem:$0x3FAD];
	_ =	sdelay $0x3  }
0x36: {  	p1 =	seq.s32 s10, $0x1;
	s10 =	sld [smem:$0x3FAE];
	_ =	sdelay $0x3  }
0x37: {  	[smem:$0x3FAE] =	sst s10  }
0x38: {  	s10 =	sld [smem:$0x3FAF]  }
0x39: {  	_ = 	snop;
	(pc) =	sbr.ind lr, $3  }
0x3a: {  	_ = 	snop  }
0x3b: {  	_ = 	snop  }
0x3c: {  	p2 =	seq.s32 s10, $0x1;
	s10 =	sld [smem:$0x3FAE]  }
0x3d: {  	_ =	shalt  }
0x3e: {  	_ =	shalt  }
0x3f: {  	_ =	shalt  }
0x40: {  	_ =	shalt  }
0x41: {  	_ =	shalt  }
0x42: {  	_ =	shalt  }
0x43: {  	_ =	shalt  }
0x44: {  	_ =	shalt  }
0x45: {  	_ =	shalt  }
0x46: {  	_ =	shalt  }
0x47: {  	_ =	shalt  }
0x48: {  	_ =	shalt  }
0x49: {  	_ =	shalt  }
0x4a: {  	_ =	shalt  }
0x4b: {  	_ =	shalt  }
0x4c: {  	_ =	shalt  }
0x4d: {  	_ =	shalt  }
0x4e: {  	_ =	shalt  }
0x4f: {  	_ =	shalt  }
0x50: {  	_ =	shalt  }
0x51: {  	_ =	shalt  }
0x52: {  	_ =	shalt  }
0x53: {  	_ =	shalt  }
0x54: {  	_ =	shalt  }
0x55: {  	_ =	shalt  }
0x56: {  	_ =	shalt  }
0x57: {  	_ =	shalt  }
0x58: {  	_ =	shalt  }
0x59: {  	_ =	shalt  }
0x5a: {  	_ =	shalt  }
0x5b: {  	_ =	shalt  }
0x5c: {  	_ =	shalt  }
0x5d: {  	_ =	shalt  }
0x5e: {  	_ =	shalt  }
0x5f: {  	_ =	shalt  }
0x60: {  	_ =	shalt  }
0x61: {  	_ =	shalt  }
0x62: {  	_ =	shalt  }
0x63: {  	_ =	shalt  }
0x64: {  	_ =	shalt  }
0x65: {  	_ =	shalt  }
0x66: {  	_ =	shalt  }
0x67: {  	_ =	shalt  }
0x68: {  	_ =	shalt  }
0x69: {  	_ =	shalt  }
0x6a: {  	_ =	shalt  }
0x6b: {  	_ =	shalt  }
0x6c: {  	_ =	shalt  }
0x6d: {  	_ =	shalt  }
0x6e: {  	_ =	shalt  }
0x6f: {  	_ =	shalt  }
0x70: {  	_ =	shalt  }
0x71: {  	_ =	shalt  }
0x72: {  	_ =	shalt  }
0x73: {  	_ =	shalt  }
0x74: {  	_ =	shalt  }
0x75: {  	_ =	shalt  }
0x76: {  	_ =	shalt  }
0x77: {  	_ =	shalt  }
0x78: {  	_ =	shalt  }
0x79: {  	_ =	shalt  }
0x7a: {  	_ =	shalt  }
0x7b: {  	_ =	shalt  }
0x7c: {  	_ =	shalt  }
0x7d: {  	_ =	shalt  }
0x7e: {  	_ =	shalt  }
0x7f: {  	_ =	shalt  }
0x80: {  	_ =	shalt  }
0x81: {  	_ =	shalt  }
0x82: {  	_ =	shalt  }
0x83: {  	_ =	shalt  }
0x84: {  	_ =	shalt  }
0x85: {  	_ =	shalt  }
0x86: {  	_ =	shalt  }
0x87: {  	_ =	shalt  }
.Lfunc_end0:
.L_simem_size_0:
called_computation.1_lowered:
.L_overlay_start_0:
0x88: {  	s2 =	sld [smem:$0x3FD9]  }
0x89: {  	s3 =	sld [smem:$0x3FFE];
	_ =	sdelay $0x1  }
0x8a: {  	s1 =	srdreg.scid  }
0x8b: {  	s0 =	sand.u32 $0x1, s1  }
0x8c: {  	s14 =	sshll.u32 s0, $0xA;
	s2 =	sadd.s32 s3, s2  }
0x8d: {  	s2 =	sadd.s32 s2, s14  }
0x8e: {  	[smem:$0x3FBA] =	sst s2  }
0x8f: {  	_ = 	snop  }
0x90: {  	s2 =	sld [smem:$0x3FD0];
	_ =	sdelay $0x2  }
0x91: {  	s15 =	simm.s32 $0xA;
	s4 =	simm.s32 $0x10  }
0x92: {  	[smem:s4], [sflag:s15] =	dma.local [hbm:s2], $0x1  }
0x93: {  	_ =	swait.eq [sflag:s15], $0x1  }
0x94: {  	[sflag:s15] =	ssyncset.done $0x0  }
0x95: {  	[sflag:s15] =	ssyncadd.s32 $0xFFFFFFFF  }
0x96: {  	s16 =	sld [smem:$0x10];
	(tm) =	ssettm $0x1  }
0x97: {  	s17 =	sld [smem:$0x3FFB];
	_ =	sdelay $0x3  }
0x98: {  	_ =	strace s17  }
0x99: {  	s3 =	sld [smem:$0x3FFC];
	_ =	sdelay $0x3  }
0x9a: {  	_ =	strace s3  }
0x9b: {  	s3 =	sld [smem:$0x3FFD];
	_ =	sdelay $0x3  }
0x9c: {  	_ =	strace s3  }
0x9d: {  	_ =	strace $0x8FFFFFFF  }
0x9e: {  	s18 =	sld [smem:$0x3FDB];
	_ =	sdelay $0x1  }
0x9f: {  	s19 =	simm.s32 $_scs_section_size  }
0xa0: {  	s5 =	simm.s32 $_size__tile_overlayer_lowered;
	s6 =	simm.s32 $_tile_overlayer_lowered  }
0xa1: {  	s22 =	simm.s32 $0x1BFF;
	s21 =	sshll.u32 s6, $0x1;
	s3 =	sadd.s32 s19, s18  }
0xa2: {  	s7 =	simm.s32 $0x0;
	s20 =	sshll.u32 s5, $0x1;
	s5 =	sadd.s32 s21, s3  }
0xa3: {  	[timem:s7], [sflag:s22] =	dma.local [hbm:s5], s20  }
0xa4: {  	_ =	swait.ge [sflag:s22], s20  }
0xa5: {  	s4 =	ssub.s32 $0x0, s20;
	[sflag:s22] =	ssyncset.done $0x0  }
0xa6: {  	[sflag:s22] =	ssyncadd.s32 s4;
	_ =	sdelay $0x1  }
0xa7: {  	s23 =	simm.s32 $0x1B8B  }
0xa8: {  	_ =	swait.ge [sflag:s23], $0x1  }
0xa9: {  	[sflag:s23] =	ssyncset.done $0x0  }
0xaa: {  	s25 =	simm.s32 $0x1B8E;
	s24 =	sld [smem:$0x3FFE];
	[sflag:s23] =	ssyncadd.s32 $0xFFFFFFFF  }
0xab: {  	s26 =	simm.s32 $execute0_lowered;
	[smem:$0x3FD2] =	sst s25  }
0xac: {  	s5 =	sshll.u32 s26, $0x1;
	_ =	strace $0x80000049;
	[dreg:$0x1] =	wrdreg $0xFFFFFFFF  }
0xad: {  	s28 =	simm.s32 $_size_execute0_lowered;
	s3 =	sadd.s32 s3, s5;
	[dreg:$0x0] =	wrdreg $0x0  }
0xae: {  	s5 =	sshll.u32 s28, $0x1;
	[dreg:$0x2] =	wrdreg s3  }
0xaf: {  	[dreg:$0x3] =	wrdreg s5  }
0xb0: {  	[dreg:$0x4] =	wrdreg $0xC0  }
0xb1: {  	_ =	task [dreg:s7], $0x5FFFF  }
0xb2: {  	[dreg:$0x1] =	wrdreg $0xFFFFFFFF  }
0xb3: {  	[dreg:$0x0] =	wrdreg $0x60  }
0xb4: {  	[dreg:$0x2] =	wrdreg s16  }
0xb5: {  	[dreg:$0x3] =	wrdreg s24  }
0xb6: {  	[dreg:$0x4] =	wrdreg $0x0  }
0xb7: {  	[dreg:$0x5] =	wrdreg $0x9  }
0xb8: {  	_ =	task.clear_ibuf [dreg:s7], $0x6FFFF;
	_ =	strace $0x90000049  }
0xb9: {  	s29 =	simm.s32 $0x9;
	_ =	strace $0x8000004B  }
0xba: {  	_ =	swait.ge [sflag:s29], $0x1  }
0xbb: {  	[sflag:s29] =	ssyncadd.s32 $0xFFFFFFFF  }
0xbc: {  	_ =	strace $0x9000004B  }
0xbd: {  	_ =	sfence  }
0xbe: {  	s30 =	sld [smem:$0x0];
	_ =	sdelay $0x2  }
0xbf: {  	s31 =	sshll.u32 s1, $0xD;
	s1 =	sshrl.u32 s1, $0x2  }
0xc0: {  	s3 =	sand.u32 $0x4000, s31;
	s1 =	sadd.s32 s1, s30  }
0xc1: {  	s0 =	sor.u32 s3, s0;
	s1 =	sshll.u32 s1, $0x11  }
0xc2: {  	s0 =	sor.u32 s1, s0  }
0xc3: {  	s0 =	sadd.s32 $0x8F2B, s0  }
0xc4: {  	[sflag:s0] =	ssyncadd.remote.s32 $0x1  }
0xc5: {  	_ =	sfence.sel $0xFFFF  }
0xc6: {  	[dreg:$0x0] =	wrdreg $0xFFFFFFFF;
	(pc) =	sbr.abs _section_cstart, $3  }
0xc7: {  	[dreg:$0x1] =	wrdreg $0xFFFFFFFF  }
0xc8: {  	_ =	task.clear_ibuf [dreg:s7], $0x2FFFF;
	_ =	strace $0x9FFFFFFF  }
0xc9: {  	(tm) =	ssettm $0x7FFFFFFF  }
tec
execute0_lowered:
.L_overlay_start_1:
0x0: {  	(tag) =	ssettag $0x1  }
0x1: {  	s1 =	rddreg [dreg:$0x0]  }
0x2: {  	s4 =	rddreg [dreg:$0x1]  }
0x3: {  	s2 =	rddreg [dreg:$0x2];
	s21 =	stileid.u32  }
0x4: {  	s0 =	srdreg.scid;
	s6 =	smul.u32 $0x2800, s21  }
0x5: {  	s3 =	simm.s32 $0x0;
	s9 =	sand.u32 $0x1, s0;
	s26 =	smul.u32 $0x2710, s21  }
0x6: {  	s28 =	simm.s32 $0x2;
	s12 =	sor.u32 $0x10, s21;
	s11 =	smul.u32 $0x138800, s9  }
0x7: {  	s29 =	simm.s32 $0x13D00;
	s15 =	sor.u32 $0x20, s21;
	s14 =	smul.u32 $0x2800, s12  }
0x8: {  	s30 =	simm.s32 $0x4;
	s16 =	sor.u32 $0x30, s21;
	s17 =	smul.u32 $0x2800, s15  }
0x9: {  	s31 =	simm.s32 $0x3;
	s8 =	sor.u32 $0x40, s21;
	s20 =	smul.u32 $0x2800, s16  }
0xa: {  	[smem:$0x7FF] =	sst s3;
	s7 =	sor.u32 $0x50, s21;
	s18 =	smul.u32 $0x2800, s8  }
0xb: {  	s10 =	sadd.s32 $0x17200, s4;
	s0 =	ssub.s32 $0x2, s9;
	s23 =	smul.u32 $0x2800, s7  }
0xc: {  	p0 =	sgt.u32 s21, $0xC;
	s8 =	smul.u32 $0xA000, s8;
	s5 =	sshrl.u32 s0, $0x1  }
0xd: {  	_ =	strace $0x8000004A;
	s7 =	smul.u32 $0xA000, s7;
	s0 =	ssub.s32 s0, s5  }
0xe: {  	s5 =	sor.u32 $0x60, s21;
	s13 =	sadd.s32 s6, s11;
	s6 =	sor.u32 $0x70, s21  }
0xf: {  	s19 =	sadd.s32 s11, s14;
	s17 =	sadd.s32 s11, s17;
	s24 =	sadd.s32 s11, s20  }
0x10: {  	s18 =	sadd.s32 s11, s18;
	s20 =	smul.u32 $0x27100, s9;
	s9 =	sshll.u32 s9, $0x4  }
0x11: {  	s8 =	sshrl.u32 s8, $0x2;
	s7 =	sshrl.u32 s7, $0x2;
	s13 =	sshrl.u32 s13, $0x3  }
0x12: {  	s22 =	sshrl.u32 s17, $0x3;
	s25 =	smul.u32 $0x2800, s5;
	s18 =	sshrl.u32 s18, $0x3  }
0x13: {  	s17 =	sadd.s32 s11, s23;
	s9 =	sor.u32 s21, s9;
	s8 =	sadd.s32 s8, s2  }
0x14: {  	s13 =	sadd.s32 s10, s13;
	s18 =	sadd.s32 s10, s18;
	s9 =	smul.u32 $0x2710, s9  }
0x15: {  	[dreg:$0x9] =	wrdreg s13;
	s13 =	sshrl.u32 s19, $0x3;
	s19 =	smul.u32 $0x2800, s6  }
0x16: {  	s0 =	smax.u32 s0, $0x1;
	[dreg:$0xd] =	wrdreg s18;
	s18 =	smul.u32 $0xA000, s12  }
0x17: {  	[smem:$0x7FC] =	sst s0;
	s14 =	sadd.s32 s11, s25;
	s6 =	smul.u32 $0xA000, s6  }
0x18: {  	s13 =	sadd.s32 s10, s13;
	s23 =	sshrl.u32 s14, $0x3;
	s14 =	sadd.s32 $0xCE00, s4  }
0x19: {  	[dreg:$0xa] =	wrdreg s13;
	s13 =	sadd.s32 s10, s22;
	s11 =	sadd.s32 s11, s19  }
0x1a: {  	s22 =	sshrl.u32 s17, $0x3;
	s17 =	sadd.s32 s26, s20;
	s19 =	simm.s32 $0x139D0  }
0x1b: {  	s20 =	smul.u32 $0xA000, s21;
	s21 =	smov.u32 s8;
	[dreg:$0xb] =	wrdreg s13  }
0x1c: {  	s8 =	simm.s32 $0x13A80;
	s13 =	sshrl.u32 s24, $0x3;
	[dreg:$0x7] =	wrdreg s19  }
0x1d: {  	s11 =	sshrl.u32 s11, $0x3;
	s19 =	sadd.s32 s7, s2;
	[dreg:$0x16] =	wrdreg s21  }
0x1e: {  	s24 =	sadd.s32 $0xF0, s17;
	s13 =	sadd.s32 s10, s13;
	[dreg:$0x17] =	wrdreg s19  }
0x1f: {  	s7 =	simm.s32 $0x13880;
	[dreg:$0xc] =	wrdreg s13;
	s13 =	sadd.s32 s10, s22  }
0x20: {  	s25 =	sshrl.u32 s24, $0x3;
	s22 =	simm.s32 $0x13A20;
	[dreg:$0xe] =	wrdreg s13  }
0x21: {  	s24 =	smul.u32 $0xA000, s16;
	s13 =	sadd.s32 s10, s23;
	[dreg:$0x8] =	wrdreg s22  }
0x22: {  	s10 =	sadd.s32 s10, s11;
	s11 =	simm.s32 $0x13B80;
	[dreg:$0xf] =	wrdreg s13  }
0x23: {  	s23 =	smul.u32 $0xA000, s15;
	[dreg:$0x10] =	wrdreg s10;
	s13 =	sadd.s32 $0x3000, s4  }
0x24: {  	s10 =	sadd.s32 s25, s14;
	[dreg:$0x6] =	wrdreg s11;
	s4 =	sadd.s32 $0x16C00, s4  }
0x25: {  	s11 =	sshrl.u32 s20, $0x2;
	s26 =	sadd.s32 s25, s13;
	[dreg:$0x5] =	wrdreg s10  }
0x26: {  	[dreg:$0x11] =	wrdreg s4;
	s10 =	sshrl.u32 s18, $0x2;
	s11 =	sadd.s32 s11, s2  }
0x27: {  	s4 =	sshrl.u32 s23, $0x2;
	s25 =	sshrl.u32 s24, $0x2;
	[dreg:$0x4] =	wrdreg s26  }
0x28: {  	[dreg:$0x12] =	wrdreg s11;
	s10 =	sadd.s32 s10, s2;
	s4 =	sadd.s32 s4, s2  }
0x29: {  	s23 =	sadd.s32 s25, s2;
	s26 =	smul.u32 $0xA000, s5;
	[dreg:$0x13] =	wrdreg s10  }
0x2a: {  	s11 =	sshrl.u32 s9, $0x3;
	s9 =	simm.s32 $0x7;
	[dreg:$0x14] =	wrdreg s4  }
0x2b: {  	s10 =	sshrl.u32 s6, $0x2;
	s12 =	sadd.s32 s14, s11;
	s15 =	sadd.s32 $0x4CE, s11  }
0x2c: {  	s16 =	sadd.s32 s13, s11;
	s5 =	sadd.s32 $0x4D8, s11;
	[dreg:$0x15] =	wrdreg s23  }
0x2d: {  	s6 =	simm.s32 $0x1;
	s11 =	simm.s32 $0x13980;
	[dreg:$0x1a] =	wrdreg s12  }
0x2e: {  	s4 =	sshrl.u32 s26, $0x2;
	s22 =	sadd.s32 s10, s2;
	[dreg:$0x1b] =	wrdreg s16  }
0x2f: {  	s18 =	sadd.s32 s13, s15;
	s24 =	sadd.s32 s13, s5;
	s25 =	sadd.s32 s14, s5  }
0x30: {  	s26 =	sadd.s32 $0x1E0, s17;
	s5 =	simm.s32 $0x8;
	[dreg:$0x1c] =	wrdreg s18  }
0x31: {  	s10 =	simm.s32 $0x50;
	s16 =	simm.s32 $0x13D80;
	[dreg:$0x1e] =	wrdreg s24  }
0x32: {  	s17 =	simm.s32 $0x5;
	s12 =	simm.s32 $0x0;
	[dreg:$0x1f] =	wrdreg s25  }
0x33: {  	s20 =	sadd.s32 s4, s2;
	s4 =	sadd.s32 s14, s15;
	[smem:$0x7FD] =	sst s26  }
0x34: {  	s15 =	simm.s32 $0x16600;
	s24 =	simm.s32 $0x13C80;
	[dreg:$0x19] =	wrdreg s22  }
0x35: {  	s25 =	simm.s32 $0x13920;
	s26 =	simm.s32 $0x18E00;
	[dreg:$0x1d] =	wrdreg s4  }
0x36: {  	s18 =	simm.s32 $0x6;
	s4 =	simm.s32 $0x13E00;
	[dreg:$0x18] =	wrdreg s20  }
.LBB2_1:
0x37: {  	[smem:$0x7FB] =	sst s12  }
0x38: {  	s0 =	rddreg [dreg:$0x11]  }
0x39: {  	[tilespmem:s4], [sflag:$0x8] =	stream.linear.gather [hbm4b:s0+s3], $0x2800, $0x38;
	[tilespmem:$0x1B600] =	vst v63  }
0x3a: {  	_ =	swait.ge [sflag:s5], $0x2800  }
0x3b: {  	[sflag:s5] =	ssyncset.done $0x0  }
0x3c: {  	s12 =	rddreg [dreg:$0x12];
	[sflag:s5] =	ssyncadd.s32 $0xFFFFD800  }
0x3d: {  	[spmem:s12] =	stream.linear.scatter [tilespmem:s4], [sflag:$0x1], $0x2800, $0x38;
	[tilespmem:$0x1B600] =	vst v63  }
0x3e: {  	s5 =	rddreg [dreg:$0x13]  }
0x3f: {  	[spmem:s5] =	stream.linear.scatter [tilespmem:s4], [sflag:$0x1], $0x2800, $0x38;
	[tilespmem:$0x1B600] =	vst v63  }
0x40: {  	s12 =	rddreg [dreg:$0x14]  }
0x41: {  	[spmem:s12] =	stream.linear.scatter [tilespmem:s4], [sflag:$0x1], $0x2800, $0x38;
	[tilespmem:$0x1B600] =	vst v63  }
0x42: {  	_ = 	snop  }
0x43: {  	[spmem:s23] =	stream.linear.scatter [tilespmem:s4], [sflag:$0x1], $0x2800, $0x38;
	[tilespmem:$0x1B600] =	vst v63  }
0x44: {  	_ = 	snop  }
0x45: {  	[spmem:s21] =	stream.linear.scatter [tilespmem:s4], [sflag:$0x1], $0x2800, $0x38;
	[tilespmem:$0x1B600] =	vst v63  }
0x46: {  	_ = 	snop  }
0x47: {  	[spmem:s19] =	stream.linear.scatter [tilespmem:s4], [sflag:$0x1], $0x2800, $0x38;
	[tilespmem:$0x1B600] =	vst v63  }
0x48: {  	_ = 	snop  }
0x49: {  	[spmem:s20] =	stream.linear.scatter [tilespmem:s4], [sflag:$0x1], $0x2800, $0x38;
	[tilespmem:$0x1B600] =	vst v63  }
0x4a: {  	s0 =	simm.s32 @!p0 $0x13E00  }
0x4b: {  	[spmem:s22] =	stream.linear.scatter @!p0 [tilespmem:s0], [sflag:$0x1], $0x2800, $0x38;
	[tilespmem:$0x1B600] =	vst v63  }
0x4c: {  	_ =	swait.ge [sflag:s6], $0x2800  }
0x4d: {  	[sflag:s6] =	ssyncset.done $0x0  }
0x4e: {  	[sflag:s6] =	ssyncadd.s32 $0xFFFFD800  }
0x4f: {  	_ =	swait.ge [sflag:s6], $0x2800  }
0x50: {  	[sflag:s6] =	ssyncset.done $0x0  }
0x51: {  	[sflag:s6] =	ssyncadd.s32 $0xFFFFD800  }
0x52: {  	_ =	swait.ge [sflag:s6], $0x2800  }
0x53: {  	[sflag:s6] =	ssyncset.done $0x0  }
0x54: {  	[sflag:s6] =	ssyncadd.s32 $0xFFFFD800  }
0x55: {  	_ =	swait.ge [sflag:s6], $0x2800  }
0x56: {  	[sflag:s6] =	ssyncset.done $0x0  }
0x57: {  	[sflag:s6] =	ssyncadd.s32 $0xFFFFD800  }
0x58: {  	_ =	swait.ge [sflag:s6], $0x2800  }
0x59: {  	[sflag:s6] =	ssyncset.done $0x0  }
0x5a: {  	[sflag:s6] =	ssyncadd.s32 $0xFFFFD800  }
0x5b: {  	_ =	swait.ge [sflag:s6], $0x2800  }
0x5c: {  	[sflag:s6] =	ssyncset.done $0x0  }
0x5d: {  	[sflag:s6] =	ssyncadd.s32 $0xFFFFD800  }
0x5e: {  	_ =	swait.ge [sflag:s6], $0x2800  }
0x5f: {  	[sflag:s6] =	ssyncset.done $0x0  }
0x60: {  	s0 =	simm.s32 @!p0 $0x1;
	[sflag:s6] =	ssyncadd.s32 $0xFFFFD800  }
0x61: {  	_ =	swait.ge @!p0 [sflag:s0], $0x2800  }
0x62: {  	[sflag:s0] =	ssyncset.done @!p0 $0x0  }
0x63: {  	[sflag:s0] =	ssyncadd.s32 @!p0 $0xFFFFD800  }
0x64: {  	[bflag:$0x0] =	sbarrier.arrive $0xFFFF  }
0x65: {  	s19 =	rddreg [dreg:$0x1a]  }
0x66: {  	[tilespmem:s7], [sflag:$0x7] =	stream.linear.gather [hbm4b:s19+s3], $0xF0, $0x38;
	[tilespmem:$0x1B600] =	vst v63  }
0x67: {  	s20 =	rddreg [dreg:$0x1b]  }
0x68: {  	[tilespmem:s8], [sflag:$0x7] =	stream.linear.gather [hbm4b:s20+s3], $0xF0, $0x38;
	[tilespmem:$0x1B600] =	vst v63  }
0x69: {  	_ =	swait.ge [sflag:s9], $0xF0  }
0x6a: {  	[sflag:s9] =	ssyncset.done $0x0  }
0x6b: {  	[sflag:s9] =	ssyncadd.s32 $0xFFFFFF10  }
0x6c: {  	_ =	swait.ge [sflag:s9], $0xF0  }
0x6d: {  	p1 =	por $0x1, $0x1;
	[sflag:s9] =	ssyncset.done $0x0  }
0x6e: {  	s0 =	simm.s32 @!p1 $0x7;
	[sflag:s9] =	ssyncadd.s32 $0xFFFFFF10  }
0x6f: {  	_ =	swait.ge @!p1 [sflag:s0], $0xF0  }
0x70: {  	[sflag:s0] =	ssyncset.done @!p1 $0x0  }
0x71: {  	[sflag:s0] =	ssyncadd.s32 @!p1 $0xFFFFFF10  }
0x72: {  	_ =	swait.ge @!p1 [sflag:s0], $0xF0  }
0x73: {  	[sflag:s0] =	ssyncset.done @!p1 $0x0  }
0x74: {  	s20 =	simm.s32 @!p1 $0x4;
	[sflag:s0] =	ssyncadd.s32 @!p1 $0xFFFFFF10  }
0x75: {  	_ =	swait.ge @!p1 [sflag:s20], $0x2800  }
0x76: {  	[sflag:s20] =	ssyncset.done @!p1 $0x0  }
0x77: {  	[sflag:s20] =	ssyncadd.s32 @!p1 $0xFFFFD800  }
0x78: {  	v0 =	vld [tilespmem:$0x13A80]  }
0x79: {  	v1 =	vld [tilespmem:$0x13AB0]  }
0x7a: {  	v2 =	vld [tilespmem:$0x13AA0]  }
0x7b: {  	v3 =	vld [tilespmem:$0x13AC0]  }
0x7c: {  	v4 =	vld [tilespmem:$0x13A90]  }
0x7d: {  	[tilespmem:$0x13C80] =	vst v0  }
0x7e: {  	[tilespmem:$0x13CB0] =	vst v1  }
0x7f: {  	[tilespmem:$0x13CA0] =	vst v2  }
0x80: {  	[tilespmem:$0x13CC0] =	vst v3  }
0x81: {  	s0 =	simm.s32 @!p1 $0x3;
	[tilespmem:$0x13C90] =	vst v4  }
0x82: {  	[tilespmem:s4], [sflag:$0x1] =	stream.indirect.gather [hbm4b:s1+s10], $0x80, s7, s10, $0xb8;
	[tilespmem:$0x1B600] =	vst v63  }
0x83: {  	_ =	swait.ge @!p1 [sflag:s0], $0x2800  }
0x84: {  	s22 =	simm.s32 @!p1 $0x13D80;
	s20 =	simm.s32 @!p1 $0x18E00;
	[sflag:s0] =	ssyncset.done @!p1 $0x0  }
0x85: {  	s21 =	rddreg [dreg:$0x5];
	[sflag:s0] =	ssyncadd.s32 @!p1 $0xFFFFD800;
	s0 =	simm.s32 @!p1 $0x50  }
0x86: {  	[spmem:s2] =	stream.indirect.scatter.add.f32 @!p1 [tilespmem:s20], [sflag:$0x6], $0x80, s22, s0, $0xb8;
	[tilespmem:$0x1B600] =	vst v63  }
0x87: {  	s5 =	rddreg [dreg:$0x4];
	s12 =	sadd.s32 $0x0, s21  }
0x88: {  	[tilespmem:s11], [sflag:$0x7] =	stream.linear.gather [hbm4b:s12+s3], $0xF0, $0x38;
	[tilespmem:$0x1B600] =	vst v63  }
0x89: {  	s19 =	rddreg [dreg:$0x6];
	s0 =	sadd.s32 $0x0, s5  }
0x8a: {  	[tilespmem:s19], [sflag:$0x7] =	stream.linear.gather [hbm4b:s0+s3], $0xF0, $0x38;
	[tilespmem:$0x1B600] =	vst v63  }
0x8b: {  	s0 =	simm.s32 @!p1 $0x5  }
0x8c: {  	_ =	swait.ge @!p1 [sflag:s0], $0x2800  }
0x8d: {  	[sflag:s0] =	ssyncset.done @!p1 $0x0  }
0x8e: {  	[sflag:s0] =	ssyncadd.s32 @!p1 $0xFFFFD800  }
0x8f: {  	v0 =	vld [tilespmem:$0x13AD0]  }
0x90: {  	v1 =	vld [tilespmem:$0x13AE0]  }
0x91: {  	v2 =	vld [tilespmem:$0x13AF0]  }
0x92: {  	v3 =	vld [tilespmem:$0x13B10]  }
0x93: {  	v61 =	vld [tilespmem:$0x13B00]  }
0x94: {  	[tilespmem:$0x13D00] =	vst v0  }
0x95: {  	[tilespmem:$0x13D10] =	vst v1  }
0x96: {  	[tilespmem:$0x13D20] =	vst v2  }
0x97: {  	[tilespmem:$0x13D40] =	vst v3  }
0x98: {  	s20 =	simm.s32 $0x138D0;
	[tilespmem:$0x13D30] =	vst v61  }
0x99: {  	[tilespmem:s15], [sflag:$0x2] =	stream.indirect.gather [hbm4b:s1+s10], $0x80, s20, s10, $0xb8;
	[tilespmem:$0x1B600] =	vst v63  }
0x9a: {  	_ =	swait.ge [sflag:s6], $0x2800  }
0x9b: {  	[sflag:s6] =	ssyncset.done $0x0  }
0x9c: {  	s0 =	simm.s32 @!p1 $0x6;
	[sflag:s6] =	ssyncadd.s32 $0xFFFFD800  }
0x9d: {  	[spmem:s2] =	stream.indirect.scatter.add.f32 [tilespmem:s4], [sflag:$0x4], $0x80, s24, s10, $0xb8;
	[tilespmem:$0x1B600] =	vst v63  }
0x9e: {  	_ =	swait.ge @!p1 [sflag:s0], $0x2800  }
0x9f: {  	[sflag:s0] =	ssyncset.done @!p1 $0x0  }
0xa0: {  	[sflag:s0] =	ssyncadd.s32 @!p1 $0xFFFFD800  }
0xa1: {  	v0 =	vld [tilespmem:$0x13B20]  }
0xa2: {  	v1 =	vld [tilespmem:$0x13B30]  }
0xa3: {  	v2 =	vld [tilespmem:$0x13B40]  }
0xa4: {  	v3 =	vld [tilespmem:$0x13B60]  }
0xa5: {  	v62 =	vld [tilespmem:$0x13B50]  }
0xa6: {  	[tilespmem:$0x13D80] =	vst v0  }
0xa7: {  	[tilespmem:$0x13D90] =	vst v1  }
0xa8: {  	[tilespmem:$0x13DA0] =	vst v2  }
0xa9: {  	[tilespmem:$0x13DC0] =	vst v3  }
0xaa: {  	[tilespmem:$0x13DB0] =	vst v62  }
0xab: {  	[tilespmem:s26], [sflag:$0x3] =	stream.indirect.gather [hbm4b:s1+s10], $0x80, s25, s10, $0xb8;
	[tilespmem:$0x1B600] =	vst v63  }
0xac: {  	_ =	swait.ge [sflag:s28], $0x2800  }
0xad: {  	[sflag:s28] =	ssyncset.done $0x0  }
0xae: {  	[sflag:s28] =	ssyncadd.s32 $0xFFFFD800  }
0xaf: {  	[spmem:s2] =	stream.indirect.scatter.add.f32 [tilespmem:s15], [sflag:$0x5], $0x80, s29, s10, $0xb8;
	[tilespmem:$0x1B600] =	vst v63  }
0xb0: {  	_ =	swait.ge [sflag:s9], $0xF0  }
0xb1: {  	[sflag:s9] =	ssyncset.done $0x0  }
0xb2: {  	[sflag:s9] =	ssyncadd.s32 $0xFFFFFF10  }
0xb3: {  	_ =	swait.ge [sflag:s9], $0xF0  }
0xb4: {  	[sflag:s9] =	ssyncset.done $0x0  }
0xb5: {  	[sflag:s9] =	ssyncadd.s32 $0xFFFFFF10  }
0xb6: {  	_ =	swait.ge [sflag:s30], $0x2800  }
0xb7: {  	[sflag:s30] =	ssyncset.done $0x0  }
0xb8: {  	[sflag:s30] =	ssyncadd.s32 $0xFFFFD800  }
0xb9: {  	v0 =	vld [tilespmem:$0x13BC0]  }
0xba: {  	v1 =	vld [tilespmem:$0x13B90]  }
0xbb: {  	v2 =	vld [tilespmem:$0x13BA0]  }
0xbc: {  	v3 =	vld [tilespmem:$0x13B80]  }
0xbd: {  	v63 =	vld [tilespmem:$0x13BB0]  }
0xbe: {  	[tilespmem:$0x13CC0] =	vst v0  }
0xbf: {  	[tilespmem:$0x13C90] =	vst v1  }
0xc0: {  	[tilespmem:$0x13CA0] =	vst v2  }
0xc1: {  	[tilespmem:$0x13C80] =	vst v3  }
0xc2: {  	[tilespmem:$0x13CB0] =	vst v63  }
0xc3: {  	[tilespmem:s4], [sflag:$0x1] =	stream.indirect.gather [hbm4b:s1+s10], $0x80, s11, s10, $0xb8;
	[tilespmem:$0x1B600] =	vst v63  }
0xc4: {  	_ =	swait.ge [sflag:s31], $0x2800  }
0xc5: {  	[sflag:s31] =	ssyncset.done $0x0;
	s21 =	sld [smem:$0x7FD]  }
0xc6: {  	[sflag:s31] =	ssyncadd.s32 $0xFFFFD800  }
0xc7: {  	[spmem:s2] =	stream.indirect.scatter.add.f32 [tilespmem:s26], [sflag:$0x6], $0x80, s16, s10, $0xb8;
	[tilespmem:$0x1B600] =	vst v63  }
0xc8: {  	s22 =	sshrl.u32 s21, $0x3  }
0xc9: {  	s23 =	sadd.s32 s14, s22  }
0xca: {  	[tilespmem:s7], [sflag:$0x7] =	stream.linear.gather [hbm4b:s23+s3], $0xF0, $0x38;
	[tilespmem:$0x1B600] =	vst v63  }
0xcb: {  	s0 =	sadd.s32 s13, s22  }
0xcc: {  	[tilespmem:s8], [sflag:$0x7] =	stream.linear.gather [hbm4b:s0+s3], $0xF0, $0x38;
	[tilespmem:$0x1B600] =	vst v63  }
0xcd: {  	_ =	swait.ge [sflag:s17], $0x2800  }
0xce: {  	[sflag:s17] =	ssyncset.done $0x0  }
0xcf: {  	[sflag:s17] =	ssyncadd.s32 $0xFFFFD800  }
0xd0: {  	v0 =	vld [tilespmem:$0x13BD0]  }
0xd1: {  	v1 =	vld [tilespmem:$0x13BE0]  }
0xd2: {  	s12 =	simm.s32 $0x13A80;
	s20 =	simm.s32 $0x3C;
	s0 =	smov.u32 s21;
	v2 =	vld [tilespmem:$0x13BF0]  }
.LBB2_2:
0xd3: {  	v3 =	vld [tilespmem:$0x13C00]  }
0xd4: {  	v4 =	vld [tilespmem:$0x13C10]  }
0xd5: {  	[tilespmem:$0x13D00] =	vst v0  }
0xd6: {  	[tilespmem:$0x13D10] =	vst v1  }
0xd7: {  	[tilespmem:$0x13D20] =	vst v2  }
0xd8: {  	[tilespmem:$0x13D30] =	vst v3  }
0xd9: {  	s23 =	rddreg [dreg:$0x7];
	[tilespmem:$0x13D40] =	vst v4  }
0xda: {  	[tilespmem:s15], [sflag:$0x2] =	stream.indirect.gather [hbm4b:s1+s10], $0x80, s23, s10, $0xb8;
	[tilespmem:$0x1B600] =	vst v63  }
0xdb: {  	_ =	swait.ge [sflag:s6], $0x2800  }
0xdc: {  	[sflag:s6] =	ssyncset.done $0x0  }
0xdd: {  	[sflag:s6] =	ssyncadd.s32 $0xFFFFD800  }
0xde: {  	[spmem:s2] =	stream.indirect.scatter.add.f32 [tilespmem:s4], [sflag:$0x4], $0x80, s24, s10, $0xb8;
	[tilespmem:$0x1B600] =	vst v63  }
0xdf: {  	_ =	swait.ge [sflag:s18], $0x2800  }
0xe0: {  	[sflag:s18] =	ssyncset.done $0x0  }
0xe1: {  	[sflag:s18] =	ssyncadd.s32 $0xFFFFD800  }
0xe2: {  	v0 =	vld [tilespmem:$0x13C20]  }
0xe3: {  	v1 =	vld [tilespmem:$0x13C30]  }
0xe4: {  	v2 =	vld [tilespmem:$0x13C60]  }
0xe5: {  	v3 =	vld [tilespmem:$0x13C40]  }
0xe6: {  	v59 =	vld [tilespmem:$0x13C50]  }
0xe7: {  	[tilespmem:$0x13D80] =	vst v0  }
0xe8: {  	[tilespmem:$0x13D90] =	vst v1  }
0xe9: {  	[tilespmem:$0x13DC0] =	vst v2  }
0xea: {  	[tilespmem:$0x13DA0] =	vst v3  }
0xeb: {  	s19 =	rddreg [dreg:$0x8];
	[tilespmem:$0x13DB0] =	vst v59  }
0xec: {  	[tilespmem:s26], [sflag:$0x3] =	stream.indirect.gather [hbm4b:s1+s10], $0x80, s19, s10, $0xb8;
	[tilespmem:$0x1B600] =	vst v63  }
0xed: {  	s22 =	smov.u32 s20;
	_ =	swait.ge [sflag:s28], $0x2800  }
0xee: {  	p2 =	seq.s32 s22, $0x0;
	[sflag:s28] =	ssyncset.done $0x0  }
0xef: {  	s23 =	simm.s32 @!p2 $0x7;
	[sflag:s28] =	ssyncadd.s32 $0xFFFFD800  }
0xf0: {  	[spmem:s2] =	stream.indirect.scatter.add.f32 [tilespmem:s15], [sflag:$0x5], $0x80, s29, s10, $0xb8;
	[tilespmem:$0x1B600] =	vst v63  }
0xf1: {  	_ =	swait.ge @!p2 [sflag:s23], $0xF0  }
0xf2: {  	[sflag:s23] =	ssyncset.done @!p2 $0x0  }
0xf3: {  	[sflag:s23] =	ssyncadd.s32 @!p2 $0xFFFFFF10  }
0xf4: {  	_ =	swait.ge @!p2 [sflag:s23], $0xF0  }
0xf5: {  	[sflag:s23] =	ssyncset.done @!p2 $0x0  }
0xf6: {  	s21 =	simm.s32 @!p2 $0x4;
	[sflag:s23] =	ssyncadd.s32 @!p2 $0xFFFFFF10  }
0xf7: {  	_ =	swait.ge @!p2 [sflag:s21], $0x2800  }
0xf8: {  	[sflag:s21] =	ssyncset.done @!p2 $0x0  }
0xf9: {  	[sflag:s21] =	ssyncadd.s32 @!p2 $0xFFFFD800  }
0xfa: {  	v0 =	vld [tilespmem:$0x13A80]  }
0xfb: {  	v1 =	vld [tilespmem:$0x13AB0]  }
0xfc: {  	v2 =	vld [tilespmem:$0x13AA0]  }
0xfd: {  	v3 =	vld [tilespmem:$0x13AC0]  }
0xfe: {  	v60 =	vld [tilespmem:$0x13A90]  }
0xff: {  	[tilespmem:$0x13C80] =	vst v0  }
0x100: {  	[tilespmem:$0x13CB0] =	vst v1  }
0x101: {  	[tilespmem:$0x13CA0] =	vst v2  }
0x102: {  	[tilespmem:$0x13CC0] =	vst v3  }
0x103: {  	s21 =	simm.s32 @!p2 $0x3;
	[tilespmem:$0x13C90] =	vst v60  }
0x104: {  	[tilespmem:s4], [sflag:$0x1] =	stream.indirect.gather [hbm4b:s1+s10], $0x80, s7, s10, $0xb8;
	[tilespmem:$0x1B600] =	vst v63  }
0x105: {  	_ =	swait.ge @!p2 [sflag:s21], $0x2800  }
0x106: {  	s19 =	simm.s32 @!p2 $0x13D80;
	s23 =	simm.s32 @!p2 $0x18E00;
	[sflag:s21] =	ssyncset.done @!p2 $0x0  }
0x107: {  	s5 =	rddreg [dreg:$0x5];
	[sflag:s21] =	ssyncadd.s32 @!p2 $0xFFFFD800;
	s21 =	simm.s32 @!p2 $0x50  }
0x108: {  	[spmem:s2] =	stream.indirect.scatter.add.f32 @!p2 [tilespmem:s23], [sflag:$0x6], $0x80, s19, s21, $0xb8;
	[tilespmem:$0x1B600] =	vst v63  }
0x109: {  	s8 =	rddreg [dreg:$0x4];
	s5 =	sadd.s32 s22, s5  }
0x10a: {  	[tilespmem:s11], [sflag:$0x7] =	stream.linear.gather [hbm4b:s5+s3], $0xF0, $0x38;
	[tilespmem:$0x1B600] =	vst v63  }
0x10b: {  	s21 =	rddreg [dreg:$0x6];
	s23 =	sadd.s32 s22, s8;
	s8 =	simm.s32 @!p2 $0x5  }
0x10c: {  	[tilespmem:s21], [sflag:$0x7] =	stream.linear.gather [hbm4b:s23+s3], $0xF0, $0x38;
	[tilespmem:$0x1B600] =	vst v63  }
0x10d: {  	_ =	swait.ge @!p2 [sflag:s8], $0x2800  }
0x10e: {  	[sflag:s8] =	ssyncset.done @!p2 $0x0  }
0x10f: {  	[sflag:s8] =	ssyncadd.s32 @!p2 $0xFFFFD800  }
0x110: {  	v0 =	vld [tilespmem:$0x13AD0]  }
0x111: {  	v1 =	vld [tilespmem:$0x13AE0]  }
0x112: {  	v2 =	vld [tilespmem:$0x13AF0]  }
0x113: {  	v3 =	vld [tilespmem:$0x13B10]  }
0x114: {  	v61 =	vld [tilespmem:$0x13B00]  }
0x115: {  	[tilespmem:$0x13D00] =	vst v0  }
0x116: {  	[tilespmem:$0x13D10] =	vst v1  }
0x117: {  	[tilespmem:$0x13D20] =	vst v2  }
0x118: {  	[tilespmem:$0x13D40] =	vst v3  }
0x119: {  	s21 =	simm.s32 $0x138D0;
	[tilespmem:$0x13D30] =	vst v61  }
0x11a: {  	[tilespmem:s15], [sflag:$0x2] =	stream.indirect.gather [hbm4b:s1+s10], $0x80, s21, s10, $0xb8;
	[tilespmem:$0x1B600] =	vst v63  }
0x11b: {  	_ =	swait.ge [sflag:s6], $0x2800  }
0x11c: {  	[sflag:s6] =	ssyncset.done $0x0  }
0x11d: {  	s5 =	simm.s32 @!p2 $0x6;
	[sflag:s6] =	ssyncadd.s32 $0xFFFFD800  }
0x11e: {  	[spmem:s2] =	stream.indirect.scatter.add.f32 [tilespmem:s4], [sflag:$0x4], $0x80, s24, s10, $0xb8;
	[tilespmem:$0x1B600] =	vst v63  }
0x11f: {  	_ =	swait.ge @!p2 [sflag:s5], $0x2800  }
0x120: {  	[sflag:s5] =	ssyncset.done @!p2 $0x0  }
0x121: {  	[sflag:s5] =	ssyncadd.s32 @!p2 $0xFFFFD800  }
0x122: {  	v0 =	vld [tilespmem:$0x13B20]  }
0x123: {  	v1 =	vld [tilespmem:$0x13B30]  }
0x124: {  	v2 =	vld [tilespmem:$0x13B40]  }
0x125: {  	v3 =	vld [tilespmem:$0x13B60]  }
0x126: {  	v62 =	vld [tilespmem:$0x13B50]  }
0x127: {  	[tilespmem:$0x13D80] =	vst v0  }
0x128: {  	[tilespmem:$0x13D90] =	vst v1  }
0x129: {  	[tilespmem:$0x13DA0] =	vst v2  }
0x12a: {  	[tilespmem:$0x13DC0] =	vst v3  }
0x12b: {  	[tilespmem:$0x13DB0] =	vst v62  }
0x12c: {  	[tilespmem:s26], [sflag:$0x3] =	stream.indirect.gather [hbm4b:s1+s10], $0x80, s25, s10, $0xb8;
	[tilespmem:$0x1B600] =	vst v63  }
0x12d: {  	_ =	swait.ge [sflag:s28], $0x2800  }
0x12e: {  	[sflag:s28] =	ssyncset.done $0x0  }
0x12f: {  	[sflag:s28] =	ssyncadd.s32 $0xFFFFD800  }
0x130: {  	[spmem:s2] =	stream.indirect.scatter.add.f32 [tilespmem:s15], [sflag:$0x5], $0x80, s29, s10, $0xb8;
	[tilespmem:$0x1B600] =	vst v63  }
0x131: {  	_ =	swait.ge [sflag:s9], $0xF0  }
0x132: {  	[sflag:s9] =	ssyncset.done $0x0  }
0x133: {  	[sflag:s9] =	ssyncadd.s32 $0xFFFFFF10  }
0x134: {  	_ =	swait.ge [sflag:s9], $0xF0  }
0x135: {  	[sflag:s9] =	ssyncset.done $0x0  }
0x136: {  	[sflag:s9] =	ssyncadd.s32 $0xFFFFFF10  }
0x137: {  	_ =	swait.ge [sflag:s30], $0x2800  }
0x138: {  	[sflag:s30] =	ssyncset.done $0x0  }
0x139: {  	[sflag:s30] =	ssyncadd.s32 $0xFFFFD800  }
0x13a: {  	v0 =	vld [tilespmem:$0x13BC0]  }
0x13b: {  	v1 =	vld [tilespmem:$0x13B90]  }
0x13c: {  	v2 =	vld [tilespmem:$0x13BA0]  }
0x13d: {  	v3 =	vld [tilespmem:$0x13B80]  }
0x13e: {  	v63 =	vld [tilespmem:$0x13BB0]  }
0x13f: {  	[tilespmem:$0x13CC0] =	vst v0  }
0x140: {  	[tilespmem:$0x13C90] =	vst v1  }
0x141: {  	[tilespmem:$0x13CA0] =	vst v2  }
0x142: {  	[tilespmem:$0x13C80] =	vst v3  }
0x143: {  	[tilespmem:$0x13CB0] =	vst v63  }
0x144: {  	[tilespmem:s4], [sflag:$0x1] =	stream.indirect.gather [hbm4b:s1+s10], $0x80, s11, s10, $0xb8;
	[tilespmem:$0x1B600] =	vst v63  }
0x145: {  	_ =	swait.ge [sflag:s31], $0x2800  }
0x146: {  	s0 =	sadd.s32 $0x1E0, s0;
	[sflag:s31] =	ssyncset.done $0x0  }
0x147: {  	s22 =	sshrl.u32 s0, $0x3;
	[sflag:s31] =	ssyncadd.s32 $0xFFFFD800  }
0x148: {  	[spmem:s2] =	stream.indirect.scatter.add.f32 [tilespmem:s26], [sflag:$0x6], $0x80, s16, s10, $0xb8;
	[tilespmem:$0x1B600] =	vst v63  }
0x149: {  	s23 =	sadd.s32 s14, s22  }
0x14a: {  	[tilespmem:s7], [sflag:$0x7] =	stream.linear.gather [hbm4b:s23+s3], $0xF0, $0x38;
	[tilespmem:$0x1B600] =	vst v63  }
0x14b: {  	s20 =	sadd.s32 $0x3C, s20;
	s5 =	sadd.s32 s13, s22  }
0x14c: {  	[tilespmem:s12], [sflag:$0x7] =	stream.linear.gather [hbm4b:s5+s3], $0xF0, $0x38;
	[tilespmem:$0x1B600] =	vst v63  }
0x14d: {  	p1 =	sne.s32 s20, $0x4B0;
	_ =	swait.ge [sflag:s17], $0x2800  }
.Ltmp0:
0x14e: {  	[sflag:s17] =	ssyncset.done $0x0;
	(pc) =	sbr.rel @p1 .LBB2_2-.Ltmp0, $4  }
0x14f: {  	[sflag:s17] =	ssyncadd.s32 $0xFFFFD800  }
0x150: {  	v0 =	vld [tilespmem:$0x13BD0]  }
0x151: {  	v1 =	vld [tilespmem:$0x13BE0]  }
0x152: {  	v2 =	vld [tilespmem:$0x13BF0]  }
0x153: {  	v3 =	vld [tilespmem:$0x13C00]  }
0x154: {  	v4 =	vld [tilespmem:$0x13C10]  }
0x155: {  	[tilespmem:$0x13D00] =	vst v0  }
0x156: {  	[tilespmem:$0x13D10] =	vst v1  }
0x157: {  	[tilespmem:$0x13D20] =	vst v2  }
0x158: {  	[tilespmem:$0x13D30] =	vst v3  }
0x159: {  	s0 =	rddreg [dreg:$0x7];
	[tilespmem:$0x13D40] =	vst v4  }
0x15a: {  	[tilespmem:s15], [sflag:$0x2] =	stream.indirect.gather [hbm4b:s1+s10], $0x80, s0, s10, $0xb8;
	[tilespmem:$0x1B600] =	vst v63  }
0x15b: {  	_ =	swait.ge [sflag:s6], $0x2800  }
0x15c: {  	[sflag:s6] =	ssyncset.done $0x0  }
0x15d: {  	[sflag:s6] =	ssyncadd.s32 $0xFFFFD800  }
0x15e: {  	[spmem:s2] =	stream.indirect.scatter.add.f32 [tilespmem:s4], [sflag:$0x4], $0x80, s24, s10, $0xb8;
	[tilespmem:$0x1B600] =	vst v63  }
0x15f: {  	_ =	swait.ge [sflag:s18], $0x2800  }
0x160: {  	[sflag:s18] =	ssyncset.done $0x0  }
0x161: {  	[sflag:s18] =	ssyncadd.s32 $0xFFFFD800  }
0x162: {  	v44 =	vld [tilespmem:$0x13C20]  }
0x163: {  	v45 =	vld [tilespmem:$0x13C30]  }
0x164: {  	v46 =	vld [tilespmem:$0x13C60]  }
0x165: {  	v47 =	vld [tilespmem:$0x13C40]  }
0x166: {  	v48 =	vld [tilespmem:$0x13C50]  }
0x167: {  	[tilespmem:$0x13D80] =	vst v44  }
0x168: {  	[tilespmem:$0x13D90] =	vst v45  }
0x169: {  	[tilespmem:$0x13DC0] =	vst v46  }
0x16a: {  	[tilespmem:$0x13DA0] =	vst v47  }
0x16b: {  	s22 =	rddreg [dreg:$0x8];
	[tilespmem:$0x13DB0] =	vst v48  }
0x16c: {  	[tilespmem:s26], [sflag:$0x3] =	stream.indirect.gather [hbm4b:s1+s10], $0x80, s22, s10, $0xb8;
	[tilespmem:$0x1B600] =	vst v63  }
0x16d: {  	_ =	swait.ge [sflag:s28], $0x2800  }
0x16e: {  	[sflag:s28] =	ssyncset.done $0x0  }
0x16f: {  	[sflag:s28] =	ssyncadd.s32 $0xFFFFD800  }
0x170: {  	[spmem:s2] =	stream.indirect.scatter.add.f32 [tilespmem:s15], [sflag:$0x5], $0x80, s29, s10, $0xb8;
	[tilespmem:$0x1B600] =	vst v63  }
0x171: {  	_ =	swait.ge [sflag:s9], $0xF0  }
0x172: {  	[sflag:s9] =	ssyncset.done $0x0  }
0x173: {  	[sflag:s9] =	ssyncadd.s32 $0xFFFFFF10  }
0x174: {  	_ =	swait.ge [sflag:s9], $0xF0  }
0x175: {  	[sflag:s9] =	ssyncset.done $0x0  }
0x176: {  	[sflag:s9] =	ssyncadd.s32 $0xFFFFFF10  }
0x177: {  	_ =	swait.ge [sflag:s30], $0x2800  }
0x178: {  	[sflag:s30] =	ssyncset.done $0x0  }
0x179: {  	[sflag:s30] =	ssyncadd.s32 $0xFFFFD800  }
0x17a: {  	v49 =	vld [tilespmem:$0x13A80]  }
0x17b: {  	v50 =	vld [tilespmem:$0x13A90]  }
0x17c: {  	v51 =	vld [tilespmem:$0x13AA0]  }
0x17d: {  	v52 =	vld [tilespmem:$0x13AB0]  }
0x17e: {  	v53 =	vld [tilespmem:$0x13AC0]  }
0x17f: {  	[tilespmem:$0x13C80] =	vst v49  }
0x180: {  	[tilespmem:$0x13C90] =	vst v50  }
0x181: {  	[tilespmem:$0x13CA0] =	vst v51  }
0x182: {  	[tilespmem:$0x13CB0] =	vst v52  }
0x183: {  	[tilespmem:$0x13CC0] =	vst v53  }
0x184: {  	[tilespmem:s4], [sflag:$0x1] =	stream.indirect.gather [hbm4b:s1+s10], $0x80, s7, s10, $0xb8;
	[tilespmem:$0x1B600] =	vst v63  }
0x185: {  	_ =	swait.ge [sflag:s31], $0x2800  }
0x186: {  	[sflag:s31] =	ssyncset.done $0x0  }
0x187: {  	[sflag:s31] =	ssyncadd.s32 $0xFFFFD800  }
0x188: {  	[spmem:s2] =	stream.indirect.scatter.add.f32 [tilespmem:s26], [sflag:$0x6], $0x80, s16, s10, $0xb8;
	[tilespmem:$0x1B600] =	vst v63  }
0x189: {  	_ =	swait.ge [sflag:s17], $0x2800  }
0x18a: {  	[sflag:s17] =	ssyncset.done $0x0  }
0x18b: {  	[sflag:s17] =	ssyncadd.s32 $0xFFFFD800  }
0x18c: {  	v54 =	vld [tilespmem:$0x13AD0]  }
0x18d: {  	v55 =	vld [tilespmem:$0x13AE0]  }
0x18e: {  	v56 =	vld [tilespmem:$0x13AF0]  }
0x18f: {  	v57 =	vld [tilespmem:$0x13B00]  }
0x190: {  	v58 =	vld [tilespmem:$0x13B10]  }
0x191: {  	[tilespmem:$0x13D00] =	vst v54  }
0x192: {  	[tilespmem:$0x13D10] =	vst v55  }
0x193: {  	[tilespmem:$0x13D20] =	vst v56  }
0x194: {  	[tilespmem:$0x13D30] =	vst v57  }
0x195: {  	s23 =	simm.s32 $0x138D0;
	[tilespmem:$0x13D40] =	vst v58  }
0x196: {  	[tilespmem:s15], [sflag:$0x2] =	stream.indirect.gather [hbm4b:s1+s10], $0x80, s23, s10, $0xb8;
	[tilespmem:$0x1B600] =	vst v63  }
0x197: {  	_ =	swait.ge [sflag:s6], $0x2800  }
0x198: {  	[sflag:s6] =	ssyncset.done $0x0  }
0x199: {  	[sflag:s6] =	ssyncadd.s32 $0xFFFFD800  }
0x19a: {  	[spmem:s2] =	stream.indirect.scatter.add.f32 [tilespmem:s4], [sflag:$0x4], $0x80, s24, s10, $0xb8;
	[tilespmem:$0x1B600] =	vst v63  }
0x19b: {  	_ =	swait.ge [sflag:s18], $0x2800  }
0x19c: {  	[sflag:s18] =	ssyncset.done $0x0  }
0x19d: {  	[sflag:s18] =	ssyncadd.s32 $0xFFFFD800  }
0x19e: {  	v59 =	vld [tilespmem:$0x13B20]  }
0x19f: {  	v60 =	vld [tilespmem:$0x13B30]  }
0x1a0: {  	v61 =	vld [tilespmem:$0x13B40]  }
0x1a1: {  	v62 =	vld [tilespmem:$0x13B50]  }
0x1a2: {  	v63 =	vld [tilespmem:$0x13B60]  }
0x1a3: {  	[tilespmem:$0x13D80] =	vst v59  }
0x1a4: {  	[tilespmem:$0x13D90] =	vst v60  }
0x1a5: {  	[tilespmem:$0x13DA0] =	vst v61  }
0x1a6: {  	[tilespmem:$0x13DB0] =	vst v62  }
0x1a7: {  	[tilespmem:$0x13DC0] =	vst v63  }
0x1a8: {  	[tilespmem:s26], [sflag:$0x3] =	stream.indirect.gather [hbm4b:s1+s10], $0x80, s25, s10, $0xb8;
	[tilespmem:$0x1B600] =	vst v63  }
0x1a9: {  	_ =	swait.ge [sflag:s28], $0x2800  }
0x1aa: {  	[sflag:s28] =	ssyncset.done $0x0  }
0x1ab: {  	[sflag:s28] =	ssyncadd.s32 $0xFFFFD800  }
0x1ac: {  	[spmem:s2] =	stream.indirect.scatter.add.f32 [tilespmem:s15], [sflag:$0x5], $0x80, s29, s10, $0xb8;
	[tilespmem:$0x1B600] =	vst v63  }
0x1ad: {  	_ =	swait.ge [sflag:s31], $0x2800  }
0x1ae: {  	[sflag:s31] =	ssyncset.done $0x0  }
0x1af: {  	[sflag:s31] =	ssyncadd.s32 $0xFFFFD800  }
0x1b0: {  	[spmem:s2] =	stream.indirect.scatter.add.f32 [tilespmem:s26], [sflag:$0x6], $0x80, s16, s10, $0xb8;
	[tilespmem:$0x1B600] =	vst v63  }
0x1b1: {  	_ =	swait.ge [sflag:s30], $0x2800  }
0x1b2: {  	[sflag:s30] =	ssyncset.done $0x0  }
0x1b3: {  	s5 =	rddreg [dreg:$0x1c];
	[sflag:s30] =	ssyncadd.s32 $0xFFFFD800  }
0x1b4: {  	[tilespmem:s24], [sflag:$0x8] =	stream.linear.gather [hbm4b:s5+s3], $0x50, $0x38;
	[tilespmem:$0x1B600] =	vst v63  }
0x1b5: {  	s5 =	simm.s32 $0x8  }
0x1b6: {  	_ =	swait.ge [sflag:s5], $0x50  }
0x1b7: {  	[sflag:s5] =	ssyncset.done $0x0  }
0x1b8: {  	s8 =	rddreg [dreg:$0x1d];
	[sflag:s5] =	ssyncadd.s32 $0xFFFFFFB0  }
0x1b9: {  	[tilespmem:s7], [sflag:$0x8] =	stream.linear.gather [hbm4b:s8+s3], $0x50, $0x38;
	[tilespmem:$0x1B600] =	vst v63  }
0x1ba: {  	_ =	swait.ge [sflag:s5], $0x50  }
0x1bb: {  	[sflag:s5] =	ssyncset.done $0x0  }
0x1bc: {  	[sflag:s5] =	ssyncadd.s32 $0xFFFFFFB0  }
0x1bd: {  	[tilespmem:s4], [sflag:$0x1] =	stream.indirect.gather [hbm4b:s1+s10], $0x80, s7, s10, $0xb8;
	[tilespmem:$0x1B600] =	vst v63  }
0x1be: {  	_ =	swait.ge [sflag:s6], $0x2800  }
0x1bf: {  	[sflag:s6] =	ssyncset.done $0x0  }
0x1c0: {  	[sflag:s6] =	ssyncadd.s32 $0xFFFFD800  }
0x1c1: {  	[spmem:s2] =	stream.indirect.scatter.add.f32 [tilespmem:s4], [sflag:$0x4], $0x80, s24, s10, $0xb8;
	[tilespmem:$0x1B600] =	vst v63  }
0x1c2: {  	_ =	swait.ge [sflag:s17], $0x2800  }
0x1c3: {  	[sflag:s17] =	ssyncset.done $0x0  }
0x1c4: {  	s12 =	rddreg [dreg:$0x1e];
	[sflag:s17] =	ssyncadd.s32 $0xFFFFD800  }
0x1c5: {  	[tilespmem:s29], [sflag:$0x8] =	stream.linear.gather [hbm4b:s12+s3], $0x50, $0x38;
	[tilespmem:$0x1B600] =	vst v63  }
0x1c6: {  	_ =	swait.ge [sflag:s5], $0x50  }
0x1c7: {  	[sflag:s5] =	ssyncset.done $0x0  }
0x1c8: {  	s19 =	rddreg [dreg:$0x1f];
	[sflag:s5] =	ssyncadd.s32 $0xFFFFFFB0  }
0x1c9: {  	[tilespmem:s7], [sflag:$0x8] =	stream.linear.gather [hbm4b:s19+s3], $0x50, $0x38;
	[tilespmem:$0x1B600] =	vst v63  }
0x1ca: {  	_ =	swait.ge [sflag:s5], $0x50  }
0x1cb: {  	[sflag:s5] =	ssyncset.done $0x0  }
0x1cc: {  	[sflag:s5] =	ssyncadd.s32 $0xFFFFFFB0  }
0x1cd: {  	[tilespmem:s15], [sflag:$0x2] =	stream.indirect.gather [hbm4b:s1+s10], $0x80, s7, s10, $0xb8;
	[tilespmem:$0x1B600] =	vst v63  }
0x1ce: {  	_ =	swait.ge [sflag:s28], $0x2800  }
0x1cf: {  	[sflag:s28] =	ssyncset.done $0x0  }
0x1d0: {  	[sflag:s28] =	ssyncadd.s32 $0xFFFFD800  }
0x1d1: {  	[spmem:s2] =	stream.indirect.scatter.add.f32 [tilespmem:s15], [sflag:$0x5], $0x80, s29, s10, $0xb8;
	[tilespmem:$0x1B600] =	vst v63  }
0x1d2: {  	_ =	swait.ge [sflag:s30], $0x2800  }
0x1d3: {  	[sflag:s30] =	ssyncset.done $0x0  }
0x1d4: {  	[sflag:s30] =	ssyncadd.s32 $0xFFFFD800  }
0x1d5: {  	_ =	swait.ge [sflag:s17], $0x2800  }
0x1d6: {  	[sflag:s17] =	ssyncset.done $0x0  }
0x1d7: {  	[sflag:s17] =	ssyncadd.s32 $0xFFFFD800  }
0x1d8: {  	_ =	swait.ge [sflag:s18], $0x2800  }
0x1d9: {  	[sflag:s18] =	ssyncset.done $0x0  }
0x1da: {  	[sflag:s18] =	ssyncadd.s32 $0xFFFFD800  }
0x1db: {  	[bflag:$0x0] =	sbarrier.arrive $0xFFFF  }
0x1dc: {  	s20 =	rddreg [dreg:$0x12]  }
0x1dd: {  	[tilespmem:s4], [sflag:$0x8] =	stream.linear.gather [spmem:s20], $0x2800, $0x38;
	[tilespmem:$0x1B600] =	vst v63  }
0x1de: {  	_ =	swait.ge [sflag:s5], $0x2800  }
0x1df: {  	[sflag:s5] =	ssyncset.done $0x0  }
0x1e0: {  	s21 =	rddreg [dreg:$0x9];
	[sflag:s5] =	ssyncadd.s32 $0xFFFFD800  }
0x1e1: {  	[hbm4b:s21+s3] =	stream.linear.scatter [tilespmem:s4], [sflag:$0x4], $0x2800, $0x38;
	[tilespmem:$0x1B600] =	vst v63  }
0x1e2: {  	s22 =	rddreg [dreg:$0x13]  }
0x1e3: {  	[tilespmem:s15], [sflag:$0x8] =	stream.linear.gather [spmem:s22], $0x2800, $0x38;
	[tilespmem:$0x1B600] =	vst v63  }
0x1e4: {  	_ =	swait.ge [sflag:s5], $0x2800  }
0x1e5: {  	[sflag:s5] =	ssyncset.done $0x0  }
0x1e6: {  	s23 =	rddreg [dreg:$0xa];
	[sflag:s5] =	ssyncadd.s32 $0xFFFFD800  }
0x1e7: {  	[hbm4b:s23+s3] =	stream.linear.scatter [tilespmem:s15], [sflag:$0x5], $0x2800, $0x38;
	[tilespmem:$0x1B600] =	vst v63  }
0x1e8: {  	s8 =	rddreg [dreg:$0x14]  }
0x1e9: {  	[tilespmem:s26], [sflag:$0x8] =	stream.linear.gather [spmem:s8], $0x2800, $0x38;
	[tilespmem:$0x1B600] =	vst v63  }
0x1ea: {  	_ =	swait.ge [sflag:s5], $0x2800  }
0x1eb: {  	[sflag:s5] =	ssyncset.done $0x0  }
0x1ec: {  	s12 =	rddreg [dreg:$0xb];
	[sflag:s5] =	ssyncadd.s32 $0xFFFFD800  }
0x1ed: {  	[hbm4b:s12+s3] =	stream.linear.scatter [tilespmem:s26], [sflag:$0x6], $0x2800, $0x38;
	[tilespmem:$0x1B600] =	vst v63  }
0x1ee: {  	_ =	swait.ge [sflag:s30], $0x2800  }
0x1ef: {  	[sflag:s30] =	ssyncset.done $0x0  }
0x1f0: {  	s23 =	rddreg [dreg:$0x15];
	[sflag:s30] =	ssyncadd.s32 $0xFFFFD800  }
0x1f1: {  	[tilespmem:s4], [sflag:$0x8] =	stream.linear.gather [spmem:s23], $0x2800, $0x38;
	[tilespmem:$0x1B600] =	vst v63  }
0x1f2: {  	_ =	swait.ge [sflag:s5], $0x2800  }
0x1f3: {  	[sflag:s5] =	ssyncset.done $0x0  }
0x1f4: {  	s19 =	rddreg [dreg:$0xc];
	[sflag:s5] =	ssyncadd.s32 $0xFFFFD800  }
0x1f5: {  	[hbm4b:s19+s3] =	stream.linear.scatter [tilespmem:s4], [sflag:$0x4], $0x2800, $0x38;
	[tilespmem:$0x1B600] =	vst v63  }
0x1f6: {  	_ =	swait.ge [sflag:s17], $0x2800  }
0x1f7: {  	[sflag:s17] =	ssyncset.done $0x0  }
0x1f8: {  	s21 =	rddreg [dreg:$0x16];
	[sflag:s17] =	ssyncadd.s32 $0xFFFFD800  }
0x1f9: {  	[tilespmem:s15], [sflag:$0x8] =	stream.linear.gather [spmem:s21], $0x2800, $0x38;
	[tilespmem:$0x1B600] =	vst v63  }
0x1fa: {  	_ =	swait.ge [sflag:s5], $0x2800  }
0x1fb: {  	[sflag:s5] =	ssyncset.done $0x0  }
0x1fc: {  	s20 =	rddreg [dreg:$0xd];
	[sflag:s5] =	ssyncadd.s32 $0xFFFFD800  }
0x1fd: {  	[hbm4b:s20+s3] =	stream.linear.scatter [tilespmem:s15], [sflag:$0x5], $0x2800, $0x38;
	[tilespmem:$0x1B600] =	vst v63  }
0x1fe: {  	_ =	swait.ge [sflag:s18], $0x2800  }
0x1ff: {  	[sflag:s18] =	ssyncset.done $0x0  }
0x200: {  	s19 =	rddreg [dreg:$0x17];
	[sflag:s18] =	ssyncadd.s32 $0xFFFFD800  }
0x201: {  	[tilespmem:s26], [sflag:$0x8] =	stream.linear.gather [spmem:s19], $0x2800, $0x38;
	[tilespmem:$0x1B600] =	vst v63  }
0x202: {  	_ =	swait.ge [sflag:s5], $0x2800  }
0x203: {  	[sflag:s5] =	ssyncset.done $0x0  }
0x204: {  	s22 =	rddreg [dreg:$0xe];
	[sflag:s5] =	ssyncadd.s32 $0xFFFFD800  }
0x205: {  	[hbm4b:s22+s3] =	stream.linear.scatter [tilespmem:s26], [sflag:$0x6], $0x2800, $0x38;
	[tilespmem:$0x1B600] =	vst v63  }
0x206: {  	_ =	swait.ge [sflag:s30], $0x2800  }
0x207: {  	[sflag:s30] =	ssyncset.done $0x0  }
0x208: {  	s20 =	rddreg [dreg:$0x18];
	[sflag:s30] =	ssyncadd.s32 $0xFFFFD800  }
0x209: {  	[tilespmem:s4], [sflag:$0x8] =	stream.linear.gather [spmem:s20], $0x2800, $0x38;
	[tilespmem:$0x1B600] =	vst v63  }
0x20a: {  	_ =	swait.ge [sflag:s5], $0x2800  }
0x20b: {  	[sflag:s5] =	ssyncset.done $0x0  }
0x20c: {  	s0 =	simm.s32 @!p0 $0x5;
	[sflag:s5] =	ssyncadd.s32 $0xFFFFD800;
	s5 =	rddreg [dreg:$0xf]  }
0x20d: {  	[hbm4b:s5+s3] =	stream.linear.scatter [tilespmem:s4], [sflag:$0x4], $0x2800, $0x38;
	[tilespmem:$0x1B600] =	vst v63  }
0x20e: {  	_ =	swait.ge @!p0 [sflag:s0], $0x2800  }
0x20f: {  	s5 =	simm.s32 @!p0 $0x8;
	[sflag:s0] =	ssyncset.done @!p0 $0x0  }
0x210: {  	s22 =	rddreg [dreg:$0x19];
	[sflag:s0] =	ssyncadd.s32 @!p0 $0xFFFFD800;
	s0 =	simm.s32 @!p0 $0x16600  }
0x211: {  	[tilespmem:s0], [sflag:$0x8] =	stream.linear.gather @!p0 [spmem:s22], $0x2800, $0x38;
	[tilespmem:$0x1B600] =	vst v63  }
0x212: {  	_ =	swait.ge @!p0 [sflag:s5], $0x2800  }
0x213: {  	[sflag:s5] =	ssyncset.done @!p0 $0x0  }
0x214: {  	s8 =	rddreg [dreg:$0x10];
	[sflag:s5] =	ssyncadd.s32 @!p0 $0xFFFFD800;
	s5 =	simm.s32 @!p0 $0x0  }
0x215: {  	[hbm4b:s8+s5] =	stream.linear.scatter @!p0 [tilespmem:s0], [sflag:$0x5], $0x2800, $0x38;
	[tilespmem:$0x1B600] =	vst v63  }
0x216: {  	_ =	swait.ge [sflag:s30], $0x2800  }
0x217: {  	[sflag:s30] =	ssyncset.done $0x0  }
0x218: {  	[sflag:s30] =	ssyncadd.s32 $0xFFFFD800  }
0x219: {  	_ =	swait.ge [sflag:s17], $0x2800  }
0x21a: {  	[sflag:s17] =	ssyncset.done $0x0  }
0x21b: {  	[sflag:s17] =	ssyncadd.s32 $0xFFFFD800  }
0x21c: {  	_ =	swait.ge [sflag:s18], $0x2800  }
0x21d: {  	s12 =	sld [smem:$0x7FB]  }
0x21e: {  	s8 =	sld [smem:$0x7FC];
	_ =	sdelay $0x1  }
0x21f: {  	s12 =	sadd.s32 $0x1, s12  }
0x220: {  	p1 =	sne.s32 s12, s8  }
.Ltmp1:
0x221: {  	_ = 	snop;
	(pc) =	sbr.rel @p1 .LBB2_1-.Ltmp1, $3  }
0x222: {  	_ =	sdelay $0x1  }
0x223: {  	[sflag:s18] =	ssyncset.done $0x0  }
0x224: {  	s5 =	simm.s32 $0x8;
	[sflag:s18] =	ssyncadd.s32 $0xFFFFD800;
	s8 =	simm.s32 $0x13A80  }
0x225: {  	_ =	sfence.sel $0x180000  }
0x226: {  	[bflag:$0x0] =	sbarrier.arrive $0xFFFF  }
0x227: {  	_ =	strace $0x9000004A  }
0x228: {  	s0 =	stileid.u32;
	[bflag:$0x2] =	sbarrier.arrive $0xFFFF  }
0x229: {  	p0 =	sne.s32 s0, $0x0;
	s0 =	rddreg [dreg:$0x3]  }
0x22a: {  	s0 =	sadd.s32 @!p0 $0x100000, s0  }
0x22b: {  	[sflag:s0] =	ssyncadd.tile.s32 @!p0 $0x1;
	_ =	shalt  }
.Lfunc_end2:
_tile_overlayer_lowered:
.L_overlay_start_2:
0x22c: {  	(tag) =	ssettag $0x2  }
0x22d: {  	s0 =	rddreg [dreg:$0x0];
	s2 =	stileid.u32  }
0x22e: {  	s1 =	rddreg [dreg:$0x1];
	p0 =	sne.s32 s2, $0x0  }
0x22f: {  	s3 =	rddreg [dreg:$0x2];
	[bflag:$0x3] =	sbarrier.arrive $0xFFFF;
	s2 =	simm.s32 @!p0 $0x1C08  }
0x230: {  	[timem:s3], [sflag:s2] =	dma.local @!p0 [hbm:s0], s1  }
0x231: {  	s0 =	simm.s32 @!p0 $0x8  }
0x232: {  	_ =	swait.ge @!p0 [sflag:s0], s1  }
0x233: {  	s1 =	ssub.s32 @!p0 $0x0, s1;
	[sflag:s0] =	ssyncset.done @!p0 $0x0  }
0x234: {  	[sflag:s0] =	ssyncadd.s32 @!p0 s1  }
0x235: {  	[bflag:$0x3] =	sbarrier.arrive $0xFFFF  }
0x236: {  	_ =	shalt  }

</sc_bundles>
